<compile_context>
chip_gen: v7x
topology: tpu7x:2x2x1
jax: 0.10.2.dev20260603
libtpu: 0.0.44.dev20260713+nightly
codegen_flags: <defaults>
</compile_context>

<pallas_src>
import functools

import jax
import jax.numpy as jnp
from jax import lax
from jax.experimental import pallas as pl
from jax.experimental.pallas import tpu as pltpu
from jax.experimental.pallas import tpu_sc as plsc

_B = 16384
_D = 64
_K = 5
_J = _K + 1
_N = 1000000
_NC = 2
_NS = 16
_NW = _NC * _NS
_BPW = _B // _NW
_C = 128
_NCH = _BPW // _C
_IDX_ROWS = _B * _J // _C

_GDN = lax.GatherDimensionNumbers(
    offset_dims=(), collapsed_slice_dims=(0,), start_index_map=(0,))


def _hsum_all_lanes(p, lanes):
    w = p
    for k in (8, 4, 2, 1):
        perm = jnp.bitwise_xor(lanes, k)
        w = w + lax.gather(w, perm[:, None], _GDN, (1,),
                           mode=lax.GatherScatterMode.PROMISE_IN_BOUNDS)
    return w


@functools.partial(
    pl.kernel,
    out_type=(
        jax.ShapeDtypeStruct((_B,), jnp.float32),
        jax.ShapeDtypeStruct((_K * _B,), jnp.float32),
    ),
    mesh=plsc.VectorSubcoreMesh(core_axis_name="c", subcore_axis_name="s"),
    compiler_params=pltpu.CompilerParams(use_tc_tiling_on_sc=True),
    scratch_types=[
        pltpu.VMEM((_NCH, _C), jnp.int32),
        pltpu.VMEM((_NCH * _J, _C), jnp.int32),
        pltpu.VMEM((_C, 128), jnp.float32),
        pltpu.VMEM((_J * _C, 128), jnp.float32),
        pltpu.VMEM((_C,), jnp.float32),
        pltpu.VMEM((_K * _C,), jnp.float32),
        pltpu.SemaphoreType.DMA,
    ],
)
def _sc_scores(tab_hbm, center_hbm, idx2_hbm,
               pos_hbm, negs_hbm,
               cidx, ridx, crows, rows2, pos_s, negs_s, sem):
    wid = lax.axis_index("s") * _NC + lax.axis_index("c")
    lanes = lax.iota(jnp.int32, 16)

    for ci in range(_NCH):
        pltpu.sync_copy(center_hbm.at[pl.ds(wid * _BPW + ci * _C, _C)],
                        cidx.at[ci])
    for r8 in range(_NCH * _J // 8):
        pltpu.sync_copy(idx2_hbm.at[pl.ds(wid * (_NCH * _J) + r8 * 8, 8)],
                        ridx.at[pl.ds(r8 * 8, 8)])

    for ci in range(_NCH):
        base = wid * _BPW + ci * _C

        cps = [pltpu.async_copy(tab_hbm.at[cidx.at[ci]], crows, sem)]
        for r in range(_J):
            cps.append(pltpu.async_copy(
                tab_hbm.at[ridx.at[ci * _J + r]],
                rows2.at[pl.ds(r * _C, _C)], sem))
        for cp in cps:
            cp.wait()

        def group_body(g, carry):
            def rowstep(t, accs):
                i = g * 16 + t
                cvecs = [crows[i, pl.ds(h * 16, 16)] for h in range(4)]
                new = []
                for j in range(_J):
                    p = jnp.zeros((16,), jnp.float32)
                    for h in range(4):
                        xv = rows2[i * _J + j, pl.ds(64 + h * 16, 16)]
                        p = p + cvecs[h] * xv
                    w = _hsum_all_lanes(p, lanes)
                    new.append(jnp.where(lanes == t, w, accs[j]))
                return tuple(new)

            zero = jnp.zeros((16,), jnp.float32)
            accs = lax.fori_loop(0, 16, rowstep, (zero,) * _J)
            pos_s[pl.ds(g * 16, 16)] = accs[0]
            for kk in range(_K):
                negs_s[pl.ds(kk * _C + g * 16, 16)] = accs[kk + 1]
            return carry

        lax.fori_loop(0, _C // 16, group_body, 0)

        pltpu.sync_copy(pos_s, pos_hbm.at[pl.ds(base, _C)])
        for kk in range(_K):
            pltpu.sync_copy(negs_s.at[pl.ds(kk * _C, _C)],
                            negs_hbm.at[pl.ds(kk * _B + base, _C)])


def _loss_body(pos_ref, negs_ref, out_ref):
    sp = jnp.sum(jax.nn.log_sigmoid(pos_ref[...]))
    sn = jnp.sum(jax.nn.log_sigmoid(-negs_ref[...]))
    out_ref[0, 0] = -(sp / _B) - (sn / (_B * _K))


_loss_call = pl.pallas_call(
    _loss_body,
    out_shape=jax.ShapeDtypeStruct((1, 1), jnp.float32),
    out_specs=pl.BlockSpec(memory_space=pltpu.SMEM),
)


def kernel(center, context, neg, embed_W, context_W):
    center = center.astype(jnp.int32)
    idx2 = jnp.concatenate(
        [context.astype(jnp.int32)[:, None], neg.astype(jnp.int32)], axis=1)
    idx2 = idx2.reshape(_IDX_ROWS, _C)
    tab = jnp.concatenate([embed_W, context_W], axis=1)
    pos, negs = _sc_scores(tab, center, idx2)
    loss = _loss_call(pos.reshape(_B // _C, _C),
                      negs.reshape(_K * _B // _C, _C))
    return loss[0, 0]

# --- scband reference (transcript-rebuilt; emitter-appended) ---
"""Pipeline reference for scband-skip-gram-embedding-352187319151 (READ-ONLY COPY).

The authoritative reference and input builder live on the scoring server;
editing this copy changes nothing except your own understanding.
"""

import jax, jax.numpy as jnp
import numpy as np

N_NODES = 1000000
EMBED_DIM = 64
BATCH = 16384
N_NEG = 5

def setup_inputs(seed: int = 0) -> dict:
    key = jax.random.key(seed)
    k1, k2, k3, k4, k5 = jax.random.split(key, 5)
    center = jax.random.randint(k1, (BATCH,), 0, N_NODES, dtype=jnp.int64) if jax.config.jax_enable_x64 else jax.random.randint(k1, (BATCH,), 0, N_NODES).astype(jnp.int32)
    context = jax.random.randint(k2, (BATCH,), 0, N_NODES).astype(center.dtype)
    neg = jax.random.randint(k3, (BATCH, N_NEG), 0, N_NODES).astype(center.dtype)
    embed_W = jax.random.normal(k4, (N_NODES, EMBED_DIM), dtype=jnp.float32)
    context_W = jax.random.normal(k5, (N_NODES, EMBED_DIM), dtype=jnp.float32)
    return {"center": center, "context": context, "neg": neg, "embed_W": embed_W, "context_W": context_W}

def reference(center, context, neg, embed_W, context_W):
    c = jnp.take(embed_W, center, axis=0)              # [B, D]
    ctx = jnp.take(context_W, context, axis=0)         # [B, D]
    n = jnp.take(context_W, neg, axis=0)               # [B, K, D]
    pos_score = jnp.sum(c * ctx, axis=-1)              # [B]
    neg_score = jnp.sum(c[:, None, :] * n, axis=-1)    # [B, K]
    loss = -jnp.mean(jax.nn.log_sigmoid(pos_score)) - jnp.mean(jax.nn.log_sigmoid(-neg_score))
    return loss

if __name__ == "__main__":
    import jax
    _d = setup_inputs()
    print(jax.jit(kernel)(*tuple(_d.values())))

</pallas_src>

<mosaic_0001>
#map = affine_map<(d0, d1) -> (0, 0)>
#map1 = affine_map<(d0, d1) -> (0)>
module attributes {stable_mosaic.version = 14 : i64} {
  func.func @_sc_scores(%arg0: i32, %arg1: i32, %arg2: memref<1000000x128xf32, #tpu.memory_space<hbm>>, %arg3: memref<16384xi32, #tpu.memory_space<hbm>>, %arg4: memref<768x128xi32, #tpu.memory_space<hbm>>, %arg5: memref<16384xf32, #tpu.memory_space<hbm>>, %arg6: memref<81920xf32, #tpu.memory_space<hbm>>, %arg7: memref<4x128xi32, #tpu.memory_space<vmem>>, %arg8: memref<24x128xi32, #tpu.memory_space<vmem>>, %arg9: memref<128x128xf32, #tpu.memory_space<vmem>>, %arg10: memref<768x128xf32, #tpu.memory_space<vmem>>, %arg11: memref<128xf32, #tpu.memory_space<vmem>>, %arg12: memref<640xf32, #tpu.memory_space<vmem>>, %arg13: memref<!tpu.dma_semaphore, #tpu.memory_space<semaphore_mem>>) attributes {dimension_semantics = [#tpu.dimension_semantics<core_parallel>, #tpu.dimension_semantics<subcore_parallel>], iteration_bounds = array<i64: 2, 16>, scalar_prefetch = 0 : i64, scratch_operands = 7 : i64, tpu.core_type = #tpu.core_type<sc_vector_subcore>, window_params = [{transform_indices = #map}, {transform_indices = #map1}, {transform_indices = #map}, {transform_indices = #map1}, {transform_indices = #map1}]} {
    %mul3A = arith.constant 2 : i32
    %mul3A_0 = arith.muli %arg1, %mul3A : i32
    %add3A = arith.addi %mul3A_0, %arg0 : i32
    %iota3A = tpu.iota {dimensions = array<i32: 0>} : vector<16xi32>
    %mul3A_1 = arith.constant 512 : i32
    %mul3A_2 = arith.muli %add3A, %mul3A_1 : i32
    %add3A_3 = arith.constant 0 : i32
    %add3A_4 = arith.addi %mul3A_2, %add3A_3 : i32
    %run_scoped3A = arith.constant 0 : i32
    "tpu.region"() ({
      %run_scoped3A_645 = tpu.sem_alloc : memref<!tpu.dma_semaphore, #tpu.memory_space<semaphore_mem>>
      %dma_start3A_646 = arith.constant 0 : i32
      %dma_start3A_647 = tpu.memref_slice %arg7[%run_scoped3A, %dma_start3A_646] : memref<4x128xi32, #tpu.memory_space<vmem>> -> memref<1x128xi32, #tpu.memory_space<vmem>>
      %dma_start3A_648 = tpu.memref_squeeze %dma_start3A_647 : memref<1x128xi32, #tpu.memory_space<vmem>> -> memref<128xi32, #tpu.memory_space<vmem>>
      %dma_start3A_649 = tpu.memref_slice %arg3[%add3A_4] : memref<16384xi32, #tpu.memory_space<hbm>> -> memref<128xi32, #tpu.memory_space<hbm>>
      %dma_start3A_650 = arith.constant 0 : i32
      %dma_start3A_651 = tpu.memref_slice %arg7[%run_scoped3A, %dma_start3A_650] : memref<4x128xi32, #tpu.memory_space<vmem>> -> memref<1x128xi32, #tpu.memory_space<vmem>>
      %dma_start3A_652 = tpu.memref_squeeze %dma_start3A_651 : memref<1x128xi32, #tpu.memory_space<vmem>> -> memref<128xi32, #tpu.memory_space<vmem>>
      %dma_start3A_653 = tpu.memref_slice %arg3[%add3A_4] : memref<16384xi32, #tpu.memory_space<hbm>> -> memref<128xi32, #tpu.memory_space<hbm>>
      tpu.enqueue_dma source(%dma_start3A_653 : memref<128xi32, #tpu.memory_space<hbm>>) target(%dma_start3A_652 : memref<128xi32, #tpu.memory_space<vmem>>) target_semaphore(%run_scoped3A_645 : memref<!tpu.dma_semaphore, #tpu.memory_space<semaphore_mem>>)
      %dma_wait3A_654 = arith.constant 0 : i32
      %dma_wait3A_655 = tpu.memref_slice %arg7[%run_scoped3A, %dma_wait3A_654] : memref<4x128xi32, #tpu.memory_space<vmem>> -> memref<1x128xi32, #tpu.memory_space<vmem>>
      %dma_wait3A_656 = tpu.memref_squeeze %dma_wait3A_655 : memref<1x128xi32, #tpu.memory_space<vmem>> -> memref<128xi32, #tpu.memory_space<vmem>>
      %dma_wait3A_657 = tpu.memref_slice %arg3[%add3A_4] : memref<16384xi32, #tpu.memory_space<hbm>> -> memref<128xi32, #tpu.memory_space<hbm>>
      %dma_wait3A_658 = arith.constant 0 : i32
      %dma_wait3A_659 = tpu.memref_slice %arg7[%run_scoped3A, %dma_wait3A_658] : memref<4x128xi32, #tpu.memory_space<vmem>> -> memref<1x128xi32, #tpu.memory_space<vmem>>
      %dma_wait3A_660 = tpu.memref_squeeze %dma_wait3A_659 : memref<1x128xi32, #tpu.memory_space<vmem>> -> memref<128xi32, #tpu.memory_space<vmem>>
      %dma_wait3A_661 = tpu.memref_slice %arg3[%add3A_4] : memref<16384xi32, #tpu.memory_space<hbm>> -> memref<128xi32, #tpu.memory_space<hbm>>
      tpu.wait_dma2 semaphore(%run_scoped3A_645 : memref<!tpu.dma_semaphore, #tpu.memory_space<semaphore_mem>>) src(%dma_wait3A_661 : memref<128xi32, #tpu.memory_space<hbm>>) dst(%dma_wait3A_660 : memref<128xi32, #tpu.memory_space<vmem>>)
      tpu.yield
    }) : () -> ()
    %mul3A_5 = arith.constant 512 : i32
    %mul3A_6 = arith.muli %add3A, %mul3A_5 : i32
    %add3A_7 = arith.constant 128 : i32
    %add3A_8 = arith.addi %mul3A_6, %add3A_7 : i32
    %run_scoped3A_9 = arith.constant 1 : i32
    "tpu.region"() ({
      %run_scoped3A_645 = tpu.sem_alloc : memref<!tpu.dma_semaphore, #tpu.memory_space<semaphore_mem>>
      %dma_start3A_646 = arith.constant 0 : i32
      %dma_start3A_647 = tpu.memref_slice %arg7[%run_scoped3A_9, %dma_start3A_646] : memref<4x128xi32, #tpu.memory_space<vmem>> -> memref<1x128xi32, #tpu.memory_space<vmem>>
      %dma_start3A_648 = tpu.memref_squeeze %dma_start3A_647 : memref<1x128xi32, #tpu.memory_space<vmem>> -> memref<128xi32, #tpu.memory_space<vmem>>
      %dma_start3A_649 = tpu.memref_slice %arg3[%add3A_8] : memref<16384xi32, #tpu.memory_space<hbm>> -> memref<128xi32, #tpu.memory_space<hbm>>
      %dma_start3A_650 = arith.constant 0 : i32
      %dma_start3A_651 = tpu.memref_slice %arg7[%run_scoped3A_9, %dma_start3A_650] : memref<4x128xi32, #tpu.memory_space<vmem>> -> memref<1x128xi32, #tpu.memory_space<vmem>>
      %dma_start3A_652 = tpu.memref_squeeze %dma_start3A_651 : memref<1x128xi32, #tpu.memory_space<vmem>> -> memref<128xi32, #tpu.memory_space<vmem>>
      %dma_start3A_653 = tpu.memref_slice %arg3[%add3A_8] : memref<16384xi32, #tpu.memory_space<hbm>> -> memref<128xi32, #tpu.memory_space<hbm>>
      tpu.enqueue_dma source(%dma_start3A_653 : memref<128xi32, #tpu.memory_space<hbm>>) target(%dma_start3A_652 : memref<128xi32, #tpu.memory_space<vmem>>) target_semaphore(%run_scoped3A_645 : memref<!tpu.dma_semaphore, #tpu.memory_space<semaphore_mem>>)
      %dma_wait3A_654 = arith.constant 0 : i32
      %dma_wait3A_655 = tpu.memref_slice %arg7[%run_scoped3A_9, %dma_wait3A_654] : memref<4x128xi32, #tpu.memory_space<vmem>> -> memref<1x128xi32, #tpu.memory_space<vmem>>
      %dma_wait3A_656 = tpu.memref_squeeze %dma_wait3A_655 : memref<1x128xi32, #tpu.memory_space<vmem>> -> memref<128xi32, #tpu.memory_space<vmem>>
      %dma_wait3A_657 = tpu.memref_slice %arg3[%add3A_8] : memref<16384xi32, #tpu.memory_space<hbm>> -> memref<128xi32, #tpu.memory_space<hbm>>
      %dma_wait3A_658 = arith.constant 0 : i32
      %dma_wait3A_659 = tpu.memref_slice %arg7[%run_scoped3A_9, %dma_wait3A_658] : memref<4x128xi32, #tpu.memory_space<vmem>> -> memref<1x128xi32, #tpu.memory_space<vmem>>
      %dma_wait3A_660 = tpu.memref_squeeze %dma_wait3A_659 : memref<1x128xi32, #tpu.memory_space<vmem>> -> memref<128xi32, #tpu.memory_space<vmem>>
      %dma_wait3A_661 = tpu.memref_slice %arg3[%add3A_8] : memref<16384xi32, #tpu.memory_space<hbm>> -> memref<128xi32, #tpu.memory_space<hbm>>
      tpu.wait_dma2 semaphore(%run_scoped3A_645 : memref<!tpu.dma_semaphore, #tpu.memory_space<semaphore_mem>>) src(%dma_wait3A_661 : memref<128xi32, #tpu.memory_space<hbm>>) dst(%dma_wait3A_660 : memref<128xi32, #tpu.memory_space<vmem>>)
      tpu.yield
    }) : () -> ()
    %mul3A_10 = arith.constant 512 : i32
    %mul3A_11 = arith.muli %add3A, %mul3A_10 : i32
    %add3A_12 = arith.constant 256 : i32
    %add3A_13 = arith.addi %mul3A_11, %add3A_12 : i32
    %run_scoped3A_14 = arith.constant 2 : i32
    "tpu.region"() ({
      %run_scoped3A_645 = tpu.sem_alloc : memref<!tpu.dma_semaphore, #tpu.memory_space<semaphore_mem>>
      %dma_start3A_646 = arith.constant 0 : i32
      %dma_start3A_647 = tpu.memref_slice %arg7[%run_scoped3A_14, %dma_start3A_646] : memref<4x128xi32, #tpu.memory_space<vmem>> -> memref<1x128xi32, #tpu.memory_space<vmem>>
      %dma_start3A_648 = tpu.memref_squeeze %dma_start3A_647 : memref<1x128xi32, #tpu.memory_space<vmem>> -> memref<128xi32, #tpu.memory_space<vmem>>
      %dma_start3A_649 = tpu.memref_slice %arg3[%add3A_13] : memref<16384xi32, #tpu.memory_space<hbm>> -> memref<128xi32, #tpu.memory_space<hbm>>
      %dma_start3A_650 = arith.constant 0 : i32
      %dma_start3A_651 = tpu.memref_slice %arg7[%run_scoped3A_14, %dma_start3A_650] : memref<4x128xi32, #tpu.memory_space<vmem>> -> memref<1x128xi32, #tpu.memory_space<vmem>>
      %dma_start3A_652 = tpu.memref_squeeze %dma_start3A_651 : memref<1x128xi32, #tpu.memory_space<vmem>> -> memref<128xi32, #tpu.memory_space<vmem>>
      %dma_start3A_653 = tpu.memref_slice %arg3[%add3A_13] : memref<16384xi32, #tpu.memory_space<hbm>> -> memref<128xi32, #tpu.memory_space<hbm>>
      tpu.enqueue_dma source(%dma_start3A_653 : memref<128xi32, #tpu.memory_space<hbm>>) target(%dma_start3A_652 : memref<128xi32, #tpu.memory_space<vmem>>) target_semaphore(%run_scoped3A_645 : memref<!tpu.dma_semaphore, #tpu.memory_space<semaphore_mem>>)
      %dma_wait3A_654 = arith.constant 0 : i32
      %dma_wait3A_655 = tpu.memref_slice %arg7[%run_scoped3A_14, %dma_wait3A_654] : memref<4x128xi32, #tpu.memory_space<vmem>> -> memref<1x128xi32, #tpu.memory_space<vmem>>
      %dma_wait3A_656 = tpu.memref_squeeze %dma_wait3A_655 : memref<1x128xi32, #tpu.memory_space<vmem>> -> memref<128xi32, #tpu.memory_space<vmem>>
      %dma_wait3A_657 = tpu.memref_slice %arg3[%add3A_13] : memref<16384xi32, #tpu.memory_space<hbm>> -> memref<128xi32, #tpu.memory_space<hbm>>
      %dma_wait3A_658 = arith.constant 0 : i32
      %dma_wait3A_659 = tpu.memref_slice %arg7[%run_scoped3A_14, %dma_wait3A_658] : memref<4x128xi32, #tpu.memory_space<vmem>> -> memref<1x128xi32, #tpu.memory_space<vmem>>
      %dma_wait3A_660 = tpu.memref_squeeze %dma_wait3A_659 : memref<1x128xi32, #tpu.memory_space<vmem>> -> memref<128xi32, #tpu.memory_space<vmem>>
      %dma_wait3A_661 = tpu.memref_slice %arg3[%add3A_13] : memref<16384xi32, #tpu.memory_space<hbm>> -> memref<128xi32, #tpu.memory_space<hbm>>
      tpu.wait_dma2 semaphore(%run_scoped3A_645 : memref<!tpu.dma_semaphore, #tpu.memory_space<semaphore_mem>>) src(%dma_wait3A_661 : memref<128xi32, #tpu.memory_space<hbm>>) dst(%dma_wait3A_660 : memref<128xi32, #tpu.memory_space<vmem>>)
      tpu.yield
    }) : () -> ()
    %mul3A_15 = arith.constant 512 : i32
    %mul3A_16 = arith.muli %add3A, %mul3A_15 : i32
    %add3A_17 = arith.constant 384 : i32
    %add3A_18 = arith.addi %mul3A_16, %add3A_17 : i32
    %run_scoped3A_19 = arith.constant 3 : i32
    "tpu.region"() ({
      %run_scoped3A_645 = tpu.sem_alloc : memref<!tpu.dma_semaphore, #tpu.memory_space<semaphore_mem>>
      %dma_start3A_646 = arith.constant 0 : i32
      %dma_start3A_647 = tpu.memref_slice %arg7[%run_scoped3A_19, %dma_start3A_646] : memref<4x128xi32, #tpu.memory_space<vmem>> -> memref<1x128xi32, #tpu.memory_space<vmem>>
      %dma_start3A_648 = tpu.memref_squeeze %dma_start3A_647 : memref<1x128xi32, #tpu.memory_space<vmem>> -> memref<128xi32, #tpu.memory_space<vmem>>
      %dma_start3A_649 = tpu.memref_slice %arg3[%add3A_18] : memref<16384xi32, #tpu.memory_space<hbm>> -> memref<128xi32, #tpu.memory_space<hbm>>
      %dma_start3A_650 = arith.constant 0 : i32
      %dma_start3A_651 = tpu.memref_slice %arg7[%run_scoped3A_19, %dma_start3A_650] : memref<4x128xi32, #tpu.memory_space<vmem>> -> memref<1x128xi32, #tpu.memory_space<vmem>>
      %dma_start3A_652 = tpu.memref_squeeze %dma_start3A_651 : memref<1x128xi32, #tpu.memory_space<vmem>> -> memref<128xi32, #tpu.memory_space<vmem>>
      %dma_start3A_653 = tpu.memref_slice %arg3[%add3A_18] : memref<16384xi32, #tpu.memory_space<hbm>> -> memref<128xi32, #tpu.memory_space<hbm>>
      tpu.enqueue_dma source(%dma_start3A_653 : memref<128xi32, #tpu.memory_space<hbm>>) target(%dma_start3A_652 : memref<128xi32, #tpu.memory_space<vmem>>) target_semaphore(%run_scoped3A_645 : memref<!tpu.dma_semaphore, #tpu.memory_space<semaphore_mem>>)
      %dma_wait3A_654 = arith.constant 0 : i32
      %dma_wait3A_655 = tpu.memref_slice %arg7[%run_scoped3A_19, %dma_wait3A_654] : memref<4x128xi32, #tpu.memory_space<vmem>> -> memref<1x128xi32, #tpu.memory_space<vmem>>
      %dma_wait3A_656 = tpu.memref_squeeze %dma_wait3A_655 : memref<1x128xi32, #tpu.memory_space<vmem>> -> memref<128xi32, #tpu.memory_space<vmem>>
      %dma_wait3A_657 = tpu.memref_slice %arg3[%add3A_18] : memref<16384xi32, #tpu.memory_space<hbm>> -> memref<128xi32, #tpu.memory_space<hbm>>
      %dma_wait3A_658 = arith.constant 0 : i32
      %dma_wait3A_659 = tpu.memref_slice %arg7[%run_scoped3A_19, %dma_wait3A_658] : memref<4x128xi32, #tpu.memory_space<vmem>> -> memref<1x128xi32, #tpu.memory_space<vmem>>
      %dma_wait3A_660 = tpu.memref_squeeze %dma_wait3A_659 : memref<1x128xi32, #tpu.memory_space<vmem>> -> memref<128xi32, #tpu.memory_space<vmem>>
      %dma_wait3A_661 = tpu.memref_slice %arg3[%add3A_18] : memref<16384xi32, #tpu.memory_space<hbm>> -> memref<128xi32, #tpu.memory_space<hbm>>
      tpu.wait_dma2 semaphore(%run_scoped3A_645 : memref<!tpu.dma_semaphore, #tpu.memory_space<semaphore_mem>>) src(%dma_wait3A_661 : memref<128xi32, #tpu.memory_space<hbm>>) dst(%dma_wait3A_660 : memref<128xi32, #tpu.memory_space<vmem>>)
      tpu.yield
    }) : () -> ()
    %mul3A_20 = arith.constant 24 : i32
    %mul3A_21 = arith.muli %add3A, %mul3A_20 : i32
    %add3A_22 = arith.constant 0 : i32
    %add3A_23 = arith.addi %mul3A_21, %add3A_22 : i32
    "tpu.region"() ({
      %run_scoped3A_645 = tpu.sem_alloc : memref<!tpu.dma_semaphore, #tpu.memory_space<semaphore_mem>>
      %dma_start3A_646 = arith.constant 0 : i32
      %dma_start3A_647 = arith.constant 0 : i32
      %dma_start3A_648 = tpu.memref_slice %arg8[%dma_start3A_646, %dma_start3A_647] : memref<24x128xi32, #tpu.memory_space<vmem>> -> memref<8x128xi32, #tpu.memory_space<vmem>>
      %dma_start3A_649 = arith.constant 0 : i32
      %dma_start3A_650 = tpu.memref_slice %arg4[%add3A_23, %dma_start3A_649] : memref<768x128xi32, #tpu.memory_space<hbm>> -> memref<8x128xi32, #tpu.memory_space<hbm>>
      %dma_start3A_651 = arith.constant 0 : i32
      %dma_start3A_652 = arith.constant 0 : i32
      %dma_start3A_653 = tpu.memref_slice %arg8[%dma_start3A_651, %dma_start3A_652] : memref<24x128xi32, #tpu.memory_space<vmem>> -> memref<8x128xi32, #tpu.memory_space<vmem>>
      %dma_start3A_654 = arith.constant 0 : i32
      %dma_start3A_655 = tpu.memref_slice %arg4[%add3A_23, %dma_start3A_654] : memref<768x128xi32, #tpu.memory_space<hbm>> -> memref<8x128xi32, #tpu.memory_space<hbm>>
      tpu.enqueue_dma source(%dma_start3A_655 : memref<8x128xi32, #tpu.memory_space<hbm>>) target(%dma_start3A_653 : memref<8x128xi32, #tpu.memory_space<vmem>>) target_semaphore(%run_scoped3A_645 : memref<!tpu.dma_semaphore, #tpu.memory_space<semaphore_mem>>)
      %dma_wait3A_656 = arith.constant 0 : i32
      %dma_wait3A_657 = arith.constant 0 : i32
      %dma_wait3A_658 = tpu.memref_slice %arg8[%dma_wait3A_656, %dma_wait3A_657] : memref<24x128xi32, #tpu.memory_space<vmem>> -> memref<8x128xi32, #tpu.memory_space<vmem>>
      %dma_wait3A_659 = arith.constant 0 : i32
      %dma_wait3A_660 = tpu.memref_slice %arg4[%add3A_23, %dma_wait3A_659] : memref<768x128xi32, #tpu.memory_space<hbm>> -> memref<8x128xi32, #tpu.memory_space<hbm>>
      %dma_wait3A_661 = arith.constant 0 : i32
      %dma_wait3A_662 = arith.constant 0 : i32
      %dma_wait3A_663 = tpu.memref_slice %arg8[%dma_wait3A_661, %dma_wait3A_662] : memref<24x128xi32, #tpu.memory_space<vmem>> -> memref<8x128xi32, #tpu.memory_space<vmem>>
      %dma_wait3A_664 = arith.constant 0 : i32
      %dma_wait3A_665 = tpu.memref_slice %arg4[%add3A_23, %dma_wait3A_664] : memref<768x128xi32, #tpu.memory_space<hbm>> -> memref<8x128xi32, #tpu.memory_space<hbm>>
      tpu.wait_dma2 semaphore(%run_scoped3A_645 : memref<!tpu.dma_semaphore, #tpu.memory_space<semaphore_mem>>) src(%dma_wait3A_665 : memref<8x128xi32, #tpu.memory_space<hbm>>) dst(%dma_wait3A_663 : memref<8x128xi32, #tpu.memory_space<vmem>>)
      tpu.yield
    }) : () -> ()
    %mul3A_24 = arith.constant 24 : i32
    %mul3A_25 = arith.muli %add3A, %mul3A_24 : i32
    %add3A_26 = arith.constant 8 : i32
    %add3A_27 = arith.addi %mul3A_25, %add3A_26 : i32
    "tpu.region"() ({
      %run_scoped3A_645 = tpu.sem_alloc : memref<!tpu.dma_semaphore, #tpu.memory_space<semaphore_mem>>
      %dma_start3A_646 = arith.constant 8 : i32
      %dma_start3A_647 = arith.constant 0 : i32
      %dma_start3A_648 = tpu.memref_slice %arg8[%dma_start3A_646, %dma_start3A_647] : memref<24x128xi32, #tpu.memory_space<vmem>> -> memref<8x128xi32, #tpu.memory_space<vmem>>
      %dma_start3A_649 = arith.constant 0 : i32
      %dma_start3A_650 = tpu.memref_slice %arg4[%add3A_27, %dma_start3A_649] : memref<768x128xi32, #tpu.memory_space<hbm>> -> memref<8x128xi32, #tpu.memory_space<hbm>>
      %dma_start3A_651 = arith.constant 8 : i32
      %dma_start3A_652 = arith.constant 0 : i32
      %dma_start3A_653 = tpu.memref_slice %arg8[%dma_start3A_651, %dma_start3A_652] : memref<24x128xi32, #tpu.memory_space<vmem>> -> memref<8x128xi32, #tpu.memory_space<vmem>>
      %dma_start3A_654 = arith.constant 0 : i32
      %dma_start3A_655 = tpu.memref_slice %arg4[%add3A_27, %dma_start3A_654] : memref<768x128xi32, #tpu.memory_space<hbm>> -> memref<8x128xi32, #tpu.memory_space<hbm>>
      tpu.enqueue_dma source(%dma_start3A_655 : memref<8x128xi32, #tpu.memory_space<hbm>>) target(%dma_start3A_653 : memref<8x128xi32, #tpu.memory_space<vmem>>) target_semaphore(%run_scoped3A_645 : memref<!tpu.dma_semaphore, #tpu.memory_space<semaphore_mem>>)
      %dma_wait3A_656 = arith.constant 8 : i32
      %dma_wait3A_657 = arith.constant 0 : i32
      %dma_wait3A_658 = tpu.memref_slice %arg8[%dma_wait3A_656, %dma_wait3A_657] : memref<24x128xi32, #tpu.memory_space<vmem>> -> memref<8x128xi32, #tpu.memory_space<vmem>>
      %dma_wait3A_659 = arith.constant 0 : i32
      %dma_wait3A_660 = tpu.memref_slice %arg4[%add3A_27, %dma_wait3A_659] : memref<768x128xi32, #tpu.memory_space<hbm>> -> memref<8x128xi32, #tpu.memory_space<hbm>>
      %dma_wait3A_661 = arith.constant 8 : i32
      %dma_wait3A_662 = arith.constant 0 : i32
      %dma_wait3A_663 = tpu.memref_slice %arg8[%dma_wait3A_661, %dma_wait3A_662] : memref<24x128xi32, #tpu.memory_space<vmem>> -> memref<8x128xi32, #tpu.memory_space<vmem>>
      %dma_wait3A_664 = arith.constant 0 : i32
      %dma_wait3A_665 = tpu.memref_slice %arg4[%add3A_27, %dma_wait3A_664] : memref<768x128xi32, #tpu.memory_space<hbm>> -> memref<8x128xi32, #tpu.memory_space<hbm>>
      tpu.wait_dma2 semaphore(%run_scoped3A_645 : memref<!tpu.dma_semaphore, #tpu.memory_space<semaphore_mem>>) src(%dma_wait3A_665 : memref<8x128xi32, #tpu.memory_space<hbm>>) dst(%dma_wait3A_663 : memref<8x128xi32, #tpu.memory_space<vmem>>)
      tpu.yield
    }) : () -> ()
    %mul3A_28 = arith.constant 24 : i32
    %mul3A_29 = arith.muli %add3A, %mul3A_28 : i32
    %add3A_30 = arith.constant 16 : i32
    %add3A_31 = arith.addi %mul3A_29, %add3A_30 : i32
    "tpu.region"() ({
      %run_scoped3A_645 = tpu.sem_alloc : memref<!tpu.dma_semaphore, #tpu.memory_space<semaphore_mem>>
      %dma_start3A_646 = arith.constant 16 : i32
      %dma_start3A_647 = arith.constant 0 : i32
      %dma_start3A_648 = tpu.memref_slice %arg8[%dma_start3A_646, %dma_start3A_647] : memref<24x128xi32, #tpu.memory_space<vmem>> -> memref<8x128xi32, #tpu.memory_space<vmem>>
      %dma_start3A_649 = arith.constant 0 : i32
      %dma_start3A_650 = tpu.memref_slice %arg4[%add3A_31, %dma_start3A_649] : memref<768x128xi32, #tpu.memory_space<hbm>> -> memref<8x128xi32, #tpu.memory_space<hbm>>
      %dma_start3A_651 = arith.constant 16 : i32
      %dma_start3A_652 = arith.constant 0 : i32
      %dma_start3A_653 = tpu.memref_slice %arg8[%dma_start3A_651, %dma_start3A_652] : memref<24x128xi32, #tpu.memory_space<vmem>> -> memref<8x128xi32, #tpu.memory_space<vmem>>
      %dma_start3A_654 = arith.constant 0 : i32
      %dma_start3A_655 = tpu.memref_slice %arg4[%add3A_31, %dma_start3A_654] : memref<768x128xi32, #tpu.memory_space<hbm>> -> memref<8x128xi32, #tpu.memory_space<hbm>>
      tpu.enqueue_dma source(%dma_start3A_655 : memref<8x128xi32, #tpu.memory_space<hbm>>) target(%dma_start3A_653 : memref<8x128xi32, #tpu.memory_space<vmem>>) target_semaphore(%run_scoped3A_645 : memref<!tpu.dma_semaphore, #tpu.memory_space<semaphore_mem>>)
      %dma_wait3A_656 = arith.constant 16 : i32
      %dma_wait3A_657 = arith.constant 0 : i32
      %dma_wait3A_658 = tpu.memref_slice %arg8[%dma_wait3A_656, %dma_wait3A_657] : memref<24x128xi32, #tpu.memory_space<vmem>> -> memref<8x128xi32, #tpu.memory_space<vmem>>
      %dma_wait3A_659 = arith.constant 0 : i32
      %dma_wait3A_660 = tpu.memref_slice %arg4[%add3A_31, %dma_wait3A_659] : memref<768x128xi32, #tpu.memory_space<hbm>> -> memref<8x128xi32, #tpu.memory_space<hbm>>
      %dma_wait3A_661 = arith.constant 16 : i32
      %dma_wait3A_662 = arith.constant 0 : i32
      %dma_wait3A_663 = tpu.memref_slice %arg8[%dma_wait3A_661, %dma_wait3A_662] : memref<24x128xi32, #tpu.memory_space<vmem>> -> memref<8x128xi32, #tpu.memory_space<vmem>>
      %dma_wait3A_664 = arith.constant 0 : i32
      %dma_wait3A_665 = tpu.memref_slice %arg4[%add3A_31, %dma_wait3A_664] : memref<768x128xi32, #tpu.memory_space<hbm>> -> memref<8x128xi32, #tpu.memory_space<hbm>>
      tpu.wait_dma2 semaphore(%run_scoped3A_645 : memref<!tpu.dma_semaphore, #tpu.memory_space<semaphore_mem>>) src(%dma_wait3A_665 : memref<8x128xi32, #tpu.memory_space<hbm>>) dst(%dma_wait3A_663 : memref<8x128xi32, #tpu.memory_space<vmem>>)
      tpu.yield
    }) : () -> ()
    %mul3A_32 = arith.constant 512 : i32
    %mul3A_33 = arith.muli %add3A, %mul3A_32 : i32
    %add3A_34 = arith.constant 0 : i32
    %add3A_35 = arith.addi %mul3A_33, %add3A_34 : i32
    %dma_start3A = arith.constant 0 : i32
    %dma_start3A_36 = arith.constant 0 : i32
    %dma_start3A_37 = tpu.memref_slice %arg7[%dma_start3A, %dma_start3A_36] : memref<4x128xi32, #tpu.memory_space<vmem>> -> memref<1x128xi32, #tpu.memory_space<vmem>>
    %dma_start3A_38 = tpu.memref_squeeze %dma_start3A_37 : memref<1x128xi32, #tpu.memory_space<vmem>> -> memref<128xi32, #tpu.memory_space<vmem>>
    %dma_start3A_39 = arith.constant 0 : i32
    %dma_start3A_40 = arith.constant 0 : i32
    %dma_start3A_41 = tpu.memref_slice %arg2[%dma_start3A_39, %dma_start3A_40] : memref<1000000x128xf32, #tpu.memory_space<hbm>> -> memref<1000000x128xf32, #tpu.memory_space<hbm>>
    tpu.enqueue_indirect_dma source(%dma_start3A_41 : memref<1000000x128xf32, #tpu.memory_space<hbm>>) target(%arg9 : memref<128x128xf32, #tpu.memory_space<vmem>>) offsets(%dma_start3A_38 : memref<128xi32, #tpu.memory_space<vmem>>) semaphore(%arg13 : memref<!tpu.dma_semaphore, #tpu.memory_space<semaphore_mem>>)
    %dma_start3A_42 = arith.constant 0 : i32
    %dma_start3A_43 = arith.constant 0 : i32
    %dma_start3A_44 = arith.constant 0 : i32
    %dma_start3A_45 = tpu.memref_slice %arg10[%dma_start3A_43, %dma_start3A_44] : memref<768x128xf32, #tpu.memory_space<vmem>> -> memref<128x128xf32, #tpu.memory_space<vmem>>
    %dma_start3A_46 = arith.constant 0 : i32
    %dma_start3A_47 = tpu.memref_slice %arg8[%dma_start3A_42, %dma_start3A_46] : memref<24x128xi32, #tpu.memory_space<vmem>> -> memref<1x128xi32, #tpu.memory_space<vmem>>
    %dma_start3A_48 = tpu.memref_squeeze %dma_start3A_47 : memref<1x128xi32, #tpu.memory_space<vmem>> -> memref<128xi32, #tpu.memory_space<vmem>>
    %dma_start3A_49 = arith.constant 0 : i32
    %dma_start3A_50 = arith.constant 0 : i32
    %dma_start3A_51 = tpu.memref_slice %arg2[%dma_start3A_49, %dma_start3A_50] : memref<1000000x128xf32, #tpu.memory_space<hbm>> -> memref<1000000x128xf32, #tpu.memory_space<hbm>>
    tpu.enqueue_indirect_dma source(%dma_start3A_51 : memref<1000000x128xf32, #tpu.memory_space<hbm>>) target(%dma_start3A_45 : memref<128x128xf32, #tpu.memory_space<vmem>>) offsets(%dma_start3A_48 : memref<128xi32, #tpu.memory_space<vmem>>) semaphore(%arg13 : memref<!tpu.dma_semaphore, #tpu.memory_space<semaphore_mem>>)
    %dma_start3A_52 = arith.constant 1 : i32
    %dma_start3A_53 = arith.constant 128 : i32
    %dma_start3A_54 = arith.constant 0 : i32
    %dma_start3A_55 = tpu.memref_slice %arg10[%dma_start3A_53, %dma_start3A_54] : memref<768x128xf32, #tpu.memory_space<vmem>> -> memref<128x128xf32, #tpu.memory_space<vmem>>
    %dma_start3A_56 = arith.constant 0 : i32
    %dma_start3A_57 = tpu.memref_slice %arg8[%dma_start3A_52, %dma_start3A_56] : memref<24x128xi32, #tpu.memory_space<vmem>> -> memref<1x128xi32, #tpu.memory_space<vmem>>
    %dma_start3A_58 = tpu.memref_squeeze %dma_start3A_57 : memref<1x128xi32, #tpu.memory_space<vmem>> -> memref<128xi32, #tpu.memory_space<vmem>>
    %dma_start3A_59 = arith.constant 0 : i32
    %dma_start3A_60 = arith.constant 0 : i32
    %dma_start3A_61 = tpu.memref_slice %arg2[%dma_start3A_59, %dma_start3A_60] : memref<1000000x128xf32, #tpu.memory_space<hbm>> -> memref<1000000x128xf32, #tpu.memory_space<hbm>>
    tpu.enqueue_indirect_dma source(%dma_start3A_61 : memref<1000000x128xf32, #tpu.memory_space<hbm>>) target(%dma_start3A_55 : memref<128x128xf32, #tpu.memory_space<vmem>>) offsets(%dma_start3A_58 : memref<128xi32, #tpu.memory_space<vmem>>) semaphore(%arg13 : memref<!tpu.dma_semaphore, #tpu.memory_space<semaphore_mem>>)
    %dma_start3A_62 = arith.constant 2 : i32
    %dma_start3A_63 = arith.constant 256 : i32
    %dma_start3A_64 = arith.constant 0 : i32
    %dma_start3A_65 = tpu.memref_slice %arg10[%dma_start3A_63, %dma_start3A_64] : memref<768x128xf32, #tpu.memory_space<vmem>> -> memref<128x128xf32, #tpu.memory_space<vmem>>
    %dma_start3A_66 = arith.constant 0 : i32
    %dma_start3A_67 = tpu.memref_slice %arg8[%dma_start3A_62, %dma_start3A_66] : memref<24x128xi32, #tpu.memory_space<vmem>> -> memref<1x128xi32, #tpu.memory_space<vmem>>
    %dma_start3A_68 = tpu.memref_squeeze %dma_start3A_67 : memref<1x128xi32, #tpu.memory_space<vmem>> -> memref<128xi32, #tpu.memory_space<vmem>>
    %dma_start3A_69 = arith.constant 0 : i32
    %dma_start3A_70 = arith.constant 0 : i32
    %dma_start3A_71 = tpu.memref_slice %arg2[%dma_start3A_69, %dma_start3A_70] : memref<1000000x128xf32, #tpu.memory_space<hbm>> -> memref<1000000x128xf32, #tpu.memory_space<hbm>>
    tpu.enqueue_indirect_dma source(%dma_start3A_71 : memref<1000000x128xf32, #tpu.memory_space<hbm>>) target(%dma_start3A_65 : memref<128x128xf32, #tpu.memory_space<vmem>>) offsets(%dma_start3A_68 : memref<128xi32, #tpu.memory_space<vmem>>) semaphore(%arg13 : memref<!tpu.dma_semaphore, #tpu.memory_space<semaphore_mem>>)
    %dma_start3A_72 = arith.constant 3 : i32
    %dma_start3A_73 = arith.constant 384 : i32
    %dma_start3A_74 = arith.constant 0 : i32
    %dma_start3A_75 = tpu.memref_slice %arg10[%dma_start3A_73, %dma_start3A_74] : memref<768x128xf32, #tpu.memory_space<vmem>> -> memref<128x128xf32, #tpu.memory_space<vmem>>
    %dma_start3A_76 = arith.constant 0 : i32
    %dma_start3A_77 = tpu.memref_slice %arg8[%dma_start3A_72, %dma_start3A_76] : memref<24x128xi32, #tpu.memory_space<vmem>> -> memref<1x128xi32, #tpu.memory_space<vmem>>
    %dma_start3A_78 = tpu.memref_squeeze %dma_start3A_77 : memref<1x128xi32, #tpu.memory_space<vmem>> -> memref<128xi32, #tpu.memory_space<vmem>>
    %dma_start3A_79 = arith.constant 0 : i32
    %dma_start3A_80 = arith.constant 0 : i32
    %dma_start3A_81 = tpu.memref_slice %arg2[%dma_start3A_79, %dma_start3A_80] : memref<1000000x128xf32, #tpu.memory_space<hbm>> -> memref<1000000x128xf32, #tpu.memory_space<hbm>>
    tpu.enqueue_indirect_dma source(%dma_start3A_81 : memref<1000000x128xf32, #tpu.memory_space<hbm>>) target(%dma_start3A_75 : memref<128x128xf32, #tpu.memory_space<vmem>>) offsets(%dma_start3A_78 : memref<128xi32, #tpu.memory_space<vmem>>) semaphore(%arg13 : memref<!tpu.dma_semaphore, #tpu.memory_space<semaphore_mem>>)
    %dma_start3A_82 = arith.constant 4 : i32
    %dma_start3A_83 = arith.constant 512 : i32
    %dma_start3A_84 = arith.constant 0 : i32
    %dma_start3A_85 = tpu.memref_slice %arg10[%dma_start3A_83, %dma_start3A_84] : memref<768x128xf32, #tpu.memory_space<vmem>> -> memref<128x128xf32, #tpu.memory_space<vmem>>
    %dma_start3A_86 = arith.constant 0 : i32
    %dma_start3A_87 = tpu.memref_slice %arg8[%dma_start3A_82, %dma_start3A_86] : memref<24x128xi32, #tpu.memory_space<vmem>> -> memref<1x128xi32, #tpu.memory_space<vmem>>
    %dma_start3A_88 = tpu.memref_squeeze %dma_start3A_87 : memref<1x128xi32, #tpu.memory_space<vmem>> -> memref<128xi32, #tpu.memory_space<vmem>>
    %dma_start3A_89 = arith.constant 0 : i32
    %dma_start3A_90 = arith.constant 0 : i32
    %dma_start3A_91 = tpu.memref_slice %arg2[%dma_start3A_89, %dma_start3A_90] : memref<1000000x128xf32, #tpu.memory_space<hbm>> -> memref<1000000x128xf32, #tpu.memory_space<hbm>>
    tpu.enqueue_indirect_dma source(%dma_start3A_91 : memref<1000000x128xf32, #tpu.memory_space<hbm>>) target(%dma_start3A_85 : memref<128x128xf32, #tpu.memory_space<vmem>>) offsets(%dma_start3A_88 : memref<128xi32, #tpu.memory_space<vmem>>) semaphore(%arg13 : memref<!tpu.dma_semaphore, #tpu.memory_space<semaphore_mem>>)
    %dma_start3A_92 = arith.constant 5 : i32
    %dma_start3A_93 = arith.constant 640 : i32
    %dma_start3A_94 = arith.constant 0 : i32
    %dma_start3A_95 = tpu.memref_slice %arg10[%dma_start3A_93, %dma_start3A_94] : memref<768x128xf32, #tpu.memory_space<vmem>> -> memref<128x128xf32, #tpu.memory_space<vmem>>
    %dma_start3A_96 = arith.constant 0 : i32
    %dma_start3A_97 = tpu.memref_slice %arg8[%dma_start3A_92, %dma_start3A_96] : memref<24x128xi32, #tpu.memory_space<vmem>> -> memref<1x128xi32, #tpu.memory_space<vmem>>
    %dma_start3A_98 = tpu.memref_squeeze %dma_start3A_97 : memref<1x128xi32, #tpu.memory_space<vmem>> -> memref<128xi32, #tpu.memory_space<vmem>>
    %dma_start3A_99 = arith.constant 0 : i32
    %dma_start3A_100 = arith.constant 0 : i32
    %dma_start3A_101 = tpu.memref_slice %arg2[%dma_start3A_99, %dma_start3A_100] : memref<1000000x128xf32, #tpu.memory_space<hbm>> -> memref<1000000x128xf32, #tpu.memory_space<hbm>>
    tpu.enqueue_indirect_dma source(%dma_start3A_101 : memref<1000000x128xf32, #tpu.memory_space<hbm>>) target(%dma_start3A_95 : memref<128x128xf32, #tpu.memory_space<vmem>>) offsets(%dma_start3A_98 : memref<128xi32, #tpu.memory_space<vmem>>) semaphore(%arg13 : memref<!tpu.dma_semaphore, #tpu.memory_space<semaphore_mem>>)
    %dma_wait3A = arith.constant 0 : i32
    %dma_wait3A_102 = arith.constant 0 : i32
    %dma_wait3A_103 = tpu.memref_slice %arg7[%dma_wait3A, %dma_wait3A_102] : memref<4x128xi32, #tpu.memory_space<vmem>> -> memref<1x128xi32, #tpu.memory_space<vmem>>
    %dma_wait3A_104 = tpu.memref_squeeze %dma_wait3A_103 : memref<1x128xi32, #tpu.memory_space<vmem>> -> memref<128xi32, #tpu.memory_space<vmem>>
    %dma_wait3A_105 = arith.constant 0 : i32
    %dma_wait3A_106 = arith.constant 0 : i32
    %dma_wait3A_107 = tpu.memref_slice %arg2[%dma_wait3A_105, %dma_wait3A_106] : memref<1000000x128xf32, #tpu.memory_space<hbm>> -> memref<1000000x128xf32, #tpu.memory_space<hbm>>
    tpu.wait_indirect_dma semaphore(%arg13 : memref<!tpu.dma_semaphore, #tpu.memory_space<semaphore_mem>>) src(%dma_wait3A_107 : memref<1000000x128xf32, #tpu.memory_space<hbm>>) dst(%arg9 : memref<128x128xf32, #tpu.memory_space<vmem>>)
    %dma_wait3A_108 = arith.constant 0 : i32
    %dma_wait3A_109 = arith.constant 0 : i32
    %dma_wait3A_110 = arith.constant 0 : i32
    %dma_wait3A_111 = tpu.memref_slice %arg10[%dma_wait3A_109, %dma_wait3A_110] : memref<768x128xf32, #tpu.memory_space<vmem>> -> memref<128x128xf32, #tpu.memory_space<vmem>>
    %dma_wait3A_112 = arith.constant 0 : i32
    %dma_wait3A_113 = tpu.memref_slice %arg8[%dma_wait3A_108, %dma_wait3A_112] : memref<24x128xi32, #tpu.memory_space<vmem>> -> memref<1x128xi32, #tpu.memory_space<vmem>>
    %dma_wait3A_114 = tpu.memref_squeeze %dma_wait3A_113 : memref<1x128xi32, #tpu.memory_space<vmem>> -> memref<128xi32, #tpu.memory_space<vmem>>
    %dma_wait3A_115 = arith.constant 0 : i32
    %dma_wait3A_116 = arith.constant 0 : i32
    %dma_wait3A_117 = tpu.memref_slice %arg2[%dma_wait3A_115, %dma_wait3A_116] : memref<1000000x128xf32, #tpu.memory_space<hbm>> -> memref<1000000x128xf32, #tpu.memory_space<hbm>>
    tpu.wait_indirect_dma semaphore(%arg13 : memref<!tpu.dma_semaphore, #tpu.memory_space<semaphore_mem>>) src(%dma_wait3A_117 : memref<1000000x128xf32, #tpu.memory_space<hbm>>) dst(%dma_wait3A_111 : memref<128x128xf32, #tpu.memory_space<vmem>>)
    %dma_wait3A_118 = arith.constant 1 : i32
    %dma_wait3A_119 = arith.constant 128 : i32
    %dma_wait3A_120 = arith.constant 0 : i32
    %dma_wait3A_121 = tpu.memref_slice %arg10[%dma_wait3A_119, %dma_wait3A_120] : memref<768x128xf32, #tpu.memory_space<vmem>> -> memref<128x128xf32, #tpu.memory_space<vmem>>
    %dma_wait3A_122 = arith.constant 0 : i32
    %dma_wait3A_123 = tpu.memref_slice %arg8[%dma_wait3A_118, %dma_wait3A_122] : memref<24x128xi32, #tpu.memory_space<vmem>> -> memref<1x128xi32, #tpu.memory_space<vmem>>
    %dma_wait3A_124 = tpu.memref_squeeze %dma_wait3A_123 : memref<1x128xi32, #tpu.memory_space<vmem>> -> memref<128xi32, #tpu.memory_space<vmem>>
    %dma_wait3A_125 = arith.constant 0 : i32
    %dma_wait3A_126 = arith.constant 0 : i32
    %dma_wait3A_127 = tpu.memref_slice %arg2[%dma_wait3A_125, %dma_wait3A_126] : memref<1000000x128xf32, #tpu.memory_space<hbm>> -> memref<1000000x128xf32, #tpu.memory_space<hbm>>
    tpu.wait_indirect_dma semaphore(%arg13 : memref<!tpu.dma_semaphore, #tpu.memory_space<semaphore_mem>>) src(%dma_wait3A_127 : memref<1000000x128xf32, #tpu.memory_space<hbm>>) dst(%dma_wait3A_121 : memref<128x128xf32, #tpu.memory_space<vmem>>)
    %dma_wait3A_128 = arith.constant 2 : i32
    %dma_wait3A_129 = arith.constant 256 : i32
    %dma_wait3A_130 = arith.constant 0 : i32
    %dma_wait3A_131 = tpu.memref_slice %arg10[%dma_wait3A_129, %dma_wait3A_130] : memref<768x128xf32, #tpu.memory_space<vmem>> -> memref<128x128xf32, #tpu.memory_space<vmem>>
    %dma_wait3A_132 = arith.constant 0 : i32
    %dma_wait3A_133 = tpu.memref_slice %arg8[%dma_wait3A_128, %dma_wait3A_132] : memref<24x128xi32, #tpu.memory_space<vmem>> -> memref<1x128xi32, #tpu.memory_space<vmem>>
    %dma_wait3A_134 = tpu.memref_squeeze %dma_wait3A_133 : memref<1x128xi32, #tpu.memory_space<vmem>> -> memref<128xi32, #tpu.memory_space<vmem>>
    %dma_wait3A_135 = arith.constant 0 : i32
    %dma_wait3A_136 = arith.constant 0 : i32
    %dma_wait3A_137 = tpu.memref_slice %arg2[%dma_wait3A_135, %dma_wait3A_136] : memref<1000000x128xf32, #tpu.memory_space<hbm>> -> memref<1000000x128xf32, #tpu.memory_space<hbm>>
    tpu.wait_indirect_dma semaphore(%arg13 : memref<!tpu.dma_semaphore, #tpu.memory_space<semaphore_mem>>) src(%dma_wait3A_137 : memref<1000000x128xf32, #tpu.memory_space<hbm>>) dst(%dma_wait3A_131 : memref<128x128xf32, #tpu.memory_space<vmem>>)
    %dma_wait3A_138 = arith.constant 3 : i32
    %dma_wait3A_139 = arith.constant 384 : i32
    %dma_wait3A_140 = arith.constant 0 : i32
    %dma_wait3A_141 = tpu.memref_slice %arg10[%dma_wait3A_139, %dma_wait3A_140] : memref<768x128xf32, #tpu.memory_space<vmem>> -> memref<128x128xf32, #tpu.memory_space<vmem>>
    %dma_wait3A_142 = arith.constant 0 : i32
    %dma_wait3A_143 = tpu.memref_slice %arg8[%dma_wait3A_138, %dma_wait3A_142] : memref<24x128xi32, #tpu.memory_space<vmem>> -> memref<1x128xi32, #tpu.memory_space<vmem>>
    %dma_wait3A_144 = tpu.memref_squeeze %dma_wait3A_143 : memref<1x128xi32, #tpu.memory_space<vmem>> -> memref<128xi32, #tpu.memory_space<vmem>>
    %dma_wait3A_145 = arith.constant 0 : i32
    %dma_wait3A_146 = arith.constant 0 : i32
    %dma_wait3A_147 = tpu.memref_slice %arg2[%dma_wait3A_145, %dma_wait3A_146] : memref<1000000x128xf32, #tpu.memory_space<hbm>> -> memref<1000000x128xf32, #tpu.memory_space<hbm>>
    tpu.wait_indirect_dma semaphore(%arg13 : memref<!tpu.dma_semaphore, #tpu.memory_space<semaphore_mem>>) src(%dma_wait3A_147 : memref<1000000x128xf32, #tpu.memory_space<hbm>>) dst(%dma_wait3A_141 : memref<128x128xf32, #tpu.memory_space<vmem>>)
    %dma_wait3A_148 = arith.constant 4 : i32
    %dma_wait3A_149 = arith.constant 512 : i32
    %dma_wait3A_150 = arith.constant 0 : i32
    %dma_wait3A_151 = tpu.memref_slice %arg10[%dma_wait3A_149, %dma_wait3A_150] : memref<768x128xf32, #tpu.memory_space<vmem>> -> memref<128x128xf32, #tpu.memory_space<vmem>>
    %dma_wait3A_152 = arith.constant 0 : i32
    %dma_wait3A_153 = tpu.memref_slice %arg8[%dma_wait3A_148, %dma_wait3A_152] : memref<24x128xi32, #tpu.memory_space<vmem>> -> memref<1x128xi32, #tpu.memory_space<vmem>>
    %dma_wait3A_154 = tpu.memref_squeeze %dma_wait3A_153 : memref<1x128xi32, #tpu.memory_space<vmem>> -> memref<128xi32, #tpu.memory_space<vmem>>
    %dma_wait3A_155 = arith.constant 0 : i32
    %dma_wait3A_156 = arith.constant 0 : i32
    %dma_wait3A_157 = tpu.memref_slice %arg2[%dma_wait3A_155, %dma_wait3A_156] : memref<1000000x128xf32, #tpu.memory_space<hbm>> -> memref<1000000x128xf32, #tpu.memory_space<hbm>>
    tpu.wait_indirect_dma semaphore(%arg13 : memref<!tpu.dma_semaphore, #tpu.memory_space<semaphore_mem>>) src(%dma_wait3A_157 : memref<1000000x128xf32, #tpu.memory_space<hbm>>) dst(%dma_wait3A_151 : memref<128x128xf32, #tpu.memory_space<vmem>>)
    %dma_wait3A_158 = arith.constant 5 : i32
    %dma_wait3A_159 = arith.constant 640 : i32
    %dma_wait3A_160 = arith.constant 0 : i32
    %dma_wait3A_161 = tpu.memref_slice %arg10[%dma_wait3A_159, %dma_wait3A_160] : memref<768x128xf32, #tpu.memory_space<vmem>> -> memref<128x128xf32, #tpu.memory_space<vmem>>
    %dma_wait3A_162 = arith.constant 0 : i32
    %dma_wait3A_163 = tpu.memref_slice %arg8[%dma_wait3A_158, %dma_wait3A_162] : memref<24x128xi32, #tpu.memory_space<vmem>> -> memref<1x128xi32, #tpu.memory_space<vmem>>
    %dma_wait3A_164 = tpu.memref_squeeze %dma_wait3A_163 : memref<1x128xi32, #tpu.memory_space<vmem>> -> memref<128xi32, #tpu.memory_space<vmem>>
    %dma_wait3A_165 = arith.constant 0 : i32
    %dma_wait3A_166 = arith.constant 0 : i32
    %dma_wait3A_167 = tpu.memref_slice %arg2[%dma_wait3A_165, %dma_wait3A_166] : memref<1000000x128xf32, #tpu.memory_space<hbm>> -> memref<1000000x128xf32, #tpu.memory_space<hbm>>
    tpu.wait_indirect_dma semaphore(%arg13 : memref<!tpu.dma_semaphore, #tpu.memory_space<semaphore_mem>>) src(%dma_wait3A_167 : memref<1000000x128xf32, #tpu.memory_space<hbm>>) dst(%dma_wait3A_161 : memref<128x128xf32, #tpu.memory_space<vmem>>)
    %scan3A = arith.constant 0 : i32
    %scan3A_168 = arith.constant 0 : i32
    %scan3A_169 = arith.constant 8 : i32
    %scan3A_170 = arith.addi %scan3A_168, %scan3A_169 : i32
    %scan3A_171 = arith.constant 1 : i32
    scf.for %scan3A_645 = %scan3A_168 to %scan3A_170 step %scan3A_171  : i32 {
      %broadcast_in_dim3A = arith.constant 0.000000e+00 : f32
      %broadcast_in_dim3A_646 = vector.broadcast %broadcast_in_dim3A : f32 to vector<16xf32>
      %scan3A_647 = arith.constant 0 : i32
      %scan3A_648 = arith.constant 16 : i32
      %scan3A_649 = arith.addi %scan3A_647, %scan3A_648 : i32
      %scan3A_650 = arith.constant 1 : i32
      %scan3A_651:6 = scf.for %scan3A_698 = %scan3A_647 to %scan3A_649 step %scan3A_650 iter_args(%scan3A_699 = %broadcast_in_dim3A_646, %scan3A_700 = %broadcast_in_dim3A_646, %scan3A_701 = %broadcast_in_dim3A_646, %scan3A_702 = %broadcast_in_dim3A_646, %scan3A_703 = %broadcast_in_dim3A_646, %scan3A_704 = %broadcast_in_dim3A_646) -> (vector<16xf32>, vector<16xf32>, vector<16xf32>, vector<16xf32>, vector<16xf32>, vector<16xf32>)  : i32 {
        %mul3A_705 = arith.constant 16 : i32
        %mul3A_706 = arith.muli %scan3A_645, %mul3A_705 : i32
        %add3A_707 = arith.addi %mul3A_706, %scan3A_698 : i32
        %get3A = arith.index_cast %add3A_707 : i32 to index
        %get3A_708 = arith.constant 0 : index
        %get3A_709 = tpu.vector_load %arg9[%get3A, %get3A_708] {strides = array<i32>} : memref<128x128xf32, #tpu.memory_space<vmem>>, vector<1x16xf32>,
        %get3A_710 = vector.shape_cast %get3A_709 : vector<1x16xf32> to vector<16xf32>
        %get3A_711 = arith.index_cast %add3A_707 : i32 to index
        %get3A_712 = arith.constant 16 : index
        %get3A_713 = tpu.vector_load %arg9[%get3A_711, %get3A_712] {strides = array<i32>} : memref<128x128xf32, #tpu.memory_space<vmem>>, vector<1x16xf32>,
        %get3A_714 = vector.shape_cast %get3A_713 : vector<1x16xf32> to vector<16xf32>
        %get3A_715 = arith.index_cast %add3A_707 : i32 to index
        %get3A_716 = arith.constant 32 : index
        %get3A_717 = tpu.vector_load %arg9[%get3A_715, %get3A_716] {strides = array<i32>} : memref<128x128xf32, #tpu.memory_space<vmem>>, vector<1x16xf32>,
        %get3A_718 = vector.shape_cast %get3A_717 : vector<1x16xf32> to vector<16xf32>
        %get3A_719 = arith.index_cast %add3A_707 : i32 to index
        %get3A_720 = arith.constant 48 : index
        %get3A_721 = tpu.vector_load %arg9[%get3A_719, %get3A_720] {strides = array<i32>} : memref<128x128xf32, #tpu.memory_space<vmem>>, vector<1x16xf32>,
        %get3A_722 = vector.shape_cast %get3A_721 : vector<1x16xf32> to vector<16xf32>
        %broadcast_in_dim3A_723 = arith.constant 0.000000e+00 : f32
        %broadcast_in_dim3A_724 = vector.broadcast %broadcast_in_dim3A_723 : f32 to vector<16xf32>
        %mul3A_725 = arith.constant 6 : i32
        %mul3A_726 = arith.muli %add3A_707, %mul3A_725 : i32
        %add3A_727 = arith.constant 0 : i32
        %add3A_728 = arith.addi %mul3A_726, %add3A_727 : i32
        %get3A_729 = arith.index_cast %add3A_728 : i32 to index
        %get3A_730 = arith.constant 64 : index
        %get3A_731 = tpu.vector_load %arg10[%get3A_729, %get3A_730] {strides = array<i32>} : memref<768x128xf32, #tpu.memory_space<vmem>>, vector<1x16xf32>,
        %get3A_732 = vector.shape_cast %get3A_731 : vector<1x16xf32> to vector<16xf32>
        %mul3A_733 = arith.mulf %get3A_710, %get3A_732 : vector<16xf32>
        %add3A_734 = arith.addf %broadcast_in_dim3A_724, %mul3A_733 : vector<16xf32>
        %mul3A_735 = arith.constant 6 : i32
        %mul3A_736 = arith.muli %add3A_707, %mul3A_735 : i32
        %add3A_737 = arith.constant 0 : i32
        %add3A_738 = arith.addi %mul3A_736, %add3A_737 : i32
        %get3A_739 = arith.index_cast %add3A_738 : i32 to index
        %get3A_740 = arith.constant 80 : index
        %get3A_741 = tpu.vector_load %arg10[%get3A_739, %get3A_740] {strides = array<i32>} : memref<768x128xf32, #tpu.memory_space<vmem>>, vector<1x16xf32>,
        %get3A_742 = vector.shape_cast %get3A_741 : vector<1x16xf32> to vector<16xf32>
        %mul3A_743 = arith.mulf %get3A_714, %get3A_742 : vector<16xf32>
        %add3A_744 = arith.addf %add3A_734, %mul3A_743 : vector<16xf32>
        %mul3A_745 = arith.constant 6 : i32
        %mul3A_746 = arith.muli %add3A_707, %mul3A_745 : i32
        %add3A_747 = arith.constant 0 : i32
        %add3A_748 = arith.addi %mul3A_746, %add3A_747 : i32
        %get3A_749 = arith.index_cast %add3A_748 : i32 to index
        %get3A_750 = arith.constant 96 : index
        %get3A_751 = tpu.vector_load %arg10[%get3A_749, %get3A_750] {strides = array<i32>} : memref<768x128xf32, #tpu.memory_space<vmem>>, vector<1x16xf32>,
        %get3A_752 = vector.shape_cast %get3A_751 : vector<1x16xf32> to vector<16xf32>
        %mul3A_753 = arith.mulf %get3A_718, %get3A_752 : vector<16xf32>
        %add3A_754 = arith.addf %add3A_744, %mul3A_753 : vector<16xf32>
        %mul3A_755 = arith.constant 6 : i32
        %mul3A_756 = arith.muli %add3A_707, %mul3A_755 : i32
        %add3A_757 = arith.constant 0 : i32
        %add3A_758 = arith.addi %mul3A_756, %add3A_757 : i32
        %get3A_759 = arith.index_cast %add3A_758 : i32 to index
        %get3A_760 = arith.constant 112 : index
        %get3A_761 = tpu.vector_load %arg10[%get3A_759, %get3A_760] {strides = array<i32>} : memref<768x128xf32, #tpu.memory_space<vmem>>, vector<1x16xf32>,
        %get3A_762 = vector.shape_cast %get3A_761 : vector<1x16xf32> to vector<16xf32>
        %mul3A_763 = arith.mulf %get3A_722, %get3A_762 : vector<16xf32>
        %add3A_764 = arith.addf %add3A_754, %mul3A_763 : vector<16xf32>
        %xor3A = arith.constant 8 : i32
        %xor3A_765 = vector.broadcast %xor3A : i32 to vector<16xi32>
        %xor3A_766 = arith.xori %iota3A, %xor3A_765 : vector<16xi32>
        %broadcast_in_dim3A_767 = vector.shape_cast %xor3A_766 : vector<16xi32> to vector<16x1xi32>
        %gather3A = vector.shape_cast %broadcast_in_dim3A_767 : vector<16x1xi32> to vector<16xi32>
        %gather3A_768 = tpu.dynamic_gather %add3A_764[%gather3A] in [0] : vector<16xf32>, vector<16xi32> -> vector<16xf32>
        %add3A_769 = arith.addf %add3A_764, %gather3A_768 : vector<16xf32>
        %xor3A_770 = arith.constant 4 : i32
        %xor3A_771 = vector.broadcast %xor3A_770 : i32 to vector<16xi32>
        %xor3A_772 = arith.xori %iota3A, %xor3A_771 : vector<16xi32>
        %broadcast_in_dim3A_773 = vector.shape_cast %xor3A_772 : vector<16xi32> to vector<16x1xi32>
        %gather3A_774 = vector.shape_cast %broadcast_in_dim3A_773 : vector<16x1xi32> to vector<16xi32>
        %gather3A_775 = tpu.dynamic_gather %add3A_769[%gather3A_774] in [0] : vector<16xf32>, vector<16xi32> -> vector<16xf32>
        %add3A_776 = arith.addf %add3A_769, %gather3A_775 : vector<16xf32>
        %xor3A_777 = arith.constant 2 : i32
        %xor3A_778 = vector.broadcast %xor3A_777 : i32 to vector<16xi32>
        %xor3A_779 = arith.xori %iota3A, %xor3A_778 : vector<16xi32>
        %broadcast_in_dim3A_780 = vector.shape_cast %xor3A_779 : vector<16xi32> to vector<16x1xi32>
        %gather3A_781 = vector.shape_cast %broadcast_in_dim3A_780 : vector<16x1xi32> to vector<16xi32>
        %gather3A_782 = tpu.dynamic_gather %add3A_776[%gather3A_781] in [0] : vector<16xf32>, vector<16xi32> -> vector<16xf32>
        %add3A_783 = arith.addf %add3A_776, %gather3A_782 : vector<16xf32>
        %xor3A_784 = arith.constant 1 : i32
        %xor3A_785 = vector.broadcast %xor3A_784 : i32 to vector<16xi32>
        %xor3A_786 = arith.xori %iota3A, %xor3A_785 : vector<16xi32>
        %broadcast_in_dim3A_787 = vector.shape_cast %xor3A_786 : vector<16xi32> to vector<16x1xi32>
        %gather3A_788 = vector.shape_cast %broadcast_in_dim3A_787 : vector<16x1xi32> to vector<16xi32>
        %gather3A_789 = tpu.dynamic_gather %add3A_783[%gather3A_788] in [0] : vector<16xf32>, vector<16xi32> -> vector<16xf32>
        %add3A_790 = arith.addf %add3A_783, %gather3A_789 : vector<16xf32>
        %eq3A = vector.broadcast %scan3A_698 : i32 to vector<16xi32>
        %eq3A_791 = arith.cmpi eq, %iota3A, %eq3A : vector<16xi32>
        %select_n3A = arith.select %eq3A_791, %add3A_790, %scan3A_699 : vector<16xi1>, vector<16xf32>
        %broadcast_in_dim3A_792 = arith.constant 0.000000e+00 : f32
        %broadcast_in_dim3A_793 = vector.broadcast %broadcast_in_dim3A_792 : f32 to vector<16xf32>
        %mul3A_794 = arith.constant 6 : i32
        %mul3A_795 = arith.muli %add3A_707, %mul3A_794 : i32
        %add3A_796 = arith.constant 1 : i32
        %add3A_797 = arith.addi %mul3A_795, %add3A_796 : i32
        %get3A_798 = arith.index_cast %add3A_797 : i32 to index
        %get3A_799 = arith.constant 64 : index
        %get3A_800 = tpu.vector_load %arg10[%get3A_798, %get3A_799] {strides = array<i32>} : memref<768x128xf32, #tpu.memory_space<vmem>>, vector<1x16xf32>,
        %get3A_801 = vector.shape_cast %get3A_800 : vector<1x16xf32> to vector<16xf32>
        %mul3A_802 = arith.mulf %get3A_710, %get3A_801 : vector<16xf32>
        %add3A_803 = arith.addf %broadcast_in_dim3A_793, %mul3A_802 : vector<16xf32>
        %mul3A_804 = arith.constant 6 : i32
        %mul3A_805 = arith.muli %add3A_707, %mul3A_804 : i32
        %add3A_806 = arith.constant 1 : i32
        %add3A_807 = arith.addi %mul3A_805, %add3A_806 : i32
        %get3A_808 = arith.index_cast %add3A_807 : i32 to index
        %get3A_809 = arith.constant 80 : index
        %get3A_810 = tpu.vector_load %arg10[%get3A_808, %get3A_809] {strides = array<i32>} : memref<768x128xf32, #tpu.memory_space<vmem>>, vector<1x16xf32>,
        %get3A_811 = vector.shape_cast %get3A_810 : vector<1x16xf32> to vector<16xf32>
        %mul3A_812 = arith.mulf %get3A_714, %get3A_811 : vector<16xf32>
        %add3A_813 = arith.addf %add3A_803, %mul3A_812 : vector<16xf32>
        %mul3A_814 = arith.constant 6 : i32
        %mul3A_815 = arith.muli %add3A_707, %mul3A_814 : i32
        %add3A_816 = arith.constant 1 : i32
        %add3A_817 = arith.addi %mul3A_815, %add3A_816 : i32
        %get3A_818 = arith.index_cast %add3A_817 : i32 to index
        %get3A_819 = arith.constant 96 : index
        %get3A_820 = tpu.vector_load %arg10[%get3A_818, %get3A_819] {strides = array<i32>} : memref<768x128xf32, #tpu.memory_space<vmem>>, vector<1x16xf32>,
        %get3A_821 = vector.shape_cast %get3A_820 : vector<1x16xf32> to vector<16xf32>
        %mul3A_822 = arith.mulf %get3A_718, %get3A_821 : vector<16xf32>
        %add3A_823 = arith.addf %add3A_813, %mul3A_822 : vector<16xf32>
        %mul3A_824 = arith.constant 6 : i32
        %mul3A_825 = arith.muli %add3A_707, %mul3A_824 : i32
        %add3A_826 = arith.constant 1 : i32
        %add3A_827 = arith.addi %mul3A_825, %add3A_826 : i32
        %get3A_828 = arith.index_cast %add3A_827 : i32 to index
        %get3A_829 = arith.constant 112 : index
        %get3A_830 = tpu.vector_load %arg10[%get3A_828, %get3A_829] {strides = array<i32>} : memref<768x128xf32, #tpu.memory_space<vmem>>, vector<1x16xf32>,
        %get3A_831 = vector.shape_cast %get3A_830 : vector<1x16xf32> to vector<16xf32>
        %mul3A_832 = arith.mulf %get3A_722, %get3A_831 : vector<16xf32>
        %add3A_833 = arith.addf %add3A_823, %mul3A_832 : vector<16xf32>
        %xor3A_834 = arith.constant 8 : i32
        %xor3A_835 = vector.broadcast %xor3A_834 : i32 to vector<16xi32>
        %xor3A_836 = arith.xori %iota3A, %xor3A_835 : vector<16xi32>
        %broadcast_in_dim3A_837 = vector.shape_cast %xor3A_836 : vector<16xi32> to vector<16x1xi32>
        %gather3A_838 = vector.shape_cast %broadcast_in_dim3A_837 : vector<16x1xi32> to vector<16xi32>
        %gather3A_839 = tpu.dynamic_gather %add3A_833[%gather3A_838] in [0] : vector<16xf32>, vector<16xi32> -> vector<16xf32>
        %add3A_840 = arith.addf %add3A_833, %gather3A_839 : vector<16xf32>
        %xor3A_841 = arith.constant 4 : i32
        %xor3A_842 = vector.broadcast %xor3A_841 : i32 to vector<16xi32>
        %xor3A_843 = arith.xori %iota3A, %xor3A_842 : vector<16xi32>
        %broadcast_in_dim3A_844 = vector.shape_cast %xor3A_843 : vector<16xi32> to vector<16x1xi32>
        %gather3A_845 = vector.shape_cast %broadcast_in_dim3A_844 : vector<16x1xi32> to vector<16xi32>
        %gather3A_846 = tpu.dynamic_gather %add3A_840[%gather3A_845] in [0] : vector<16xf32>, vector<16xi32> -> vector<16xf32>
        %add3A_847 = arith.addf %add3A_840, %gather3A_846 : vector<16xf32>
        %xor3A_848 = arith.constant 2 : i32
        %xor3A_849 = vector.broadcast %xor3A_848 : i32 to vector<16xi32>
        %xor3A_850 = arith.xori %iota3A, %xor3A_849 : vector<16xi32>
        %broadcast_in_dim3A_851 = vector.shape_cast %xor3A_850 : vector<16xi32> to vector<16x1xi32>
        %gather3A_852 = vector.shape_cast %broadcast_in_dim3A_851 : vector<16x1xi32> to vector<16xi32>
        %gather3A_853 = tpu.dynamic_gather %add3A_847[%gather3A_852] in [0] : vector<16xf32>, vector<16xi32> -> vector<16xf32>
        %add3A_854 = arith.addf %add3A_847, %gather3A_853 : vector<16xf32>
        %xor3A_855 = arith.constant 1 : i32
        %xor3A_856 = vector.broadcast %xor3A_855 : i32 to vector<16xi32>
        %xor3A_857 = arith.xori %iota3A, %xor3A_856 : vector<16xi32>
        %broadcast_in_dim3A_858 = vector.shape_cast %xor3A_857 : vector<16xi32> to vector<16x1xi32>
        %gather3A_859 = vector.shape_cast %broadcast_in_dim3A_858 : vector<16x1xi32> to vector<16xi32>
        %gather3A_860 = tpu.dynamic_gather %add3A_854[%gather3A_859] in [0] : vector<16xf32>, vector<16xi32> -> vector<16xf32>
        %add3A_861 = arith.addf %add3A_854, %gather3A_860 : vector<16xf32>
        %eq3A_862 = vector.broadcast %scan3A_698 : i32 to vector<16xi32>
        %eq3A_863 = arith.cmpi eq, %iota3A, %eq3A_862 : vector<16xi32>
        %select_n3A_864 = arith.select %eq3A_863, %add3A_861, %scan3A_700 : vector<16xi1>, vector<16xf32>
        %broadcast_in_dim3A_865 = arith.constant 0.000000e+00 : f32
        %broadcast_in_dim3A_866 = vector.broadcast %broadcast_in_dim3A_865 : f32 to vector<16xf32>
        %mul3A_867 = arith.constant 6 : i32
        %mul3A_868 = arith.muli %add3A_707, %mul3A_867 : i32
        %add3A_869 = arith.constant 2 : i32
        %add3A_870 = arith.addi %mul3A_868, %add3A_869 : i32
        %get3A_871 = arith.index_cast %add3A_870 : i32 to index
        %get3A_872 = arith.constant 64 : index
        %get3A_873 = tpu.vector_load %arg10[%get3A_871, %get3A_872] {strides = array<i32>} : memref<768x128xf32, #tpu.memory_space<vmem>>, vector<1x16xf32>,
        %get3A_874 = vector.shape_cast %get3A_873 : vector<1x16xf32> to vector<16xf32>
        %mul3A_875 = arith.mulf %get3A_710, %get3A_874 : vector<16xf32>
        %add3A_876 = arith.addf %broadcast_in_dim3A_866, %mul3A_875 : vector<16xf32>
        %mul3A_877 = arith.constant 6 : i32
        %mul3A_878 = arith.muli %add3A_707, %mul3A_877 : i32
        %add3A_879 = arith.constant 2 : i32
        %add3A_880 = arith.addi %mul3A_878, %add3A_879 : i32
        %get3A_881 = arith.index_cast %add3A_880 : i32 to index
        %get3A_882 = arith.constant 80 : index
        %get3A_883 = tpu.vector_load %arg10[%get3A_881, %get3A_882] {strides = array<i32>} : memref<768x128xf32, #tpu.memory_space<vmem>>, vector<1x16xf32>,
        %get3A_884 = vector.shape_cast %get3A_883 : vector<1x16xf32> to vector<16xf32>
        %mul3A_885 = arith.mulf %get3A_714, %get3A_884 : vector<16xf32>
        %add3A_886 = arith.addf %add3A_876, %mul3A_885 : vector<16xf32>
        %mul3A_887 = arith.constant 6 : i32
        %mul3A_888 = arith.muli %add3A_707, %mul3A_887 : i32
        %add3A_889 = arith.constant 2 : i32
        %add3A_890 = arith.addi %mul3A_888, %add3A_889 : i32
        %get3A_891 = arith.index_cast %add3A_890 : i32 to index
        %get3A_892 = arith.constant 96 : index
        %get3A_893 = tpu.vector_load %arg10[%get3A_891, %get3A_892] {strides = array<i32>} : memref<768x128xf32, #tpu.memory_space<vmem>>, vector<1x16xf32>,
        %get3A_894 = vector.shape_cast %get3A_893 : vector<1x16xf32> to vector<16xf32>
        %mul3A_895 = arith.mulf %get3A_718, %get3A_894 : vector<16xf32>
        %add3A_896 = arith.addf %add3A_886, %mul3A_895 : vector<16xf32>
        %mul3A_897 = arith.constant 6 : i32
        %mul3A_898 = arith.muli %add3A_707, %mul3A_897 : i32
        %add3A_899 = arith.constant 2 : i32
        %add3A_900 = arith.addi %mul3A_898, %add3A_899 : i32
        %get3A_901 = arith.index_cast %add3A_900 : i32 to index
        %get3A_902 = arith.constant 112 : index
        %get3A_903 = tpu.vector_load %arg10[%get3A_901, %get3A_902] {strides = array<i32>} : memref<768x128xf32, #tpu.memory_space<vmem>>, vector<1x16xf32>,
        %get3A_904 = vector.shape_cast %get3A_903 : vector<1x16xf32> to vector<16xf32>
        %mul3A_905 = arith.mulf %get3A_722, %get3A_904 : vector<16xf32>
        %add3A_906 = arith.addf %add3A_896, %mul3A_905 : vector<16xf32>
        %xor3A_907 = arith.constant 8 : i32
        %xor3A_908 = vector.broadcast %xor3A_907 : i32 to vector<16xi32>
        %xor3A_909 = arith.xori %iota3A, %xor3A_908 : vector<16xi32>
        %broadcast_in_dim3A_910 = vector.shape_cast %xor3A_909 : vector<16xi32> to vector<16x1xi32>
        %gather3A_911 = vector.shape_cast %broadcast_in_dim3A_910 : vector<16x1xi32> to vector<16xi32>
        %gather3A_912 = tpu.dynamic_gather %add3A_906[%gather3A_911] in [0] : vector<16xf32>, vector<16xi32> -> vector<16xf32>
        %add3A_913 = arith.addf %add3A_906, %gather3A_912 : vector<16xf32>
        %xor3A_914 = arith.constant 4 : i32
        %xor3A_915 = vector.broadcast %xor3A_914 : i32 to vector<16xi32>
        %xor3A_916 = arith.xori %iota3A, %xor3A_915 : vector<16xi32>
        %broadcast_in_dim3A_917 = vector.shape_cast %xor3A_916 : vector<16xi32> to vector<16x1xi32>
        %gather3A_918 = vector.shape_cast %broadcast_in_dim3A_917 : vector<16x1xi32> to vector<16xi32>
        %gather3A_919 = tpu.dynamic_gather %add3A_913[%gather3A_918] in [0] : vector<16xf32>, vector<16xi32> -> vector<16xf32>
        %add3A_920 = arith.addf %add3A_913, %gather3A_919 : vector<16xf32>
        %xor3A_921 = arith.constant 2 : i32
        %xor3A_922 = vector.broadcast %xor3A_921 : i32 to vector<16xi32>
        %xor3A_923 = arith.xori %iota3A, %xor3A_922 : vector<16xi32>
        %broadcast_in_dim3A_924 = vector.shape_cast %xor3A_923 : vector<16xi32> to vector<16x1xi32>
        %gather3A_925 = vector.shape_cast %broadcast_in_dim3A_924 : vector<16x1xi32> to vector<16xi32>
        %gather3A_926 = tpu.dynamic_gather %add3A_920[%gather3A_925] in [0] : vector<16xf32>, vector<16xi32> -> vector<16xf32>
        %add3A_927 = arith.addf %add3A_920, %gather3A_926 : vector<16xf32>
        %xor3A_928 = arith.constant 1 : i32
        %xor3A_929 = vector.broadcast %xor3A_928 : i32 to vector<16xi32>
        %xor3A_930 = arith.xori %iota3A, %xor3A_929 : vector<16xi32>
        %broadcast_in_dim3A_931 = vector.shape_cast %xor3A_930 : vector<16xi32> to vector<16x1xi32>
        %gather3A_932 = vector.shape_cast %broadcast_in_dim3A_931 : vector<16x1xi32> to vector<16xi32>
        %gather3A_933 = tpu.dynamic_gather %add3A_927[%gather3A_932] in [0] : vector<16xf32>, vector<16xi32> -> vector<16xf32>
        %add3A_934 = arith.addf %add3A_927, %gather3A_933 : vector<16xf32>
        %eq3A_935 = vector.broadcast %scan3A_698 : i32 to vector<16xi32>
        %eq3A_936 = arith.cmpi eq, %iota3A, %eq3A_935 : vector<16xi32>
        %select_n3A_937 = arith.select %eq3A_936, %add3A_934, %scan3A_701 : vector<16xi1>, vector<16xf32>
        %broadcast_in_dim3A_938 = arith.constant 0.000000e+00 : f32
        %broadcast_in_dim3A_939 = vector.broadcast %broadcast_in_dim3A_938 : f32 to vector<16xf32>
        %mul3A_940 = arith.constant 6 : i32
        %mul3A_941 = arith.muli %add3A_707, %mul3A_940 : i32
        %add3A_942 = arith.constant 3 : i32
        %add3A_943 = arith.addi %mul3A_941, %add3A_942 : i32
        %get3A_944 = arith.index_cast %add3A_943 : i32 to index
        %get3A_945 = arith.constant 64 : index
        %get3A_946 = tpu.vector_load %arg10[%get3A_944, %get3A_945] {strides = array<i32>} : memref<768x128xf32, #tpu.memory_space<vmem>>, vector<1x16xf32>,
        %get3A_947 = vector.shape_cast %get3A_946 : vector<1x16xf32> to vector<16xf32>
        %mul3A_948 = arith.mulf %get3A_710, %get3A_947 : vector<16xf32>
        %add3A_949 = arith.addf %broadcast_in_dim3A_939, %mul3A_948 : vector<16xf32>
        %mul3A_950 = arith.constant 6 : i32
        %mul3A_951 = arith.muli %add3A_707, %mul3A_950 : i32
        %add3A_952 = arith.constant 3 : i32
        %add3A_953 = arith.addi %mul3A_951, %add3A_952 : i32
        %get3A_954 = arith.index_cast %add3A_953 : i32 to index
        %get3A_955 = arith.constant 80 : index
        %get3A_956 = tpu.vector_load %arg10[%get3A_954, %get3A_955] {strides = array<i32>} : memref<768x128xf32, #tpu.memory_space<vmem>>, vector<1x16xf32>,
        %get3A_957 = vector.shape_cast %get3A_956 : vector<1x16xf32> to vector<16xf32>
        %mul3A_958 = arith.mulf %get3A_714, %get3A_957 : vector<16xf32>
        %add3A_959 = arith.addf %add3A_949, %mul3A_958 : vector<16xf32>
        %mul3A_960 = arith.constant 6 : i32
        %mul3A_961 = arith.muli %add3A_707, %mul3A_960 : i32
        %add3A_962 = arith.constant 3 : i32
        %add3A_963 = arith.addi %mul3A_961, %add3A_962 : i32
        %get3A_964 = arith.index_cast %add3A_963 : i32 to index
        %get3A_965 = arith.constant 96 : index
        %get3A_966 = tpu.vector_load %arg10[%get3A_964, %get3A_965] {strides = array<i32>} : memref<768x128xf32, #tpu.memory_space<vmem>>, vector<1x16xf32>,
        %get3A_967 = vector.shape_cast %get3A_966 : vector<1x16xf32> to vector<16xf32>
        %mul3A_968 = arith.mulf %get3A_718, %get3A_967 : vector<16xf32>
        %add3A_969 = arith.addf %add3A_959, %mul3A_968 : vector<16xf32>
        %mul3A_970 = arith.constant 6 : i32
        %mul3A_971 = arith.muli %add3A_707, %mul3A_970 : i32
        %add3A_972 = arith.constant 3 : i32
        %add3A_973 = arith.addi %mul3A_971, %add3A_972 : i32
        %get3A_974 = arith.index_cast %add3A_973 : i32 to index
        %get3A_975 = arith.constant 112 : index
        %get3A_976 = tpu.vector_load %arg10[%get3A_974, %get3A_975] {strides = array<i32>} : memref<768x128xf32, #tpu.memory_space<vmem>>, vector<1x16xf32>,
        %get3A_977 = vector.shape_cast %get3A_976 : vector<1x16xf32> to vector<16xf32>
        %mul3A_978 = arith.mulf %get3A_722, %get3A_977 : vector<16xf32>
        %add3A_979 = arith.addf %add3A_969, %mul3A_978 : vector<16xf32>
        %xor3A_980 = arith.constant 8 : i32
        %xor3A_981 = vector.broadcast %xor3A_980 : i32 to vector<16xi32>
        %xor3A_982 = arith.xori %iota3A, %xor3A_981 : vector<16xi32>
        %broadcast_in_dim3A_983 = vector.shape_cast %xor3A_982 : vector<16xi32> to vector<16x1xi32>
        %gather3A_984 = vector.shape_cast %broadcast_in_dim3A_983 : vector<16x1xi32> to vector<16xi32>
        %gather3A_985 = tpu.dynamic_gather %add3A_979[%gather3A_984] in [0] : vector<16xf32>, vector<16xi32> -> vector<16xf32>
        %add3A_986 = arith.addf %add3A_979, %gather3A_985 : vector<16xf32>
        %xor3A_987 = arith.constant 4 : i32
        %xor3A_988 = vector.broadcast %xor3A_987 : i32 to vector<16xi32>
        %xor3A_989 = arith.xori %iota3A, %xor3A_988 : vector<16xi32>
        %broadcast_in_dim3A_990 = vector.shape_cast %xor3A_989 : vector<16xi32> to vector<16x1xi32>
        %gather3A_991 = vector.shape_cast %broadcast_in_dim3A_990 : vector<16x1xi32> to vector<16xi32>
        %gather3A_992 = tpu.dynamic_gather %add3A_986[%gather3A_991] in [0] : vector<16xf32>, vector<16xi32> -> vector<16xf32>
        %add3A_993 = arith.addf %add3A_986, %gather3A_992 : vector<16xf32>
        %xor3A_994 = arith.constant 2 : i32
        %xor3A_995 = vector.broadcast %xor3A_994 : i32 to vector<16xi32>
        %xor3A_996 = arith.xori %iota3A, %xor3A_995 : vector<16xi32>
        %broadcast_in_dim3A_997 = vector.shape_cast %xor3A_996 : vector<16xi32> to vector<16x1xi32>
        %gather3A_998 = vector.shape_cast %broadcast_in_dim3A_997 : vector<16x1xi32> to vector<16xi32>
        %gather3A_999 = tpu.dynamic_gather %add3A_993[%gather3A_998] in [0] : vector<16xf32>, vector<16xi32> -> vector<16xf32>
        %add3A_1000 = arith.addf %add3A_993, %gather3A_999 : vector<16xf32>
        %xor3A_1001 = arith.constant 1 : i32
        %xor3A_1002 = vector.broadcast %xor3A_1001 : i32 to vector<16xi32>
        %xor3A_1003 = arith.xori %iota3A, %xor3A_1002 : vector<16xi32>
        %broadcast_in_dim3A_1004 = vector.shape_cast %xor3A_1003 : vector<16xi32> to vector<16x1xi32>
        %gather3A_1005 = vector.shape_cast %broadcast_in_dim3A_1004 : vector<16x1xi32> to vector<16xi32>
        %gather3A_1006 = tpu.dynamic_gather %add3A_1000[%gather3A_1005] in [0] : vector<16xf32>, vector<16xi32> -> vector<16xf32>
        %add3A_1007 = arith.addf %add3A_1000, %gather3A_1006 : vector<16xf32>
        %eq3A_1008 = vector.broadcast %scan3A_698 : i32 to vector<16xi32>
        %eq3A_1009 = arith.cmpi eq, %iota3A, %eq3A_1008 : vector<16xi32>
        %select_n3A_1010 = arith.select %eq3A_1009, %add3A_1007, %scan3A_702 : vector<16xi1>, vector<16xf32>
        %broadcast_in_dim3A_1011 = arith.constant 0.000000e+00 : f32
        %broadcast_in_dim3A_1012 = vector.broadcast %broadcast_in_dim3A_1011 : f32 to vector<16xf32>
        %mul3A_1013 = arith.constant 6 : i32
        %mul3A_1014 = arith.muli %add3A_707, %mul3A_1013 : i32
        %add3A_1015 = arith.constant 4 : i32
        %add3A_1016 = arith.addi %mul3A_1014, %add3A_1015 : i32
        %get3A_1017 = arith.index_cast %add3A_1016 : i32 to index
        %get3A_1018 = arith.constant 64 : index
        %get3A_1019 = tpu.vector_load %arg10[%get3A_1017, %get3A_1018] {strides = array<i32>} : memref<768x128xf32, #tpu.memory_space<vmem>>, vector<1x16xf32>,
        %get3A_1020 = vector.shape_cast %get3A_1019 : vector<1x16xf32> to vector<16xf32>
        %mul3A_1021 = arith.mulf %get3A_710, %get3A_1020 : vector<16xf32>
        %add3A_1022 = arith.addf %broadcast_in_dim3A_1012, %mul3A_1021 : vector<16xf32>
        %mul3A_1023 = arith.constant 6 : i32
        %mul3A_1024 = arith.muli %add3A_707, %mul3A_1023 : i32
        %add3A_1025 = arith.constant 4 : i32
        %add3A_1026 = arith.addi %mul3A_1024, %add3A_1025 : i32
        %get3A_1027 = arith.index_cast %add3A_1026 : i32 to index
        %get3A_1028 = arith.constant 80 : index
        %get3A_1029 = tpu.vector_load %arg10[%get3A_1027, %get3A_1028] {strides = array<i32>} : memref<768x128xf32, #tpu.memory_space<vmem>>, vector<1x16xf32>,
        %get3A_1030 = vector.shape_cast %get3A_1029 : vector<1x16xf32> to vector<16xf32>
        %mul3A_1031 = arith.mulf %get3A_714, %get3A_1030 : vector<16xf32>
        %add3A_1032 = arith.addf %add3A_1022, %mul3A_1031 : vector<16xf32>
        %mul3A_1033 = arith.constant 6 : i32
        %mul3A_1034 = arith.muli %add3A_707, %mul3A_1033 : i32
        %add3A_1035 = arith.constant 4 : i32
        %add3A_1036 = arith.addi %mul3A_1034, %add3A_1035 : i32
        %get3A_1037 = arith.index_cast %add3A_1036 : i32 to index
        %get3A_1038 = arith.constant 96 : index
        %get3A_1039 = tpu.vector_load %arg10[%get3A_1037, %get3A_1038] {strides = array<i32>} : memref<768x128xf32, #tpu.memory_space<vmem>>, vector<1x16xf32>,
        %get3A_1040 = vector.shape_cast %get3A_1039 : vector<1x16xf32> to vector<16xf32>
        %mul3A_1041 = arith.mulf %get3A_718, %get3A_1040 : vector<16xf32>
        %add3A_1042 = arith.addf %add3A_1032, %mul3A_1041 : vector<16xf32>
        %mul3A_1043 = arith.constant 6 : i32
        %mul3A_1044 = arith.muli %add3A_707, %mul3A_1043 : i32
        %add3A_1045 = arith.constant 4 : i32
        %add3A_1046 = arith.addi %mul3A_1044, %add3A_1045 : i32
        %get3A_1047 = arith.index_cast %add3A_1046 : i32 to index
        %get3A_1048 = arith.constant 112 : index
        %get3A_1049 = tpu.vector_load %arg10[%get3A_1047, %get3A_1048] {strides = array<i32>} : memref<768x128xf32, #tpu.memory_space<vmem>>, vector<1x16xf32>,
        %get3A_1050 = vector.shape_cast %get3A_1049 : vector<1x16xf32> to vector<16xf32>
        %mul3A_1051 = arith.mulf %get3A_722, %get3A_1050 : vector<16xf32>
        %add3A_1052 = arith.addf %add3A_1042, %mul3A_1051 : vector<16xf32>
        %xor3A_1053 = arith.constant 8 : i32
        %xor3A_1054 = vector.broadcast %xor3A_1053 : i32 to vector<16xi32>
        %xor3A_1055 = arith.xori %iota3A, %xor3A_1054 : vector<16xi32>
        %broadcast_in_dim3A_1056 = vector.shape_cast %xor3A_1055 : vector<16xi32> to vector<16x1xi32>
        %gather3A_1057 = vector.shape_cast %broadcast_in_dim3A_1056 : vector<16x1xi32> to vector<16xi32>
        %gather3A_1058 = tpu.dynamic_gather %add3A_1052[%gather3A_1057] in [0] : vector<16xf32>, vector<16xi32> -> vector<16xf32>
        %add3A_1059 = arith.addf %add3A_1052, %gather3A_1058 : vector<16xf32>
        %xor3A_1060 = arith.constant 4 : i32
        %xor3A_1061 = vector.broadcast %xor3A_1060 : i32 to vector<16xi32>
        %xor3A_1062 = arith.xori %iota3A, %xor3A_1061 : vector<16xi32>
        %broadcast_in_dim3A_1063 = vector.shape_cast %xor3A_1062 : vector<16xi32> to vector<16x1xi32>
        %gather3A_1064 = vector.shape_cast %broadcast_in_dim3A_1063 : vector<16x1xi32> to vector<16xi32>
        %gather3A_1065 = tpu.dynamic_gather %add3A_1059[%gather3A_1064] in [0] : vector<16xf32>, vector<16xi32> -> vector<16xf32>
        %add3A_1066 = arith.addf %add3A_1059, %gather3A_1065 : vector<16xf32>
        %xor3A_1067 = arith.constant 2 : i32
        %xor3A_1068 = vector.broadcast %xor3A_1067 : i32 to vector<16xi32>
        %xor3A_1069 = arith.xori %iota3A, %xor3A_1068 : vector<16xi32>
        %broadcast_in_dim3A_1070 = vector.shape_cast %xor3A_1069 : vector<16xi32> to vector<16x1xi32>
        %gather3A_1071 = vector.shape_cast %broadcast_in_dim3A_1070 : vector<16x1xi32> to vector<16xi32>
        %gather3A_1072 = tpu.dynamic_gather %add3A_1066[%gather3A_1071] in [0] : vector<16xf32>, vector<16xi32> -> vector<16xf32>
        %add3A_1073 = arith.addf %add3A_1066, %gather3A_1072 : vector<16xf32>
        %xor3A_1074 = arith.constant 1 : i32
        %xor3A_1075 = vector.broadcast %xor3A_1074 : i32 to vector<16xi32>
        %xor3A_1076 = arith.xori %iota3A, %xor3A_1075 : vector<16xi32>
        %broadcast_in_dim3A_1077 = vector.shape_cast %xor3A_1076 : vector<16xi32> to vector<16x1xi32>
        %gather3A_1078 = vector.shape_cast %broadcast_in_dim3A_1077 : vector<16x1xi32> to vector<16xi32>
        %gather3A_1079 = tpu.dynamic_gather %add3A_1073[%gather3A_1078] in [0] : vector<16xf32>, vector<16xi32> -> vector<16xf32>
        %add3A_1080 = arith.addf %add3A_1073, %gather3A_1079 : vector<16xf32>
        %eq3A_1081 = vector.broadcast %scan3A_698 : i32 to vector<16xi32>
        %eq3A_1082 = arith.cmpi eq, %iota3A, %eq3A_1081 : vector<16xi32>
        %select_n3A_1083 = arith.select %eq3A_1082, %add3A_1080, %scan3A_703 : vector<16xi1>, vector<16xf32>
        %broadcast_in_dim3A_1084 = arith.constant 0.000000e+00 : f32
        %broadcast_in_dim3A_1085 = vector.broadcast %broadcast_in_dim3A_1084 : f32 to vector<16xf32>
        %mul3A_1086 = arith.constant 6 : i32
        %mul3A_1087 = arith.muli %add3A_707, %mul3A_1086 : i32
        %add3A_1088 = arith.constant 5 : i32
        %add3A_1089 = arith.addi %mul3A_1087, %add3A_1088 : i32
        %get3A_1090 = arith.index_cast %add3A_1089 : i32 to index
        %get3A_1091 = arith.constant 64 : index
        %get3A_1092 = tpu.vector_load %arg10[%get3A_1090, %get3A_1091] {strides = array<i32>} : memref<768x128xf32, #tpu.memory_space<vmem>>, vector<1x16xf32>,
        %get3A_1093 = vector.shape_cast %get3A_1092 : vector<1x16xf32> to vector<16xf32>
        %mul3A_1094 = arith.mulf %get3A_710, %get3A_1093 : vector<16xf32>
        %add3A_1095 = arith.addf %broadcast_in_dim3A_1085, %mul3A_1094 : vector<16xf32>
        %mul3A_1096 = arith.constant 6 : i32
        %mul3A_1097 = arith.muli %add3A_707, %mul3A_1096 : i32
        %add3A_1098 = arith.constant 5 : i32
        %add3A_1099 = arith.addi %mul3A_1097, %add3A_1098 : i32
        %get3A_1100 = arith.index_cast %add3A_1099 : i32 to index
        %get3A_1101 = arith.constant 80 : index
        %get3A_1102 = tpu.vector_load %arg10[%get3A_1100, %get3A_1101] {strides = array<i32>} : memref<768x128xf32, #tpu.memory_space<vmem>>, vector<1x16xf32>,
        %get3A_1103 = vector.shape_cast %get3A_1102 : vector<1x16xf32> to vector<16xf32>
        %mul3A_1104 = arith.mulf %get3A_714, %get3A_1103 : vector<16xf32>
        %add3A_1105 = arith.addf %add3A_1095, %mul3A_1104 : vector<16xf32>
        %mul3A_1106 = arith.constant 6 : i32
        %mul3A_1107 = arith.muli %add3A_707, %mul3A_1106 : i32
        %add3A_1108 = arith.constant 5 : i32
        %add3A_1109 = arith.addi %mul3A_1107, %add3A_1108 : i32
        %get3A_1110 = arith.index_cast %add3A_1109 : i32 to index
        %get3A_1111 = arith.constant 96 : index
        %get3A_1112 = tpu.vector_load %arg10[%get3A_1110, %get3A_1111] {strides = array<i32>} : memref<768x128xf32, #tpu.memory_space<vmem>>, vector<1x16xf32>,
        %get3A_1113 = vector.shape_cast %get3A_1112 : vector<1x16xf32> to vector<16xf32>
        %mul3A_1114 = arith.mulf %get3A_718, %get3A_1113 : vector<16xf32>
        %add3A_1115 = arith.addf %add3A_1105, %mul3A_1114 : vector<16xf32>
        %mul3A_1116 = arith.constant 6 : i32
        %mul3A_1117 = arith.muli %add3A_707, %mul3A_1116 : i32
        %add3A_1118 = arith.constant 5 : i32
        %add3A_1119 = arith.addi %mul3A_1117, %add3A_1118 : i32
        %get3A_1120 = arith.index_cast %add3A_1119 : i32 to index
        %get3A_1121 = arith.constant 112 : index
        %get3A_1122 = tpu.vector_load %arg10[%get3A_1120, %get3A_1121] {strides = array<i32>} : memref<768x128xf32, #tpu.memory_space<vmem>>, vector<1x16xf32>,
        %get3A_1123 = vector.shape_cast %get3A_1122 : vector<1x16xf32> to vector<16xf32>
        %mul3A_1124 = arith.mulf %get3A_722, %get3A_1123 : vector<16xf32>
        %add3A_1125 = arith.addf %add3A_1115, %mul3A_1124 : vector<16xf32>
        %xor3A_1126 = arith.constant 8 : i32
        %xor3A_1127 = vector.broadcast %xor3A_1126 : i32 to vector<16xi32>
        %xor3A_1128 = arith.xori %iota3A, %xor3A_1127 : vector<16xi32>
        %broadcast_in_dim3A_1129 = vector.shape_cast %xor3A_1128 : vector<16xi32> to vector<16x1xi32>
        %gather3A_1130 = vector.shape_cast %broadcast_in_dim3A_1129 : vector<16x1xi32> to vector<16xi32>
        %gather3A_1131 = tpu.dynamic_gather %add3A_1125[%gather3A_1130] in [0] : vector<16xf32>, vector<16xi32> -> vector<16xf32>
        %add3A_1132 = arith.addf %add3A_1125, %gather3A_1131 : vector<16xf32>
        %xor3A_1133 = arith.constant 4 : i32
        %xor3A_1134 = vector.broadcast %xor3A_1133 : i32 to vector<16xi32>
        %xor3A_1135 = arith.xori %iota3A, %xor3A_1134 : vector<16xi32>
        %broadcast_in_dim3A_1136 = vector.shape_cast %xor3A_1135 : vector<16xi32> to vector<16x1xi32>
        %gather3A_1137 = vector.shape_cast %broadcast_in_dim3A_1136 : vector<16x1xi32> to vector<16xi32>
        %gather3A_1138 = tpu.dynamic_gather %add3A_1132[%gather3A_1137] in [0] : vector<16xf32>, vector<16xi32> -> vector<16xf32>
        %add3A_1139 = arith.addf %add3A_1132, %gather3A_1138 : vector<16xf32>
        %xor3A_1140 = arith.constant 2 : i32
        %xor3A_1141 = vector.broadcast %xor3A_1140 : i32 to vector<16xi32>
        %xor3A_1142 = arith.xori %iota3A, %xor3A_1141 : vector<16xi32>
        %broadcast_in_dim3A_1143 = vector.shape_cast %xor3A_1142 : vector<16xi32> to vector<16x1xi32>
        %gather3A_1144 = vector.shape_cast %broadcast_in_dim3A_1143 : vector<16x1xi32> to vector<16xi32>
        %gather3A_1145 = tpu.dynamic_gather %add3A_1139[%gather3A_1144] in [0] : vector<16xf32>, vector<16xi32> -> vector<16xf32>
        %add3A_1146 = arith.addf %add3A_1139, %gather3A_1145 : vector<16xf32>
        %xor3A_1147 = arith.constant 1 : i32
        %xor3A_1148 = vector.broadcast %xor3A_1147 : i32 to vector<16xi32>
        %xor3A_1149 = arith.xori %iota3A, %xor3A_1148 : vector<16xi32>
        %broadcast_in_dim3A_1150 = vector.shape_cast %xor3A_1149 : vector<16xi32> to vector<16x1xi32>
        %gather3A_1151 = vector.shape_cast %broadcast_in_dim3A_1150 : vector<16x1xi32> to vector<16xi32>
        %gather3A_1152 = tpu.dynamic_gather %add3A_1146[%gather3A_1151] in [0] : vector<16xf32>, vector<16xi32> -> vector<16xf32>
        %add3A_1153 = arith.addf %add3A_1146, %gather3A_1152 : vector<16xf32>
        %eq3A_1154 = vector.broadcast %scan3A_698 : i32 to vector<16xi32>
        %eq3A_1155 = arith.cmpi eq, %iota3A, %eq3A_1154 : vector<16xi32>
        %select_n3A_1156 = arith.select %eq3A_1155, %add3A_1153, %scan3A_704 : vector<16xi1>, vector<16xf32>
        scf.yield %select_n3A, %select_n3A_864, %select_n3A_937, %select_n3A_1010, %select_n3A_1083, %select_n3A_1156 : vector<16xf32>, vector<16xf32>, vector<16xf32>, vector<16xf32>, vector<16xf32>, vector<16xf32>
      }
      %scan3A_652 = arith.constant 16 : i32
      %mul3A_653 = arith.constant 16 : i32
      %mul3A_654 = arith.muli %scan3A_645, %mul3A_653 : i32
      %swap3A = arith.index_cast %mul3A_654 : i32 to index
      %swap3A_655 = tpu.vector_load %arg11[%swap3A] {strides = array<i32>} : memref<128xf32, #tpu.memory_space<vmem>>, vector<16xf32>,
      %swap3A_656 = vector.shape_cast %swap3A_655 : vector<16xf32> to vector<16xf32>
      %swap3A_657 = vector.shape_cast %scan3A_651#0 : vector<16xf32> to vector<16xf32>
      tpu.vector_store %arg11[%swap3A], %swap3A_657 {strides = array<i32>} : memref<128xf32, #tpu.memory_space<vmem>>, vector<16xf32>,
      %mul3A_658 = arith.constant 16 : i32
      %mul3A_659 = arith.muli %scan3A_645, %mul3A_658 : i32
      %add3A_660 = arith.constant 0 : i32
      %add3A_661 = arith.addi %add3A_660, %mul3A_659 : i32
      %swap3A_662 = arith.index_cast %add3A_661 : i32 to index
      %swap3A_663 = tpu.vector_load %arg12[%swap3A_662] {strides = array<i32>} : memref<640xf32, #tpu.memory_space<vmem>>, vector<16xf32>,
      %swap3A_664 = vector.shape_cast %swap3A_663 : vector<16xf32> to vector<16xf32>
      %swap3A_665 = vector.shape_cast %scan3A_651#1 : vector<16xf32> to vector<16xf32>
      tpu.vector_store %arg12[%swap3A_662], %swap3A_665 {strides = array<i32>} : memref<640xf32, #tpu.memory_space<vmem>>, vector<16xf32>,
      %mul3A_666 = arith.constant 16 : i32
      %mul3A_667 = arith.muli %scan3A_645, %mul3A_666 : i32
      %add3A_668 = arith.constant 128 : i32
      %add3A_669 = arith.addi %add3A_668, %mul3A_667 : i32
      %swap3A_670 = arith.index_cast %add3A_669 : i32 to index
      %swap3A_671 = tpu.vector_load %arg12[%swap3A_670] {strides = array<i32>} : memref<640xf32, #tpu.memory_space<vmem>>, vector<16xf32>,
      %swap3A_672 = vector.shape_cast %swap3A_671 : vector<16xf32> to vector<16xf32>
      %swap3A_673 = vector.shape_cast %scan3A_651#2 : vector<16xf32> to vector<16xf32>
      tpu.vector_store %arg12[%swap3A_670], %swap3A_673 {strides = array<i32>} : memref<640xf32, #tpu.memory_space<vmem>>, vector<16xf32>,
      %mul3A_674 = arith.constant 16 : i32
      %mul3A_675 = arith.muli %scan3A_645, %mul3A_674 : i32
      %add3A_676 = arith.constant 256 : i32
      %add3A_677 = arith.addi %add3A_676, %mul3A_675 : i32
      %swap3A_678 = arith.index_cast %add3A_677 : i32 to index
      %swap3A_679 = tpu.vector_load %arg12[%swap3A_678] {strides = array<i32>} : memref<640xf32, #tpu.memory_space<vmem>>, vector<16xf32>,
      %swap3A_680 = vector.shape_cast %swap3A_679 : vector<16xf32> to vector<16xf32>
      %swap3A_681 = vector.shape_cast %scan3A_651#3 : vector<16xf32> to vector<16xf32>
      tpu.vector_store %arg12[%swap3A_678], %swap3A_681 {strides = array<i32>} : memref<640xf32, #tpu.memory_space<vmem>>, vector<16xf32>,
      %mul3A_682 = arith.constant 16 : i32
      %mul3A_683 = arith.muli %scan3A_645, %mul3A_682 : i32
      %add3A_684 = arith.constant 384 : i32
      %add3A_685 = arith.addi %add3A_684, %mul3A_683 : i32
      %swap3A_686 = arith.index_cast %add3A_685 : i32 to index
      %swap3A_687 = tpu.vector_load %arg12[%swap3A_686] {strides = array<i32>} : memref<640xf32, #tpu.memory_space<vmem>>, vector<16xf32>,
      %swap3A_688 = vector.shape_cast %swap3A_687 : vector<16xf32> to vector<16xf32>
      %swap3A_689 = vector.shape_cast %scan3A_651#4 : vector<16xf32> to vector<16xf32>
      tpu.vector_store %arg12[%swap3A_686], %swap3A_689 {strides = array<i32>} : memref<640xf32, #tpu.memory_space<vmem>>, vector<16xf32>,
      %mul3A_690 = arith.constant 16 : i32
      %mul3A_691 = arith.muli %scan3A_645, %mul3A_690 : i32
      %add3A_692 = arith.constant 512 : i32
      %add3A_693 = arith.addi %add3A_692, %mul3A_691 : i32
      %swap3A_694 = arith.index_cast %add3A_693 : i32 to index
      %swap3A_695 = tpu.vector_load %arg12[%swap3A_694] {strides = array<i32>} : memref<640xf32, #tpu.memory_space<vmem>>, vector<16xf32>,
      %swap3A_696 = vector.shape_cast %swap3A_695 : vector<16xf32> to vector<16xf32>
      %swap3A_697 = vector.shape_cast %scan3A_651#5 : vector<16xf32> to vector<16xf32>
      tpu.vector_store %arg12[%swap3A_694], %swap3A_697 {strides = array<i32>} : memref<640xf32, #tpu.memory_space<vmem>>, vector<16xf32>,
    }
    %scan3A_172 = arith.constant 8 : i32
    "tpu.region"() ({
      %run_scoped3A_645 = tpu.sem_alloc : memref<!tpu.dma_semaphore, #tpu.memory_space<semaphore_mem>>
      %dma_start3A_646 = tpu.memref_slice %arg5[%add3A_35] : memref<16384xf32, #tpu.memory_space<hbm>> -> memref<128xf32, #tpu.memory_space<hbm>>
      %dma_start3A_647 = tpu.memref_slice %arg5[%add3A_35] : memref<16384xf32, #tpu.memory_space<hbm>> -> memref<128xf32, #tpu.memory_space<hbm>>
      tpu.enqueue_dma source(%arg11 : memref<128xf32, #tpu.memory_space<vmem>>) target(%dma_start3A_647 : memref<128xf32, #tpu.memory_space<hbm>>) target_semaphore(%run_scoped3A_645 : memref<!tpu.dma_semaphore, #tpu.memory_space<semaphore_mem>>)
      %dma_wait3A_648 = tpu.memref_slice %arg5[%add3A_35] : memref<16384xf32, #tpu.memory_space<hbm>> -> memref<128xf32, #tpu.memory_space<hbm>>
      %dma_wait3A_649 = tpu.memref_slice %arg5[%add3A_35] : memref<16384xf32, #tpu.memory_space<hbm>> -> memref<128xf32, #tpu.memory_space<hbm>>
      tpu.wait_dma2 semaphore(%run_scoped3A_645 : memref<!tpu.dma_semaphore, #tpu.memory_space<semaphore_mem>>) src(%arg11 : memref<128xf32, #tpu.memory_space<vmem>>) dst(%dma_wait3A_649 : memref<128xf32, #tpu.memory_space<hbm>>)
      tpu.yield
    }) : () -> ()
    %add3A_173 = arith.constant 0 : i32
    %add3A_174 = arith.addi %add3A_173, %add3A_35 : i32
    "tpu.region"() ({
      %run_scoped3A_645 = tpu.sem_alloc : memref<!tpu.dma_semaphore, #tpu.memory_space<semaphore_mem>>
      %dma_start3A_646 = arith.constant 0 : i32
      %dma_start3A_647 = tpu.memref_slice %arg12[%dma_start3A_646] : memref<640xf32, #tpu.memory_space<vmem>> -> memref<128xf32, #tpu.memory_space<vmem>>
      %dma_start3A_648 = tpu.memref_slice %arg6[%add3A_174] : memref<81920xf32, #tpu.memory_space<hbm>> -> memref<128xf32, #tpu.memory_space<hbm>>
      %dma_start3A_649 = tpu.memref_slice %arg6[%add3A_174] : memref<81920xf32, #tpu.memory_space<hbm>> -> memref<128xf32, #tpu.memory_space<hbm>>
      %dma_start3A_650 = arith.constant 0 : i32
      %dma_start3A_651 = tpu.memref_slice %arg12[%dma_start3A_650] : memref<640xf32, #tpu.memory_space<vmem>> -> memref<128xf32, #tpu.memory_space<vmem>>
      tpu.enqueue_dma source(%dma_start3A_651 : memref<128xf32, #tpu.memory_space<vmem>>) target(%dma_start3A_649 : memref<128xf32, #tpu.memory_space<hbm>>) target_semaphore(%run_scoped3A_645 : memref<!tpu.dma_semaphore, #tpu.memory_space<semaphore_mem>>)
      %dma_wait3A_652 = arith.constant 0 : i32
      %dma_wait3A_653 = tpu.memref_slice %arg12[%dma_wait3A_652] : memref<640xf32, #tpu.memory_space<vmem>> -> memref<128xf32, #tpu.memory_space<vmem>>
      %dma_wait3A_654 = tpu.memref_slice %arg6[%add3A_174] : memref<81920xf32, #tpu.memory_space<hbm>> -> memref<128xf32, #tpu.memory_space<hbm>>
      %dma_wait3A_655 = tpu.memref_slice %arg6[%add3A_174] : memref<81920xf32, #tpu.memory_space<hbm>> -> memref<128xf32, #tpu.memory_space<hbm>>
      %dma_wait3A_656 = arith.constant 0 : i32
      %dma_wait3A_657 = tpu.memref_slice %arg12[%dma_wait3A_656] : memref<640xf32, #tpu.memory_space<vmem>> -> memref<128xf32, #tpu.memory_space<vmem>>
      tpu.wait_dma2 semaphore(%run_scoped3A_645 : memref<!tpu.dma_semaphore, #tpu.memory_space<semaphore_mem>>) src(%dma_wait3A_657 : memref<128xf32, #tpu.memory_space<vmem>>) dst(%dma_wait3A_655 : memref<128xf32, #tpu.memory_space<hbm>>)
      tpu.yield
    }) : () -> ()
    %add3A_175 = arith.constant 16384 : i32
    %add3A_176 = arith.addi %add3A_175, %add3A_35 : i32
    "tpu.region"() ({
      %run_scoped3A_645 = tpu.sem_alloc : memref<!tpu.dma_semaphore, #tpu.memory_space<semaphore_mem>>
      %dma_start3A_646 = arith.constant 128 : i32
      %dma_start3A_647 = tpu.memref_slice %arg12[%dma_start3A_646] : memref<640xf32, #tpu.memory_space<vmem>> -> memref<128xf32, #tpu.memory_space<vmem>>
      %dma_start3A_648 = tpu.memref_slice %arg6[%add3A_176] : memref<81920xf32, #tpu.memory_space<hbm>> -> memref<128xf32, #tpu.memory_space<hbm>>
      %dma_start3A_649 = tpu.memref_slice %arg6[%add3A_176] : memref<81920xf32, #tpu.memory_space<hbm>> -> memref<128xf32, #tpu.memory_space<hbm>>
      %dma_start3A_650 = arith.constant 128 : i32
      %dma_start3A_651 = tpu.memref_slice %arg12[%dma_start3A_650] : memref<640xf32, #tpu.memory_space<vmem>> -> memref<128xf32, #tpu.memory_space<vmem>>
      tpu.enqueue_dma source(%dma_start3A_651 : memref<128xf32, #tpu.memory_space<vmem>>) target(%dma_start3A_649 : memref<128xf32, #tpu.memory_space<hbm>>) target_semaphore(%run_scoped3A_645 : memref<!tpu.dma_semaphore, #tpu.memory_space<semaphore_mem>>)
      %dma_wait3A_652 = arith.constant 128 : i32
      %dma_wait3A_653 = tpu.memref_slice %arg12[%dma_wait3A_652] : memref<640xf32, #tpu.memory_space<vmem>> -> memref<128xf32, #tpu.memory_space<vmem>>
      %dma_wait3A_654 = tpu.memref_slice %arg6[%add3A_176] : memref<81920xf32, #tpu.memory_space<hbm>> -> memref<128xf32, #tpu.memory_space<hbm>>
      %dma_wait3A_655 = tpu.memref_slice %arg6[%add3A_176] : memref<81920xf32, #tpu.memory_space<hbm>> -> memref<128xf32, #tpu.memory_space<hbm>>
      %dma_wait3A_656 = arith.constant 128 : i32
      %dma_wait3A_657 = tpu.memref_slice %arg12[%dma_wait3A_656] : memref<640xf32, #tpu.memory_space<vmem>> -> memref<128xf32, #tpu.memory_space<vmem>>
      tpu.wait_dma2 semaphore(%run_scoped3A_645 : memref<!tpu.dma_semaphore, #tpu.memory_space<semaphore_mem>>) src(%dma_wait3A_657 : memref<128xf32, #tpu.memory_space<vmem>>) dst(%dma_wait3A_655 : memref<128xf32, #tpu.memory_space<hbm>>)
      tpu.yield
    }) : () -> ()
    %add3A_177 = arith.constant 32768 : i32
    %add3A_178 = arith.addi %add3A_177, %add3A_35 : i32
    "tpu.region"() ({
      %run_scoped3A_645 = tpu.sem_alloc : memref<!tpu.dma_semaphore, #tpu.memory_space<semaphore_mem>>
      %dma_start3A_646 = arith.constant 256 : i32
      %dma_start3A_647 = tpu.memref_slice %arg12[%dma_start3A_646] : memref<640xf32, #tpu.memory_space<vmem>> -> memref<128xf32, #tpu.memory_space<vmem>>
      %dma_start3A_648 = tpu.memref_slice %arg6[%add3A_178] : memref<81920xf32, #tpu.memory_space<hbm>> -> memref<128xf32, #tpu.memory_space<hbm>>
      %dma_start3A_649 = tpu.memref_slice %arg6[%add3A_178] : memref<81920xf32, #tpu.memory_space<hbm>> -> memref<128xf32, #tpu.memory_space<hbm>>
      %dma_start3A_650 = arith.constant 256 : i32
      %dma_start3A_651 = tpu.memref_slice %arg12[%dma_start3A_650] : memref<640xf32, #tpu.memory_space<vmem>> -> memref<128xf32, #tpu.memory_space<vmem>>
      tpu.enqueue_dma source(%dma_start3A_651 : memref<128xf32, #tpu.memory_space<vmem>>) target(%dma_start3A_649 : memref<128xf32, #tpu.memory_space<hbm>>) target_semaphore(%run_scoped3A_645 : memref<!tpu.dma_semaphore, #tpu.memory_space<semaphore_mem>>)
      %dma_wait3A_652 = arith.constant 256 : i32
      %dma_wait3A_653 = tpu.memref_slice %arg12[%dma_wait3A_652] : memref<640xf32, #tpu.memory_space<vmem>> -> memref<128xf32, #tpu.memory_space<vmem>>
      %dma_wait3A_654 = tpu.memref_slice %arg6[%add3A_178] : memref<81920xf32, #tpu.memory_space<hbm>> -> memref<128xf32, #tpu.memory_space<hbm>>
      %dma_wait3A_655 = tpu.memref_slice %arg6[%add3A_178] : memref<81920xf32, #tpu.memory_space<hbm>> -> memref<128xf32, #tpu.memory_space<hbm>>
      %dma_wait3A_656 = arith.constant 256 : i32
      %dma_wait3A_657 = tpu.memref_slice %arg12[%dma_wait3A_656] : memref<640xf32, #tpu.memory_space<vmem>> -> memref<128xf32, #tpu.memory_space<vmem>>
      tpu.wait_dma2 semaphore(%run_scoped3A_645 : memref<!tpu.dma_semaphore, #tpu.memory_space<semaphore_mem>>) src(%dma_wait3A_657 : memref<128xf32, #tpu.memory_space<vmem>>) dst(%dma_wait3A_655 : memref<128xf32, #tpu.memory_space<hbm>>)
      tpu.yield
    }) : () -> ()
    %add3A_179 = arith.constant 49152 : i32
    %add3A_180 = arith.addi %add3A_179, %add3A_35 : i32
    "tpu.region"() ({
      %run_scoped3A_645 = tpu.sem_alloc : memref<!tpu.dma_semaphore, #tpu.memory_space<semaphore_mem>>
      %dma_start3A_646 = arith.constant 384 : i32
      %dma_start3A_647 = tpu.memref_slice %arg12[%dma_start3A_646] : memref<640xf32, #tpu.memory_space<vmem>> -> memref<128xf32, #tpu.memory_space<vmem>>
      %dma_start3A_648 = tpu.memref_slice %arg6[%add3A_180] : memref<81920xf32, #tpu.memory_space<hbm>> -> memref<128xf32, #tpu.memory_space<hbm>>
      %dma_start3A_649 = tpu.memref_slice %arg6[%add3A_180] : memref<81920xf32, #tpu.memory_space<hbm>> -> memref<128xf32, #tpu.memory_space<hbm>>
      %dma_start3A_650 = arith.constant 384 : i32
      %dma_start3A_651 = tpu.memref_slice %arg12[%dma_start3A_650] : memref<640xf32, #tpu.memory_space<vmem>> -> memref<128xf32, #tpu.memory_space<vmem>>
      tpu.enqueue_dma source(%dma_start3A_651 : memref<128xf32, #tpu.memory_space<vmem>>) target(%dma_start3A_649 : memref<128xf32, #tpu.memory_space<hbm>>) target_semaphore(%run_scoped3A_645 : memref<!tpu.dma_semaphore, #tpu.memory_space<semaphore_mem>>)
      %dma_wait3A_652 = arith.constant 384 : i32
      %dma_wait3A_653 = tpu.memref_slice %arg12[%dma_wait3A_652] : memref<640xf32, #tpu.memory_space<vmem>> -> memref<128xf32, #tpu.memory_space<vmem>>
      %dma_wait3A_654 = tpu.memref_slice %arg6[%add3A_180] : memref<81920xf32, #tpu.memory_space<hbm>> -> memref<128xf32, #tpu.memory_space<hbm>>
      %dma_wait3A_655 = tpu.memref_slice %arg6[%add3A_180] : memref<81920xf32, #tpu.memory_space<hbm>> -> memref<128xf32, #tpu.memory_space<hbm>>
      %dma_wait3A_656 = arith.constant 384 : i32
      %dma_wait3A_657 = tpu.memref_slice %arg12[%dma_wait3A_656] : memref<640xf32, #tpu.memory_space<vmem>> -> memref<128xf32, #tpu.memory_space<vmem>>
      tpu.wait_dma2 semaphore(%run_scoped3A_645 : memref<!tpu.dma_semaphore, #tpu.memory_space<semaphore_mem>>) src(%dma_wait3A_657 : memref<128xf32, #tpu.memory_space<vmem>>) dst(%dma_wait3A_655 : memref<128xf32, #tpu.memory_space<hbm>>)
      tpu.yield
    }) : () -> ()
    %add3A_181 = arith.constant 65536 : i32
    %add3A_182 = arith.addi %add3A_181, %add3A_35 : i32
    "tpu.region"() ({
      %run_scoped3A_645 = tpu.sem_alloc : memref<!tpu.dma_semaphore, #tpu.memory_space<semaphore_mem>>
      %dma_start3A_646 = arith.constant 512 : i32
      %dma_start3A_647 = tpu.memref_slice %arg12[%dma_start3A_646] : memref<640xf32, #tpu.memory_space<vmem>> -> memref<128xf32, #tpu.memory_space<vmem>>
      %dma_start3A_648 = tpu.memref_slice %arg6[%add3A_182] : memref<81920xf32, #tpu.memory_space<hbm>> -> memref<128xf32, #tpu.memory_space<hbm>>
      %dma_start3A_649 = tpu.memref_slice %arg6[%add3A_182] : memref<81920xf32, #tpu.memory_space<hbm>> -> memref<128xf32, #tpu.memory_space<hbm>>
      %dma_start3A_650 = arith.constant 512 : i32
      %dma_start3A_651 = tpu.memref_slice %arg12[%dma_start3A_650] : memref<640xf32, #tpu.memory_space<vmem>> -> memref<128xf32, #tpu.memory_space<vmem>>
      tpu.enqueue_dma source(%dma_start3A_651 : memref<128xf32, #tpu.memory_space<vmem>>) target(%dma_start3A_649 : memref<128xf32, #tpu.memory_space<hbm>>) target_semaphore(%run_scoped3A_645 : memref<!tpu.dma_semaphore, #tpu.memory_space<semaphore_mem>>)
      %dma_wait3A_652 = arith.constant 512 : i32
      %dma_wait3A_653 = tpu.memref_slice %arg12[%dma_wait3A_652] : memref<640xf32, #tpu.memory_space<vmem>> -> memref<128xf32, #tpu.memory_space<vmem>>
      %dma_wait3A_654 = tpu.memref_slice %arg6[%add3A_182] : memref<81920xf32, #tpu.memory_space<hbm>> -> memref<128xf32, #tpu.memory_space<hbm>>
      %dma_wait3A_655 = tpu.memref_slice %arg6[%add3A_182] : memref<81920xf32, #tpu.memory_space<hbm>> -> memref<128xf32, #tpu.memory_space<hbm>>
      %dma_wait3A_656 = arith.constant 512 : i32
      %dma_wait3A_657 = tpu.memref_slice %arg12[%dma_wait3A_656] : memref<640xf32, #tpu.memory_space<vmem>> -> memref<128xf32, #tpu.memory_space<vmem>>
      tpu.wait_dma2 semaphore(%run_scoped3A_645 : memref<!tpu.dma_semaphore, #tpu.memory_space<semaphore_mem>>) src(%dma_wait3A_657 : memref<128xf32, #tpu.memory_space<vmem>>) dst(%dma_wait3A_655 : memref<128xf32, #tpu.memory_space<hbm>>)
      tpu.yield
    }) : () -> ()
    %mul3A_183 = arith.constant 512 : i32
    %mul3A_184 = arith.muli %add3A, %mul3A_183 : i32
    %add3A_185 = arith.constant 128 : i32
    %add3A_186 = arith.addi %mul3A_184, %add3A_185 : i32
    %dma_start3A_187 = arith.constant 1 : i32
    %dma_start3A_188 = arith.constant 0 : i32
    %dma_start3A_189 = tpu.memref_slice %arg7[%dma_start3A_187, %dma_start3A_188] : memref<4x128xi32, #tpu.memory_space<vmem>> -> memref<1x128xi32, #tpu.memory_space<vmem>>
    %dma_start3A_190 = tpu.memref_squeeze %dma_start3A_189 : memref<1x128xi32, #tpu.memory_space<vmem>> -> memref<128xi32, #tpu.memory_space<vmem>>
    %dma_start3A_191 = arith.constant 0 : i32
    %dma_start3A_192 = arith.constant 0 : i32
    %dma_start3A_193 = tpu.memref_slice %arg2[%dma_start3A_191, %dma_start3A_192] : memref<1000000x128xf32, #tpu.memory_space<hbm>> -> memref<1000000x128xf32, #tpu.memory_space<hbm>>
    tpu.enqueue_indirect_dma source(%dma_start3A_193 : memref<1000000x128xf32, #tpu.memory_space<hbm>>) target(%arg9 : memref<128x128xf32, #tpu.memory_space<vmem>>) offsets(%dma_start3A_190 : memref<128xi32, #tpu.memory_space<vmem>>) semaphore(%arg13 : memref<!tpu.dma_semaphore, #tpu.memory_space<semaphore_mem>>)
    %dma_start3A_194 = arith.constant 6 : i32
    %dma_start3A_195 = arith.constant 0 : i32
    %dma_start3A_196 = arith.constant 0 : i32
    %dma_start3A_197 = tpu.memref_slice %arg10[%dma_start3A_195, %dma_start3A_196] : memref<768x128xf32, #tpu.memory_space<vmem>> -> memref<128x128xf32, #tpu.memory_space<vmem>>
    %dma_start3A_198 = arith.constant 0 : i32
    %dma_start3A_199 = tpu.memref_slice %arg8[%dma_start3A_194, %dma_start3A_198] : memref<24x128xi32, #tpu.memory_space<vmem>> -> memref<1x128xi32, #tpu.memory_space<vmem>>
    %dma_start3A_200 = tpu.memref_squeeze %dma_start3A_199 : memref<1x128xi32, #tpu.memory_space<vmem>> -> memref<128xi32, #tpu.memory_space<vmem>>
    %dma_start3A_201 = arith.constant 0 : i32
    %dma_start3A_202 = arith.constant 0 : i32
    %dma_start3A_203 = tpu.memref_slice %arg2[%dma_start3A_201, %dma_start3A_202] : memref<1000000x128xf32, #tpu.memory_space<hbm>> -> memref<1000000x128xf32, #tpu.memory_space<hbm>>
    tpu.enqueue_indirect_dma source(%dma_start3A_203 : memref<1000000x128xf32, #tpu.memory_space<hbm>>) target(%dma_start3A_197 : memref<128x128xf32, #tpu.memory_space<vmem>>) offsets(%dma_start3A_200 : memref<128xi32, #tpu.memory_space<vmem>>) semaphore(%arg13 : memref<!tpu.dma_semaphore, #tpu.memory_space<semaphore_mem>>)
    %dma_start3A_204 = arith.constant 7 : i32
    %dma_start3A_205 = arith.constant 128 : i32
    %dma_start3A_206 = arith.constant 0 : i32
    %dma_start3A_207 = tpu.memref_slice %arg10[%dma_start3A_205, %dma_start3A_206] : memref<768x128xf32, #tpu.memory_space<vmem>> -> memref<128x128xf32, #tpu.memory_space<vmem>>
    %dma_start3A_208 = arith.constant 0 : i32
    %dma_start3A_209 = tpu.memref_slice %arg8[%dma_start3A_204, %dma_start3A_208] : memref<24x128xi32, #tpu.memory_space<vmem>> -> memref<1x128xi32, #tpu.memory_space<vmem>>
    %dma_start3A_210 = tpu.memref_squeeze %dma_start3A_209 : memref<1x128xi32, #tpu.memory_space<vmem>> -> memref<128xi32, #tpu.memory_space<vmem>>
    %dma_start3A_211 = arith.constant 0 : i32
    %dma_start3A_212 = arith.constant 0 : i32
    %dma_start3A_213 = tpu.memref_slice %arg2[%dma_start3A_211, %dma_start3A_212] : memref<1000000x128xf32, #tpu.memory_space<hbm>> -> memref<1000000x128xf32, #tpu.memory_space<hbm>>
    tpu.enqueue_indirect_dma source(%dma_start3A_213 : memref<1000000x128xf32, #tpu.memory_space<hbm>>) target(%dma_start3A_207 : memref<128x128xf32, #tpu.memory_space<vmem>>) offsets(%dma_start3A_210 : memref<128xi32, #tpu.memory_space<vmem>>) semaphore(%arg13 : memref<!tpu.dma_semaphore, #tpu.memory_space<semaphore_mem>>)
    %dma_start3A_214 = arith.constant 8 : i32
    %dma_start3A_215 = arith.constant 256 : i32
    %dma_start3A_216 = arith.constant 0 : i32
    %dma_start3A_217 = tpu.memref_slice %arg10[%dma_start3A_215, %dma_start3A_216] : memref<768x128xf32, #tpu.memory_space<vmem>> -> memref<128x128xf32, #tpu.memory_space<vmem>>
    %dma_start3A_218 = arith.constant 0 : i32
    %dma_start3A_219 = tpu.memref_slice %arg8[%dma_start3A_214, %dma_start3A_218] : memref<24x128xi32, #tpu.memory_space<vmem>> -> memref<1x128xi32, #tpu.memory_space<vmem>>
    %dma_start3A_220 = tpu.memref_squeeze %dma_start3A_219 : memref<1x128xi32, #tpu.memory_space<vmem>> -> memref<128xi32, #tpu.memory_space<vmem>>
    %dma_start3A_221 = arith.constant 0 : i32
    %dma_start3A_222 = arith.constant 0 : i32
    %dma_start3A_223 = tpu.memref_slice %arg2[%dma_start3A_221, %dma_start3A_222] : memref<1000000x128xf32, #tpu.memory_space<hbm>> -> memref<1000000x128xf32, #tpu.memory_space<hbm>>
    tpu.enqueue_indirect_dma source(%dma_start3A_223 : memref<1000000x128xf32, #tpu.memory_space<hbm>>) target(%dma_start3A_217 : memref<128x128xf32, #tpu.memory_space<vmem>>) offsets(%dma_start3A_220 : memref<128xi32, #tpu.memory_space<vmem>>) semaphore(%arg13 : memref<!tpu.dma_semaphore, #tpu.memory_space<semaphore_mem>>)
    %dma_start3A_224 = arith.constant 9 : i32
    %dma_start3A_225 = arith.constant 384 : i32
    %dma_start3A_226 = arith.constant 0 : i32
    %dma_start3A_227 = tpu.memref_slice %arg10[%dma_start3A_225, %dma_start3A_226] : memref<768x128xf32, #tpu.memory_space<vmem>> -> memref<128x128xf32, #tpu.memory_space<vmem>>
    %dma_start3A_228 = arith.constant 0 : i32
    %dma_start3A_229 = tpu.memref_slice %arg8[%dma_start3A_224, %dma_start3A_228] : memref<24x128xi32, #tpu.memory_space<vmem>> -> memref<1x128xi32, #tpu.memory_space<vmem>>
    %dma_start3A_230 = tpu.memref_squeeze %dma_start3A_229 : memref<1x128xi32, #tpu.memory_space<vmem>> -> memref<128xi32, #tpu.memory_space<vmem>>
    %dma_start3A_231 = arith.constant 0 : i32
    %dma_start3A_232 = arith.constant 0 : i32
    %dma_start3A_233 = tpu.memref_slice %arg2[%dma_start3A_231, %dma_start3A_232] : memref<1000000x128xf32, #tpu.memory_space<hbm>> -> memref<1000000x128xf32, #tpu.memory_space<hbm>>
    tpu.enqueue_indirect_dma source(%dma_start3A_233 : memref<1000000x128xf32, #tpu.memory_space<hbm>>) target(%dma_start3A_227 : memref<128x128xf32, #tpu.memory_space<vmem>>) offsets(%dma_start3A_230 : memref<128xi32, #tpu.memory_space<vmem>>) semaphore(%arg13 : memref<!tpu.dma_semaphore, #tpu.memory_space<semaphore_mem>>)
    %dma_start3A_234 = arith.constant 10 : i32
    %dma_start3A_235 = arith.constant 512 : i32
    %dma_start3A_236 = arith.constant 0 : i32
    %dma_start3A_237 = tpu.memref_slice %arg10[%dma_start3A_235, %dma_start3A_236] : memref<768x128xf32, #tpu.memory_space<vmem>> -> memref<128x128xf32, #tpu.memory_space<vmem>>
    %dma_start3A_238 = arith.constant 0 : i32
    %dma_start3A_239 = tpu.memref_slice %arg8[%dma_start3A_234, %dma_start3A_238] : memref<24x128xi32, #tpu.memory_space<vmem>> -> memref<1x128xi32, #tpu.memory_space<vmem>>
    %dma_start3A_240 = tpu.memref_squeeze %dma_start3A_239 : memref<1x128xi32, #tpu.memory_space<vmem>> -> memref<128xi32, #tpu.memory_space<vmem>>
    %dma_start3A_241 = arith.constant 0 : i32
    %dma_start3A_242 = arith.constant 0 : i32
    %dma_start3A_243 = tpu.memref_slice %arg2[%dma_start3A_241, %dma_start3A_242] : memref<1000000x128xf32, #tpu.memory_space<hbm>> -> memref<1000000x128xf32, #tpu.memory_space<hbm>>
    tpu.enqueue_indirect_dma source(%dma_start3A_243 : memref<1000000x128xf32, #tpu.memory_space<hbm>>) target(%dma_start3A_237 : memref<128x128xf32, #tpu.memory_space<vmem>>) offsets(%dma_start3A_240 : memref<128xi32, #tpu.memory_space<vmem>>) semaphore(%arg13 : memref<!tpu.dma_semaphore, #tpu.memory_space<semaphore_mem>>)
    %dma_start3A_244 = arith.constant 11 : i32
    %dma_start3A_245 = arith.constant 640 : i32
    %dma_start3A_246 = arith.constant 0 : i32
    %dma_start3A_247 = tpu.memref_slice %arg10[%dma_start3A_245, %dma_start3A_246] : memref<768x128xf32, #tpu.memory_space<vmem>> -> memref<128x128xf32, #tpu.memory_space<vmem>>
    %dma_start3A_248 = arith.constant 0 : i32
    %dma_start3A_249 = tpu.memref_slice %arg8[%dma_start3A_244, %dma_start3A_248] : memref<24x128xi32, #tpu.memory_space<vmem>> -> memref<1x128xi32, #tpu.memory_space<vmem>>
    %dma_start3A_250 = tpu.memref_squeeze %dma_start3A_249 : memref<1x128xi32, #tpu.memory_space<vmem>> -> memref<128xi32, #tpu.memory_space<vmem>>
    %dma_start3A_251 = arith.constant 0 : i32
    %dma_start3A_252 = arith.constant 0 : i32
    %dma_start3A_253 = tpu.memref_slice %arg2[%dma_start3A_251, %dma_start3A_252] : memref<1000000x128xf32, #tpu.memory_space<hbm>> -> memref<1000000x128xf32, #tpu.memory_space<hbm>>
    tpu.enqueue_indirect_dma source(%dma_start3A_253 : memref<1000000x128xf32, #tpu.memory_space<hbm>>) target(%dma_start3A_247 : memref<128x128xf32, #tpu.memory_space<vmem>>) offsets(%dma_start3A_250 : memref<128xi32, #tpu.memory_space<vmem>>) semaphore(%arg13 : memref<!tpu.dma_semaphore, #tpu.memory_space<semaphore_mem>>)
    %dma_wait3A_254 = arith.constant 1 : i32
    %dma_wait3A_255 = arith.constant 0 : i32
    %dma_wait3A_256 = tpu.memref_slice %arg7[%dma_wait3A_254, %dma_wait3A_255] : memref<4x128xi32, #tpu.memory_space<vmem>> -> memref<1x128xi32, #tpu.memory_space<vmem>>
    %dma_wait3A_257 = tpu.memref_squeeze %dma_wait3A_256 : memref<1x128xi32, #tpu.memory_space<vmem>> -> memref<128xi32, #tpu.memory_space<vmem>>
    %dma_wait3A_258 = arith.constant 0 : i32
    %dma_wait3A_259 = arith.constant 0 : i32
    %dma_wait3A_260 = tpu.memref_slice %arg2[%dma_wait3A_258, %dma_wait3A_259] : memref<1000000x128xf32, #tpu.memory_space<hbm>> -> memref<1000000x128xf32, #tpu.memory_space<hbm>>
    tpu.wait_indirect_dma semaphore(%arg13 : memref<!tpu.dma_semaphore, #tpu.memory_space<semaphore_mem>>) src(%dma_wait3A_260 : memref<1000000x128xf32, #tpu.memory_space<hbm>>) dst(%arg9 : memref<128x128xf32, #tpu.memory_space<vmem>>)
    %dma_wait3A_261 = arith.constant 6 : i32
    %dma_wait3A_262 = arith.constant 0 : i32
    %dma_wait3A_263 = arith.constant 0 : i32
    %dma_wait3A_264 = tpu.memref_slice %arg10[%dma_wait3A_262, %dma_wait3A_263] : memref<768x128xf32, #tpu.memory_space<vmem>> -> memref<128x128xf32, #tpu.memory_space<vmem>>
    %dma_wait3A_265 = arith.constant 0 : i32
    %dma_wait3A_266 = tpu.memref_slice %arg8[%dma_wait3A_261, %dma_wait3A_265] : memref<24x128xi32, #tpu.memory_space<vmem>> -> memref<1x128xi32, #tpu.memory_space<vmem>>
    %dma_wait3A_267 = tpu.memref_squeeze %dma_wait3A_266 : memref<1x128xi32, #tpu.memory_space<vmem>> -> memref<128xi32, #tpu.memory_space<vmem>>
    %dma_wait3A_268 = arith.constant 0 : i32
    %dma_wait3A_269 = arith.constant 0 : i32
    %dma_wait3A_270 = tpu.memref_slice %arg2[%dma_wait3A_268, %dma_wait3A_269] : memref<1000000x128xf32, #tpu.memory_space<hbm>> -> memref<1000000x128xf32, #tpu.memory_space<hbm>>
    tpu.wait_indirect_dma semaphore(%arg13 : memref<!tpu.dma_semaphore, #tpu.memory_space<semaphore_mem>>) src(%dma_wait3A_270 : memref<1000000x128xf32, #tpu.memory_space<hbm>>) dst(%dma_wait3A_264 : memref<128x128xf32, #tpu.memory_space<vmem>>)
    %dma_wait3A_271 = arith.constant 7 : i32
    %dma_wait3A_272 = arith.constant 128 : i32
    %dma_wait3A_273 = arith.constant 0 : i32
    %dma_wait3A_274 = tpu.memref_slice %arg10[%dma_wait3A_272, %dma_wait3A_273] : memref<768x128xf32, #tpu.memory_space<vmem>> -> memref<128x128xf32, #tpu.memory_space<vmem>>
    %dma_wait3A_275 = arith.constant 0 : i32
    %dma_wait3A_276 = tpu.memref_slice %arg8[%dma_wait3A_271, %dma_wait3A_275] : memref<24x128xi32, #tpu.memory_space<vmem>> -> memref<1x128xi32, #tpu.memory_space<vmem>>
    %dma_wait3A_277 = tpu.memref_squeeze %dma_wait3A_276 : memref<1x128xi32, #tpu.memory_space<vmem>> -> memref<128xi32, #tpu.memory_space<vmem>>
    %dma_wait3A_278 = arith.constant 0 : i32
    %dma_wait3A_279 = arith.constant 0 : i32
    %dma_wait3A_280 = tpu.memref_slice %arg2[%dma_wait3A_278, %dma_wait3A_279] : memref<1000000x128xf32, #tpu.memory_space<hbm>> -> memref<1000000x128xf32, #tpu.memory_space<hbm>>
    tpu.wait_indirect_dma semaphore(%arg13 : memref<!tpu.dma_semaphore, #tpu.memory_space<semaphore_mem>>) src(%dma_wait3A_280 : memref<1000000x128xf32, #tpu.memory_space<hbm>>) dst(%dma_wait3A_274 : memref<128x128xf32, #tpu.memory_space<vmem>>)
    %dma_wait3A_281 = arith.constant 8 : i32
    %dma_wait3A_282 = arith.constant 256 : i32
    %dma_wait3A_283 = arith.constant 0 : i32
    %dma_wait3A_284 = tpu.memref_slice %arg10[%dma_wait3A_282, %dma_wait3A_283] : memref<768x128xf32, #tpu.memory_space<vmem>> -> memref<128x128xf32, #tpu.memory_space<vmem>>
    %dma_wait3A_285 = arith.constant 0 : i32
    %dma_wait3A_286 = tpu.memref_slice %arg8[%dma_wait3A_281, %dma_wait3A_285] : memref<24x128xi32, #tpu.memory_space<vmem>> -> memref<1x128xi32, #tpu.memory_space<vmem>>
    %dma_wait3A_287 = tpu.memref_squeeze %dma_wait3A_286 : memref<1x128xi32, #tpu.memory_space<vmem>> -> memref<128xi32, #tpu.memory_space<vmem>>
    %dma_wait3A_288 = arith.constant 0 : i32
    %dma_wait3A_289 = arith.constant 0 : i32
    %dma_wait3A_290 = tpu.memref_slice %arg2[%dma_wait3A_288, %dma_wait3A_289] : memref<1000000x128xf32, #tpu.memory_space<hbm>> -> memref<1000000x128xf32, #tpu.memory_space<hbm>>
    tpu.wait_indirect_dma semaphore(%arg13 : memref<!tpu.dma_semaphore, #tpu.memory_space<semaphore_mem>>) src(%dma_wait3A_290 : memref<1000000x128xf32, #tpu.memory_space<hbm>>) dst(%dma_wait3A_284 : memref<128x128xf32, #tpu.memory_space<vmem>>)
    %dma_wait3A_291 = arith.constant 9 : i32
    %dma_wait3A_292 = arith.constant 384 : i32
    %dma_wait3A_293 = arith.constant 0 : i32
    %dma_wait3A_294 = tpu.memref_slice %arg10[%dma_wait3A_292, %dma_wait3A_293] : memref<768x128xf32, #tpu.memory_space<vmem>> -> memref<128x128xf32, #tpu.memory_space<vmem>>
    %dma_wait3A_295 = arith.constant 0 : i32
    %dma_wait3A_296 = tpu.memref_slice %arg8[%dma_wait3A_291, %dma_wait3A_295] : memref<24x128xi32, #tpu.memory_space<vmem>> -> memref<1x128xi32, #tpu.memory_space<vmem>>
    %dma_wait3A_297 = tpu.memref_squeeze %dma_wait3A_296 : memref<1x128xi32, #tpu.memory_space<vmem>> -> memref<128xi32, #tpu.memory_space<vmem>>
    %dma_wait3A_298 = arith.constant 0 : i32
    %dma_wait3A_299 = arith.constant 0 : i32
    %dma_wait3A_300 = tpu.memref_slice %arg2[%dma_wait3A_298, %dma_wait3A_299] : memref<1000000x128xf32, #tpu.memory_space<hbm>> -> memref<1000000x128xf32, #tpu.memory_space<hbm>>
    tpu.wait_indirect_dma semaphore(%arg13 : memref<!tpu.dma_semaphore, #tpu.memory_space<semaphore_mem>>) src(%dma_wait3A_300 : memref<1000000x128xf32, #tpu.memory_space<hbm>>) dst(%dma_wait3A_294 : memref<128x128xf32, #tpu.memory_space<vmem>>)
    %dma_wait3A_301 = arith.constant 10 : i32
    %dma_wait3A_302 = arith.constant 512 : i32
    %dma_wait3A_303 = arith.constant 0 : i32
    %dma_wait3A_304 = tpu.memref_slice %arg10[%dma_wait3A_302, %dma_wait3A_303] : memref<768x128xf32, #tpu.memory_space<vmem>> -> memref<128x128xf32, #tpu.memory_space<vmem>>
    %dma_wait3A_305 = arith.constant 0 : i32
    %dma_wait3A_306 = tpu.memref_slice %arg8[%dma_wait3A_301, %dma_wait3A_305] : memref<24x128xi32, #tpu.memory_space<vmem>> -> memref<1x128xi32, #tpu.memory_space<vmem>>
    %dma_wait3A_307 = tpu.memref_squeeze %dma_wait3A_306 : memref<1x128xi32, #tpu.memory_space<vmem>> -> memref<128xi32, #tpu.memory_space<vmem>>
    %dma_wait3A_308 = arith.constant 0 : i32
    %dma_wait3A_309 = arith.constant 0 : i32
    %dma_wait3A_310 = tpu.memref_slice %arg2[%dma_wait3A_308, %dma_wait3A_309] : memref<1000000x128xf32, #tpu.memory_space<hbm>> -> memref<1000000x128xf32, #tpu.memory_space<hbm>>
    tpu.wait_indirect_dma semaphore(%arg13 : memref<!tpu.dma_semaphore, #tpu.memory_space<semaphore_mem>>) src(%dma_wait3A_310 : memref<1000000x128xf32, #tpu.memory_space<hbm>>) dst(%dma_wait3A_304 : memref<128x128xf32, #tpu.memory_space<vmem>>)
    %dma_wait3A_311 = arith.constant 11 : i32
    %dma_wait3A_312 = arith.constant 640 : i32
    %dma_wait3A_313 = arith.constant 0 : i32
    %dma_wait3A_314 = tpu.memref_slice %arg10[%dma_wait3A_312, %dma_wait3A_313] : memref<768x128xf32, #tpu.memory_space<vmem>> -> memref<128x128xf32, #tpu.memory_space<vmem>>
    %dma_wait3A_315 = arith.constant 0 : i32
    %dma_wait3A_316 = tpu.memref_slice %arg8[%dma_wait3A_311, %dma_wait3A_315] : memref<24x128xi32, #tpu.memory_space<vmem>> -> memref<1x128xi32, #tpu.memory_space<vmem>>
    %dma_wait3A_317 = tpu.memref_squeeze %dma_wait3A_316 : memref<1x128xi32, #tpu.memory_space<vmem>> -> memref<128xi32, #tpu.memory_space<vmem>>
    %dma_wait3A_318 = arith.constant 0 : i32
    %dma_wait3A_319 = arith.constant 0 : i32
    %dma_wait3A_320 = tpu.memref_slice %arg2[%dma_wait3A_318, %dma_wait3A_319] : memref<1000000x128xf32, #tpu.memory_space<hbm>> -> memref<1000000x128xf32, #tpu.memory_space<hbm>>
    tpu.wait_indirect_dma semaphore(%arg13 : memref<!tpu.dma_semaphore, #tpu.memory_space<semaphore_mem>>) src(%dma_wait3A_320 : memref<1000000x128xf32, #tpu.memory_space<hbm>>) dst(%dma_wait3A_314 : memref<128x128xf32, #tpu.memory_space<vmem>>)
    %scan3A_321 = arith.constant 0 : i32
    %scan3A_322 = arith.constant 0 : i32
    %scan3A_323 = arith.constant 8 : i32
    %scan3A_324 = arith.addi %scan3A_322, %scan3A_323 : i32
    %scan3A_325 = arith.constant 1 : i32
    scf.for %scan3A_645 = %scan3A_322 to %scan3A_324 step %scan3A_325  : i32 {
      %broadcast_in_dim3A = arith.constant 0.000000e+00 : f32
      %broadcast_in_dim3A_646 = vector.broadcast %broadcast_in_dim3A : f32 to vector<16xf32>
      %scan3A_647 = arith.constant 0 : i32
      %scan3A_648 = arith.constant 16 : i32
      %scan3A_649 = arith.addi %scan3A_647, %scan3A_648 : i32
      %scan3A_650 = arith.constant 1 : i32
      %scan3A_651:6 = scf.for %scan3A_698 = %scan3A_647 to %scan3A_649 step %scan3A_650 iter_args(%scan3A_699 = %broadcast_in_dim3A_646, %scan3A_700 = %broadcast_in_dim3A_646, %scan3A_701 = %broadcast_in_dim3A_646, %scan3A_702 = %broadcast_in_dim3A_646, %scan3A_703 = %broadcast_in_dim3A_646, %scan3A_704 = %broadcast_in_dim3A_646) -> (vector<16xf32>, vector<16xf32>, vector<16xf32>, vector<16xf32>, vector<16xf32>, vector<16xf32>)  : i32 {
        %mul3A_705 = arith.constant 16 : i32
        %mul3A_706 = arith.muli %scan3A_645, %mul3A_705 : i32
        %add3A_707 = arith.addi %mul3A_706, %scan3A_698 : i32
        %get3A = arith.index_cast %add3A_707 : i32 to index
        %get3A_708 = arith.constant 0 : index
        %get3A_709 = tpu.vector_load %arg9[%get3A, %get3A_708] {strides = array<i32>} : memref<128x128xf32, #tpu.memory_space<vmem>>, vector<1x16xf32>,
        %get3A_710 = vector.shape_cast %get3A_709 : vector<1x16xf32> to vector<16xf32>
        %get3A_711 = arith.index_cast %add3A_707 : i32 to index
        %get3A_712 = arith.constant 16 : index
        %get3A_713 = tpu.vector_load %arg9[%get3A_711, %get3A_712] {strides = array<i32>} : memref<128x128xf32, #tpu.memory_space<vmem>>, vector<1x16xf32>,
        %get3A_714 = vector.shape_cast %get3A_713 : vector<1x16xf32> to vector<16xf32>
        %get3A_715 = arith.index_cast %add3A_707 : i32 to index
        %get3A_716 = arith.constant 32 : index
        %get3A_717 = tpu.vector_load %arg9[%get3A_715, %get3A_716] {strides = array<i32>} : memref<128x128xf32, #tpu.memory_space<vmem>>, vector<1x16xf32>,
        %get3A_718 = vector.shape_cast %get3A_717 : vector<1x16xf32> to vector<16xf32>
        %get3A_719 = arith.index_cast %add3A_707 : i32 to index
        %get3A_720 = arith.constant 48 : index
        %get3A_721 = tpu.vector_load %arg9[%get3A_719, %get3A_720] {strides = array<i32>} : memref<128x128xf32, #tpu.memory_space<vmem>>, vector<1x16xf32>,
        %get3A_722 = vector.shape_cast %get3A_721 : vector<1x16xf32> to vector<16xf32>
        %broadcast_in_dim3A_723 = arith.constant 0.000000e+00 : f32
        %broadcast_in_dim3A_724 = vector.broadcast %broadcast_in_dim3A_723 : f32 to vector<16xf32>
        %mul3A_725 = arith.constant 6 : i32
        %mul3A_726 = arith.muli %add3A_707, %mul3A_725 : i32
        %add3A_727 = arith.constant 0 : i32
        %add3A_728 = arith.addi %mul3A_726, %add3A_727 : i32
        %get3A_729 = arith.index_cast %add3A_728 : i32 to index
        %get3A_730 = arith.constant 64 : index
        %get3A_731 = tpu.vector_load %arg10[%get3A_729, %get3A_730] {strides = array<i32>} : memref<768x128xf32, #tpu.memory_space<vmem>>, vector<1x16xf32>,
        %get3A_732 = vector.shape_cast %get3A_731 : vector<1x16xf32> to vector<16xf32>
        %mul3A_733 = arith.mulf %get3A_710, %get3A_732 : vector<16xf32>
        %add3A_734 = arith.addf %broadcast_in_dim3A_724, %mul3A_733 : vector<16xf32>
        %mul3A_735 = arith.constant 6 : i32
        %mul3A_736 = arith.muli %add3A_707, %mul3A_735 : i32
        %add3A_737 = arith.constant 0 : i32
        %add3A_738 = arith.addi %mul3A_736, %add3A_737 : i32
        %get3A_739 = arith.index_cast %add3A_738 : i32 to index
        %get3A_740 = arith.constant 80 : index
        %get3A_741 = tpu.vector_load %arg10[%get3A_739, %get3A_740] {strides = array<i32>} : memref<768x128xf32, #tpu.memory_space<vmem>>, vector<1x16xf32>,
        %get3A_742 = vector.shape_cast %get3A_741 : vector<1x16xf32> to vector<16xf32>
        %mul3A_743 = arith.mulf %get3A_714, %get3A_742 : vector<16xf32>
        %add3A_744 = arith.addf %add3A_734, %mul3A_743 : vector<16xf32>
        %mul3A_745 = arith.constant 6 : i32
        %mul3A_746 = arith.muli %add3A_707, %mul3A_745 : i32
        %add3A_747 = arith.constant 0 : i32
        %add3A_748 = arith.addi %mul3A_746, %add3A_747 : i32
        %get3A_749 = arith.index_cast %add3A_748 : i32 to index
        %get3A_750 = arith.constant 96 : index
        %get3A_751 = tpu.vector_load %arg10[%get3A_749, %get3A_750] {strides = array<i32>} : memref<768x128xf32, #tpu.memory_space<vmem>>, vector<1x16xf32>,
        %get3A_752 = vector.shape_cast %get3A_751 : vector<1x16xf32> to vector<16xf32>
        %mul3A_753 = arith.mulf %get3A_718, %get3A_752 : vector<16xf32>
        %add3A_754 = arith.addf %add3A_744, %mul3A_753 : vector<16xf32>
        %mul3A_755 = arith.constant 6 : i32
        %mul3A_756 = arith.muli %add3A_707, %mul3A_755 : i32
        %add3A_757 = arith.constant 0 : i32
        %add3A_758 = arith.addi %mul3A_756, %add3A_757 : i32
        %get3A_759 = arith.index_cast %add3A_758 : i32 to index
        %get3A_760 = arith.constant 112 : index
        %get3A_761 = tpu.vector_load %arg10[%get3A_759, %get3A_760] {strides = array<i32>} : memref<768x128xf32, #tpu.memory_space<vmem>>, vector<1x16xf32>,
        %get3A_762 = vector.shape_cast %get3A_761 : vector<1x16xf32> to vector<16xf32>
        %mul3A_763 = arith.mulf %get3A_722, %get3A_762 : vector<16xf32>
        %add3A_764 = arith.addf %add3A_754, %mul3A_763 : vector<16xf32>
        %xor3A = arith.constant 8 : i32
        %xor3A_765 = vector.broadcast %xor3A : i32 to vector<16xi32>
        %xor3A_766 = arith.xori %iota3A, %xor3A_765 : vector<16xi32>
        %broadcast_in_dim3A_767 = vector.shape_cast %xor3A_766 : vector<16xi32> to vector<16x1xi32>
        %gather3A = vector.shape_cast %broadcast_in_dim3A_767 : vector<16x1xi32> to vector<16xi32>
        %gather3A_768 = tpu.dynamic_gather %add3A_764[%gather3A] in [0] : vector<16xf32>, vector<16xi32> -> vector<16xf32>
        %add3A_769 = arith.addf %add3A_764, %gather3A_768 : vector<16xf32>
        %xor3A_770 = arith.constant 4 : i32
        %xor3A_771 = vector.broadcast %xor3A_770 : i32 to vector<16xi32>
        %xor3A_772 = arith.xori %iota3A, %xor3A_771 : vector<16xi32>
        %broadcast_in_dim3A_773 = vector.shape_cast %xor3A_772 : vector<16xi32> to vector<16x1xi32>
        %gather3A_774 = vector.shape_cast %broadcast_in_dim3A_773 : vector<16x1xi32> to vector<16xi32>
        %gather3A_775 = tpu.dynamic_gather %add3A_769[%gather3A_774] in [0] : vector<16xf32>, vector<16xi32> -> vector<16xf32>
        %add3A_776 = arith.addf %add3A_769, %gather3A_775 : vector<16xf32>
        %xor3A_777 = arith.constant 2 : i32
        %xor3A_778 = vector.broadcast %xor3A_777 : i32 to vector<16xi32>
        %xor3A_779 = arith.xori %iota3A, %xor3A_778 : vector<16xi32>
        %broadcast_in_dim3A_780 = vector.shape_cast %xor3A_779 : vector<16xi32> to vector<16x1xi32>
        %gather3A_781 = vector.shape_cast %broadcast_in_dim3A_780 : vector<16x1xi32> to vector<16xi32>
        %gather3A_782 = tpu.dynamic_gather %add3A_776[%gather3A_781] in [0] : vector<16xf32>, vector<16xi32> -> vector<16xf32>
        %add3A_783 = arith.addf %add3A_776, %gather3A_782 : vector<16xf32>
        %xor3A_784 = arith.constant 1 : i32
        %xor3A_785 = vector.broadcast %xor3A_784 : i32 to vector<16xi32>
        %xor3A_786 = arith.xori %iota3A, %xor3A_785 : vector<16xi32>
        %broadcast_in_dim3A_787 = vector.shape_cast %xor3A_786 : vector<16xi32> to vector<16x1xi32>
        %gather3A_788 = vector.shape_cast %broadcast_in_dim3A_787 : vector<16x1xi32> to vector<16xi32>
        %gather3A_789 = tpu.dynamic_gather %add3A_783[%gather3A_788] in [0] : vector<16xf32>, vector<16xi32> -> vector<16xf32>
        %add3A_790 = arith.addf %add3A_783, %gather3A_789 : vector<16xf32>
        %eq3A = vector.broadcast %scan3A_698 : i32 to vector<16xi32>
        %eq3A_791 = arith.cmpi eq, %iota3A, %eq3A : vector<16xi32>
        %select_n3A = arith.select %eq3A_791, %add3A_790, %scan3A_699 : vector<16xi1>, vector<16xf32>
        %broadcast_in_dim3A_792 = arith.constant 0.000000e+00 : f32
        %broadcast_in_dim3A_793 = vector.broadcast %broadcast_in_dim3A_792 : f32 to vector<16xf32>
        %mul3A_794 = arith.constant 6 : i32
        %mul3A_795 = arith.muli %add3A_707, %mul3A_794 : i32
        %add3A_796 = arith.constant 1 : i32
        %add3A_797 = arith.addi %mul3A_795, %add3A_796 : i32
        %get3A_798 = arith.index_cast %add3A_797 : i32 to index
        %get3A_799 = arith.constant 64 : index
        %get3A_800 = tpu.vector_load %arg10[%get3A_798, %get3A_799] {strides = array<i32>} : memref<768x128xf32, #tpu.memory_space<vmem>>, vector<1x16xf32>,
        %get3A_801 = vector.shape_cast %get3A_800 : vector<1x16xf32> to vector<16xf32>
        %mul3A_802 = arith.mulf %get3A_710, %get3A_801 : vector<16xf32>
        %add3A_803 = arith.addf %broadcast_in_dim3A_793, %mul3A_802 : vector<16xf32>
        %mul3A_804 = arith.constant 6 : i32
        %mul3A_805 = arith.muli %add3A_707, %mul3A_804 : i32
        %add3A_806 = arith.constant 1 : i32
        %add3A_807 = arith.addi %mul3A_805, %add3A_806 : i32
        %get3A_808 = arith.index_cast %add3A_807 : i32 to index
        %get3A_809 = arith.constant 80 : index
        %get3A_810 = tpu.vector_load %arg10[%get3A_808, %get3A_809] {strides = array<i32>} : memref<768x128xf32, #tpu.memory_space<vmem>>, vector<1x16xf32>,
        %get3A_811 = vector.shape_cast %get3A_810 : vector<1x16xf32> to vector<16xf32>
        %mul3A_812 = arith.mulf %get3A_714, %get3A_811 : vector<16xf32>
        %add3A_813 = arith.addf %add3A_803, %mul3A_812 : vector<16xf32>
        %mul3A_814 = arith.constant 6 : i32
        %mul3A_815 = arith.muli %add3A_707, %mul3A_814 : i32
        %add3A_816 = arith.constant 1 : i32
        %add3A_817 = arith.addi %mul3A_815, %add3A_816 : i32
        %get3A_818 = arith.index_cast %add3A_817 : i32 to index
        %get3A_819 = arith.constant 96 : index
        %get3A_820 = tpu.vector_load %arg10[%get3A_818, %get3A_819] {strides = array<i32>} : memref<768x128xf32, #tpu.memory_space<vmem>>, vector<1x16xf32>,
        %get3A_821 = vector.shape_cast %get3A_820 : vector<1x16xf32> to vector<16xf32>
        %mul3A_822 = arith.mulf %get3A_718, %get3A_821 : vector<16xf32>
        %add3A_823 = arith.addf %add3A_813, %mul3A_822 : vector<16xf32>
        %mul3A_824 = arith.constant 6 : i32
        %mul3A_825 = arith.muli %add3A_707, %mul3A_824 : i32
        %add3A_826 = arith.constant 1 : i32
        %add3A_827 = arith.addi %mul3A_825, %add3A_826 : i32
        %get3A_828 = arith.index_cast %add3A_827 : i32 to index
        %get3A_829 = arith.constant 112 : index
        %get3A_830 = tpu.vector_load %arg10[%get3A_828, %get3A_829] {strides = array<i32>} : memref<768x128xf32, #tpu.memory_space<vmem>>, vector<1x16xf32>,
        %get3A_831 = vector.shape_cast %get3A_830 : vector<1x16xf32> to vector<16xf32>
        %mul3A_832 = arith.mulf %get3A_722, %get3A_831 : vector<16xf32>
        %add3A_833 = arith.addf %add3A_823, %mul3A_832 : vector<16xf32>
        %xor3A_834 = arith.constant 8 : i32
        %xor3A_835 = vector.broadcast %xor3A_834 : i32 to vector<16xi32>
        %xor3A_836 = arith.xori %iota3A, %xor3A_835 : vector<16xi32>
        %broadcast_in_dim3A_837 = vector.shape_cast %xor3A_836 : vector<16xi32> to vector<16x1xi32>
        %gather3A_838 = vector.shape_cast %broadcast_in_dim3A_837 : vector<16x1xi32> to vector<16xi32>
        %gather3A_839 = tpu.dynamic_gather %add3A_833[%gather3A_838] in [0] : vector<16xf32>, vector<16xi32> -> vector<16xf32>
        %add3A_840 = arith.addf %add3A_833, %gather3A_839 : vector<16xf32>
        %xor3A_841 = arith.constant 4 : i32
        %xor3A_842 = vector.broadcast %xor3A_841 : i32 to vector<16xi32>
        %xor3A_843 = arith.xori %iota3A, %xor3A_842 : vector<16xi32>
        %broadcast_in_dim3A_844 = vector.shape_cast %xor3A_843 : vector<16xi32> to vector<16x1xi32>
        %gather3A_845 = vector.shape_cast %broadcast_in_dim3A_844 : vector<16x1xi32> to vector<16xi32>
        %gather3A_846 = tpu.dynamic_gather %add3A_840[%gather3A_845] in [0] : vector<16xf32>, vector<16xi32> -> vector<16xf32>
        %add3A_847 = arith.addf %add3A_840, %gather3A_846 : vector<16xf32>
        %xor3A_848 = arith.constant 2 : i32
        %xor3A_849 = vector.broadcast %xor3A_848 : i32 to vector<16xi32>
        %xor3A_850 = arith.xori %iota3A, %xor3A_849 : vector<16xi32>
        %broadcast_in_dim3A_851 = vector.shape_cast %xor3A_850 : vector<16xi32> to vector<16x1xi32>
        %gather3A_852 = vector.shape_cast %broadcast_in_dim3A_851 : vector<16x1xi32> to vector<16xi32>
        %gather3A_853 = tpu.dynamic_gather %add3A_847[%gather3A_852] in [0] : vector<16xf32>, vector<16xi32> -> vector<16xf32>
        %add3A_854 = arith.addf %add3A_847, %gather3A_853 : vector<16xf32>
        %xor3A_855 = arith.constant 1 : i32
        %xor3A_856 = vector.broadcast %xor3A_855 : i32 to vector<16xi32>
        %xor3A_857 = arith.xori %iota3A, %xor3A_856 : vector<16xi32>
        %broadcast_in_dim3A_858 = vector.shape_cast %xor3A_857 : vector<16xi32> to vector<16x1xi32>
        %gather3A_859 = vector.shape_cast %broadcast_in_dim3A_858 : vector<16x1xi32> to vector<16xi32>
        %gather3A_860 = tpu.dynamic_gather %add3A_854[%gather3A_859] in [0] : vector<16xf32>, vector<16xi32> -> vector<16xf32>
        %add3A_861 = arith.addf %add3A_854, %gather3A_860 : vector<16xf32>
        %eq3A_862 = vector.broadcast %scan3A_698 : i32 to vector<16xi32>
        %eq3A_863 = arith.cmpi eq, %iota3A, %eq3A_862 : vector<16xi32>
        %select_n3A_864 = arith.select %eq3A_863, %add3A_861, %scan3A_700 : vector<16xi1>, vector<16xf32>
        %broadcast_in_dim3A_865 = arith.constant 0.000000e+00 : f32
        %broadcast_in_dim3A_866 = vector.broadcast %broadcast_in_dim3A_865 : f32 to vector<16xf32>
        %mul3A_867 = arith.constant 6 : i32
        %mul3A_868 = arith.muli %add3A_707, %mul3A_867 : i32
        %add3A_869 = arith.constant 2 : i32
        %add3A_870 = arith.addi %mul3A_868, %add3A_869 : i32
        %get3A_871 = arith.index_cast %add3A_870 : i32 to index
        %get3A_872 = arith.constant 64 : index
        %get3A_873 = tpu.vector_load %arg10[%get3A_871, %get3A_872] {strides = array<i32>} : memref<768x128xf32, #tpu.memory_space<vmem>>, vector<1x16xf32>,
        %get3A_874 = vector.shape_cast %get3A_873 : vector<1x16xf32> to vector<16xf32>
        %mul3A_875 = arith.mulf %get3A_710, %get3A_874 : vector<16xf32>
        %add3A_876 = arith.addf %broadcast_in_dim3A_866, %mul3A_875 : vector<16xf32>
        %mul3A_877 = arith.constant 6 : i32
        %mul3A_878 = arith.muli %add3A_707, %mul3A_877 : i32
        %add3A_879 = arith.constant 2 : i32
        %add3A_880 = arith.addi %mul3A_878, %add3A_879 : i32
        %get3A_881 = arith.index_cast %add3A_880 : i32 to index
        %get3A_882 = arith.constant 80 : index
        %get3A_883 = tpu.vector_load %arg10[%get3A_881, %get3A_882] {strides = array<i32>} : memref<768x128xf32, #tpu.memory_space<vmem>>, vector<1x16xf32>,
        %get3A_884 = vector.shape_cast %get3A_883 : vector<1x16xf32> to vector<16xf32>
        %mul3A_885 = arith.mulf %get3A_714, %get3A_884 : vector<16xf32>
        %add3A_886 = arith.addf %add3A_876, %mul3A_885 : vector<16xf32>
        %mul3A_887 = arith.constant 6 : i32
        %mul3A_888 = arith.muli %add3A_707, %mul3A_887 : i32
        %add3A_889 = arith.constant 2 : i32
        %add3A_890 = arith.addi %mul3A_888, %add3A_889 : i32
        %get3A_891 = arith.index_cast %add3A_890 : i32 to index
        %get3A_892 = arith.constant 96 : index
        %get3A_893 = tpu.vector_load %arg10[%get3A_891, %get3A_892] {strides = array<i32>} : memref<768x128xf32, #tpu.memory_space<vmem>>, vector<1x16xf32>,
        %get3A_894 = vector.shape_cast %get3A_893 : vector<1x16xf32> to vector<16xf32>
        %mul3A_895 = arith.mulf %get3A_718, %get3A_894 : vector<16xf32>
        %add3A_896 = arith.addf %add3A_886, %mul3A_895 : vector<16xf32>
        %mul3A_897 = arith.constant 6 : i32
        %mul3A_898 = arith.muli %add3A_707, %mul3A_897 : i32
        %add3A_899 = arith.constant 2 : i32
        %add3A_900 = arith.addi %mul3A_898, %add3A_899 : i32
        %get3A_901 = arith.index_cast %add3A_900 : i32 to index
        %get3A_902 = arith.constant 112 : index
        %get3A_903 = tpu.vector_load %arg10[%get3A_901, %get3A_902] {strides = array<i32>} : memref<768x128xf32, #tpu.memory_space<vmem>>, vector<1x16xf32>,
        %get3A_904 = vector.shape_cast %get3A_903 : vector<1x16xf32> to vector<16xf32>
        %mul3A_905 = arith.mulf %get3A_722, %get3A_904 : vector<16xf32>
        %add3A_906 = arith.addf %add3A_896, %mul3A_905 : vector<16xf32>
        %xor3A_907 = arith.constant 8 : i32
        %xor3A_908 = vector.broadcast %xor3A_907 : i32 to vector<16xi32>
        %xor3A_909 = arith.xori %iota3A, %xor3A_908 : vector<16xi32>
        %broadcast_in_dim3A_910 = vector.shape_cast %xor3A_909 : vector<16xi32> to vector<16x1xi32>
        %gather3A_911 = vector.shape_cast %broadcast_in_dim3A_910 : vector<16x1xi32> to vector<16xi32>
        %gather3A_912 = tpu.dynamic_gather %add3A_906[%gather3A_911] in [0] : vector<16xf32>, vector<16xi32> -> vector<16xf32>
        %add3A_913 = arith.addf %add3A_906, %gather3A_912 : vector<16xf32>
        %xor3A_914 = arith.constant 4 : i32
        %xor3A_915 = vector.broadcast %xor3A_914 : i32 to vector<16xi32>
        %xor3A_916 = arith.xori %iota3A, %xor3A_915 : vector<16xi32>
        %broadcast_in_dim3A_917 = vector.shape_cast %xor3A_916 : vector<16xi32> to vector<16x1xi32>
        %gather3A_918 = vector.shape_cast %broadcast_in_dim3A_917 : vector<16x1xi32> to vector<16xi32>
        %gather3A_919 = tpu.dynamic_gather %add3A_913[%gather3A_918] in [0] : vector<16xf32>, vector<16xi32> -> vector<16xf32>
        %add3A_920 = arith.addf %add3A_913, %gather3A_919 : vector<16xf32>
        %xor3A_921 = arith.constant 2 : i32
        %xor3A_922 = vector.broadcast %xor3A_921 : i32 to vector<16xi32>
        %xor3A_923 = arith.xori %iota3A, %xor3A_922 : vector<16xi32>
        %broadcast_in_dim3A_924 = vector.shape_cast %xor3A_923 : vector<16xi32> to vector<16x1xi32>
        %gather3A_925 = vector.shape_cast %broadcast_in_dim3A_924 : vector<16x1xi32> to vector<16xi32>
        %gather3A_926 = tpu.dynamic_gather %add3A_920[%gather3A_925] in [0] : vector<16xf32>, vector<16xi32> -> vector<16xf32>
        %add3A_927 = arith.addf %add3A_920, %gather3A_926 : vector<16xf32>
        %xor3A_928 = arith.constant 1 : i32
        %xor3A_929 = vector.broadcast %xor3A_928 : i32 to vector<16xi32>
        %xor3A_930 = arith.xori %iota3A, %xor3A_929 : vector<16xi32>
        %broadcast_in_dim3A_931 = vector.shape_cast %xor3A_930 : vector<16xi32> to vector<16x1xi32>
        %gather3A_932 = vector.shape_cast %broadcast_in_dim3A_931 : vector<16x1xi32> to vector<16xi32>
        %gather3A_933 = tpu.dynamic_gather %add3A_927[%gather3A_932] in [0] : vector<16xf32>, vector<16xi32> -> vector<16xf32>
        %add3A_934 = arith.addf %add3A_927, %gather3A_933 : vector<16xf32>
        %eq3A_935 = vector.broadcast %scan3A_698 : i32 to vector<16xi32>
        %eq3A_936 = arith.cmpi eq, %iota3A, %eq3A_935 : vector<16xi32>
        %select_n3A_937 = arith.select %eq3A_936, %add3A_934, %scan3A_701 : vector<16xi1>, vector<16xf32>
        %broadcast_in_dim3A_938 = arith.constant 0.000000e+00 : f32
        %broadcast_in_dim3A_939 = vector.broadcast %broadcast_in_dim3A_938 : f32 to vector<16xf32>
        %mul3A_940 = arith.constant 6 : i32
        %mul3A_941 = arith.muli %add3A_707, %mul3A_940 : i32
        %add3A_942 = arith.constant 3 : i32
        %add3A_943 = arith.addi %mul3A_941, %add3A_942 : i32
        %get3A_944 = arith.index_cast %add3A_943 : i32 to index
        %get3A_945 = arith.constant 64 : index
        %get3A_946 = tpu.vector_load %arg10[%get3A_944, %get3A_945] {strides = array<i32>} : memref<768x128xf32, #tpu.memory_space<vmem>>, vector<1x16xf32>,
        %get3A_947 = vector.shape_cast %get3A_946 : vector<1x16xf32> to vector<16xf32>
        %mul3A_948 = arith.mulf %get3A_710, %get3A_947 : vector<16xf32>
        %add3A_949 = arith.addf %broadcast_in_dim3A_939, %mul3A_948 : vector<16xf32>
        %mul3A_950 = arith.constant 6 : i32
        %mul3A_951 = arith.muli %add3A_707, %mul3A_950 : i32
        %add3A_952 = arith.constant 3 : i32
        %add3A_953 = arith.addi %mul3A_951, %add3A_952 : i32
        %get3A_954 = arith.index_cast %add3A_953 : i32 to index
        %get3A_955 = arith.constant 80 : index
        %get3A_956 = tpu.vector_load %arg10[%get3A_954, %get3A_955] {strides = array<i32>} : memref<768x128xf32, #tpu.memory_space<vmem>>, vector<1x16xf32>,
        %get3A_957 = vector.shape_cast %get3A_956 : vector<1x16xf32> to vector<16xf32>
        %mul3A_958 = arith.mulf %get3A_714, %get3A_957 : vector<16xf32>
        %add3A_959 = arith.addf %add3A_949, %mul3A_958 : vector<16xf32>
        %mul3A_960 = arith.constant 6 : i32
        %mul3A_961 = arith.muli %add3A_707, %mul3A_960 : i32
        %add3A_962 = arith.constant 3 : i32
        %add3A_963 = arith.addi %mul3A_961, %add3A_962 : i32
        %get3A_964 = arith.index_cast %add3A_963 : i32 to index
        %get3A_965 = arith.constant 96 : index
        %get3A_966 = tpu.vector_load %arg10[%get3A_964, %get3A_965] {strides = array<i32>} : memref<768x128xf32, #tpu.memory_space<vmem>>, vector<1x16xf32>,
        %get3A_967 = vector.shape_cast %get3A_966 : vector<1x16xf32> to vector<16xf32>
        %mul3A_968 = arith.mulf %get3A_718, %get3A_967 : vector<16xf32>
        %add3A_969 = arith.addf %add3A_959, %mul3A_968 : vector<16xf32>
        %mul3A_970 = arith.constant 6 : i32
        %mul3A_971 = arith.muli %add3A_707, %mul3A_970 : i32
        %add3A_972 = arith.constant 3 : i32
        %add3A_973 = arith.addi %mul3A_971, %add3A_972 : i32
        %get3A_974 = arith.index_cast %add3A_973 : i32 to index
        %get3A_975 = arith.constant 112 : index
        %get3A_976 = tpu.vector_load %arg10[%get3A_974, %get3A_975] {strides = array<i32>} : memref<768x128xf32, #tpu.memory_space<vmem>>, vector<1x16xf32>,
        %get3A_977 = vector.shape_cast %get3A_976 : vector<1x16xf32> to vector<16xf32>
        %mul3A_978 = arith.mulf %get3A_722, %get3A_977 : vector<16xf32>
        %add3A_979 = arith.addf %add3A_969, %mul3A_978 : vector<16xf32>
        %xor3A_980 = arith.constant 8 : i32
        %xor3A_981 = vector.broadcast %xor3A_980 : i32 to vector<16xi32>
        %xor3A_982 = arith.xori %iota3A, %xor3A_981 : vector<16xi32>
        %broadcast_in_dim3A_983 = vector.shape_cast %xor3A_982 : vector<16xi32> to vector<16x1xi32>
        %gather3A_984 = vector.shape_cast %broadcast_in_dim3A_983 : vector<16x1xi32> to vector<16xi32>
        %gather3A_985 = tpu.dynamic_gather %add3A_979[%gather3A_984] in [0] : vector<16xf32>, vector<16xi32> -> vector<16xf32>
        %add3A_986 = arith.addf %add3A_979, %gather3A_985 : vector<16xf32>
        %xor3A_987 = arith.constant 4 : i32
        %xor3A_988 = vector.broadcast %xor3A_987 : i32 to vector<16xi32>
        %xor3A_989 = arith.xori %iota3A, %xor3A_988 : vector<16xi32>
        %broadcast_in_dim3A_990 = vector.shape_cast %xor3A_989 : vector<16xi32> to vector<16x1xi32>
        %gather3A_991 = vector.shape_cast %broadcast_in_dim3A_990 : vector<16x1xi32> to vector<16xi32>
        %gather3A_992 = tpu.dynamic_gather %add3A_986[%gather3A_991] in [0] : vector<16xf32>, vector<16xi32> -> vector<16xf32>
        %add3A_993 = arith.addf %add3A_986, %gather3A_992 : vector<16xf32>
        %xor3A_994 = arith.constant 2 : i32
        %xor3A_995 = vector.broadcast %xor3A_994 : i32 to vector<16xi32>
        %xor3A_996 = arith.xori %iota3A, %xor3A_995 : vector<16xi32>
        %broadcast_in_dim3A_997 = vector.shape_cast %xor3A_996 : vector<16xi32> to vector<16x1xi32>
        %gather3A_998 = vector.shape_cast %broadcast_in_dim3A_997 : vector<16x1xi32> to vector<16xi32>
        %gather3A_999 = tpu.dynamic_gather %add3A_993[%gather3A_998] in [0] : vector<16xf32>, vector<16xi32> -> vector<16xf32>
        %add3A_1000 = arith.addf %add3A_993, %gather3A_999 : vector<16xf32>
        %xor3A_1001 = arith.constant 1 : i32
        %xor3A_1002 = vector.broadcast %xor3A_1001 : i32 to vector<16xi32>
        %xor3A_1003 = arith.xori %iota3A, %xor3A_1002 : vector<16xi32>
        %broadcast_in_dim3A_1004 = vector.shape_cast %xor3A_1003 : vector<16xi32> to vector<16x1xi32>
        %gather3A_1005 = vector.shape_cast %broadcast_in_dim3A_1004 : vector<16x1xi32> to vector<16xi32>
        %gather3A_1006 = tpu.dynamic_gather %add3A_1000[%gather3A_1005] in [0] : vector<16xf32>, vector<16xi32> -> vector<16xf32>
        %add3A_1007 = arith.addf %add3A_1000, %gather3A_1006 : vector<16xf32>
        %eq3A_1008 = vector.broadcast %scan3A_698 : i32 to vector<16xi32>
        %eq3A_1009 = arith.cmpi eq, %iota3A, %eq3A_1008 : vector<16xi32>
        %select_n3A_1010 = arith.select %eq3A_1009, %add3A_1007, %scan3A_702 : vector<16xi1>, vector<16xf32>
        %broadcast_in_dim3A_1011 = arith.constant 0.000000e+00 : f32
        %broadcast_in_dim3A_1012 = vector.broadcast %broadcast_in_dim3A_1011 : f32 to vector<16xf32>
        %mul3A_1013 = arith.constant 6 : i32
        %mul3A_1014 = arith.muli %add3A_707, %mul3A_1013 : i32
        %add3A_1015 = arith.constant 4 : i32
        %add3A_1016 = arith.addi %mul3A_1014, %add3A_1015 : i32
        %get3A_1017 = arith.index_cast %add3A_1016 : i32 to index
        %get3A_1018 = arith.constant 64 : index
        %get3A_1019 = tpu.vector_load %arg10[%get3A_1017, %get3A_1018] {strides = array<i32>} : memref<768x128xf32, #tpu.memory_space<vmem>>, vector<1x16xf32>,
        %get3A_1020 = vector.shape_cast %get3A_1019 : vector<1x16xf32> to vector<16xf32>
        %mul3A_1021 = arith.mulf %get3A_710, %get3A_1020 : vector<16xf32>
        %add3A_1022 = arith.addf %broadcast_in_dim3A_1012, %mul3A_1021 : vector<16xf32>
        %mul3A_1023 = arith.constant 6 : i32
        %mul3A_1024 = arith.muli %add3A_707, %mul3A_1023 : i32
        %add3A_1025 = arith.constant 4 : i32
        %add3A_1026 = arith.addi %mul3A_1024, %add3A_1025 : i32
        %get3A_1027 = arith.index_cast %add3A_1026 : i32 to index
        %get3A_1028 = arith.constant 80 : index
        %get3A_1029 = tpu.vector_load %arg10[%get3A_1027, %get3A_1028] {strides = array<i32>} : memref<768x128xf32, #tpu.memory_space<vmem>>, vector<1x16xf32>,
        %get3A_1030 = vector.shape_cast %get3A_1029 : vector<1x16xf32> to vector<16xf32>
        %mul3A_1031 = arith.mulf %get3A_714, %get3A_1030 : vector<16xf32>
        %add3A_1032 = arith.addf %add3A_1022, %mul3A_1031 : vector<16xf32>
        %mul3A_1033 = arith.constant 6 : i32
        %mul3A_1034 = arith.muli %add3A_707, %mul3A_1033 : i32
        %add3A_1035 = arith.constant 4 : i32
        %add3A_1036 = arith.addi %mul3A_1034, %add3A_1035 : i32
        %get3A_1037 = arith.index_cast %add3A_1036 : i32 to index
        %get3A_1038 = arith.constant 96 : index
        %get3A_1039 = tpu.vector_load %arg10[%get3A_1037, %get3A_1038] {strides = array<i32>} : memref<768x128xf32, #tpu.memory_space<vmem>>, vector<1x16xf32>,
        %get3A_1040 = vector.shape_cast %get3A_1039 : vector<1x16xf32> to vector<16xf32>
        %mul3A_1041 = arith.mulf %get3A_718, %get3A_1040 : vector<16xf32>
        %add3A_1042 = arith.addf %add3A_1032, %mul3A_1041 : vector<16xf32>
        %mul3A_1043 = arith.constant 6 : i32
        %mul3A_1044 = arith.muli %add3A_707, %mul3A_1043 : i32
        %add3A_1045 = arith.constant 4 : i32
        %add3A_1046 = arith.addi %mul3A_1044, %add3A_1045 : i32
        %get3A_1047 = arith.index_cast %add3A_1046 : i32 to index
        %get3A_1048 = arith.constant 112 : index
        %get3A_1049 = tpu.vector_load %arg10[%get3A_1047, %get3A_1048] {strides = array<i32>} : memref<768x128xf32, #tpu.memory_space<vmem>>, vector<1x16xf32>,
        %get3A_1050 = vector.shape_cast %get3A_1049 : vector<1x16xf32> to vector<16xf32>
        %mul3A_1051 = arith.mulf %get3A_722, %get3A_1050 : vector<16xf32>
        %add3A_1052 = arith.addf %add3A_1042, %mul3A_1051 : vector<16xf32>
        %xor3A_1053 = arith.constant 8 : i32
        %xor3A_1054 = vector.broadcast %xor3A_1053 : i32 to vector<16xi32>
        %xor3A_1055 = arith.xori %iota3A, %xor3A_1054 : vector<16xi32>
        %broadcast_in_dim3A_1056 = vector.shape_cast %xor3A_1055 : vector<16xi32> to vector<16x1xi32>
        %gather3A_1057 = vector.shape_cast %broadcast_in_dim3A_1056 : vector<16x1xi32> to vector<16xi32>
        %gather3A_1058 = tpu.dynamic_gather %add3A_1052[%gather3A_1057] in [0] : vector<16xf32>, vector<16xi32> -> vector<16xf32>
        %add3A_1059 = arith.addf %add3A_1052, %gather3A_1058 : vector<16xf32>
        %xor3A_1060 = arith.constant 4 : i32
        %xor3A_1061 = vector.broadcast %xor3A_1060 : i32 to vector<16xi32>
        %xor3A_1062 = arith.xori %iota3A, %xor3A_1061 : vector<16xi32>
        %broadcast_in_dim3A_1063 = vector.shape_cast %xor3A_1062 : vector<16xi32> to vector<16x1xi32>
        %gather3A_1064 = vector.shape_cast %broadcast_in_dim3A_1063 : vector<16x1xi32> to vector<16xi32>
        %gather3A_1065 = tpu.dynamic_gather %add3A_1059[%gather3A_1064] in [0] : vector<16xf32>, vector<16xi32> -> vector<16xf32>
        %add3A_1066 = arith.addf %add3A_1059, %gather3A_1065 : vector<16xf32>
        %xor3A_1067 = arith.constant 2 : i32
        %xor3A_1068 = vector.broadcast %xor3A_1067 : i32 to vector<16xi32>
        %xor3A_1069 = arith.xori %iota3A, %xor3A_1068 : vector<16xi32>
        %broadcast_in_dim3A_1070 = vector.shape_cast %xor3A_1069 : vector<16xi32> to vector<16x1xi32>
        %gather3A_1071 = vector.shape_cast %broadcast_in_dim3A_1070 : vector<16x1xi32> to vector<16xi32>
        %gather3A_1072 = tpu.dynamic_gather %add3A_1066[%gather3A_1071] in [0] : vector<16xf32>, vector<16xi32> -> vector<16xf32>
        %add3A_1073 = arith.addf %add3A_1066, %gather3A_1072 : vector<16xf32>
        %xor3A_1074 = arith.constant 1 : i32
        %xor3A_1075 = vector.broadcast %xor3A_1074 : i32 to vector<16xi32>
        %xor3A_1076 = arith.xori %iota3A, %xor3A_1075 : vector<16xi32>
        %broadcast_in_dim3A_1077 = vector.shape_cast %xor3A_1076 : vector<16xi32> to vector<16x1xi32>
        %gather3A_1078 = vector.shape_cast %broadcast_in_dim3A_1077 : vector<16x1xi32> to vector<16xi32>
        %gather3A_1079 = tpu.dynamic_gather %add3A_1073[%gather3A_1078] in [0] : vector<16xf32>, vector<16xi32> -> vector<16xf32>
        %add3A_1080 = arith.addf %add3A_1073, %gather3A_1079 : vector<16xf32>
        %eq3A_1081 = vector.broadcast %scan3A_698 : i32 to vector<16xi32>
        %eq3A_1082 = arith.cmpi eq, %iota3A, %eq3A_1081 : vector<16xi32>
        %select_n3A_1083 = arith.select %eq3A_1082, %add3A_1080, %scan3A_703 : vector<16xi1>, vector<16xf32>
        %broadcast_in_dim3A_1084 = arith.constant 0.000000e+00 : f32
        %broadcast_in_dim3A_1085 = vector.broadcast %broadcast_in_dim3A_1084 : f32 to vector<16xf32>
        %mul3A_1086 = arith.constant 6 : i32
        %mul3A_1087 = arith.muli %add3A_707, %mul3A_1086 : i32
        %add3A_1088 = arith.constant 5 : i32
        %add3A_1089 = arith.addi %mul3A_1087, %add3A_1088 : i32
        %get3A_1090 = arith.index_cast %add3A_1089 : i32 to index
        %get3A_1091 = arith.constant 64 : index
        %get3A_1092 = tpu.vector_load %arg10[%get3A_1090, %get3A_1091] {strides = array<i32>} : memref<768x128xf32, #tpu.memory_space<vmem>>, vector<1x16xf32>,
        %get3A_1093 = vector.shape_cast %get3A_1092 : vector<1x16xf32> to vector<16xf32>
        %mul3A_1094 = arith.mulf %get3A_710, %get3A_1093 : vector<16xf32>
        %add3A_1095 = arith.addf %broadcast_in_dim3A_1085, %mul3A_1094 : vector<16xf32>
        %mul3A_1096 = arith.constant 6 : i32
        %mul3A_1097 = arith.muli %add3A_707, %mul3A_1096 : i32
        %add3A_1098 = arith.constant 5 : i32
        %add3A_1099 = arith.addi %mul3A_1097, %add3A_1098 : i32
        %get3A_1100 = arith.index_cast %add3A_1099 : i32 to index
        %get3A_1101 = arith.constant 80 : index
        %get3A_1102 = tpu.vector_load %arg10[%get3A_1100, %get3A_1101] {strides = array<i32>} : memref<768x128xf32, #tpu.memory_space<vmem>>, vector<1x16xf32>,
        %get3A_1103 = vector.shape_cast %get3A_1102 : vector<1x16xf32> to vector<16xf32>
        %mul3A_1104 = arith.mulf %get3A_714, %get3A_1103 : vector<16xf32>
        %add3A_1105 = arith.addf %add3A_1095, %mul3A_1104 : vector<16xf32>
        %mul3A_1106 = arith.constant 6 : i32
        %mul3A_1107 = arith.muli %add3A_707, %mul3A_1106 : i32
        %add3A_1108 = arith.constant 5 : i32
        %add3A_1109 = arith.addi %mul3A_1107, %add3A_1108 : i32
        %get3A_1110 = arith.index_cast %add3A_1109 : i32 to index
        %get3A_1111 = arith.constant 96 : index
        %get3A_1112 = tpu.vector_load %arg10[%get3A_1110, %get3A_1111] {strides = array<i32>} : memref<768x128xf32, #tpu.memory_space<vmem>>, vector<1x16xf32>,
        %get3A_1113 = vector.shape_cast %get3A_1112 : vector<1x16xf32> to vector<16xf32>
        %mul3A_1114 = arith.mulf %get3A_718, %get3A_1113 : vector<16xf32>
        %add3A_1115 = arith.addf %add3A_1105, %mul3A_1114 : vector<16xf32>
        %mul3A_1116 = arith.constant 6 : i32
        %mul3A_1117 = arith.muli %add3A_707, %mul3A_1116 : i32
        %add3A_1118 = arith.constant 5 : i32
        %add3A_1119 = arith.addi %mul3A_1117, %add3A_1118 : i32
        %get3A_1120 = arith.index_cast %add3A_1119 : i32 to index
        %get3A_1121 = arith.constant 112 : index
        %get3A_1122 = tpu.vector_load %arg10[%get3A_1120, %get3A_1121] {strides = array<i32>} : memref<768x128xf32, #tpu.memory_space<vmem>>, vector<1x16xf32>,
        %get3A_1123 = vector.shape_cast %get3A_1122 : vector<1x16xf32> to vector<16xf32>
        %mul3A_1124 = arith.mulf %get3A_722, %get3A_1123 : vector<16xf32>
        %add3A_1125 = arith.addf %add3A_1115, %mul3A_1124 : vector<16xf32>
        %xor3A_1126 = arith.constant 8 : i32
        %xor3A_1127 = vector.broadcast %xor3A_1126 : i32 to vector<16xi32>
        %xor3A_1128 = arith.xori %iota3A, %xor3A_1127 : vector<16xi32>
        %broadcast_in_dim3A_1129 = vector.shape_cast %xor3A_1128 : vector<16xi32> to vector<16x1xi32>
        %gather3A_1130 = vector.shape_cast %broadcast_in_dim3A_1129 : vector<16x1xi32> to vector<16xi32>
        %gather3A_1131 = tpu.dynamic_gather %add3A_1125[%gather3A_1130] in [0] : vector<16xf32>, vector<16xi32> -> vector<16xf32>
        %add3A_1132 = arith.addf %add3A_1125, %gather3A_1131 : vector<16xf32>
        %xor3A_1133 = arith.constant 4 : i32
        %xor3A_1134 = vector.broadcast %xor3A_1133 : i32 to vector<16xi32>
        %xor3A_1135 = arith.xori %iota3A, %xor3A_1134 : vector<16xi32>
        %broadcast_in_dim3A_1136 = vector.shape_cast %xor3A_1135 : vector<16xi32> to vector<16x1xi32>
        %gather3A_1137 = vector.shape_cast %broadcast_in_dim3A_1136 : vector<16x1xi32> to vector<16xi32>
        %gather3A_1138 = tpu.dynamic_gather %add3A_1132[%gather3A_1137] in [0] : vector<16xf32>, vector<16xi32> -> vector<16xf32>
        %add3A_1139 = arith.addf %add3A_1132, %gather3A_1138 : vector<16xf32>
        %xor3A_1140 = arith.constant 2 : i32
        %xor3A_1141 = vector.broadcast %xor3A_1140 : i32 to vector<16xi32>
        %xor3A_1142 = arith.xori %iota3A, %xor3A_1141 : vector<16xi32>
        %broadcast_in_dim3A_1143 = vector.shape_cast %xor3A_1142 : vector<16xi32> to vector<16x1xi32>
        %gather3A_1144 = vector.shape_cast %broadcast_in_dim3A_1143 : vector<16x1xi32> to vector<16xi32>
        %gather3A_1145 = tpu.dynamic_gather %add3A_1139[%gather3A_1144] in [0] : vector<16xf32>, vector<16xi32> -> vector<16xf32>
        %add3A_1146 = arith.addf %add3A_1139, %gather3A_1145 : vector<16xf32>
        %xor3A_1147 = arith.constant 1 : i32
        %xor3A_1148 = vector.broadcast %xor3A_1147 : i32 to vector<16xi32>
        %xor3A_1149 = arith.xori %iota3A, %xor3A_1148 : vector<16xi32>
        %broadcast_in_dim3A_1150 = vector.shape_cast %xor3A_1149 : vector<16xi32> to vector<16x1xi32>
        %gather3A_1151 = vector.shape_cast %broadcast_in_dim3A_1150 : vector<16x1xi32> to vector<16xi32>
        %gather3A_1152 = tpu.dynamic_gather %add3A_1146[%gather3A_1151] in [0] : vector<16xf32>, vector<16xi32> -> vector<16xf32>
        %add3A_1153 = arith.addf %add3A_1146, %gather3A_1152 : vector<16xf32>
        %eq3A_1154 = vector.broadcast %scan3A_698 : i32 to vector<16xi32>
        %eq3A_1155 = arith.cmpi eq, %iota3A, %eq3A_1154 : vector<16xi32>
        %select_n3A_1156 = arith.select %eq3A_1155, %add3A_1153, %scan3A_704 : vector<16xi1>, vector<16xf32>
        scf.yield %select_n3A, %select_n3A_864, %select_n3A_937, %select_n3A_1010, %select_n3A_1083, %select_n3A_1156 : vector<16xf32>, vector<16xf32>, vector<16xf32>, vector<16xf32>, vector<16xf32>, vector<16xf32>
      }
      %scan3A_652 = arith.constant 16 : i32
      %mul3A_653 = arith.constant 16 : i32
      %mul3A_654 = arith.muli %scan3A_645, %mul3A_653 : i32
      %swap3A = arith.index_cast %mul3A_654 : i32 to index
      %swap3A_655 = tpu.vector_load %arg11[%swap3A] {strides = array<i32>} : memref<128xf32, #tpu.memory_space<vmem>>, vector<16xf32>,
      %swap3A_656 = vector.shape_cast %swap3A_655 : vector<16xf32> to vector<16xf32>
      %swap3A_657 = vector.shape_cast %scan3A_651#0 : vector<16xf32> to vector<16xf32>
      tpu.vector_store %arg11[%swap3A], %swap3A_657 {strides = array<i32>} : memref<128xf32, #tpu.memory_space<vmem>>, vector<16xf32>,
      %mul3A_658 = arith.constant 16 : i32
      %mul3A_659 = arith.muli %scan3A_645, %mul3A_658 : i32
      %add3A_660 = arith.constant 0 : i32
      %add3A_661 = arith.addi %add3A_660, %mul3A_659 : i32
      %swap3A_662 = arith.index_cast %add3A_661 : i32 to index
      %swap3A_663 = tpu.vector_load %arg12[%swap3A_662] {strides = array<i32>} : memref<640xf32, #tpu.memory_space<vmem>>, vector<16xf32>,
      %swap3A_664 = vector.shape_cast %swap3A_663 : vector<16xf32> to vector<16xf32>
      %swap3A_665 = vector.shape_cast %scan3A_651#1 : vector<16xf32> to vector<16xf32>
      tpu.vector_store %arg12[%swap3A_662], %swap3A_665 {strides = array<i32>} : memref<640xf32, #tpu.memory_space<vmem>>, vector<16xf32>,
      %mul3A_666 = arith.constant 16 : i32
      %mul3A_667 = arith.muli %scan3A_645, %mul3A_666 : i32
      %add3A_668 = arith.constant 128 : i32
      %add3A_669 = arith.addi %add3A_668, %mul3A_667 : i32
      %swap3A_670 = arith.index_cast %add3A_669 : i32 to index
      %swap3A_671 = tpu.vector_load %arg12[%swap3A_670] {strides = array<i32>} : memref<640xf32, #tpu.memory_space<vmem>>, vector<16xf32>,
      %swap3A_672 = vector.shape_cast %swap3A_671 : vector<16xf32> to vector<16xf32>
      %swap3A_673 = vector.shape_cast %scan3A_651#2 : vector<16xf32> to vector<16xf32>
      tpu.vector_store %arg12[%swap3A_670], %swap3A_673 {strides = array<i32>} : memref<640xf32, #tpu.memory_space<vmem>>, vector<16xf32>,
      %mul3A_674 = arith.constant 16 : i32
      %mul3A_675 = arith.muli %scan3A_645, %mul3A_674 : i32
      %add3A_676 = arith.constant 256 : i32
      %add3A_677 = arith.addi %add3A_676, %mul3A_675 : i32
      %swap3A_678 = arith.index_cast %add3A_677 : i32 to index
      %swap3A_679 = tpu.vector_load %arg12[%swap3A_678] {strides = array<i32>} : memref<640xf32, #tpu.memory_space<vmem>>, vector<16xf32>,
      %swap3A_680 = vector.shape_cast %swap3A_679 : vector<16xf32> to vector<16xf32>
      %swap3A_681 = vector.shape_cast %scan3A_651#3 : vector<16xf32> to vector<16xf32>
      tpu.vector_store %arg12[%swap3A_678], %swap3A_681 {strides = array<i32>} : memref<640xf32, #tpu.memory_space<vmem>>, vector<16xf32>,
      %mul3A_682 = arith.constant 16 : i32
      %mul3A_683 = arith.muli %scan3A_645, %mul3A_682 : i32
      %add3A_684 = arith.constant 384 : i32
      %add3A_685 = arith.addi %add3A_684, %mul3A_683 : i32
      %swap3A_686 = arith.index_cast %add3A_685 : i32 to index
      %swap3A_687 = tpu.vector_load %arg12[%swap3A_686] {strides = array<i32>} : memref<640xf32, #tpu.memory_space<vmem>>, vector<16xf32>,
      %swap3A_688 = vector.shape_cast %swap3A_687 : vector<16xf32> to vector<16xf32>
      %swap3A_689 = vector.shape_cast %scan3A_651#4 : vector<16xf32> to vector<16xf32>
      tpu.vector_store %arg12[%swap3A_686], %swap3A_689 {strides = array<i32>} : memref<640xf32, #tpu.memory_space<vmem>>, vector<16xf32>,
      %mul3A_690 = arith.constant 16 : i32
      %mul3A_691 = arith.muli %scan3A_645, %mul3A_690 : i32
      %add3A_692 = arith.constant 512 : i32
      %add3A_693 = arith.addi %add3A_692, %mul3A_691 : i32
      %swap3A_694 = arith.index_cast %add3A_693 : i32 to index
      %swap3A_695 = tpu.vector_load %arg12[%swap3A_694] {strides = array<i32>} : memref<640xf32, #tpu.memory_space<vmem>>, vector<16xf32>,
      %swap3A_696 = vector.shape_cast %swap3A_695 : vector<16xf32> to vector<16xf32>
      %swap3A_697 = vector.shape_cast %scan3A_651#5 : vector<16xf32> to vector<16xf32>
      tpu.vector_store %arg12[%swap3A_694], %swap3A_697 {strides = array<i32>} : memref<640xf32, #tpu.memory_space<vmem>>, vector<16xf32>,
    }
    %scan3A_326 = arith.constant 8 : i32
    "tpu.region"() ({
      %run_scoped3A_645 = tpu.sem_alloc : memref<!tpu.dma_semaphore, #tpu.memory_space<semaphore_mem>>
      %dma_start3A_646 = tpu.memref_slice %arg5[%add3A_186] : memref<16384xf32, #tpu.memory_space<hbm>> -> memref<128xf32, #tpu.memory_space<hbm>>
      %dma_start3A_647 = tpu.memref_slice %arg5[%add3A_186] : memref<16384xf32, #tpu.memory_space<hbm>> -> memref<128xf32, #tpu.memory_space<hbm>>
      tpu.enqueue_dma source(%arg11 : memref<128xf32, #tpu.memory_space<vmem>>) target(%dma_start3A_647 : memref<128xf32, #tpu.memory_space<hbm>>) target_semaphore(%run_scoped3A_645 : memref<!tpu.dma_semaphore, #tpu.memory_space<semaphore_mem>>)
      %dma_wait3A_648 = tpu.memref_slice %arg5[%add3A_186] : memref<16384xf32, #tpu.memory_space<hbm>> -> memref<128xf32, #tpu.memory_space<hbm>>
      %dma_wait3A_649 = tpu.memref_slice %arg5[%add3A_186] : memref<16384xf32, #tpu.memory_space<hbm>> -> memref<128xf32, #tpu.memory_space<hbm>>
      tpu.wait_dma2 semaphore(%run_scoped3A_645 : memref<!tpu.dma_semaphore, #tpu.memory_space<semaphore_mem>>) src(%arg11 : memref<128xf32, #tpu.memory_space<vmem>>) dst(%dma_wait3A_649 : memref<128xf32, #tpu.memory_space<hbm>>)
      tpu.yield
    }) : () -> ()
    %add3A_327 = arith.constant 0 : i32
    %add3A_328 = arith.addi %add3A_327, %add3A_186 : i32
    "tpu.region"() ({
      %run_scoped3A_645 = tpu.sem_alloc : memref<!tpu.dma_semaphore, #tpu.memory_space<semaphore_mem>>
      %dma_start3A_646 = arith.constant 0 : i32
      %dma_start3A_647 = tpu.memref_slice %arg12[%dma_start3A_646] : memref<640xf32, #tpu.memory_space<vmem>> -> memref<128xf32, #tpu.memory_space<vmem>>
      %dma_start3A_648 = tpu.memref_slice %arg6[%add3A_328] : memref<81920xf32, #tpu.memory_space<hbm>> -> memref<128xf32, #tpu.memory_space<hbm>>
      %dma_start3A_649 = tpu.memref_slice %arg6[%add3A_328] : memref<81920xf32, #tpu.memory_space<hbm>> -> memref<128xf32, #tpu.memory_space<hbm>>
      %dma_start3A_650 = arith.constant 0 : i32
      %dma_start3A_651 = tpu.memref_slice %arg12[%dma_start3A_650] : memref<640xf32, #tpu.memory_space<vmem>> -> memref<128xf32, #tpu.memory_space<vmem>>
      tpu.enqueue_dma source(%dma_start3A_651 : memref<128xf32, #tpu.memory_space<vmem>>) target(%dma_start3A_649 : memref<128xf32, #tpu.memory_space<hbm>>) target_semaphore(%run_scoped3A_645 : memref<!tpu.dma_semaphore, #tpu.memory_space<semaphore_mem>>)
      %dma_wait3A_652 = arith.constant 0 : i32
      %dma_wait3A_653 = tpu.memref_slice %arg12[%dma_wait3A_652] : memref<640xf32, #tpu.memory_space<vmem>> -> memref<128xf32, #tpu.memory_space<vmem>>
      %dma_wait3A_654 = tpu.memref_slice %arg6[%add3A_328] : memref<81920xf32, #tpu.memory_space<hbm>> -> memref<128xf32, #tpu.memory_space<hbm>>
      %dma_wait3A_655 = tpu.memref_slice %arg6[%add3A_328] : memref<81920xf32, #tpu.memory_space<hbm>> -> memref<128xf32, #tpu.memory_space<hbm>>
      %dma_wait3A_656 = arith.constant 0 : i32
      %dma_wait3A_657 = tpu.memref_slice %arg12[%dma_wait3A_656] : memref<640xf32, #tpu.memory_space<vmem>> -> memref<128xf32, #tpu.memory_space<vmem>>
      tpu.wait_dma2 semaphore(%run_scoped3A_645 : memref<!tpu.dma_semaphore, #tpu.memory_space<semaphore_mem>>) src(%dma_wait3A_657 : memref<128xf32, #tpu.memory_space<vmem>>) dst(%dma_wait3A_655 : memref<128xf32, #tpu.memory_space<hbm>>)
      tpu.yield
    }) : () -> ()
    %add3A_329 = arith.constant 16384 : i32
    %add3A_330 = arith.addi %add3A_329, %add3A_186 : i32
    "tpu.region"() ({
      %run_scoped3A_645 = tpu.sem_alloc : memref<!tpu.dma_semaphore, #tpu.memory_space<semaphore_mem>>
      %dma_start3A_646 = arith.constant 128 : i32
      %dma_start3A_647 = tpu.memref_slice %arg12[%dma_start3A_646] : memref<640xf32, #tpu.memory_space<vmem>> -> memref<128xf32, #tpu.memory_space<vmem>>
      %dma_start3A_648 = tpu.memref_slice %arg6[%add3A_330] : memref<81920xf32, #tpu.memory_space<hbm>> -> memref<128xf32, #tpu.memory_space<hbm>>
      %dma_start3A_649 = tpu.memref_slice %arg6[%add3A_330] : memref<81920xf32, #tpu.memory_space<hbm>> -> memref<128xf32, #tpu.memory_space<hbm>>
      %dma_start3A_650 = arith.constant 128 : i32
      %dma_start3A_651 = tpu.memref_slice %arg12[%dma_start3A_650] : memref<640xf32, #tpu.memory_space<vmem>> -> memref<128xf32, #tpu.memory_space<vmem>>
      tpu.enqueue_dma source(%dma_start3A_651 : memref<128xf32, #tpu.memory_space<vmem>>) target(%dma_start3A_649 : memref<128xf32, #tpu.memory_space<hbm>>) target_semaphore(%run_scoped3A_645 : memref<!tpu.dma_semaphore, #tpu.memory_space<semaphore_mem>>)
      %dma_wait3A_652 = arith.constant 128 : i32
      %dma_wait3A_653 = tpu.memref_slice %arg12[%dma_wait3A_652] : memref<640xf32, #tpu.memory_space<vmem>> -> memref<128xf32, #tpu.memory_space<vmem>>
      %dma_wait3A_654 = tpu.memref_slice %arg6[%add3A_330] : memref<81920xf32, #tpu.memory_space<hbm>> -> memref<128xf32, #tpu.memory_space<hbm>>
      %dma_wait3A_655 = tpu.memref_slice %arg6[%add3A_330] : memref<81920xf32, #tpu.memory_space<hbm>> -> memref<128xf32, #tpu.memory_space<hbm>>
      %dma_wait3A_656 = arith.constant 128 : i32
      %dma_wait3A_657 = tpu.memref_slice %arg12[%dma_wait3A_656] : memref<640xf32, #tpu.memory_space<vmem>> -> memref<128xf32, #tpu.memory_space<vmem>>
      tpu.wait_dma2 semaphore(%run_scoped3A_645 : memref<!tpu.dma_semaphore, #tpu.memory_space<semaphore_mem>>) src(%dma_wait3A_657 : memref<128xf32, #tpu.memory_space<vmem>>) dst(%dma_wait3A_655 : memref<128xf32, #tpu.memory_space<hbm>>)
      tpu.yield
    }) : () -> ()
    %add3A_331 = arith.constant 32768 : i32
    %add3A_332 = arith.addi %add3A_331, %add3A_186 : i32
    "tpu.region"() ({
      %run_scoped3A_645 = tpu.sem_alloc : memref<!tpu.dma_semaphore, #tpu.memory_space<semaphore_mem>>
      %dma_start3A_646 = arith.constant 256 : i32
      %dma_start3A_647 = tpu.memref_slice %arg12[%dma_start3A_646] : memref<640xf32, #tpu.memory_space<vmem>> -> memref<128xf32, #tpu.memory_space<vmem>>
      %dma_start3A_648 = tpu.memref_slice %arg6[%add3A_332] : memref<81920xf32, #tpu.memory_space<hbm>> -> memref<128xf32, #tpu.memory_space<hbm>>
      %dma_start3A_649 = tpu.memref_slice %arg6[%add3A_332] : memref<81920xf32, #tpu.memory_space<hbm>> -> memref<128xf32, #tpu.memory_space<hbm>>
      %dma_start3A_650 = arith.constant 256 : i32
      %dma_start3A_651 = tpu.memref_slice %arg12[%dma_start3A_650] : memref<640xf32, #tpu.memory_space<vmem>> -> memref<128xf32, #tpu.memory_space<vmem>>
      tpu.enqueue_dma source(%dma_start3A_651 : memref<128xf32, #tpu.memory_space<vmem>>) target(%dma_start3A_649 : memref<128xf32, #tpu.memory_space<hbm>>) target_semaphore(%run_scoped3A_645 : memref<!tpu.dma_semaphore, #tpu.memory_space<semaphore_mem>>)
      %dma_wait3A_652 = arith.constant 256 : i32
      %dma_wait3A_653 = tpu.memref_slice %arg12[%dma_wait3A_652] : memref<640xf32, #tpu.memory_space<vmem>> -> memref<128xf32, #tpu.memory_space<vmem>>
      %dma_wait3A_654 = tpu.memref_slice %arg6[%add3A_332] : memref<81920xf32, #tpu.memory_space<hbm>> -> memref<128xf32, #tpu.memory_space<hbm>>
      %dma_wait3A_655 = tpu.memref_slice %arg6[%add3A_332] : memref<81920xf32, #tpu.memory_space<hbm>> -> memref<128xf32, #tpu.memory_space<hbm>>
      %dma_wait3A_656 = arith.constant 256 : i32
      %dma_wait3A_657 = tpu.memref_slice %arg12[%dma_wait3A_656] : memref<640xf32, #tpu.memory_space<vmem>> -> memref<128xf32, #tpu.memory_space<vmem>>
      tpu.wait_dma2 semaphore(%run_scoped3A_645 : memref<!tpu.dma_semaphore, #tpu.memory_space<semaphore_mem>>) src(%dma_wait3A_657 : memref<128xf32, #tpu.memory_space<vmem>>) dst(%dma_wait3A_655 : memref<128xf32, #tpu.memory_space<hbm>>)
      tpu.yield
    }) : () -> ()
    %add3A_333 = arith.constant 49152 : i32
    %add3A_334 = arith.addi %add3A_333, %add3A_186 : i32
    "tpu.region"() ({
      %run_scoped3A_645 = tpu.sem_alloc : memref<!tpu.dma_semaphore, #tpu.memory_space<semaphore_mem>>
      %dma_start3A_646 = arith.constant 384 : i32
      %dma_start3A_647 = tpu.memref_slice %arg12[%dma_start3A_646] : memref<640xf32, #tpu.memory_space<vmem>> -> memref<128xf32, #tpu.memory_space<vmem>>
      %dma_start3A_648 = tpu.memref_slice %arg6[%add3A_334] : memref<81920xf32, #tpu.memory_space<hbm>> -> memref<128xf32, #tpu.memory_space<hbm>>
      %dma_start3A_649 = tpu.memref_slice %arg6[%add3A_334] : memref<81920xf32, #tpu.memory_space<hbm>> -> memref<128xf32, #tpu.memory_space<hbm>>
      %dma_start3A_650 = arith.constant 384 : i32
      %dma_start3A_651 = tpu.memref_slice %arg12[%dma_start3A_650] : memref<640xf32, #tpu.memory_space<vmem>> -> memref<128xf32, #tpu.memory_space<vmem>>
      tpu.enqueue_dma source(%dma_start3A_651 : memref<128xf32, #tpu.memory_space<vmem>>) target(%dma_start3A_649 : memref<128xf32, #tpu.memory_space<hbm>>) target_semaphore(%run_scoped3A_645 : memref<!tpu.dma_semaphore, #tpu.memory_space<semaphore_mem>>)
      %dma_wait3A_652 = arith.constant 384 : i32
      %dma_wait3A_653 = tpu.memref_slice %arg12[%dma_wait3A_652] : memref<640xf32, #tpu.memory_space<vmem>> -> memref<128xf32, #tpu.memory_space<vmem>>
      %dma_wait3A_654 = tpu.memref_slice %arg6[%add3A_334] : memref<81920xf32, #tpu.memory_space<hbm>> -> memref<128xf32, #tpu.memory_space<hbm>>
      %dma_wait3A_655 = tpu.memref_slice %arg6[%add3A_334] : memref<81920xf32, #tpu.memory_space<hbm>> -> memref<128xf32, #tpu.memory_space<hbm>>
      %dma_wait3A_656 = arith.constant 384 : i32
      %dma_wait3A_657 = tpu.memref_slice %arg12[%dma_wait3A_656] : memref<640xf32, #tpu.memory_space<vmem>> -> memref<128xf32, #tpu.memory_space<vmem>>
      tpu.wait_dma2 semaphore(%run_scoped3A_645 : memref<!tpu.dma_semaphore, #tpu.memory_space<semaphore_mem>>) src(%dma_wait3A_657 : memref<128xf32, #tpu.memory_space<vmem>>) dst(%dma_wait3A_655 : memref<128xf32, #tpu.memory_space<hbm>>)
      tpu.yield
    }) : () -> ()
    %add3A_335 = arith.constant 65536 : i32
    %add3A_336 = arith.addi %add3A_335, %add3A_186 : i32
    "tpu.region"() ({
      %run_scoped3A_645 = tpu.sem_alloc : memref<!tpu.dma_semaphore, #tpu.memory_space<semaphore_mem>>
      %dma_start3A_646 = arith.constant 512 : i32
      %dma_start3A_647 = tpu.memref_slice %arg12[%dma_start3A_646] : memref<640xf32, #tpu.memory_space<vmem>> -> memref<128xf32, #tpu.memory_space<vmem>>
      %dma_start3A_648 = tpu.memref_slice %arg6[%add3A_336] : memref<81920xf32, #tpu.memory_space<hbm>> -> memref<128xf32, #tpu.memory_space<hbm>>
      %dma_start3A_649 = tpu.memref_slice %arg6[%add3A_336] : memref<81920xf32, #tpu.memory_space<hbm>> -> memref<128xf32, #tpu.memory_space<hbm>>
      %dma_start3A_650 = arith.constant 512 : i32
      %dma_start3A_651 = tpu.memref_slice %arg12[%dma_start3A_650] : memref<640xf32, #tpu.memory_space<vmem>> -> memref<128xf32, #tpu.memory_space<vmem>>
      tpu.enqueue_dma source(%dma_start3A_651 : memref<128xf32, #tpu.memory_space<vmem>>) target(%dma_start3A_649 : memref<128xf32, #tpu.memory_space<hbm>>) target_semaphore(%run_scoped3A_645 : memref<!tpu.dma_semaphore, #tpu.memory_space<semaphore_mem>>)
      %dma_wait3A_652 = arith.constant 512 : i32
      %dma_wait3A_653 = tpu.memref_slice %arg12[%dma_wait3A_652] : memref<640xf32, #tpu.memory_space<vmem>> -> memref<128xf32, #tpu.memory_space<vmem>>
      %dma_wait3A_654 = tpu.memref_slice %arg6[%add3A_336] : memref<81920xf32, #tpu.memory_space<hbm>> -> memref<128xf32, #tpu.memory_space<hbm>>
      %dma_wait3A_655 = tpu.memref_slice %arg6[%add3A_336] : memref<81920xf32, #tpu.memory_space<hbm>> -> memref<128xf32, #tpu.memory_space<hbm>>
      %dma_wait3A_656 = arith.constant 512 : i32
      %dma_wait3A_657 = tpu.memref_slice %arg12[%dma_wait3A_656] : memref<640xf32, #tpu.memory_space<vmem>> -> memref<128xf32, #tpu.memory_space<vmem>>
      tpu.wait_dma2 semaphore(%run_scoped3A_645 : memref<!tpu.dma_semaphore, #tpu.memory_space<semaphore_mem>>) src(%dma_wait3A_657 : memref<128xf32, #tpu.memory_space<vmem>>) dst(%dma_wait3A_655 : memref<128xf32, #tpu.memory_space<hbm>>)
      tpu.yield
    }) : () -> ()
    %mul3A_337 = arith.constant 512 : i32
    %mul3A_338 = arith.muli %add3A, %mul3A_337 : i32
    %add3A_339 = arith.constant 256 : i32
    %add3A_340 = arith.addi %mul3A_338, %add3A_339 : i32
    %dma_start3A_341 = arith.constant 2 : i32
    %dma_start3A_342 = arith.constant 0 : i32
    %dma_start3A_343 = tpu.memref_slice %arg7[%dma_start3A_341, %dma_start3A_342] : memref<4x128xi32, #tpu.memory_space<vmem>> -> memref<1x128xi32, #tpu.memory_space<vmem>>
    %dma_start3A_344 = tpu.memref_squeeze %dma_start3A_343 : memref<1x128xi32, #tpu.memory_space<vmem>> -> memref<128xi32, #tpu.memory_space<vmem>>
    %dma_start3A_345 = arith.constant 0 : i32
    %dma_start3A_346 = arith.constant 0 : i32
    %dma_start3A_347 = tpu.memref_slice %arg2[%dma_start3A_345, %dma_start3A_346] : memref<1000000x128xf32, #tpu.memory_space<hbm>> -> memref<1000000x128xf32, #tpu.memory_space<hbm>>
    tpu.enqueue_indirect_dma source(%dma_start3A_347 : memref<1000000x128xf32, #tpu.memory_space<hbm>>) target(%arg9 : memref<128x128xf32, #tpu.memory_space<vmem>>) offsets(%dma_start3A_344 : memref<128xi32, #tpu.memory_space<vmem>>) semaphore(%arg13 : memref<!tpu.dma_semaphore, #tpu.memory_space<semaphore_mem>>)
    %dma_start3A_348 = arith.constant 12 : i32
    %dma_start3A_349 = arith.constant 0 : i32
    %dma_start3A_350 = arith.constant 0 : i32
    %dma_start3A_351 = tpu.memref_slice %arg10[%dma_start3A_349, %dma_start3A_350] : memref<768x128xf32, #tpu.memory_space<vmem>> -> memref<128x128xf32, #tpu.memory_space<vmem>>
    %dma_start3A_352 = arith.constant 0 : i32
    %dma_start3A_353 = tpu.memref_slice %arg8[%dma_start3A_348, %dma_start3A_352] : memref<24x128xi32, #tpu.memory_space<vmem>> -> memref<1x128xi32, #tpu.memory_space<vmem>>
    %dma_start3A_354 = tpu.memref_squeeze %dma_start3A_353 : memref<1x128xi32, #tpu.memory_space<vmem>> -> memref<128xi32, #tpu.memory_space<vmem>>
    %dma_start3A_355 = arith.constant 0 : i32
    %dma_start3A_356 = arith.constant 0 : i32
    %dma_start3A_357 = tpu.memref_slice %arg2[%dma_start3A_355, %dma_start3A_356] : memref<1000000x128xf32, #tpu.memory_space<hbm>> -> memref<1000000x128xf32, #tpu.memory_space<hbm>>
    tpu.enqueue_indirect_dma source(%dma_start3A_357 : memref<1000000x128xf32, #tpu.memory_space<hbm>>) target(%dma_start3A_351 : memref<128x128xf32, #tpu.memory_space<vmem>>) offsets(%dma_start3A_354 : memref<128xi32, #tpu.memory_space<vmem>>) semaphore(%arg13 : memref<!tpu.dma_semaphore, #tpu.memory_space<semaphore_mem>>)
    %dma_start3A_358 = arith.constant 13 : i32
    %dma_start3A_359 = arith.constant 128 : i32
    %dma_start3A_360 = arith.constant 0 : i32
    %dma_start3A_361 = tpu.memref_slice %arg10[%dma_start3A_359, %dma_start3A_360] : memref<768x128xf32, #tpu.memory_space<vmem>> -> memref<128x128xf32, #tpu.memory_space<vmem>>
    %dma_start3A_362 = arith.constant 0 : i32
    %dma_start3A_363 = tpu.memref_slice %arg8[%dma_start3A_358, %dma_start3A_362] : memref<24x128xi32, #tpu.memory_space<vmem>> -> memref<1x128xi32, #tpu.memory_space<vmem>>
    %dma_start3A_364 = tpu.memref_squeeze %dma_start3A_363 : memref<1x128xi32, #tpu.memory_space<vmem>> -> memref<128xi32, #tpu.memory_space<vmem>>
    %dma_start3A_365 = arith.constant 0 : i32
    %dma_start3A_366 = arith.constant 0 : i32
    %dma_start3A_367 = tpu.memref_slice %arg2[%dma_start3A_365, %dma_start3A_366] : memref<1000000x128xf32, #tpu.memory_space<hbm>> -> memref<1000000x128xf32, #tpu.memory_space<hbm>>
    tpu.enqueue_indirect_dma source(%dma_start3A_367 : memref<1000000x128xf32, #tpu.memory_space<hbm>>) target(%dma_start3A_361 : memref<128x128xf32, #tpu.memory_space<vmem>>) offsets(%dma_start3A_364 : memref<128xi32, #tpu.memory_space<vmem>>) semaphore(%arg13 : memref<!tpu.dma_semaphore, #tpu.memory_space<semaphore_mem>>)
    %dma_start3A_368 = arith.constant 14 : i32
    %dma_start3A_369 = arith.constant 256 : i32
    %dma_start3A_370 = arith.constant 0 : i32
    %dma_start3A_371 = tpu.memref_slice %arg10[%dma_start3A_369, %dma_start3A_370] : memref<768x128xf32, #tpu.memory_space<vmem>> -> memref<128x128xf32, #tpu.memory_space<vmem>>
    %dma_start3A_372 = arith.constant 0 : i32
    %dma_start3A_373 = tpu.memref_slice %arg8[%dma_start3A_368, %dma_start3A_372] : memref<24x128xi32, #tpu.memory_space<vmem>> -> memref<1x128xi32, #tpu.memory_space<vmem>>
    %dma_start3A_374 = tpu.memref_squeeze %dma_start3A_373 : memref<1x128xi32, #tpu.memory_space<vmem>> -> memref<128xi32, #tpu.memory_space<vmem>>
    %dma_start3A_375 = arith.constant 0 : i32
    %dma_start3A_376 = arith.constant 0 : i32
    %dma_start3A_377 = tpu.memref_slice %arg2[%dma_start3A_375, %dma_start3A_376] : memref<1000000x128xf32, #tpu.memory_space<hbm>> -> memref<1000000x128xf32, #tpu.memory_space<hbm>>
    tpu.enqueue_indirect_dma source(%dma_start3A_377 : memref<1000000x128xf32, #tpu.memory_space<hbm>>) target(%dma_start3A_371 : memref<128x128xf32, #tpu.memory_space<vmem>>) offsets(%dma_start3A_374 : memref<128xi32, #tpu.memory_space<vmem>>) semaphore(%arg13 : memref<!tpu.dma_semaphore, #tpu.memory_space<semaphore_mem>>)
    %dma_start3A_378 = arith.constant 15 : i32
    %dma_start3A_379 = arith.constant 384 : i32
    %dma_start3A_380 = arith.constant 0 : i32
    %dma_start3A_381 = tpu.memref_slice %arg10[%dma_start3A_379, %dma_start3A_380] : memref<768x128xf32, #tpu.memory_space<vmem>> -> memref<128x128xf32, #tpu.memory_space<vmem>>
    %dma_start3A_382 = arith.constant 0 : i32
    %dma_start3A_383 = tpu.memref_slice %arg8[%dma_start3A_378, %dma_start3A_382] : memref<24x128xi32, #tpu.memory_space<vmem>> -> memref<1x128xi32, #tpu.memory_space<vmem>>
    %dma_start3A_384 = tpu.memref_squeeze %dma_start3A_383 : memref<1x128xi32, #tpu.memory_space<vmem>> -> memref<128xi32, #tpu.memory_space<vmem>>
    %dma_start3A_385 = arith.constant 0 : i32
    %dma_start3A_386 = arith.constant 0 : i32
    %dma_start3A_387 = tpu.memref_slice %arg2[%dma_start3A_385, %dma_start3A_386] : memref<1000000x128xf32, #tpu.memory_space<hbm>> -> memref<1000000x128xf32, #tpu.memory_space<hbm>>
    tpu.enqueue_indirect_dma source(%dma_start3A_387 : memref<1000000x128xf32, #tpu.memory_space<hbm>>) target(%dma_start3A_381 : memref<128x128xf32, #tpu.memory_space<vmem>>) offsets(%dma_start3A_384 : memref<128xi32, #tpu.memory_space<vmem>>) semaphore(%arg13 : memref<!tpu.dma_semaphore, #tpu.memory_space<semaphore_mem>>)
    %dma_start3A_388 = arith.constant 16 : i32
    %dma_start3A_389 = arith.constant 512 : i32
    %dma_start3A_390 = arith.constant 0 : i32
    %dma_start3A_391 = tpu.memref_slice %arg10[%dma_start3A_389, %dma_start3A_390] : memref<768x128xf32, #tpu.memory_space<vmem>> -> memref<128x128xf32, #tpu.memory_space<vmem>>
    %dma_start3A_392 = arith.constant 0 : i32
    %dma_start3A_393 = tpu.memref_slice %arg8[%dma_start3A_388, %dma_start3A_392] : memref<24x128xi32, #tpu.memory_space<vmem>> -> memref<1x128xi32, #tpu.memory_space<vmem>>
    %dma_start3A_394 = tpu.memref_squeeze %dma_start3A_393 : memref<1x128xi32, #tpu.memory_space<vmem>> -> memref<128xi32, #tpu.memory_space<vmem>>
    %dma_start3A_395 = arith.constant 0 : i32
    %dma_start3A_396 = arith.constant 0 : i32
    %dma_start3A_397 = tpu.memref_slice %arg2[%dma_start3A_395, %dma_start3A_396] : memref<1000000x128xf32, #tpu.memory_space<hbm>> -> memref<1000000x128xf32, #tpu.memory_space<hbm>>
    tpu.enqueue_indirect_dma source(%dma_start3A_397 : memref<1000000x128xf32, #tpu.memory_space<hbm>>) target(%dma_start3A_391 : memref<128x128xf32, #tpu.memory_space<vmem>>) offsets(%dma_start3A_394 : memref<128xi32, #tpu.memory_space<vmem>>) semaphore(%arg13 : memref<!tpu.dma_semaphore, #tpu.memory_space<semaphore_mem>>)
    %dma_start3A_398 = arith.constant 17 : i32
    %dma_start3A_399 = arith.constant 640 : i32
    %dma_start3A_400 = arith.constant 0 : i32
    %dma_start3A_401 = tpu.memref_slice %arg10[%dma_start3A_399, %dma_start3A_400] : memref<768x128xf32, #tpu.memory_space<vmem>> -> memref<128x128xf32, #tpu.memory_space<vmem>>
    %dma_start3A_402 = arith.constant 0 : i32
    %dma_start3A_403 = tpu.memref_slice %arg8[%dma_start3A_398, %dma_start3A_402] : memref<24x128xi32, #tpu.memory_space<vmem>> -> memref<1x128xi32, #tpu.memory_space<vmem>>
    %dma_start3A_404 = tpu.memref_squeeze %dma_start3A_403 : memref<1x128xi32, #tpu.memory_space<vmem>> -> memref<128xi32, #tpu.memory_space<vmem>>
    %dma_start3A_405 = arith.constant 0 : i32
    %dma_start3A_406 = arith.constant 0 : i32
    %dma_start3A_407 = tpu.memref_slice %arg2[%dma_start3A_405, %dma_start3A_406] : memref<1000000x128xf32, #tpu.memory_space<hbm>> -> memref<1000000x128xf32, #tpu.memory_space<hbm>>
    tpu.enqueue_indirect_dma source(%dma_start3A_407 : memref<1000000x128xf32, #tpu.memory_space<hbm>>) target(%dma_start3A_401 : memref<128x128xf32, #tpu.memory_space<vmem>>) offsets(%dma_start3A_404 : memref<128xi32, #tpu.memory_space<vmem>>) semaphore(%arg13 : memref<!tpu.dma_semaphore, #tpu.memory_space<semaphore_mem>>)
    %dma_wait3A_408 = arith.constant 2 : i32
    %dma_wait3A_409 = arith.constant 0 : i32
    %dma_wait3A_410 = tpu.memref_slice %arg7[%dma_wait3A_408, %dma_wait3A_409] : memref<4x128xi32, #tpu.memory_space<vmem>> -> memref<1x128xi32, #tpu.memory_space<vmem>>
    %dma_wait3A_411 = tpu.memref_squeeze %dma_wait3A_410 : memref<1x128xi32, #tpu.memory_space<vmem>> -> memref<128xi32, #tpu.memory_space<vmem>>
    %dma_wait3A_412 = arith.constant 0 : i32
    %dma_wait3A_413 = arith.constant 0 : i32
    %dma_wait3A_414 = tpu.memref_slice %arg2[%dma_wait3A_412, %dma_wait3A_413] : memref<1000000x128xf32, #tpu.memory_space<hbm>> -> memref<1000000x128xf32, #tpu.memory_space<hbm>>
    tpu.wait_indirect_dma semaphore(%arg13 : memref<!tpu.dma_semaphore, #tpu.memory_space<semaphore_mem>>) src(%dma_wait3A_414 : memref<1000000x128xf32, #tpu.memory_space<hbm>>) dst(%arg9 : memref<128x128xf32, #tpu.memory_space<vmem>>)
    %dma_wait3A_415 = arith.constant 12 : i32
    %dma_wait3A_416 = arith.constant 0 : i32
    %dma_wait3A_417 = arith.constant 0 : i32
    %dma_wait3A_418 = tpu.memref_slice %arg10[%dma_wait3A_416, %dma_wait3A_417] : memref<768x128xf32, #tpu.memory_space<vmem>> -> memref<128x128xf32, #tpu.memory_space<vmem>>
    %dma_wait3A_419 = arith.constant 0 : i32
    %dma_wait3A_420 = tpu.memref_slice %arg8[%dma_wait3A_415, %dma_wait3A_419] : memref<24x128xi32, #tpu.memory_space<vmem>> -> memref<1x128xi32, #tpu.memory_space<vmem>>
    %dma_wait3A_421 = tpu.memref_squeeze %dma_wait3A_420 : memref<1x128xi32, #tpu.memory_space<vmem>> -> memref<128xi32, #tpu.memory_space<vmem>>
    %dma_wait3A_422 = arith.constant 0 : i32
    %dma_wait3A_423 = arith.constant 0 : i32
    %dma_wait3A_424 = tpu.memref_slice %arg2[%dma_wait3A_422, %dma_wait3A_423] : memref<1000000x128xf32, #tpu.memory_space<hbm>> -> memref<1000000x128xf32, #tpu.memory_space<hbm>>
    tpu.wait_indirect_dma semaphore(%arg13 : memref<!tpu.dma_semaphore, #tpu.memory_space<semaphore_mem>>) src(%dma_wait3A_424 : memref<1000000x128xf32, #tpu.memory_space<hbm>>) dst(%dma_wait3A_418 : memref<128x128xf32, #tpu.memory_space<vmem>>)
    %dma_wait3A_425 = arith.constant 13 : i32
    %dma_wait3A_426 = arith.constant 128 : i32
    %dma_wait3A_427 = arith.constant 0 : i32
    %dma_wait3A_428 = tpu.memref_slice %arg10[%dma_wait3A_426, %dma_wait3A_427] : memref<768x128xf32, #tpu.memory_space<vmem>> -> memref<128x128xf32, #tpu.memory_space<vmem>>
    %dma_wait3A_429 = arith.constant 0 : i32
    %dma_wait3A_430 = tpu.memref_slice %arg8[%dma_wait3A_425, %dma_wait3A_429] : memref<24x128xi32, #tpu.memory_space<vmem>> -> memref<1x128xi32, #tpu.memory_space<vmem>>
    %dma_wait3A_431 = tpu.memref_squeeze %dma_wait3A_430 : memref<1x128xi32, #tpu.memory_space<vmem>> -> memref<128xi32, #tpu.memory_space<vmem>>
    %dma_wait3A_432 = arith.constant 0 : i32
    %dma_wait3A_433 = arith.constant 0 : i32
    %dma_wait3A_434 = tpu.memref_slice %arg2[%dma_wait3A_432, %dma_wait3A_433] : memref<1000000x128xf32, #tpu.memory_space<hbm>> -> memref<1000000x128xf32, #tpu.memory_space<hbm>>
    tpu.wait_indirect_dma semaphore(%arg13 : memref<!tpu.dma_semaphore, #tpu.memory_space<semaphore_mem>>) src(%dma_wait3A_434 : memref<1000000x128xf32, #tpu.memory_space<hbm>>) dst(%dma_wait3A_428 : memref<128x128xf32, #tpu.memory_space<vmem>>)
    %dma_wait3A_435 = arith.constant 14 : i32
    %dma_wait3A_436 = arith.constant 256 : i32
    %dma_wait3A_437 = arith.constant 0 : i32
    %dma_wait3A_438 = tpu.memref_slice %arg10[%dma_wait3A_436, %dma_wait3A_437] : memref<768x128xf32, #tpu.memory_space<vmem>> -> memref<128x128xf32, #tpu.memory_space<vmem>>
    %dma_wait3A_439 = arith.constant 0 : i32
    %dma_wait3A_440 = tpu.memref_slice %arg8[%dma_wait3A_435, %dma_wait3A_439] : memref<24x128xi32, #tpu.memory_space<vmem>> -> memref<1x128xi32, #tpu.memory_space<vmem>>
    %dma_wait3A_441 = tpu.memref_squeeze %dma_wait3A_440 : memref<1x128xi32, #tpu.memory_space<vmem>> -> memref<128xi32, #tpu.memory_space<vmem>>
    %dma_wait3A_442 = arith.constant 0 : i32
    %dma_wait3A_443 = arith.constant 0 : i32
    %dma_wait3A_444 = tpu.memref_slice %arg2[%dma_wait3A_442, %dma_wait3A_443] : memref<1000000x128xf32, #tpu.memory_space<hbm>> -> memref<1000000x128xf32, #tpu.memory_space<hbm>>
    tpu.wait_indirect_dma semaphore(%arg13 : memref<!tpu.dma_semaphore, #tpu.memory_space<semaphore_mem>>) src(%dma_wait3A_444 : memref<1000000x128xf32, #tpu.memory_space<hbm>>) dst(%dma_wait3A_438 : memref<128x128xf32, #tpu.memory_space<vmem>>)
    %dma_wait3A_445 = arith.constant 15 : i32
    %dma_wait3A_446 = arith.constant 384 : i32
    %dma_wait3A_447 = arith.constant 0 : i32
    %dma_wait3A_448 = tpu.memref_slice %arg10[%dma_wait3A_446, %dma_wait3A_447] : memref<768x128xf32, #tpu.memory_space<vmem>> -> memref<128x128xf32, #tpu.memory_space<vmem>>
    %dma_wait3A_449 = arith.constant 0 : i32
    %dma_wait3A_450 = tpu.memref_slice %arg8[%dma_wait3A_445, %dma_wait3A_449] : memref<24x128xi32, #tpu.memory_space<vmem>> -> memref<1x128xi32, #tpu.memory_space<vmem>>
    %dma_wait3A_451 = tpu.memref_squeeze %dma_wait3A_450 : memref<1x128xi32, #tpu.memory_space<vmem>> -> memref<128xi32, #tpu.memory_space<vmem>>
    %dma_wait3A_452 = arith.constant 0 : i32
    %dma_wait3A_453 = arith.constant 0 : i32
    %dma_wait3A_454 = tpu.memref_slice %arg2[%dma_wait3A_452, %dma_wait3A_453] : memref<1000000x128xf32, #tpu.memory_space<hbm>> -> memref<1000000x128xf32, #tpu.memory_space<hbm>>
    tpu.wait_indirect_dma semaphore(%arg13 : memref<!tpu.dma_semaphore, #tpu.memory_space<semaphore_mem>>) src(%dma_wait3A_454 : memref<1000000x128xf32, #tpu.memory_space<hbm>>) dst(%dma_wait3A_448 : memref<128x128xf32, #tpu.memory_space<vmem>>)
    %dma_wait3A_455 = arith.constant 16 : i32
    %dma_wait3A_456 = arith.constant 512 : i32
    %dma_wait3A_457 = arith.constant 0 : i32
    %dma_wait3A_458 = tpu.memref_slice %arg10[%dma_wait3A_456, %dma_wait3A_457] : memref<768x128xf32, #tpu.memory_space<vmem>> -> memref<128x128xf32, #tpu.memory_space<vmem>>
    %dma_wait3A_459 = arith.constant 0 : i32
    %dma_wait3A_460 = tpu.memref_slice %arg8[%dma_wait3A_455, %dma_wait3A_459] : memref<24x128xi32, #tpu.memory_space<vmem>> -> memref<1x128xi32, #tpu.memory_space<vmem>>
    %dma_wait3A_461 = tpu.memref_squeeze %dma_wait3A_460 : memref<1x128xi32, #tpu.memory_space<vmem>> -> memref<128xi32, #tpu.memory_space<vmem>>
    %dma_wait3A_462 = arith.constant 0 : i32
    %dma_wait3A_463 = arith.constant 0 : i32
    %dma_wait3A_464 = tpu.memref_slice %arg2[%dma_wait3A_462, %dma_wait3A_463] : memref<1000000x128xf32, #tpu.memory_space<hbm>> -> memref<1000000x128xf32, #tpu.memory_space<hbm>>
    tpu.wait_indirect_dma semaphore(%arg13 : memref<!tpu.dma_semaphore, #tpu.memory_space<semaphore_mem>>) src(%dma_wait3A_464 : memref<1000000x128xf32, #tpu.memory_space<hbm>>) dst(%dma_wait3A_458 : memref<128x128xf32, #tpu.memory_space<vmem>>)
    %dma_wait3A_465 = arith.constant 17 : i32
    %dma_wait3A_466 = arith.constant 640 : i32
    %dma_wait3A_467 = arith.constant 0 : i32
    %dma_wait3A_468 = tpu.memref_slice %arg10[%dma_wait3A_466, %dma_wait3A_467] : memref<768x128xf32, #tpu.memory_space<vmem>> -> memref<128x128xf32, #tpu.memory_space<vmem>>
    %dma_wait3A_469 = arith.constant 0 : i32
    %dma_wait3A_470 = tpu.memref_slice %arg8[%dma_wait3A_465, %dma_wait3A_469] : memref<24x128xi32, #tpu.memory_space<vmem>> -> memref<1x128xi32, #tpu.memory_space<vmem>>
    %dma_wait3A_471 = tpu.memref_squeeze %dma_wait3A_470 : memref<1x128xi32, #tpu.memory_space<vmem>> -> memref<128xi32, #tpu.memory_space<vmem>>
    %dma_wait3A_472 = arith.constant 0 : i32
    %dma_wait3A_473 = arith.constant 0 : i32
    %dma_wait3A_474 = tpu.memref_slice %arg2[%dma_wait3A_472, %dma_wait3A_473] : memref<1000000x128xf32, #tpu.memory_space<hbm>> -> memref<1000000x128xf32, #tpu.memory_space<hbm>>
    tpu.wait_indirect_dma semaphore(%arg13 : memref<!tpu.dma_semaphore, #tpu.memory_space<semaphore_mem>>) src(%dma_wait3A_474 : memref<1000000x128xf32, #tpu.memory_space<hbm>>) dst(%dma_wait3A_468 : memref<128x128xf32, #tpu.memory_space<vmem>>)
    %scan3A_475 = arith.constant 0 : i32
    %scan3A_476 = arith.constant 0 : i32
    %scan3A_477 = arith.constant 8 : i32
    %scan3A_478 = arith.addi %scan3A_476, %scan3A_477 : i32
    %scan3A_479 = arith.constant 1 : i32
    scf.for %scan3A_645 = %scan3A_476 to %scan3A_478 step %scan3A_479  : i32 {
      %broadcast_in_dim3A = arith.constant 0.000000e+00 : f32
      %broadcast_in_dim3A_646 = vector.broadcast %broadcast_in_dim3A : f32 to vector<16xf32>
      %scan3A_647 = arith.constant 0 : i32
      %scan3A_648 = arith.constant 16 : i32
      %scan3A_649 = arith.addi %scan3A_647, %scan3A_648 : i32
      %scan3A_650 = arith.constant 1 : i32
      %scan3A_651:6 = scf.for %scan3A_698 = %scan3A_647 to %scan3A_649 step %scan3A_650 iter_args(%scan3A_699 = %broadcast_in_dim3A_646, %scan3A_700 = %broadcast_in_dim3A_646, %scan3A_701 = %broadcast_in_dim3A_646, %scan3A_702 = %broadcast_in_dim3A_646, %scan3A_703 = %broadcast_in_dim3A_646, %scan3A_704 = %broadcast_in_dim3A_646) -> (vector<16xf32>, vector<16xf32>, vector<16xf32>, vector<16xf32>, vector<16xf32>, vector<16xf32>)  : i32 {
        %mul3A_705 = arith.constant 16 : i32
        %mul3A_706 = arith.muli %scan3A_645, %mul3A_705 : i32
        %add3A_707 = arith.addi %mul3A_706, %scan3A_698 : i32
        %get3A = arith.index_cast %add3A_707 : i32 to index
        %get3A_708 = arith.constant 0 : index
        %get3A_709 = tpu.vector_load %arg9[%get3A, %get3A_708] {strides = array<i32>} : memref<128x128xf32, #tpu.memory_space<vmem>>, vector<1x16xf32>,
        %get3A_710 = vector.shape_cast %get3A_709 : vector<1x16xf32> to vector<16xf32>
        %get3A_711 = arith.index_cast %add3A_707 : i32 to index
        %get3A_712 = arith.constant 16 : index
        %get3A_713 = tpu.vector_load %arg9[%get3A_711, %get3A_712] {strides = array<i32>} : memref<128x128xf32, #tpu.memory_space<vmem>>, vector<1x16xf32>,
        %get3A_714 = vector.shape_cast %get3A_713 : vector<1x16xf32> to vector<16xf32>
        %get3A_715 = arith.index_cast %add3A_707 : i32 to index
        %get3A_716 = arith.constant 32 : index
        %get3A_717 = tpu.vector_load %arg9[%get3A_715, %get3A_716] {strides = array<i32>} : memref<128x128xf32, #tpu.memory_space<vmem>>, vector<1x16xf32>,
        %get3A_718 = vector.shape_cast %get3A_717 : vector<1x16xf32> to vector<16xf32>
        %get3A_719 = arith.index_cast %add3A_707 : i32 to index
        %get3A_720 = arith.constant 48 : index
        %get3A_721 = tpu.vector_load %arg9[%get3A_719, %get3A_720] {strides = array<i32>} : memref<128x128xf32, #tpu.memory_space<vmem>>, vector<1x16xf32>,
        %get3A_722 = vector.shape_cast %get3A_721 : vector<1x16xf32> to vector<16xf32>
        %broadcast_in_dim3A_723 = arith.constant 0.000000e+00 : f32
        %broadcast_in_dim3A_724 = vector.broadcast %broadcast_in_dim3A_723 : f32 to vector<16xf32>
        %mul3A_725 = arith.constant 6 : i32
        %mul3A_726 = arith.muli %add3A_707, %mul3A_725 : i32
        %add3A_727 = arith.constant 0 : i32
        %add3A_728 = arith.addi %mul3A_726, %add3A_727 : i32
        %get3A_729 = arith.index_cast %add3A_728 : i32 to index
        %get3A_730 = arith.constant 64 : index
        %get3A_731 = tpu.vector_load %arg10[%get3A_729, %get3A_730] {strides = array<i32>} : memref<768x128xf32, #tpu.memory_space<vmem>>, vector<1x16xf32>,
        %get3A_732 = vector.shape_cast %get3A_731 : vector<1x16xf32> to vector<16xf32>
        %mul3A_733 = arith.mulf %get3A_710, %get3A_732 : vector<16xf32>
        %add3A_734 = arith.addf %broadcast_in_dim3A_724, %mul3A_733 : vector<16xf32>
        %mul3A_735 = arith.constant 6 : i32
        %mul3A_736 = arith.muli %add3A_707, %mul3A_735 : i32
        %add3A_737 = arith.constant 0 : i32
        %add3A_738 = arith.addi %mul3A_736, %add3A_737 : i32
        %get3A_739 = arith.index_cast %add3A_738 : i32 to index
        %get3A_740 = arith.constant 80 : index
        %get3A_741 = tpu.vector_load %arg10[%get3A_739, %get3A_740] {strides = array<i32>} : memref<768x128xf32, #tpu.memory_space<vmem>>, vector<1x16xf32>,
        %get3A_742 = vector.shape_cast %get3A_741 : vector<1x16xf32> to vector<16xf32>
        %mul3A_743 = arith.mulf %get3A_714, %get3A_742 : vector<16xf32>
        %add3A_744 = arith.addf %add3A_734, %mul3A_743 : vector<16xf32>
        %mul3A_745 = arith.constant 6 : i32
        %mul3A_746 = arith.muli %add3A_707, %mul3A_745 : i32
        %add3A_747 = arith.constant 0 : i32
        %add3A_748 = arith.addi %mul3A_746, %add3A_747 : i32
        %get3A_749 = arith.index_cast %add3A_748 : i32 to index
        %get3A_750 = arith.constant 96 : index
        %get3A_751 = tpu.vector_load %arg10[%get3A_749, %get3A_750] {strides = array<i32>} : memref<768x128xf32, #tpu.memory_space<vmem>>, vector<1x16xf32>,
        %get3A_752 = vector.shape_cast %get3A_751 : vector<1x16xf32> to vector<16xf32>
        %mul3A_753 = arith.mulf %get3A_718, %get3A_752 : vector<16xf32>
        %add3A_754 = arith.addf %add3A_744, %mul3A_753 : vector<16xf32>
        %mul3A_755 = arith.constant 6 : i32
        %mul3A_756 = arith.muli %add3A_707, %mul3A_755 : i32
        %add3A_757 = arith.constant 0 : i32
        %add3A_758 = arith.addi %mul3A_756, %add3A_757 : i32
        %get3A_759 = arith.index_cast %add3A_758 : i32 to index
        %get3A_760 = arith.constant 112 : index
        %get3A_761 = tpu.vector_load %arg10[%get3A_759, %get3A_760] {strides = array<i32>} : memref<768x128xf32, #tpu.memory_space<vmem>>, vector<1x16xf32>,
        %get3A_762 = vector.shape_cast %get3A_761 : vector<1x16xf32> to vector<16xf32>
        %mul3A_763 = arith.mulf %get3A_722, %get3A_762 : vector<16xf32>
        %add3A_764 = arith.addf %add3A_754, %mul3A_763 : vector<16xf32>
        %xor3A = arith.constant 8 : i32
        %xor3A_765 = vector.broadcast %xor3A : i32 to vector<16xi32>
        %xor3A_766 = arith.xori %iota3A, %xor3A_765 : vector<16xi32>
        %broadcast_in_dim3A_767 = vector.shape_cast %xor3A_766 : vector<16xi32> to vector<16x1xi32>
        %gather3A = vector.shape_cast %broadcast_in_dim3A_767 : vector<16x1xi32> to vector<16xi32>
        %gather3A_768 = tpu.dynamic_gather %add3A_764[%gather3A] in [0] : vector<16xf32>, vector<16xi32> -> vector<16xf32>
        %add3A_769 = arith.addf %add3A_764, %gather3A_768 : vector<16xf32>
        %xor3A_770 = arith.constant 4 : i32
        %xor3A_771 = vector.broadcast %xor3A_770 : i32 to vector<16xi32>
        %xor3A_772 = arith.xori %iota3A, %xor3A_771 : vector<16xi32>
        %broadcast_in_dim3A_773 = vector.shape_cast %xor3A_772 : vector<16xi32> to vector<16x1xi32>
        %gather3A_774 = vector.shape_cast %broadcast_in_dim3A_773 : vector<16x1xi32> to vector<16xi32>
        %gather3A_775 = tpu.dynamic_gather %add3A_769[%gather3A_774] in [0] : vector<16xf32>, vector<16xi32> -> vector<16xf32>
        %add3A_776 = arith.addf %add3A_769, %gather3A_775 : vector<16xf32>
        %xor3A_777 = arith.constant 2 : i32
        %xor3A_778 = vector.broadcast %xor3A_777 : i32 to vector<16xi32>
        %xor3A_779 = arith.xori %iota3A, %xor3A_778 : vector<16xi32>
        %broadcast_in_dim3A_780 = vector.shape_cast %xor3A_779 : vector<16xi32> to vector<16x1xi32>
        %gather3A_781 = vector.shape_cast %broadcast_in_dim3A_780 : vector<16x1xi32> to vector<16xi32>
        %gather3A_782 = tpu.dynamic_gather %add3A_776[%gather3A_781] in [0] : vector<16xf32>, vector<16xi32> -> vector<16xf32>
        %add3A_783 = arith.addf %add3A_776, %gather3A_782 : vector<16xf32>
        %xor3A_784 = arith.constant 1 : i32
        %xor3A_785 = vector.broadcast %xor3A_784 : i32 to vector<16xi32>
        %xor3A_786 = arith.xori %iota3A, %xor3A_785 : vector<16xi32>
        %broadcast_in_dim3A_787 = vector.shape_cast %xor3A_786 : vector<16xi32> to vector<16x1xi32>
        %gather3A_788 = vector.shape_cast %broadcast_in_dim3A_787 : vector<16x1xi32> to vector<16xi32>
        %gather3A_789 = tpu.dynamic_gather %add3A_783[%gather3A_788] in [0] : vector<16xf32>, vector<16xi32> -> vector<16xf32>
        %add3A_790 = arith.addf %add3A_783, %gather3A_789 : vector<16xf32>
        %eq3A = vector.broadcast %scan3A_698 : i32 to vector<16xi32>
        %eq3A_791 = arith.cmpi eq, %iota3A, %eq3A : vector<16xi32>
        %select_n3A = arith.select %eq3A_791, %add3A_790, %scan3A_699 : vector<16xi1>, vector<16xf32>
        %broadcast_in_dim3A_792 = arith.constant 0.000000e+00 : f32
        %broadcast_in_dim3A_793 = vector.broadcast %broadcast_in_dim3A_792 : f32 to vector<16xf32>
        %mul3A_794 = arith.constant 6 : i32
        %mul3A_795 = arith.muli %add3A_707, %mul3A_794 : i32
        %add3A_796 = arith.constant 1 : i32
        %add3A_797 = arith.addi %mul3A_795, %add3A_796 : i32
        %get3A_798 = arith.index_cast %add3A_797 : i32 to index
        %get3A_799 = arith.constant 64 : index
        %get3A_800 = tpu.vector_load %arg10[%get3A_798, %get3A_799] {strides = array<i32>} : memref<768x128xf32, #tpu.memory_space<vmem>>, vector<1x16xf32>,
        %get3A_801 = vector.shape_cast %get3A_800 : vector<1x16xf32> to vector<16xf32>
        %mul3A_802 = arith.mulf %get3A_710, %get3A_801 : vector<16xf32>
        %add3A_803 = arith.addf %broadcast_in_dim3A_793, %mul3A_802 : vector<16xf32>
        %mul3A_804 = arith.constant 6 : i32
        %mul3A_805 = arith.muli %add3A_707, %mul3A_804 : i32
        %add3A_806 = arith.constant 1 : i32
        %add3A_807 = arith.addi %mul3A_805, %add3A_806 : i32
        %get3A_808 = arith.index_cast %add3A_807 : i32 to index
        %get3A_809 = arith.constant 80 : index
        %get3A_810 = tpu.vector_load %arg10[%get3A_808, %get3A_809] {strides = array<i32>} : memref<768x128xf32, #tpu.memory_space<vmem>>, vector<1x16xf32>,
        %get3A_811 = vector.shape_cast %get3A_810 : vector<1x16xf32> to vector<16xf32>
        %mul3A_812 = arith.mulf %get3A_714, %get3A_811 : vector<16xf32>
        %add3A_813 = arith.addf %add3A_803, %mul3A_812 : vector<16xf32>
        %mul3A_814 = arith.constant 6 : i32
        %mul3A_815 = arith.muli %add3A_707, %mul3A_814 : i32
        %add3A_816 = arith.constant 1 : i32
        %add3A_817 = arith.addi %mul3A_815, %add3A_816 : i32
        %get3A_818 = arith.index_cast %add3A_817 : i32 to index
        %get3A_819 = arith.constant 96 : index
        %get3A_820 = tpu.vector_load %arg10[%get3A_818, %get3A_819] {strides = array<i32>} : memref<768x128xf32, #tpu.memory_space<vmem>>, vector<1x16xf32>,
        %get3A_821 = vector.shape_cast %get3A_820 : vector<1x16xf32> to vector<16xf32>
        %mul3A_822 = arith.mulf %get3A_718, %get3A_821 : vector<16xf32>
        %add3A_823 = arith.addf %add3A_813, %mul3A_822 : vector<16xf32>
        %mul3A_824 = arith.constant 6 : i32
        %mul3A_825 = arith.muli %add3A_707, %mul3A_824 : i32
        %add3A_826 = arith.constant 1 : i32
        %add3A_827 = arith.addi %mul3A_825, %add3A_826 : i32
        %get3A_828 = arith.index_cast %add3A_827 : i32 to index
        %get3A_829 = arith.constant 112 : index
        %get3A_830 = tpu.vector_load %arg10[%get3A_828, %get3A_829] {strides = array<i32>} : memref<768x128xf32, #tpu.memory_space<vmem>>, vector<1x16xf32>,
        %get3A_831 = vector.shape_cast %get3A_830 : vector<1x16xf32> to vector<16xf32>
        %mul3A_832 = arith.mulf %get3A_722, %get3A_831 : vector<16xf32>
        %add3A_833 = arith.addf %add3A_823, %mul3A_832 : vector<16xf32>
        %xor3A_834 = arith.constant 8 : i32
        %xor3A_835 = vector.broadcast %xor3A_834 : i32 to vector<16xi32>
        %xor3A_836 = arith.xori %iota3A, %xor3A_835 : vector<16xi32>
        %broadcast_in_dim3A_837 = vector.shape_cast %xor3A_836 : vector<16xi32> to vector<16x1xi32>
        %gather3A_838 = vector.shape_cast %broadcast_in_dim3A_837 : vector<16x1xi32> to vector<16xi32>
        %gather3A_839 = tpu.dynamic_gather %add3A_833[%gather3A_838] in [0] : vector<16xf32>, vector<16xi32> -> vector<16xf32>
        %add3A_840 = arith.addf %add3A_833, %gather3A_839 : vector<16xf32>
        %xor3A_841 = arith.constant 4 : i32
        %xor3A_842 = vector.broadcast %xor3A_841 : i32 to vector<16xi32>
        %xor3A_843 = arith.xori %iota3A, %xor3A_842 : vector<16xi32>
        %broadcast_in_dim3A_844 = vector.shape_cast %xor3A_843 : vector<16xi32> to vector<16x1xi32>
        %gather3A_845 = vector.shape_cast %broadcast_in_dim3A_844 : vector<16x1xi32> to vector<16xi32>
        %gather3A_846 = tpu.dynamic_gather %add3A_840[%gather3A_845] in [0] : vector<16xf32>, vector<16xi32> -> vector<16xf32>
        %add3A_847 = arith.addf %add3A_840, %gather3A_846 : vector<16xf32>
        %xor3A_848 = arith.constant 2 : i32
        %xor3A_849 = vector.broadcast %xor3A_848 : i32 to vector<16xi32>
        %xor3A_850 = arith.xori %iota3A, %xor3A_849 : vector<16xi32>
        %broadcast_in_dim3A_851 = vector.shape_cast %xor3A_850 : vector<16xi32> to vector<16x1xi32>
        %gather3A_852 = vector.shape_cast %broadcast_in_dim3A_851 : vector<16x1xi32> to vector<16xi32>
        %gather3A_853 = tpu.dynamic_gather %add3A_847[%gather3A_852] in [0] : vector<16xf32>, vector<16xi32> -> vector<16xf32>
        %add3A_854 = arith.addf %add3A_847, %gather3A_853 : vector<16xf32>
        %xor3A_855 = arith.constant 1 : i32
        %xor3A_856 = vector.broadcast %xor3A_855 : i32 to vector<16xi32>
        %xor3A_857 = arith.xori %iota3A, %xor3A_856 : vector<16xi32>
        %broadcast_in_dim3A_858 = vector.shape_cast %xor3A_857 : vector<16xi32> to vector<16x1xi32>
        %gather3A_859 = vector.shape_cast %broadcast_in_dim3A_858 : vector<16x1xi32> to vector<16xi32>
        %gather3A_860 = tpu.dynamic_gather %add3A_854[%gather3A_859] in [0] : vector<16xf32>, vector<16xi32> -> vector<16xf32>
        %add3A_861 = arith.addf %add3A_854, %gather3A_860 : vector<16xf32>
        %eq3A_862 = vector.broadcast %scan3A_698 : i32 to vector<16xi32>
        %eq3A_863 = arith.cmpi eq, %iota3A, %eq3A_862 : vector<16xi32>
        %select_n3A_864 = arith.select %eq3A_863, %add3A_861, %scan3A_700 : vector<16xi1>, vector<16xf32>
        %broadcast_in_dim3A_865 = arith.constant 0.000000e+00 : f32
        %broadcast_in_dim3A_866 = vector.broadcast %broadcast_in_dim3A_865 : f32 to vector<16xf32>
        %mul3A_867 = arith.constant 6 : i32
        %mul3A_868 = arith.muli %add3A_707, %mul3A_867 : i32
        %add3A_869 = arith.constant 2 : i32
        %add3A_870 = arith.addi %mul3A_868, %add3A_869 : i32
        %get3A_871 = arith.index_cast %add3A_870 : i32 to index
        %get3A_872 = arith.constant 64 : index
        %get3A_873 = tpu.vector_load %arg10[%get3A_871, %get3A_872] {strides = array<i32>} : memref<768x128xf32, #tpu.memory_space<vmem>>, vector<1x16xf32>,
        %get3A_874 = vector.shape_cast %get3A_873 : vector<1x16xf32> to vector<16xf32>
        %mul3A_875 = arith.mulf %get3A_710, %get3A_874 : vector<16xf32>
        %add3A_876 = arith.addf %broadcast_in_dim3A_866, %mul3A_875 : vector<16xf32>
        %mul3A_877 = arith.constant 6 : i32
        %mul3A_878 = arith.muli %add3A_707, %mul3A_877 : i32
        %add3A_879 = arith.constant 2 : i32
        %add3A_880 = arith.addi %mul3A_878, %add3A_879 : i32
        %get3A_881 = arith.index_cast %add3A_880 : i32 to index
        %get3A_882 = arith.constant 80 : index
        %get3A_883 = tpu.vector_load %arg10[%get3A_881, %get3A_882] {strides = array<i32>} : memref<768x128xf32, #tpu.memory_space<vmem>>, vector<1x16xf32>,
        %get3A_884 = vector.shape_cast %get3A_883 : vector<1x16xf32> to vector<16xf32>
        %mul3A_885 = arith.mulf %get3A_714, %get3A_884 : vector<16xf32>
        %add3A_886 = arith.addf %add3A_876, %mul3A_885 : vector<16xf32>
        %mul3A_887 = arith.constant 6 : i32
        %mul3A_888 = arith.muli %add3A_707, %mul3A_887 : i32
        %add3A_889 = arith.constant 2 : i32
        %add3A_890 = arith.addi %mul3A_888, %add3A_889 : i32
        %get3A_891 = arith.index_cast %add3A_890 : i32 to index
        %get3A_892 = arith.constant 96 : index
        %get3A_893 = tpu.vector_load %arg10[%get3A_891, %get3A_892] {strides = array<i32>} : memref<768x128xf32, #tpu.memory_space<vmem>>, vector<1x16xf32>,
        %get3A_894 = vector.shape_cast %get3A_893 : vector<1x16xf32> to vector<16xf32>
        %mul3A_895 = arith.mulf %get3A_718, %get3A_894 : vector<16xf32>
        %add3A_896 = arith.addf %add3A_886, %mul3A_895 : vector<16xf32>
        %mul3A_897 = arith.constant 6 : i32
        %mul3A_898 = arith.muli %add3A_707, %mul3A_897 : i32
        %add3A_899 = arith.constant 2 : i32
        %add3A_900 = arith.addi %mul3A_898, %add3A_899 : i32
        %get3A_901 = arith.index_cast %add3A_900 : i32 to index
        %get3A_902 = arith.constant 112 : index
        %get3A_903 = tpu.vector_load %arg10[%get3A_901, %get3A_902] {strides = array<i32>} : memref<768x128xf32, #tpu.memory_space<vmem>>, vector<1x16xf32>,
        %get3A_904 = vector.shape_cast %get3A_903 : vector<1x16xf32> to vector<16xf32>
        %mul3A_905 = arith.mulf %get3A_722, %get3A_904 : vector<16xf32>
        %add3A_906 = arith.addf %add3A_896, %mul3A_905 : vector<16xf32>
        %xor3A_907 = arith.constant 8 : i32
        %xor3A_908 = vector.broadcast %xor3A_907 : i32 to vector<16xi32>
        %xor3A_909 = arith.xori %iota3A, %xor3A_908 : vector<16xi32>
        %broadcast_in_dim3A_910 = vector.shape_cast %xor3A_909 : vector<16xi32> to vector<16x1xi32>
        %gather3A_911 = vector.shape_cast %broadcast_in_dim3A_910 : vector<16x1xi32> to vector<16xi32>
        %gather3A_912 = tpu.dynamic_gather %add3A_906[%gather3A_911] in [0] : vector<16xf32>, vector<16xi32> -> vector<16xf32>
        %add3A_913 = arith.addf %add3A_906, %gather3A_912 : vector<16xf32>
        %xor3A_914 = arith.constant 4 : i32
        %xor3A_915 = vector.broadcast %xor3A_914 : i32 to vector<16xi32>
        %xor3A_916 = arith.xori %iota3A, %xor3A_915 : vector<16xi32>
        %broadcast_in_dim3A_917 = vector.shape_cast %xor3A_916 : vector<16xi32> to vector<16x1xi32>
        %gather3A_918 = vector.shape_cast %broadcast_in_dim3A_917 : vector<16x1xi32> to vector<16xi32>
        %gather3A_919 = tpu.dynamic_gather %add3A_913[%gather3A_918] in [0] : vector<16xf32>, vector<16xi32> -> vector<16xf32>
        %add3A_920 = arith.addf %add3A_913, %gather3A_919 : vector<16xf32>
        %xor3A_921 = arith.constant 2 : i32
        %xor3A_922 = vector.broadcast %xor3A_921 : i32 to vector<16xi32>
        %xor3A_923 = arith.xori %iota3A, %xor3A_922 : vector<16xi32>
        %broadcast_in_dim3A_924 = vector.shape_cast %xor3A_923 : vector<16xi32> to vector<16x1xi32>
        %gather3A_925 = vector.shape_cast %broadcast_in_dim3A_924 : vector<16x1xi32> to vector<16xi32>
        %gather3A_926 = tpu.dynamic_gather %add3A_920[%gather3A_925] in [0] : vector<16xf32>, vector<16xi32> -> vector<16xf32>
        %add3A_927 = arith.addf %add3A_920, %gather3A_926 : vector<16xf32>
        %xor3A_928 = arith.constant 1 : i32
        %xor3A_929 = vector.broadcast %xor3A_928 : i32 to vector<16xi32>
        %xor3A_930 = arith.xori %iota3A, %xor3A_929 : vector<16xi32>
        %broadcast_in_dim3A_931 = vector.shape_cast %xor3A_930 : vector<16xi32> to vector<16x1xi32>
        %gather3A_932 = vector.shape_cast %broadcast_in_dim3A_931 : vector<16x1xi32> to vector<16xi32>
        %gather3A_933 = tpu.dynamic_gather %add3A_927[%gather3A_932] in [0] : vector<16xf32>, vector<16xi32> -> vector<16xf32>
        %add3A_934 = arith.addf %add3A_927, %gather3A_933 : vector<16xf32>
        %eq3A_935 = vector.broadcast %scan3A_698 : i32 to vector<16xi32>
        %eq3A_936 = arith.cmpi eq, %iota3A, %eq3A_935 : vector<16xi32>
        %select_n3A_937 = arith.select %eq3A_936, %add3A_934, %scan3A_701 : vector<16xi1>, vector<16xf32>
        %broadcast_in_dim3A_938 = arith.constant 0.000000e+00 : f32
        %broadcast_in_dim3A_939 = vector.broadcast %broadcast_in_dim3A_938 : f32 to vector<16xf32>
        %mul3A_940 = arith.constant 6 : i32
        %mul3A_941 = arith.muli %add3A_707, %mul3A_940 : i32
        %add3A_942 = arith.constant 3 : i32
        %add3A_943 = arith.addi %mul3A_941, %add3A_942 : i32
        %get3A_944 = arith.index_cast %add3A_943 : i32 to index
        %get3A_945 = arith.constant 64 : index
        %get3A_946 = tpu.vector_load %arg10[%get3A_944, %get3A_945] {strides = array<i32>} : memref<768x128xf32, #tpu.memory_space<vmem>>, vector<1x16xf32>,
        %get3A_947 = vector.shape_cast %get3A_946 : vector<1x16xf32> to vector<16xf32>
        %mul3A_948 = arith.mulf %get3A_710, %get3A_947 : vector<16xf32>
        %add3A_949 = arith.addf %broadcast_in_dim3A_939, %mul3A_948 : vector<16xf32>
        %mul3A_950 = arith.constant 6 : i32
        %mul3A_951 = arith.muli %add3A_707, %mul3A_950 : i32
        %add3A_952 = arith.constant 3 : i32
        %add3A_953 = arith.addi %mul3A_951, %add3A_952 : i32
        %get3A_954 = arith.index_cast %add3A_953 : i32 to index
        %get3A_955 = arith.constant 80 : index
        %get3A_956 = tpu.vector_load %arg10[%get3A_954, %get3A_955] {strides = array<i32>} : memref<768x128xf32, #tpu.memory_space<vmem>>, vector<1x16xf32>,
        %get3A_957 = vector.shape_cast %get3A_956 : vector<1x16xf32> to vector<16xf32>
        %mul3A_958 = arith.mulf %get3A_714, %get3A_957 : vector<16xf32>
        %add3A_959 = arith.addf %add3A_949, %mul3A_958 : vector<16xf32>
        %mul3A_960 = arith.constant 6 : i32
        %mul3A_961 = arith.muli %add3A_707, %mul3A_960 : i32
        %add3A_962 = arith.constant 3 : i32
        %add3A_963 = arith.addi %mul3A_961, %add3A_962 : i32
        %get3A_964 = arith.index_cast %add3A_963 : i32 to index
        %get3A_965 = arith.constant 96 : index
        %get3A_966 = tpu.vector_load %arg10[%get3A_964, %get3A_965] {strides = array<i32>} : memref<768x128xf32, #tpu.memory_space<vmem>>, vector<1x16xf32>,
        %get3A_967 = vector.shape_cast %get3A_966 : vector<1x16xf32> to vector<16xf32>
        %mul3A_968 = arith.mulf %get3A_718, %get3A_967 : vector<16xf32>
        %add3A_969 = arith.addf %add3A_959, %mul3A_968 : vector<16xf32>
        %mul3A_970 = arith.constant 6 : i32
        %mul3A_971 = arith.muli %add3A_707, %mul3A_970 : i32
        %add3A_972 = arith.constant 3 : i32
        %add3A_973 = arith.addi %mul3A_971, %add3A_972 : i32
        %get3A_974 = arith.index_cast %add3A_973 : i32 to index
        %get3A_975 = arith.constant 112 : index
        %get3A_976 = tpu.vector_load %arg10[%get3A_974, %get3A_975] {strides = array<i32>} : memref<768x128xf32, #tpu.memory_space<vmem>>, vector<1x16xf32>,
        %get3A_977 = vector.shape_cast %get3A_976 : vector<1x16xf32> to vector<16xf32>
        %mul3A_978 = arith.mulf %get3A_722, %get3A_977 : vector<16xf32>
        %add3A_979 = arith.addf %add3A_969, %mul3A_978 : vector<16xf32>
        %xor3A_980 = arith.constant 8 : i32
        %xor3A_981 = vector.broadcast %xor3A_980 : i32 to vector<16xi32>
        %xor3A_982 = arith.xori %iota3A, %xor3A_981 : vector<16xi32>
        %broadcast_in_dim3A_983 = vector.shape_cast %xor3A_982 : vector<16xi32> to vector<16x1xi32>
        %gather3A_984 = vector.shape_cast %broadcast_in_dim3A_983 : vector<16x1xi32> to vector<16xi32>
        %gather3A_985 = tpu.dynamic_gather %add3A_979[%gather3A_984] in [0] : vector<16xf32>, vector<16xi32> -> vector<16xf32>
        %add3A_986 = arith.addf %add3A_979, %gather3A_985 : vector<16xf32>
        %xor3A_987 = arith.constant 4 : i32
        %xor3A_988 = vector.broadcast %xor3A_987 : i32 to vector<16xi32>
        %xor3A_989 = arith.xori %iota3A, %xor3A_988 : vector<16xi32>
        %broadcast_in_dim3A_990 = vector.shape_cast %xor3A_989 : vector<16xi32> to vector<16x1xi32>
        %gather3A_991 = vector.shape_cast %broadcast_in_dim3A_990 : vector<16x1xi32> to vector<16xi32>
        %gather3A_992 = tpu.dynamic_gather %add3A_986[%gather3A_991] in [0] : vector<16xf32>, vector<16xi32> -> vector<16xf32>
        %add3A_993 = arith.addf %add3A_986, %gather3A_992 : vector<16xf32>
        %xor3A_994 = arith.constant 2 : i32
        %xor3A_995 = vector.broadcast %xor3A_994 : i32 to vector<16xi32>
        %xor3A_996 = arith.xori %iota3A, %xor3A_995 : vector<16xi32>
        %broadcast_in_dim3A_997 = vector.shape_cast %xor3A_996 : vector<16xi32> to vector<16x1xi32>
        %gather3A_998 = vector.shape_cast %broadcast_in_dim3A_997 : vector<16x1xi32> to vector<16xi32>
        %gather3A_999 = tpu.dynamic_gather %add3A_993[%gather3A_998] in [0] : vector<16xf32>, vector<16xi32> -> vector<16xf32>
        %add3A_1000 = arith.addf %add3A_993, %gather3A_999 : vector<16xf32>
        %xor3A_1001 = arith.constant 1 : i32
        %xor3A_1002 = vector.broadcast %xor3A_1001 : i32 to vector<16xi32>
        %xor3A_1003 = arith.xori %iota3A, %xor3A_1002 : vector<16xi32>
        %broadcast_in_dim3A_1004 = vector.shape_cast %xor3A_1003 : vector<16xi32> to vector<16x1xi32>
        %gather3A_1005 = vector.shape_cast %broadcast_in_dim3A_1004 : vector<16x1xi32> to vector<16xi32>
        %gather3A_1006 = tpu.dynamic_gather %add3A_1000[%gather3A_1005] in [0] : vector<16xf32>, vector<16xi32> -> vector<16xf32>
        %add3A_1007 = arith.addf %add3A_1000, %gather3A_1006 : vector<16xf32>
        %eq3A_1008 = vector.broadcast %scan3A_698 : i32 to vector<16xi32>
        %eq3A_1009 = arith.cmpi eq, %iota3A, %eq3A_1008 : vector<16xi32>
        %select_n3A_1010 = arith.select %eq3A_1009, %add3A_1007, %scan3A_702 : vector<16xi1>, vector<16xf32>
        %broadcast_in_dim3A_1011 = arith.constant 0.000000e+00 : f32
        %broadcast_in_dim3A_1012 = vector.broadcast %broadcast_in_dim3A_1011 : f32 to vector<16xf32>
        %mul3A_1013 = arith.constant 6 : i32
        %mul3A_1014 = arith.muli %add3A_707, %mul3A_1013 : i32
        %add3A_1015 = arith.constant 4 : i32
        %add3A_1016 = arith.addi %mul3A_1014, %add3A_1015 : i32
        %get3A_1017 = arith.index_cast %add3A_1016 : i32 to index
        %get3A_1018 = arith.constant 64 : index
        %get3A_1019 = tpu.vector_load %arg10[%get3A_1017, %get3A_1018] {strides = array<i32>} : memref<768x128xf32, #tpu.memory_space<vmem>>, vector<1x16xf32>,
        %get3A_1020 = vector.shape_cast %get3A_1019 : vector<1x16xf32> to vector<16xf32>
        %mul3A_1021 = arith.mulf %get3A_710, %get3A_1020 : vector<16xf32>
        %add3A_1022 = arith.addf %broadcast_in_dim3A_1012, %mul3A_1021 : vector<16xf32>
        %mul3A_1023 = arith.constant 6 : i32
        %mul3A_1024 = arith.muli %add3A_707, %mul3A_1023 : i32
        %add3A_1025 = arith.constant 4 : i32
        %add3A_1026 = arith.addi %mul3A_1024, %add3A_1025 : i32
        %get3A_1027 = arith.index_cast %add3A_1026 : i32 to index
        %get3A_1028 = arith.constant 80 : index
        %get3A_1029 = tpu.vector_load %arg10[%get3A_1027, %get3A_1028] {strides = array<i32>} : memref<768x128xf32, #tpu.memory_space<vmem>>, vector<1x16xf32>,
        %get3A_1030 = vector.shape_cast %get3A_1029 : vector<1x16xf32> to vector<16xf32>
        %mul3A_1031 = arith.mulf %get3A_714, %get3A_1030 : vector<16xf32>
        %add3A_1032 = arith.addf %add3A_1022, %mul3A_1031 : vector<16xf32>
        %mul3A_1033 = arith.constant 6 : i32
        %mul3A_1034 = arith.muli %add3A_707, %mul3A_1033 : i32
        %add3A_1035 = arith.constant 4 : i32
        %add3A_1036 = arith.addi %mul3A_1034, %add3A_1035 : i32
        %get3A_1037 = arith.index_cast %add3A_1036 : i32 to index
        %get3A_1038 = arith.constant 96 : index
        %get3A_1039 = tpu.vector_load %arg10[%get3A_1037, %get3A_1038] {strides = array<i32>} : memref<768x128xf32, #tpu.memory_space<vmem>>, vector<1x16xf32>,
        %get3A_1040 = vector.shape_cast %get3A_1039 : vector<1x16xf32> to vector<16xf32>
        %mul3A_1041 = arith.mulf %get3A_718, %get3A_1040 : vector<16xf32>
        %add3A_1042 = arith.addf %add3A_1032, %mul3A_1041 : vector<16xf32>
        %mul3A_1043 = arith.constant 6 : i32
        %mul3A_1044 = arith.muli %add3A_707, %mul3A_1043 : i32
        %add3A_1045 = arith.constant 4 : i32
        %add3A_1046 = arith.addi %mul3A_1044, %add3A_1045 : i32
        %get3A_1047 = arith.index_cast %add3A_1046 : i32 to index
        %get3A_1048 = arith.constant 112 : index
        %get3A_1049 = tpu.vector_load %arg10[%get3A_1047, %get3A_1048] {strides = array<i32>} : memref<768x128xf32, #tpu.memory_space<vmem>>, vector<1x16xf32>,
        %get3A_1050 = vector.shape_cast %get3A_1049 : vector<1x16xf32> to vector<16xf32>
        %mul3A_1051 = arith.mulf %get3A_722, %get3A_1050 : vector<16xf32>
        %add3A_1052 = arith.addf %add3A_1042, %mul3A_1051 : vector<16xf32>
        %xor3A_1053 = arith.constant 8 : i32
        %xor3A_1054 = vector.broadcast %xor3A_1053 : i32 to vector<16xi32>
        %xor3A_1055 = arith.xori %iota3A, %xor3A_1054 : vector<16xi32>
        %broadcast_in_dim3A_1056 = vector.shape_cast %xor3A_1055 : vector<16xi32> to vector<16x1xi32>
        %gather3A_1057 = vector.shape_cast %broadcast_in_dim3A_1056 : vector<16x1xi32> to vector<16xi32>
        %gather3A_1058 = tpu.dynamic_gather %add3A_1052[%gather3A_1057] in [0] : vector<16xf32>, vector<16xi32> -> vector<16xf32>
        %add3A_1059 = arith.addf %add3A_1052, %gather3A_1058 : vector<16xf32>
        %xor3A_1060 = arith.constant 4 : i32
        %xor3A_1061 = vector.broadcast %xor3A_1060 : i32 to vector<16xi32>
        %xor3A_1062 = arith.xori %iota3A, %xor3A_1061 : vector<16xi32>
        %broadcast_in_dim3A_1063 = vector.shape_cast %xor3A_1062 : vector<16xi32> to vector<16x1xi32>
        %gather3A_1064 = vector.shape_cast %broadcast_in_dim3A_1063 : vector<16x1xi32> to vector<16xi32>
        %gather3A_1065 = tpu.dynamic_gather %add3A_1059[%gather3A_1064] in [0] : vector<16xf32>, vector<16xi32> -> vector<16xf32>
        %add3A_1066 = arith.addf %add3A_1059, %gather3A_1065 : vector<16xf32>
        %xor3A_1067 = arith.constant 2 : i32
        %xor3A_1068 = vector.broadcast %xor3A_1067 : i32 to vector<16xi32>
        %xor3A_1069 = arith.xori %iota3A, %xor3A_1068 : vector<16xi32>
        %broadcast_in_dim3A_1070 = vector.shape_cast %xor3A_1069 : vector<16xi32> to vector<16x1xi32>
        %gather3A_1071 = vector.shape_cast %broadcast_in_dim3A_1070 : vector<16x1xi32> to vector<16xi32>
        %gather3A_1072 = tpu.dynamic_gather %add3A_1066[%gather3A_1071] in [0] : vector<16xf32>, vector<16xi32> -> vector<16xf32>
        %add3A_1073 = arith.addf %add3A_1066, %gather3A_1072 : vector<16xf32>
        %xor3A_1074 = arith.constant 1 : i32
        %xor3A_1075 = vector.broadcast %xor3A_1074 : i32 to vector<16xi32>
        %xor3A_1076 = arith.xori %iota3A, %xor3A_1075 : vector<16xi32>
        %broadcast_in_dim3A_1077 = vector.shape_cast %xor3A_1076 : vector<16xi32> to vector<16x1xi32>
        %gather3A_1078 = vector.shape_cast %broadcast_in_dim3A_1077 : vector<16x1xi32> to vector<16xi32>
        %gather3A_1079 = tpu.dynamic_gather %add3A_1073[%gather3A_1078] in [0] : vector<16xf32>, vector<16xi32> -> vector<16xf32>
        %add3A_1080 = arith.addf %add3A_1073, %gather3A_1079 : vector<16xf32>
        %eq3A_1081 = vector.broadcast %scan3A_698 : i32 to vector<16xi32>
        %eq3A_1082 = arith.cmpi eq, %iota3A, %eq3A_1081 : vector<16xi32>
        %select_n3A_1083 = arith.select %eq3A_1082, %add3A_1080, %scan3A_703 : vector<16xi1>, vector<16xf32>
        %broadcast_in_dim3A_1084 = arith.constant 0.000000e+00 : f32
        %broadcast_in_dim3A_1085 = vector.broadcast %broadcast_in_dim3A_1084 : f32 to vector<16xf32>
        %mul3A_1086 = arith.constant 6 : i32
        %mul3A_1087 = arith.muli %add3A_707, %mul3A_1086 : i32
        %add3A_1088 = arith.constant 5 : i32
        %add3A_1089 = arith.addi %mul3A_1087, %add3A_1088 : i32
        %get3A_1090 = arith.index_cast %add3A_1089 : i32 to index
        %get3A_1091 = arith.constant 64 : index
        %get3A_1092 = tpu.vector_load %arg10[%get3A_1090, %get3A_1091] {strides = array<i32>} : memref<768x128xf32, #tpu.memory_space<vmem>>, vector<1x16xf32>,
        %get3A_1093 = vector.shape_cast %get3A_1092 : vector<1x16xf32> to vector<16xf32>
        %mul3A_1094 = arith.mulf %get3A_710, %get3A_1093 : vector<16xf32>
        %add3A_1095 = arith.addf %broadcast_in_dim3A_1085, %mul3A_1094 : vector<16xf32>
        %mul3A_1096 = arith.constant 6 : i32
        %mul3A_1097 = arith.muli %add3A_707, %mul3A_1096 : i32
        %add3A_1098 = arith.constant 5 : i32
        %add3A_1099 = arith.addi %mul3A_1097, %add3A_1098 : i32
        %get3A_1100 = arith.index_cast %add3A_1099 : i32 to index
        %get3A_1101 = arith.constant 80 : index
        %get3A_1102 = tpu.vector_load %arg10[%get3A_1100, %get3A_1101] {strides = array<i32>} : memref<768x128xf32, #tpu.memory_space<vmem>>, vector<1x16xf32>,
        %get3A_1103 = vector.shape_cast %get3A_1102 : vector<1x16xf32> to vector<16xf32>
        %mul3A_1104 = arith.mulf %get3A_714, %get3A_1103 : vector<16xf32>
        %add3A_1105 = arith.addf %add3A_1095, %mul3A_1104 : vector<16xf32>
        %mul3A_1106 = arith.constant 6 : i32
        %mul3A_1107 = arith.muli %add3A_707, %mul3A_1106 : i32
        %add3A_1108 = arith.constant 5 : i32
        %add3A_1109 = arith.addi %mul3A_1107, %add3A_1108 : i32
        %get3A_1110 = arith.index_cast %add3A_1109 : i32 to index
        %get3A_1111 = arith.constant 96 : index
        %get3A_1112 = tpu.vector_load %arg10[%get3A_1110, %get3A_1111] {strides = array<i32>} : memref<768x128xf32, #tpu.memory_space<vmem>>, vector<1x16xf32>,
        %get3A_1113 = vector.shape_cast %get3A_1112 : vector<1x16xf32> to vector<16xf32>
        %mul3A_1114 = arith.mulf %get3A_718, %get3A_1113 : vector<16xf32>
        %add3A_1115 = arith.addf %add3A_1105, %mul3A_1114 : vector<16xf32>
        %mul3A_1116 = arith.constant 6 : i32
        %mul3A_1117 = arith.muli %add3A_707, %mul3A_1116 : i32
        %add3A_1118 = arith.constant 5 : i32
        %add3A_1119 = arith.addi %mul3A_1117, %add3A_1118 : i32
        %get3A_1120 = arith.index_cast %add3A_1119 : i32 to index
        %get3A_1121 = arith.constant 112 : index
        %get3A_1122 = tpu.vector_load %arg10[%get3A_1120, %get3A_1121] {strides = array<i32>} : memref<768x128xf32, #tpu.memory_space<vmem>>, vector<1x16xf32>,
        %get3A_1123 = vector.shape_cast %get3A_1122 : vector<1x16xf32> to vector<16xf32>
        %mul3A_1124 = arith.mulf %get3A_722, %get3A_1123 : vector<16xf32>
        %add3A_1125 = arith.addf %add3A_1115, %mul3A_1124 : vector<16xf32>
        %xor3A_1126 = arith.constant 8 : i32
        %xor3A_1127 = vector.broadcast %xor3A_1126 : i32 to vector<16xi32>
        %xor3A_1128 = arith.xori %iota3A, %xor3A_1127 : vector<16xi32>
        %broadcast_in_dim3A_1129 = vector.shape_cast %xor3A_1128 : vector<16xi32> to vector<16x1xi32>
        %gather3A_1130 = vector.shape_cast %broadcast_in_dim3A_1129 : vector<16x1xi32> to vector<16xi32>
        %gather3A_1131 = tpu.dynamic_gather %add3A_1125[%gather3A_1130] in [0] : vector<16xf32>, vector<16xi32> -> vector<16xf32>
        %add3A_1132 = arith.addf %add3A_1125, %gather3A_1131 : vector<16xf32>
        %xor3A_1133 = arith.constant 4 : i32
        %xor3A_1134 = vector.broadcast %xor3A_1133 : i32 to vector<16xi32>
        %xor3A_1135 = arith.xori %iota3A, %xor3A_1134 : vector<16xi32>
        %broadcast_in_dim3A_1136 = vector.shape_cast %xor3A_1135 : vector<16xi32> to vector<16x1xi32>
        %gather3A_1137 = vector.shape_cast %broadcast_in_dim3A_1136 : vector<16x1xi32> to vector<16xi32>
        %gather3A_1138 = tpu.dynamic_gather %add3A_1132[%gather3A_1137] in [0] : vector<16xf32>, vector<16xi32> -> vector<16xf32>
        %add3A_1139 = arith.addf %add3A_1132, %gather3A_1138 : vector<16xf32>
        %xor3A_1140 = arith.constant 2 : i32
        %xor3A_1141 = vector.broadcast %xor3A_1140 : i32 to vector<16xi32>
        %xor3A_1142 = arith.xori %iota3A, %xor3A_1141 : vector<16xi32>
        %broadcast_in_dim3A_1143 = vector.shape_cast %xor3A_1142 : vector<16xi32> to vector<16x1xi32>
        %gather3A_1144 = vector.shape_cast %broadcast_in_dim3A_1143 : vector<16x1xi32> to vector<16xi32>
        %gather3A_1145 = tpu.dynamic_gather %add3A_1139[%gather3A_1144] in [0] : vector<16xf32>, vector<16xi32> -> vector<16xf32>
        %add3A_1146 = arith.addf %add3A_1139, %gather3A_1145 : vector<16xf32>
        %xor3A_1147 = arith.constant 1 : i32
        %xor3A_1148 = vector.broadcast %xor3A_1147 : i32 to vector<16xi32>
        %xor3A_1149 = arith.xori %iota3A, %xor3A_1148 : vector<16xi32>
        %broadcast_in_dim3A_1150 = vector.shape_cast %xor3A_1149 : vector<16xi32> to vector<16x1xi32>
        %gather3A_1151 = vector.shape_cast %broadcast_in_dim3A_1150 : vector<16x1xi32> to vector<16xi32>
        %gather3A_1152 = tpu.dynamic_gather %add3A_1146[%gather3A_1151] in [0] : vector<16xf32>, vector<16xi32> -> vector<16xf32>
        %add3A_1153 = arith.addf %add3A_1146, %gather3A_1152 : vector<16xf32>
        %eq3A_1154 = vector.broadcast %scan3A_698 : i32 to vector<16xi32>
        %eq3A_1155 = arith.cmpi eq, %iota3A, %eq3A_1154 : vector<16xi32>
        %select_n3A_1156 = arith.select %eq3A_1155, %add3A_1153, %scan3A_704 : vector<16xi1>, vector<16xf32>
        scf.yield %select_n3A, %select_n3A_864, %select_n3A_937, %select_n3A_1010, %select_n3A_1083, %select_n3A_1156 : vector<16xf32>, vector<16xf32>, vector<16xf32>, vector<16xf32>, vector<16xf32>, vector<16xf32>
      }
      %scan3A_652 = arith.constant 16 : i32
      %mul3A_653 = arith.constant 16 : i32
      %mul3A_654 = arith.muli %scan3A_645, %mul3A_653 : i32
      %swap3A = arith.index_cast %mul3A_654 : i32 to index
      %swap3A_655 = tpu.vector_load %arg11[%swap3A] {strides = array<i32>} : memref<128xf32, #tpu.memory_space<vmem>>, vector<16xf32>,
      %swap3A_656 = vector.shape_cast %swap3A_655 : vector<16xf32> to vector<16xf32>
      %swap3A_657 = vector.shape_cast %scan3A_651#0 : vector<16xf32> to vector<16xf32>
      tpu.vector_store %arg11[%swap3A], %swap3A_657 {strides = array<i32>} : memref<128xf32, #tpu.memory_space<vmem>>, vector<16xf32>,
      %mul3A_658 = arith.constant 16 : i32
      %mul3A_659 = arith.muli %scan3A_645, %mul3A_658 : i32
      %add3A_660 = arith.constant 0 : i32
      %add3A_661 = arith.addi %add3A_660, %mul3A_659 : i32
      %swap3A_662 = arith.index_cast %add3A_661 : i32 to index
      %swap3A_663 = tpu.vector_load %arg12[%swap3A_662] {strides = array<i32>} : memref<640xf32, #tpu.memory_space<vmem>>, vector<16xf32>,
      %swap3A_664 = vector.shape_cast %swap3A_663 : vector<16xf32> to vector<16xf32>
      %swap3A_665 = vector.shape_cast %scan3A_651#1 : vector<16xf32> to vector<16xf32>
      tpu.vector_store %arg12[%swap3A_662], %swap3A_665 {strides = array<i32>} : memref<640xf32, #tpu.memory_space<vmem>>, vector<16xf32>,
      %mul3A_666 = arith.constant 16 : i32
      %mul3A_667 = arith.muli %scan3A_645, %mul3A_666 : i32
      %add3A_668 = arith.constant 128 : i32
      %add3A_669 = arith.addi %add3A_668, %mul3A_667 : i32
      %swap3A_670 = arith.index_cast %add3A_669 : i32 to index
      %swap3A_671 = tpu.vector_load %arg12[%swap3A_670] {strides = array<i32>} : memref<640xf32, #tpu.memory_space<vmem>>, vector<16xf32>,
      %swap3A_672 = vector.shape_cast %swap3A_671 : vector<16xf32> to vector<16xf32>
      %swap3A_673 = vector.shape_cast %scan3A_651#2 : vector<16xf32> to vector<16xf32>
      tpu.vector_store %arg12[%swap3A_670], %swap3A_673 {strides = array<i32>} : memref<640xf32, #tpu.memory_space<vmem>>, vector<16xf32>,
      %mul3A_674 = arith.constant 16 : i32
      %mul3A_675 = arith.muli %scan3A_645, %mul3A_674 : i32
      %add3A_676 = arith.constant 256 : i32
      %add3A_677 = arith.addi %add3A_676, %mul3A_675 : i32
      %swap3A_678 = arith.index_cast %add3A_677 : i32 to index
      %swap3A_679 = tpu.vector_load %arg12[%swap3A_678] {strides = array<i32>} : memref<640xf32, #tpu.memory_space<vmem>>, vector<16xf32>,
      %swap3A_680 = vector.shape_cast %swap3A_679 : vector<16xf32> to vector<16xf32>
      %swap3A_681 = vector.shape_cast %scan3A_651#3 : vector<16xf32> to vector<16xf32>
      tpu.vector_store %arg12[%swap3A_678], %swap3A_681 {strides = array<i32>} : memref<640xf32, #tpu.memory_space<vmem>>, vector<16xf32>,
      %mul3A_682 = arith.constant 16 : i32
      %mul3A_683 = arith.muli %scan3A_645, %mul3A_682 : i32
      %add3A_684 = arith.constant 384 : i32
      %add3A_685 = arith.addi %add3A_684, %mul3A_683 : i32
      %swap3A_686 = arith.index_cast %add3A_685 : i32 to index
      %swap3A_687 = tpu.vector_load %arg12[%swap3A_686] {strides = array<i32>} : memref<640xf32, #tpu.memory_space<vmem>>, vector<16xf32>,
      %swap3A_688 = vector.shape_cast %swap3A_687 : vector<16xf32> to vector<16xf32>
      %swap3A_689 = vector.shape_cast %scan3A_651#4 : vector<16xf32> to vector<16xf32>
      tpu.vector_store %arg12[%swap3A_686], %swap3A_689 {strides = array<i32>} : memref<640xf32, #tpu.memory_space<vmem>>, vector<16xf32>,
      %mul3A_690 = arith.constant 16 : i32
      %mul3A_691 = arith.muli %scan3A_645, %mul3A_690 : i32
      %add3A_692 = arith.constant 512 : i32
      %add3A_693 = arith.addi %add3A_692, %mul3A_691 : i32
      %swap3A_694 = arith.index_cast %add3A_693 : i32 to index
      %swap3A_695 = tpu.vector_load %arg12[%swap3A_694] {strides = array<i32>} : memref<640xf32, #tpu.memory_space<vmem>>, vector<16xf32>,
      %swap3A_696 = vector.shape_cast %swap3A_695 : vector<16xf32> to vector<16xf32>
      %swap3A_697 = vector.shape_cast %scan3A_651#5 : vector<16xf32> to vector<16xf32>
      tpu.vector_store %arg12[%swap3A_694], %swap3A_697 {strides = array<i32>} : memref<640xf32, #tpu.memory_space<vmem>>, vector<16xf32>,
    }
    %scan3A_480 = arith.constant 8 : i32
    "tpu.region"() ({
      %run_scoped3A_645 = tpu.sem_alloc : memref<!tpu.dma_semaphore, #tpu.memory_space<semaphore_mem>>
      %dma_start3A_646 = tpu.memref_slice %arg5[%add3A_340] : memref<16384xf32, #tpu.memory_space<hbm>> -> memref<128xf32, #tpu.memory_space<hbm>>
      %dma_start3A_647 = tpu.memref_slice %arg5[%add3A_340] : memref<16384xf32, #tpu.memory_space<hbm>> -> memref<128xf32, #tpu.memory_space<hbm>>
      tpu.enqueue_dma source(%arg11 : memref<128xf32, #tpu.memory_space<vmem>>) target(%dma_start3A_647 : memref<128xf32, #tpu.memory_space<hbm>>) target_semaphore(%run_scoped3A_645 : memref<!tpu.dma_semaphore, #tpu.memory_space<semaphore_mem>>)
      %dma_wait3A_648 = tpu.memref_slice %arg5[%add3A_340] : memref<16384xf32, #tpu.memory_space<hbm>> -> memref<128xf32, #tpu.memory_space<hbm>>
      %dma_wait3A_649 = tpu.memref_slice %arg5[%add3A_340] : memref<16384xf32, #tpu.memory_space<hbm>> -> memref<128xf32, #tpu.memory_space<hbm>>
      tpu.wait_dma2 semaphore(%run_scoped3A_645 : memref<!tpu.dma_semaphore, #tpu.memory_space<semaphore_mem>>) src(%arg11 : memref<128xf32, #tpu.memory_space<vmem>>) dst(%dma_wait3A_649 : memref<128xf32, #tpu.memory_space<hbm>>)
      tpu.yield
    }) : () -> ()
    %add3A_481 = arith.constant 0 : i32
    %add3A_482 = arith.addi %add3A_481, %add3A_340 : i32
    "tpu.region"() ({
      %run_scoped3A_645 = tpu.sem_alloc : memref<!tpu.dma_semaphore, #tpu.memory_space<semaphore_mem>>
      %dma_start3A_646 = arith.constant 0 : i32
      %dma_start3A_647 = tpu.memref_slice %arg12[%dma_start3A_646] : memref<640xf32, #tpu.memory_space<vmem>> -> memref<128xf32, #tpu.memory_space<vmem>>
      %dma_start3A_648 = tpu.memref_slice %arg6[%add3A_482] : memref<81920xf32, #tpu.memory_space<hbm>> -> memref<128xf32, #tpu.memory_space<hbm>>
      %dma_start3A_649 = tpu.memref_slice %arg6[%add3A_482] : memref<81920xf32, #tpu.memory_space<hbm>> -> memref<128xf32, #tpu.memory_space<hbm>>
      %dma_start3A_650 = arith.constant 0 : i32
      %dma_start3A_651 = tpu.memref_slice %arg12[%dma_start3A_650] : memref<640xf32, #tpu.memory_space<vmem>> -> memref<128xf32, #tpu.memory_space<vmem>>
      tpu.enqueue_dma source(%dma_start3A_651 : memref<128xf32, #tpu.memory_space<vmem>>) target(%dma_start3A_649 : memref<128xf32, #tpu.memory_space<hbm>>) target_semaphore(%run_scoped3A_645 : memref<!tpu.dma_semaphore, #tpu.memory_space<semaphore_mem>>)
      %dma_wait3A_652 = arith.constant 0 : i32
      %dma_wait3A_653 = tpu.memref_slice %arg12[%dma_wait3A_652] : memref<640xf32, #tpu.memory_space<vmem>> -> memref<128xf32, #tpu.memory_space<vmem>>
      %dma_wait3A_654 = tpu.memref_slice %arg6[%add3A_482] : memref<81920xf32, #tpu.memory_space<hbm>> -> memref<128xf32, #tpu.memory_space<hbm>>
      %dma_wait3A_655 = tpu.memref_slice %arg6[%add3A_482] : memref<81920xf32, #tpu.memory_space<hbm>> -> memref<128xf32, #tpu.memory_space<hbm>>
      %dma_wait3A_656 = arith.constant 0 : i32
      %dma_wait3A_657 = tpu.memref_slice %arg12[%dma_wait3A_656] : memref<640xf32, #tpu.memory_space<vmem>> -> memref<128xf32, #tpu.memory_space<vmem>>
      tpu.wait_dma2 semaphore(%run_scoped3A_645 : memref<!tpu.dma_semaphore, #tpu.memory_space<semaphore_mem>>) src(%dma_wait3A_657 : memref<128xf32, #tpu.memory_space<vmem>>) dst(%dma_wait3A_655 : memref<128xf32, #tpu.memory_space<hbm>>)
      tpu.yield
    }) : () -> ()
    %add3A_483 = arith.constant 16384 : i32
    %add3A_484 = arith.addi %add3A_483, %add3A_340 : i32
    "tpu.region"() ({
      %run_scoped3A_645 = tpu.sem_alloc : memref<!tpu.dma_semaphore, #tpu.memory_space<semaphore_mem>>
      %dma_start3A_646 = arith.constant 128 : i32
      %dma_start3A_647 = tpu.memref_slice %arg12[%dma_start3A_646] : memref<640xf32, #tpu.memory_space<vmem>> -> memref<128xf32, #tpu.memory_space<vmem>>
      %dma_start3A_648 = tpu.memref_slice %arg6[%add3A_484] : memref<81920xf32, #tpu.memory_space<hbm>> -> memref<128xf32, #tpu.memory_space<hbm>>
      %dma_start3A_649 = tpu.memref_slice %arg6[%add3A_484] : memref<81920xf32, #tpu.memory_space<hbm>> -> memref<128xf32, #tpu.memory_space<hbm>>
      %dma_start3A_650 = arith.constant 128 : i32
      %dma_start3A_651 = tpu.memref_slice %arg12[%dma_start3A_650] : memref<640xf32, #tpu.memory_space<vmem>> -> memref<128xf32, #tpu.memory_space<vmem>>
      tpu.enqueue_dma source(%dma_start3A_651 : memref<128xf32, #tpu.memory_space<vmem>>) target(%dma_start3A_649 : memref<128xf32, #tpu.memory_space<hbm>>) target_semaphore(%run_scoped3A_645 : memref<!tpu.dma_semaphore, #tpu.memory_space<semaphore_mem>>)
      %dma_wait3A_652 = arith.constant 128 : i32
      %dma_wait3A_653 = tpu.memref_slice %arg12[%dma_wait3A_652] : memref<640xf32, #tpu.memory_space<vmem>> -> memref<128xf32, #tpu.memory_space<vmem>>
      %dma_wait3A_654 = tpu.memref_slice %arg6[%add3A_484] : memref<81920xf32, #tpu.memory_space<hbm>> -> memref<128xf32, #tpu.memory_space<hbm>>
      %dma_wait3A_655 = tpu.memref_slice %arg6[%add3A_484] : memref<81920xf32, #tpu.memory_space<hbm>> -> memref<128xf32, #tpu.memory_space<hbm>>
      %dma_wait3A_656 = arith.constant 128 : i32
      %dma_wait3A_657 = tpu.memref_slice %arg12[%dma_wait3A_656] : memref<640xf32, #tpu.memory_space<vmem>> -> memref<128xf32, #tpu.memory_space<vmem>>
      tpu.wait_dma2 semaphore(%run_scoped3A_645 : memref<!tpu.dma_semaphore, #tpu.memory_space<semaphore_mem>>) src(%dma_wait3A_657 : memref<128xf32, #tpu.memory_space<vmem>>) dst(%dma_wait3A_655 : memref<128xf32, #tpu.memory_space<hbm>>)
      tpu.yield
    }) : () -> ()
    %add3A_485 = arith.constant 32768 : i32
    %add3A_486 = arith.addi %add3A_485, %add3A_340 : i32
    "tpu.region"() ({
      %run_scoped3A_645 = tpu.sem_alloc : memref<!tpu.dma_semaphore, #tpu.memory_space<semaphore_mem>>
      %dma_start3A_646 = arith.constant 256 : i32
      %dma_start3A_647 = tpu.memref_slice %arg12[%dma_start3A_646] : memref<640xf32, #tpu.memory_space<vmem>> -> memref<128xf32, #tpu.memory_space<vmem>>
      %dma_start3A_648 = tpu.memref_slice %arg6[%add3A_486] : memref<81920xf32, #tpu.memory_space<hbm>> -> memref<128xf32, #tpu.memory_space<hbm>>
      %dma_start3A_649 = tpu.memref_slice %arg6[%add3A_486] : memref<81920xf32, #tpu.memory_space<hbm>> -> memref<128xf32, #tpu.memory_space<hbm>>
      %dma_start3A_650 = arith.constant 256 : i32
      %dma_start3A_651 = tpu.memref_slice %arg12[%dma_start3A_650] : memref<640xf32, #tpu.memory_space<vmem>> -> memref<128xf32, #tpu.memory_space<vmem>>
      tpu.enqueue_dma source(%dma_start3A_651 : memref<128xf32, #tpu.memory_space<vmem>>) target(%dma_start3A_649 : memref<128xf32, #tpu.memory_space<hbm>>) target_semaphore(%run_scoped3A_645 : memref<!tpu.dma_semaphore, #tpu.memory_space<semaphore_mem>>)
      %dma_wait3A_652 = arith.constant 256 : i32
      %dma_wait3A_653 = tpu.memref_slice %arg12[%dma_wait3A_652] : memref<640xf32, #tpu.memory_space<vmem>> -> memref<128xf32, #tpu.memory_space<vmem>>
      %dma_wait3A_654 = tpu.memref_slice %arg6[%add3A_486] : memref<81920xf32, #tpu.memory_space<hbm>> -> memref<128xf32, #tpu.memory_space<hbm>>
      %dma_wait3A_655 = tpu.memref_slice %arg6[%add3A_486] : memref<81920xf32, #tpu.memory_space<hbm>> -> memref<128xf32, #tpu.memory_space<hbm>>
      %dma_wait3A_656 = arith.constant 256 : i32
      %dma_wait3A_657 = tpu.memref_slice %arg12[%dma_wait3A_656] : memref<640xf32, #tpu.memory_space<vmem>> -> memref<128xf32, #tpu.memory_space<vmem>>
      tpu.wait_dma2 semaphore(%run_scoped3A_645 : memref<!tpu.dma_semaphore, #tpu.memory_space<semaphore_mem>>) src(%dma_wait3A_657 : memref<128xf32, #tpu.memory_space<vmem>>) dst(%dma_wait3A_655 : memref<128xf32, #tpu.memory_space<hbm>>)
      tpu.yield
    }) : () -> ()
    %add3A_487 = arith.constant 49152 : i32
    %add3A_488 = arith.addi %add3A_487, %add3A_340 : i32
    "tpu.region"() ({
      %run_scoped3A_645 = tpu.sem_alloc : memref<!tpu.dma_semaphore, #tpu.memory_space<semaphore_mem>>
      %dma_start3A_646 = arith.constant 384 : i32
      %dma_start3A_647 = tpu.memref_slice %arg12[%dma_start3A_646] : memref<640xf32, #tpu.memory_space<vmem>> -> memref<128xf32, #tpu.memory_space<vmem>>
      %dma_start3A_648 = tpu.memref_slice %arg6[%add3A_488] : memref<81920xf32, #tpu.memory_space<hbm>> -> memref<128xf32, #tpu.memory_space<hbm>>
      %dma_start3A_649 = tpu.memref_slice %arg6[%add3A_488] : memref<81920xf32, #tpu.memory_space<hbm>> -> memref<128xf32, #tpu.memory_space<hbm>>
      %dma_start3A_650 = arith.constant 384 : i32
      %dma_start3A_651 = tpu.memref_slice %arg12[%dma_start3A_650] : memref<640xf32, #tpu.memory_space<vmem>> -> memref<128xf32, #tpu.memory_space<vmem>>
      tpu.enqueue_dma source(%dma_start3A_651 : memref<128xf32, #tpu.memory_space<vmem>>) target(%dma_start3A_649 : memref<128xf32, #tpu.memory_space<hbm>>) target_semaphore(%run_scoped3A_645 : memref<!tpu.dma_semaphore, #tpu.memory_space<semaphore_mem>>)
      %dma_wait3A_652 = arith.constant 384 : i32
      %dma_wait3A_653 = tpu.memref_slice %arg12[%dma_wait3A_652] : memref<640xf32, #tpu.memory_space<vmem>> -> memref<128xf32, #tpu.memory_space<vmem>>
      %dma_wait3A_654 = tpu.memref_slice %arg6[%add3A_488] : memref<81920xf32, #tpu.memory_space<hbm>> -> memref<128xf32, #tpu.memory_space<hbm>>
      %dma_wait3A_655 = tpu.memref_slice %arg6[%add3A_488] : memref<81920xf32, #tpu.memory_space<hbm>> -> memref<128xf32, #tpu.memory_space<hbm>>
      %dma_wait3A_656 = arith.constant 384 : i32
      %dma_wait3A_657 = tpu.memref_slice %arg12[%dma_wait3A_656] : memref<640xf32, #tpu.memory_space<vmem>> -> memref<128xf32, #tpu.memory_space<vmem>>
      tpu.wait_dma2 semaphore(%run_scoped3A_645 : memref<!tpu.dma_semaphore, #tpu.memory_space<semaphore_mem>>) src(%dma_wait3A_657 : memref<128xf32, #tpu.memory_space<vmem>>) dst(%dma_wait3A_655 : memref<128xf32, #tpu.memory_space<hbm>>)
      tpu.yield
    }) : () -> ()
    %add3A_489 = arith.constant 65536 : i32
    %add3A_490 = arith.addi %add3A_489, %add3A_340 : i32
    "tpu.region"() ({
      %run_scoped3A_645 = tpu.sem_alloc : memref<!tpu.dma_semaphore, #tpu.memory_space<semaphore_mem>>
      %dma_start3A_646 = arith.constant 512 : i32
      %dma_start3A_647 = tpu.memref_slice %arg12[%dma_start3A_646] : memref<640xf32, #tpu.memory_space<vmem>> -> memref<128xf32, #tpu.memory_space<vmem>>
      %dma_start3A_648 = tpu.memref_slice %arg6[%add3A_490] : memref<81920xf32, #tpu.memory_space<hbm>> -> memref<128xf32, #tpu.memory_space<hbm>>
      %dma_start3A_649 = tpu.memref_slice %arg6[%add3A_490] : memref<81920xf32, #tpu.memory_space<hbm>> -> memref<128xf32, #tpu.memory_space<hbm>>
      %dma_start3A_650 = arith.constant 512 : i32
      %dma_start3A_651 = tpu.memref_slice %arg12[%dma_start3A_650] : memref<640xf32, #tpu.memory_space<vmem>> -> memref<128xf32, #tpu.memory_space<vmem>>
      tpu.enqueue_dma source(%dma_start3A_651 : memref<128xf32, #tpu.memory_space<vmem>>) target(%dma_start3A_649 : memref<128xf32, #tpu.memory_space<hbm>>) target_semaphore(%run_scoped3A_645 : memref<!tpu.dma_semaphore, #tpu.memory_space<semaphore_mem>>)
      %dma_wait3A_652 = arith.constant 512 : i32
      %dma_wait3A_653 = tpu.memref_slice %arg12[%dma_wait3A_652] : memref<640xf32, #tpu.memory_space<vmem>> -> memref<128xf32, #tpu.memory_space<vmem>>
      %dma_wait3A_654 = tpu.memref_slice %arg6[%add3A_490] : memref<81920xf32, #tpu.memory_space<hbm>> -> memref<128xf32, #tpu.memory_space<hbm>>
      %dma_wait3A_655 = tpu.memref_slice %arg6[%add3A_490] : memref<81920xf32, #tpu.memory_space<hbm>> -> memref<128xf32, #tpu.memory_space<hbm>>
      %dma_wait3A_656 = arith.constant 512 : i32
      %dma_wait3A_657 = tpu.memref_slice %arg12[%dma_wait3A_656] : memref<640xf32, #tpu.memory_space<vmem>> -> memref<128xf32, #tpu.memory_space<vmem>>
      tpu.wait_dma2 semaphore(%run_scoped3A_645 : memref<!tpu.dma_semaphore, #tpu.memory_space<semaphore_mem>>) src(%dma_wait3A_657 : memref<128xf32, #tpu.memory_space<vmem>>) dst(%dma_wait3A_655 : memref<128xf32, #tpu.memory_space<hbm>>)
      tpu.yield
    }) : () -> ()
    %mul3A_491 = arith.constant 512 : i32
    %mul3A_492 = arith.muli %add3A, %mul3A_491 : i32
    %add3A_493 = arith.constant 384 : i32
    %add3A_494 = arith.addi %mul3A_492, %add3A_493 : i32
    %dma_start3A_495 = arith.constant 3 : i32
    %dma_start3A_496 = arith.constant 0 : i32
    %dma_start3A_497 = tpu.memref_slice %arg7[%dma_start3A_495, %dma_start3A_496] : memref<4x128xi32, #tpu.memory_space<vmem>> -> memref<1x128xi32, #tpu.memory_space<vmem>>
    %dma_start3A_498 = tpu.memref_squeeze %dma_start3A_497 : memref<1x128xi32, #tpu.memory_space<vmem>> -> memref<128xi32, #tpu.memory_space<vmem>>
    %dma_start3A_499 = arith.constant 0 : i32
    %dma_start3A_500 = arith.constant 0 : i32
    %dma_start3A_501 = tpu.memref_slice %arg2[%dma_start3A_499, %dma_start3A_500] : memref<1000000x128xf32, #tpu.memory_space<hbm>> -> memref<1000000x128xf32, #tpu.memory_space<hbm>>
    tpu.enqueue_indirect_dma source(%dma_start3A_501 : memref<1000000x128xf32, #tpu.memory_space<hbm>>) target(%arg9 : memref<128x128xf32, #tpu.memory_space<vmem>>) offsets(%dma_start3A_498 : memref<128xi32, #tpu.memory_space<vmem>>) semaphore(%arg13 : memref<!tpu.dma_semaphore, #tpu.memory_space<semaphore_mem>>)
    %dma_start3A_502 = arith.constant 18 : i32
    %dma_start3A_503 = arith.constant 0 : i32
    %dma_start3A_504 = arith.constant 0 : i32
    %dma_start3A_505 = tpu.memref_slice %arg10[%dma_start3A_503, %dma_start3A_504] : memref<768x128xf32, #tpu.memory_space<vmem>> -> memref<128x128xf32, #tpu.memory_space<vmem>>
    %dma_start3A_506 = arith.constant 0 : i32
    %dma_start3A_507 = tpu.memref_slice %arg8[%dma_start3A_502, %dma_start3A_506] : memref<24x128xi32, #tpu.memory_space<vmem>> -> memref<1x128xi32, #tpu.memory_space<vmem>>
    %dma_start3A_508 = tpu.memref_squeeze %dma_start3A_507 : memref<1x128xi32, #tpu.memory_space<vmem>> -> memref<128xi32, #tpu.memory_space<vmem>>
    %dma_start3A_509 = arith.constant 0 : i32
    %dma_start3A_510 = arith.constant 0 : i32
    %dma_start3A_511 = tpu.memref_slice %arg2[%dma_start3A_509, %dma_start3A_510] : memref<1000000x128xf32, #tpu.memory_space<hbm>> -> memref<1000000x128xf32, #tpu.memory_space<hbm>>
    tpu.enqueue_indirect_dma source(%dma_start3A_511 : memref<1000000x128xf32, #tpu.memory_space<hbm>>) target(%dma_start3A_505 : memref<128x128xf32, #tpu.memory_space<vmem>>) offsets(%dma_start3A_508 : memref<128xi32, #tpu.memory_space<vmem>>) semaphore(%arg13 : memref<!tpu.dma_semaphore, #tpu.memory_space<semaphore_mem>>)
    %dma_start3A_512 = arith.constant 19 : i32
    %dma_start3A_513 = arith.constant 128 : i32
    %dma_start3A_514 = arith.constant 0 : i32
    %dma_start3A_515 = tpu.memref_slice %arg10[%dma_start3A_513, %dma_start3A_514] : memref<768x128xf32, #tpu.memory_space<vmem>> -> memref<128x128xf32, #tpu.memory_space<vmem>>
    %dma_start3A_516 = arith.constant 0 : i32
    %dma_start3A_517 = tpu.memref_slice %arg8[%dma_start3A_512, %dma_start3A_516] : memref<24x128xi32, #tpu.memory_space<vmem>> -> memref<1x128xi32, #tpu.memory_space<vmem>>
    %dma_start3A_518 = tpu.memref_squeeze %dma_start3A_517 : memref<1x128xi32, #tpu.memory_space<vmem>> -> memref<128xi32, #tpu.memory_space<vmem>>
    %dma_start3A_519 = arith.constant 0 : i32
    %dma_start3A_520 = arith.constant 0 : i32
    %dma_start3A_521 = tpu.memref_slice %arg2[%dma_start3A_519, %dma_start3A_520] : memref<1000000x128xf32, #tpu.memory_space<hbm>> -> memref<1000000x128xf32, #tpu.memory_space<hbm>>
    tpu.enqueue_indirect_dma source(%dma_start3A_521 : memref<1000000x128xf32, #tpu.memory_space<hbm>>) target(%dma_start3A_515 : memref<128x128xf32, #tpu.memory_space<vmem>>) offsets(%dma_start3A_518 : memref<128xi32, #tpu.memory_space<vmem>>) semaphore(%arg13 : memref<!tpu.dma_semaphore, #tpu.memory_space<semaphore_mem>>)
    %dma_start3A_522 = arith.constant 20 : i32
    %dma_start3A_523 = arith.constant 256 : i32
    %dma_start3A_524 = arith.constant 0 : i32
    %dma_start3A_525 = tpu.memref_slice %arg10[%dma_start3A_523, %dma_start3A_524] : memref<768x128xf32, #tpu.memory_space<vmem>> -> memref<128x128xf32, #tpu.memory_space<vmem>>
    %dma_start3A_526 = arith.constant 0 : i32
    %dma_start3A_527 = tpu.memref_slice %arg8[%dma_start3A_522, %dma_start3A_526] : memref<24x128xi32, #tpu.memory_space<vmem>> -> memref<1x128xi32, #tpu.memory_space<vmem>>
    %dma_start3A_528 = tpu.memref_squeeze %dma_start3A_527 : memref<1x128xi32, #tpu.memory_space<vmem>> -> memref<128xi32, #tpu.memory_space<vmem>>
    %dma_start3A_529 = arith.constant 0 : i32
    %dma_start3A_530 = arith.constant 0 : i32
    %dma_start3A_531 = tpu.memref_slice %arg2[%dma_start3A_529, %dma_start3A_530] : memref<1000000x128xf32, #tpu.memory_space<hbm>> -> memref<1000000x128xf32, #tpu.memory_space<hbm>>
    tpu.enqueue_indirect_dma source(%dma_start3A_531 : memref<1000000x128xf32, #tpu.memory_space<hbm>>) target(%dma_start3A_525 : memref<128x128xf32, #tpu.memory_space<vmem>>) offsets(%dma_start3A_528 : memref<128xi32, #tpu.memory_space<vmem>>) semaphore(%arg13 : memref<!tpu.dma_semaphore, #tpu.memory_space<semaphore_mem>>)
    %dma_start3A_532 = arith.constant 21 : i32
    %dma_start3A_533 = arith.constant 384 : i32
    %dma_start3A_534 = arith.constant 0 : i32
    %dma_start3A_535 = tpu.memref_slice %arg10[%dma_start3A_533, %dma_start3A_534] : memref<768x128xf32, #tpu.memory_space<vmem>> -> memref<128x128xf32, #tpu.memory_space<vmem>>
    %dma_start3A_536 = arith.constant 0 : i32
    %dma_start3A_537 = tpu.memref_slice %arg8[%dma_start3A_532, %dma_start3A_536] : memref<24x128xi32, #tpu.memory_space<vmem>> -> memref<1x128xi32, #tpu.memory_space<vmem>>
    %dma_start3A_538 = tpu.memref_squeeze %dma_start3A_537 : memref<1x128xi32, #tpu.memory_space<vmem>> -> memref<128xi32, #tpu.memory_space<vmem>>
    %dma_start3A_539 = arith.constant 0 : i32
    %dma_start3A_540 = arith.constant 0 : i32
    %dma_start3A_541 = tpu.memref_slice %arg2[%dma_start3A_539, %dma_start3A_540] : memref<1000000x128xf32, #tpu.memory_space<hbm>> -> memref<1000000x128xf32, #tpu.memory_space<hbm>>
    tpu.enqueue_indirect_dma source(%dma_start3A_541 : memref<1000000x128xf32, #tpu.memory_space<hbm>>) target(%dma_start3A_535 : memref<128x128xf32, #tpu.memory_space<vmem>>) offsets(%dma_start3A_538 : memref<128xi32, #tpu.memory_space<vmem>>) semaphore(%arg13 : memref<!tpu.dma_semaphore, #tpu.memory_space<semaphore_mem>>)
    %dma_start3A_542 = arith.constant 22 : i32
    %dma_start3A_543 = arith.constant 512 : i32
    %dma_start3A_544 = arith.constant 0 : i32
    %dma_start3A_545 = tpu.memref_slice %arg10[%dma_start3A_543, %dma_start3A_544] : memref<768x128xf32, #tpu.memory_space<vmem>> -> memref<128x128xf32, #tpu.memory_space<vmem>>
    %dma_start3A_546 = arith.constant 0 : i32
    %dma_start3A_547 = tpu.memref_slice %arg8[%dma_start3A_542, %dma_start3A_546] : memref<24x128xi32, #tpu.memory_space<vmem>> -> memref<1x128xi32, #tpu.memory_space<vmem>>
    %dma_start3A_548 = tpu.memref_squeeze %dma_start3A_547 : memref<1x128xi32, #tpu.memory_space<vmem>> -> memref<128xi32, #tpu.memory_space<vmem>>
    %dma_start3A_549 = arith.constant 0 : i32
    %dma_start3A_550 = arith.constant 0 : i32
    %dma_start3A_551 = tpu.memref_slice %arg2[%dma_start3A_549, %dma_start3A_550] : memref<1000000x128xf32, #tpu.memory_space<hbm>> -> memref<1000000x128xf32, #tpu.memory_space<hbm>>
    tpu.enqueue_indirect_dma source(%dma_start3A_551 : memref<1000000x128xf32, #tpu.memory_space<hbm>>) target(%dma_start3A_545 : memref<128x128xf32, #tpu.memory_space<vmem>>) offsets(%dma_start3A_548 : memref<128xi32, #tpu.memory_space<vmem>>) semaphore(%arg13 : memref<!tpu.dma_semaphore, #tpu.memory_space<semaphore_mem>>)
    %dma_start3A_552 = arith.constant 23 : i32
    %dma_start3A_553 = arith.constant 640 : i32
    %dma_start3A_554 = arith.constant 0 : i32
    %dma_start3A_555 = tpu.memref_slice %arg10[%dma_start3A_553, %dma_start3A_554] : memref<768x128xf32, #tpu.memory_space<vmem>> -> memref<128x128xf32, #tpu.memory_space<vmem>>
    %dma_start3A_556 = arith.constant 0 : i32
    %dma_start3A_557 = tpu.memref_slice %arg8[%dma_start3A_552, %dma_start3A_556] : memref<24x128xi32, #tpu.memory_space<vmem>> -> memref<1x128xi32, #tpu.memory_space<vmem>>
    %dma_start3A_558 = tpu.memref_squeeze %dma_start3A_557 : memref<1x128xi32, #tpu.memory_space<vmem>> -> memref<128xi32, #tpu.memory_space<vmem>>
    %dma_start3A_559 = arith.constant 0 : i32
    %dma_start3A_560 = arith.constant 0 : i32
    %dma_start3A_561 = tpu.memref_slice %arg2[%dma_start3A_559, %dma_start3A_560] : memref<1000000x128xf32, #tpu.memory_space<hbm>> -> memref<1000000x128xf32, #tpu.memory_space<hbm>>
    tpu.enqueue_indirect_dma source(%dma_start3A_561 : memref<1000000x128xf32, #tpu.memory_space<hbm>>) target(%dma_start3A_555 : memref<128x128xf32, #tpu.memory_space<vmem>>) offsets(%dma_start3A_558 : memref<128xi32, #tpu.memory_space<vmem>>) semaphore(%arg13 : memref<!tpu.dma_semaphore, #tpu.memory_space<semaphore_mem>>)
    %dma_wait3A_562 = arith.constant 3 : i32
    %dma_wait3A_563 = arith.constant 0 : i32
    %dma_wait3A_564 = tpu.memref_slice %arg7[%dma_wait3A_562, %dma_wait3A_563] : memref<4x128xi32, #tpu.memory_space<vmem>> -> memref<1x128xi32, #tpu.memory_space<vmem>>
    %dma_wait3A_565 = tpu.memref_squeeze %dma_wait3A_564 : memref<1x128xi32, #tpu.memory_space<vmem>> -> memref<128xi32, #tpu.memory_space<vmem>>
    %dma_wait3A_566 = arith.constant 0 : i32
    %dma_wait3A_567 = arith.constant 0 : i32
    %dma_wait3A_568 = tpu.memref_slice %arg2[%dma_wait3A_566, %dma_wait3A_567] : memref<1000000x128xf32, #tpu.memory_space<hbm>> -> memref<1000000x128xf32, #tpu.memory_space<hbm>>
    tpu.wait_indirect_dma semaphore(%arg13 : memref<!tpu.dma_semaphore, #tpu.memory_space<semaphore_mem>>) src(%dma_wait3A_568 : memref<1000000x128xf32, #tpu.memory_space<hbm>>) dst(%arg9 : memref<128x128xf32, #tpu.memory_space<vmem>>)
    %dma_wait3A_569 = arith.constant 18 : i32
    %dma_wait3A_570 = arith.constant 0 : i32
    %dma_wait3A_571 = arith.constant 0 : i32
    %dma_wait3A_572 = tpu.memref_slice %arg10[%dma_wait3A_570, %dma_wait3A_571] : memref<768x128xf32, #tpu.memory_space<vmem>> -> memref<128x128xf32, #tpu.memory_space<vmem>>
    %dma_wait3A_573 = arith.constant 0 : i32
    %dma_wait3A_574 = tpu.memref_slice %arg8[%dma_wait3A_569, %dma_wait3A_573] : memref<24x128xi32, #tpu.memory_space<vmem>> -> memref<1x128xi32, #tpu.memory_space<vmem>>
    %dma_wait3A_575 = tpu.memref_squeeze %dma_wait3A_574 : memref<1x128xi32, #tpu.memory_space<vmem>> -> memref<128xi32, #tpu.memory_space<vmem>>
    %dma_wait3A_576 = arith.constant 0 : i32
    %dma_wait3A_577 = arith.constant 0 : i32
    %dma_wait3A_578 = tpu.memref_slice %arg2[%dma_wait3A_576, %dma_wait3A_577] : memref<1000000x128xf32, #tpu.memory_space<hbm>> -> memref<1000000x128xf32, #tpu.memory_space<hbm>>
    tpu.wait_indirect_dma semaphore(%arg13 : memref<!tpu.dma_semaphore, #tpu.memory_space<semaphore_mem>>) src(%dma_wait3A_578 : memref<1000000x128xf32, #tpu.memory_space<hbm>>) dst(%dma_wait3A_572 : memref<128x128xf32, #tpu.memory_space<vmem>>)
    %dma_wait3A_579 = arith.constant 19 : i32
    %dma_wait3A_580 = arith.constant 128 : i32
    %dma_wait3A_581 = arith.constant 0 : i32
    %dma_wait3A_582 = tpu.memref_slice %arg10[%dma_wait3A_580, %dma_wait3A_581] : memref<768x128xf32, #tpu.memory_space<vmem>> -> memref<128x128xf32, #tpu.memory_space<vmem>>
    %dma_wait3A_583 = arith.constant 0 : i32
    %dma_wait3A_584 = tpu.memref_slice %arg8[%dma_wait3A_579, %dma_wait3A_583] : memref<24x128xi32, #tpu.memory_space<vmem>> -> memref<1x128xi32, #tpu.memory_space<vmem>>
    %dma_wait3A_585 = tpu.memref_squeeze %dma_wait3A_584 : memref<1x128xi32, #tpu.memory_space<vmem>> -> memref<128xi32, #tpu.memory_space<vmem>>
    %dma_wait3A_586 = arith.constant 0 : i32
    %dma_wait3A_587 = arith.constant 0 : i32
    %dma_wait3A_588 = tpu.memref_slice %arg2[%dma_wait3A_586, %dma_wait3A_587] : memref<1000000x128xf32, #tpu.memory_space<hbm>> -> memref<1000000x128xf32, #tpu.memory_space<hbm>>
    tpu.wait_indirect_dma semaphore(%arg13 : memref<!tpu.dma_semaphore, #tpu.memory_space<semaphore_mem>>) src(%dma_wait3A_588 : memref<1000000x128xf32, #tpu.memory_space<hbm>>) dst(%dma_wait3A_582 : memref<128x128xf32, #tpu.memory_space<vmem>>)
    %dma_wait3A_589 = arith.constant 20 : i32
    %dma_wait3A_590 = arith.constant 256 : i32
    %dma_wait3A_591 = arith.constant 0 : i32
    %dma_wait3A_592 = tpu.memref_slice %arg10[%dma_wait3A_590, %dma_wait3A_591] : memref<768x128xf32, #tpu.memory_space<vmem>> -> memref<128x128xf32, #tpu.memory_space<vmem>>
    %dma_wait3A_593 = arith.constant 0 : i32
    %dma_wait3A_594 = tpu.memref_slice %arg8[%dma_wait3A_589, %dma_wait3A_593] : memref<24x128xi32, #tpu.memory_space<vmem>> -> memref<1x128xi32, #tpu.memory_space<vmem>>
    %dma_wait3A_595 = tpu.memref_squeeze %dma_wait3A_594 : memref<1x128xi32, #tpu.memory_space<vmem>> -> memref<128xi32, #tpu.memory_space<vmem>>
    %dma_wait3A_596 = arith.constant 0 : i32
    %dma_wait3A_597 = arith.constant 0 : i32
    %dma_wait3A_598 = tpu.memref_slice %arg2[%dma_wait3A_596, %dma_wait3A_597] : memref<1000000x128xf32, #tpu.memory_space<hbm>> -> memref<1000000x128xf32, #tpu.memory_space<hbm>>
    tpu.wait_indirect_dma semaphore(%arg13 : memref<!tpu.dma_semaphore, #tpu.memory_space<semaphore_mem>>) src(%dma_wait3A_598 : memref<1000000x128xf32, #tpu.memory_space<hbm>>) dst(%dma_wait3A_592 : memref<128x128xf32, #tpu.memory_space<vmem>>)
    %dma_wait3A_599 = arith.constant 21 : i32
    %dma_wait3A_600 = arith.constant 384 : i32
    %dma_wait3A_601 = arith.constant 0 : i32
    %dma_wait3A_602 = tpu.memref_slice %arg10[%dma_wait3A_600, %dma_wait3A_601] : memref<768x128xf32, #tpu.memory_space<vmem>> -> memref<128x128xf32, #tpu.memory_space<vmem>>
    %dma_wait3A_603 = arith.constant 0 : i32
    %dma_wait3A_604 = tpu.memref_slice %arg8[%dma_wait3A_599, %dma_wait3A_603] : memref<24x128xi32, #tpu.memory_space<vmem>> -> memref<1x128xi32, #tpu.memory_space<vmem>>
    %dma_wait3A_605 = tpu.memref_squeeze %dma_wait3A_604 : memref<1x128xi32, #tpu.memory_space<vmem>> -> memref<128xi32, #tpu.memory_space<vmem>>
    %dma_wait3A_606 = arith.constant 0 : i32
    %dma_wait3A_607 = arith.constant 0 : i32
    %dma_wait3A_608 = tpu.memref_slice %arg2[%dma_wait3A_606, %dma_wait3A_607] : memref<1000000x128xf32, #tpu.memory_space<hbm>> -> memref<1000000x128xf32, #tpu.memory_space<hbm>>
    tpu.wait_indirect_dma semaphore(%arg13 : memref<!tpu.dma_semaphore, #tpu.memory_space<semaphore_mem>>) src(%dma_wait3A_608 : memref<1000000x128xf32, #tpu.memory_space<hbm>>) dst(%dma_wait3A_602 : memref<128x128xf32, #tpu.memory_space<vmem>>)
    %dma_wait3A_609 = arith.constant 22 : i32
    %dma_wait3A_610 = arith.constant 512 : i32
    %dma_wait3A_611 = arith.constant 0 : i32
    %dma_wait3A_612 = tpu.memref_slice %arg10[%dma_wait3A_610, %dma_wait3A_611] : memref<768x128xf32, #tpu.memory_space<vmem>> -> memref<128x128xf32, #tpu.memory_space<vmem>>
    %dma_wait3A_613 = arith.constant 0 : i32
    %dma_wait3A_614 = tpu.memref_slice %arg8[%dma_wait3A_609, %dma_wait3A_613] : memref<24x128xi32, #tpu.memory_space<vmem>> -> memref<1x128xi32, #tpu.memory_space<vmem>>
    %dma_wait3A_615 = tpu.memref_squeeze %dma_wait3A_614 : memref<1x128xi32, #tpu.memory_space<vmem>> -> memref<128xi32, #tpu.memory_space<vmem>>
    %dma_wait3A_616 = arith.constant 0 : i32
    %dma_wait3A_617 = arith.constant 0 : i32
    %dma_wait3A_618 = tpu.memref_slice %arg2[%dma_wait3A_616, %dma_wait3A_617] : memref<1000000x128xf32, #tpu.memory_space<hbm>> -> memref<1000000x128xf32, #tpu.memory_space<hbm>>
    tpu.wait_indirect_dma semaphore(%arg13 : memref<!tpu.dma_semaphore, #tpu.memory_space<semaphore_mem>>) src(%dma_wait3A_618 : memref<1000000x128xf32, #tpu.memory_space<hbm>>) dst(%dma_wait3A_612 : memref<128x128xf32, #tpu.memory_space<vmem>>)
    %dma_wait3A_619 = arith.constant 23 : i32
    %dma_wait3A_620 = arith.constant 640 : i32
    %dma_wait3A_621 = arith.constant 0 : i32
    %dma_wait3A_622 = tpu.memref_slice %arg10[%dma_wait3A_620, %dma_wait3A_621] : memref<768x128xf32, #tpu.memory_space<vmem>> -> memref<128x128xf32, #tpu.memory_space<vmem>>
    %dma_wait3A_623 = arith.constant 0 : i32
    %dma_wait3A_624 = tpu.memref_slice %arg8[%dma_wait3A_619, %dma_wait3A_623] : memref<24x128xi32, #tpu.memory_space<vmem>> -> memref<1x128xi32, #tpu.memory_space<vmem>>
    %dma_wait3A_625 = tpu.memref_squeeze %dma_wait3A_624 : memref<1x128xi32, #tpu.memory_space<vmem>> -> memref<128xi32, #tpu.memory_space<vmem>>
    %dma_wait3A_626 = arith.constant 0 : i32
    %dma_wait3A_627 = arith.constant 0 : i32
    %dma_wait3A_628 = tpu.memref_slice %arg2[%dma_wait3A_626, %dma_wait3A_627] : memref<1000000x128xf32, #tpu.memory_space<hbm>> -> memref<1000000x128xf32, #tpu.memory_space<hbm>>
    tpu.wait_indirect_dma semaphore(%arg13 : memref<!tpu.dma_semaphore, #tpu.memory_space<semaphore_mem>>) src(%dma_wait3A_628 : memref<1000000x128xf32, #tpu.memory_space<hbm>>) dst(%dma_wait3A_622 : memref<128x128xf32, #tpu.memory_space<vmem>>)
    %scan3A_629 = arith.constant 0 : i32
    %scan3A_630 = arith.constant 0 : i32
    %scan3A_631 = arith.constant 8 : i32
    %scan3A_632 = arith.addi %scan3A_630, %scan3A_631 : i32
    %scan3A_633 = arith.constant 1 : i32
    scf.for %scan3A_645 = %scan3A_630 to %scan3A_632 step %scan3A_633  : i32 {
      %broadcast_in_dim3A = arith.constant 0.000000e+00 : f32
      %broadcast_in_dim3A_646 = vector.broadcast %broadcast_in_dim3A : f32 to vector<16xf32>
      %scan3A_647 = arith.constant 0 : i32
      %scan3A_648 = arith.constant 16 : i32
      %scan3A_649 = arith.addi %scan3A_647, %scan3A_648 : i32
      %scan3A_650 = arith.constant 1 : i32
      %scan3A_651:6 = scf.for %scan3A_698 = %scan3A_647 to %scan3A_649 step %scan3A_650 iter_args(%scan3A_699 = %broadcast_in_dim3A_646, %scan3A_700 = %broadcast_in_dim3A_646, %scan3A_701 = %broadcast_in_dim3A_646, %scan3A_702 = %broadcast_in_dim3A_646, %scan3A_703 = %broadcast_in_dim3A_646, %scan3A_704 = %broadcast_in_dim3A_646) -> (vector<16xf32>, vector<16xf32>, vector<16xf32>, vector<16xf32>, vector<16xf32>, vector<16xf32>)  : i32 {
        %mul3A_705 = arith.constant 16 : i32
        %mul3A_706 = arith.muli %scan3A_645, %mul3A_705 : i32
        %add3A_707 = arith.addi %mul3A_706, %scan3A_698 : i32
        %get3A = arith.index_cast %add3A_707 : i32 to index
        %get3A_708 = arith.constant 0 : index
        %get3A_709 = tpu.vector_load %arg9[%get3A, %get3A_708] {strides = array<i32>} : memref<128x128xf32, #tpu.memory_space<vmem>>, vector<1x16xf32>,
        %get3A_710 = vector.shape_cast %get3A_709 : vector<1x16xf32> to vector<16xf32>
        %get3A_711 = arith.index_cast %add3A_707 : i32 to index
        %get3A_712 = arith.constant 16 : index
        %get3A_713 = tpu.vector_load %arg9[%get3A_711, %get3A_712] {strides = array<i32>} : memref<128x128xf32, #tpu.memory_space<vmem>>, vector<1x16xf32>,
        %get3A_714 = vector.shape_cast %get3A_713 : vector<1x16xf32> to vector<16xf32>
        %get3A_715 = arith.index_cast %add3A_707 : i32 to index
        %get3A_716 = arith.constant 32 : index
        %get3A_717 = tpu.vector_load %arg9[%get3A_715, %get3A_716] {strides = array<i32>} : memref<128x128xf32, #tpu.memory_space<vmem>>, vector<1x16xf32>,
        %get3A_718 = vector.shape_cast %get3A_717 : vector<1x16xf32> to vector<16xf32>
        %get3A_719 = arith.index_cast %add3A_707 : i32 to index
        %get3A_720 = arith.constant 48 : index
        %get3A_721 = tpu.vector_load %arg9[%get3A_719, %get3A_720] {strides = array<i32>} : memref<128x128xf32, #tpu.memory_space<vmem>>, vector<1x16xf32>,
        %get3A_722 = vector.shape_cast %get3A_721 : vector<1x16xf32> to vector<16xf32>
        %broadcast_in_dim3A_723 = arith.constant 0.000000e+00 : f32
        %broadcast_in_dim3A_724 = vector.broadcast %broadcast_in_dim3A_723 : f32 to vector<16xf32>
        %mul3A_725 = arith.constant 6 : i32
        %mul3A_726 = arith.muli %add3A_707, %mul3A_725 : i32
        %add3A_727 = arith.constant 0 : i32
        %add3A_728 = arith.addi %mul3A_726, %add3A_727 : i32
        %get3A_729 = arith.index_cast %add3A_728 : i32 to index
        %get3A_730 = arith.constant 64 : index
        %get3A_731 = tpu.vector_load %arg10[%get3A_729, %get3A_730] {strides = array<i32>} : memref<768x128xf32, #tpu.memory_space<vmem>>, vector<1x16xf32>,
        %get3A_732 = vector.shape_cast %get3A_731 : vector<1x16xf32> to vector<16xf32>
        %mul3A_733 = arith.mulf %get3A_710, %get3A_732 : vector<16xf32>
        %add3A_734 = arith.addf %broadcast_in_dim3A_724, %mul3A_733 : vector<16xf32>
        %mul3A_735 = arith.constant 6 : i32
        %mul3A_736 = arith.muli %add3A_707, %mul3A_735 : i32
        %add3A_737 = arith.constant 0 : i32
        %add3A_738 = arith.addi %mul3A_736, %add3A_737 : i32
        %get3A_739 = arith.index_cast %add3A_738 : i32 to index
        %get3A_740 = arith.constant 80 : index
        %get3A_741 = tpu.vector_load %arg10[%get3A_739, %get3A_740] {strides = array<i32>} : memref<768x128xf32, #tpu.memory_space<vmem>>, vector<1x16xf32>,
        %get3A_742 = vector.shape_cast %get3A_741 : vector<1x16xf32> to vector<16xf32>
        %mul3A_743 = arith.mulf %get3A_714, %get3A_742 : vector<16xf32>
        %add3A_744 = arith.addf %add3A_734, %mul3A_743 : vector<16xf32>
        %mul3A_745 = arith.constant 6 : i32
        %mul3A_746 = arith.muli %add3A_707, %mul3A_745 : i32
        %add3A_747 = arith.constant 0 : i32
        %add3A_748 = arith.addi %mul3A_746, %add3A_747 : i32
        %get3A_749 = arith.index_cast %add3A_748 : i32 to index
        %get3A_750 = arith.constant 96 : index
        %get3A_751 = tpu.vector_load %arg10[%get3A_749, %get3A_750] {strides = array<i32>} : memref<768x128xf32, #tpu.memory_space<vmem>>, vector<1x16xf32>,
        %get3A_752 = vector.shape_cast %get3A_751 : vector<1x16xf32> to vector<16xf32>
        %mul3A_753 = arith.mulf %get3A_718, %get3A_752 : vector<16xf32>
        %add3A_754 = arith.addf %add3A_744, %mul3A_753 : vector<16xf32>
        %mul3A_755 = arith.constant 6 : i32
        %mul3A_756 = arith.muli %add3A_707, %mul3A_755 : i32
        %add3A_757 = arith.constant 0 : i32
        %add3A_758 = arith.addi %mul3A_756, %add3A_757 : i32
        %get3A_759 = arith.index_cast %add3A_758 : i32 to index
        %get3A_760 = arith.constant 112 : index
        %get3A_761 = tpu.vector_load %arg10[%get3A_759, %get3A_760] {strides = array<i32>} : memref<768x128xf32, #tpu.memory_space<vmem>>, vector<1x16xf32>,
        %get3A_762 = vector.shape_cast %get3A_761 : vector<1x16xf32> to vector<16xf32>
        %mul3A_763 = arith.mulf %get3A_722, %get3A_762 : vector<16xf32>
        %add3A_764 = arith.addf %add3A_754, %mul3A_763 : vector<16xf32>
        %xor3A = arith.constant 8 : i32
        %xor3A_765 = vector.broadcast %xor3A : i32 to vector<16xi32>
        %xor3A_766 = arith.xori %iota3A, %xor3A_765 : vector<16xi32>
        %broadcast_in_dim3A_767 = vector.shape_cast %xor3A_766 : vector<16xi32> to vector<16x1xi32>
        %gather3A = vector.shape_cast %broadcast_in_dim3A_767 : vector<16x1xi32> to vector<16xi32>
        %gather3A_768 = tpu.dynamic_gather %add3A_764[%gather3A] in [0] : vector<16xf32>, vector<16xi32> -> vector<16xf32>
        %add3A_769 = arith.addf %add3A_764, %gather3A_768 : vector<16xf32>
        %xor3A_770 = arith.constant 4 : i32
        %xor3A_771 = vector.broadcast %xor3A_770 : i32 to vector<16xi32>
        %xor3A_772 = arith.xori %iota3A, %xor3A_771 : vector<16xi32>
        %broadcast_in_dim3A_773 = vector.shape_cast %xor3A_772 : vector<16xi32> to vector<16x1xi32>
        %gather3A_774 = vector.shape_cast %broadcast_in_dim3A_773 : vector<16x1xi32> to vector<16xi32>
        %gather3A_775 = tpu.dynamic_gather %add3A_769[%gather3A_774] in [0] : vector<16xf32>, vector<16xi32> -> vector<16xf32>
        %add3A_776 = arith.addf %add3A_769, %gather3A_775 : vector<16xf32>
        %xor3A_777 = arith.constant 2 : i32
        %xor3A_778 = vector.broadcast %xor3A_777 : i32 to vector<16xi32>
        %xor3A_779 = arith.xori %iota3A, %xor3A_778 : vector<16xi32>
        %broadcast_in_dim3A_780 = vector.shape_cast %xor3A_779 : vector<16xi32> to vector<16x1xi32>
        %gather3A_781 = vector.shape_cast %broadcast_in_dim3A_780 : vector<16x1xi32> to vector<16xi32>
        %gather3A_782 = tpu.dynamic_gather %add3A_776[%gather3A_781] in [0] : vector<16xf32>, vector<16xi32> -> vector<16xf32>
        %add3A_783 = arith.addf %add3A_776, %gather3A_782 : vector<16xf32>
        %xor3A_784 = arith.constant 1 : i32
        %xor3A_785 = vector.broadcast %xor3A_784 : i32 to vector<16xi32>
        %xor3A_786 = arith.xori %iota3A, %xor3A_785 : vector<16xi32>
        %broadcast_in_dim3A_787 = vector.shape_cast %xor3A_786 : vector<16xi32> to vector<16x1xi32>
        %gather3A_788 = vector.shape_cast %broadcast_in_dim3A_787 : vector<16x1xi32> to vector<16xi32>
        %gather3A_789 = tpu.dynamic_gather %add3A_783[%gather3A_788] in [0] : vector<16xf32>, vector<16xi32> -> vector<16xf32>
        %add3A_790 = arith.addf %add3A_783, %gather3A_789 : vector<16xf32>
        %eq3A = vector.broadcast %scan3A_698 : i32 to vector<16xi32>
        %eq3A_791 = arith.cmpi eq, %iota3A, %eq3A : vector<16xi32>
        %select_n3A = arith.select %eq3A_791, %add3A_790, %scan3A_699 : vector<16xi1>, vector<16xf32>
        %broadcast_in_dim3A_792 = arith.constant 0.000000e+00 : f32
        %broadcast_in_dim3A_793 = vector.broadcast %broadcast_in_dim3A_792 : f32 to vector<16xf32>
        %mul3A_794 = arith.constant 6 : i32
        %mul3A_795 = arith.muli %add3A_707, %mul3A_794 : i32
        %add3A_796 = arith.constant 1 : i32
        %add3A_797 = arith.addi %mul3A_795, %add3A_796 : i32
        %get3A_798 = arith.index_cast %add3A_797 : i32 to index
        %get3A_799 = arith.constant 64 : index
        %get3A_800 = tpu.vector_load %arg10[%get3A_798, %get3A_799] {strides = array<i32>} : memref<768x128xf32, #tpu.memory_space<vmem>>, vector<1x16xf32>,
        %get3A_801 = vector.shape_cast %get3A_800 : vector<1x16xf32> to vector<16xf32>
        %mul3A_802 = arith.mulf %get3A_710, %get3A_801 : vector<16xf32>
        %add3A_803 = arith.addf %broadcast_in_dim3A_793, %mul3A_802 : vector<16xf32>
        %mul3A_804 = arith.constant 6 : i32
        %mul3A_805 = arith.muli %add3A_707, %mul3A_804 : i32
        %add3A_806 = arith.constant 1 : i32
        %add3A_807 = arith.addi %mul3A_805, %add3A_806 : i32
        %get3A_808 = arith.index_cast %add3A_807 : i32 to index
        %get3A_809 = arith.constant 80 : index
        %get3A_810 = tpu.vector_load %arg10[%get3A_808, %get3A_809] {strides = array<i32>} : memref<768x128xf32, #tpu.memory_space<vmem>>, vector<1x16xf32>,
        %get3A_811 = vector.shape_cast %get3A_810 : vector<1x16xf32> to vector<16xf32>
        %mul3A_812 = arith.mulf %get3A_714, %get3A_811 : vector<16xf32>
        %add3A_813 = arith.addf %add3A_803, %mul3A_812 : vector<16xf32>
        %mul3A_814 = arith.constant 6 : i32
        %mul3A_815 = arith.muli %add3A_707, %mul3A_814 : i32
        %add3A_816 = arith.constant 1 : i32
        %add3A_817 = arith.addi %mul3A_815, %add3A_816 : i32
        %get3A_818 = arith.index_cast %add3A_817 : i32 to index
        %get3A_819 = arith.constant 96 : index
        %get3A_820 = tpu.vector_load %arg10[%get3A_818, %get3A_819] {strides = array<i32>} : memref<768x128xf32, #tpu.memory_space<vmem>>, vector<1x16xf32>,
        %get3A_821 = vector.shape_cast %get3A_820 : vector<1x16xf32> to vector<16xf32>
        %mul3A_822 = arith.mulf %get3A_718, %get3A_821 : vector<16xf32>
        %add3A_823 = arith.addf %add3A_813, %mul3A_822 : vector<16xf32>
        %mul3A_824 = arith.constant 6 : i32
        %mul3A_825 = arith.muli %add3A_707, %mul3A_824 : i32
        %add3A_826 = arith.constant 1 : i32
        %add3A_827 = arith.addi %mul3A_825, %add3A_826 : i32
        %get3A_828 = arith.index_cast %add3A_827 : i32 to index
        %get3A_829 = arith.constant 112 : index
        %get3A_830 = tpu.vector_load %arg10[%get3A_828, %get3A_829] {strides = array<i32>} : memref<768x128xf32, #tpu.memory_space<vmem>>, vector<1x16xf32>,
        %get3A_831 = vector.shape_cast %get3A_830 : vector<1x16xf32> to vector<16xf32>
        %mul3A_832 = arith.mulf %get3A_722, %get3A_831 : vector<16xf32>
        %add3A_833 = arith.addf %add3A_823, %mul3A_832 : vector<16xf32>
        %xor3A_834 = arith.constant 8 : i32
        %xor3A_835 = vector.broadcast %xor3A_834 : i32 to vector<16xi32>
        %xor3A_836 = arith.xori %iota3A, %xor3A_835 : vector<16xi32>
        %broadcast_in_dim3A_837 = vector.shape_cast %xor3A_836 : vector<16xi32> to vector<16x1xi32>
        %gather3A_838 = vector.shape_cast %broadcast_in_dim3A_837 : vector<16x1xi32> to vector<16xi32>
        %gather3A_839 = tpu.dynamic_gather %add3A_833[%gather3A_838] in [0] : vector<16xf32>, vector<16xi32> -> vector<16xf32>
        %add3A_840 = arith.addf %add3A_833, %gather3A_839 : vector<16xf32>
        %xor3A_841 = arith.constant 4 : i32
        %xor3A_842 = vector.broadcast %xor3A_841 : i32 to vector<16xi32>
        %xor3A_843 = arith.xori %iota3A, %xor3A_842 : vector<16xi32>
        %broadcast_in_dim3A_844 = vector.shape_cast %xor3A_843 : vector<16xi32> to vector<16x1xi32>
        %gather3A_845 = vector.shape_cast %broadcast_in_dim3A_844 : vector<16x1xi32> to vector<16xi32>
        %gather3A_846 = tpu.dynamic_gather %add3A_840[%gather3A_845] in [0] : vector<16xf32>, vector<16xi32> -> vector<16xf32>
        %add3A_847 = arith.addf %add3A_840, %gather3A_846 : vector<16xf32>
        %xor3A_848 = arith.constant 2 : i32
        %xor3A_849 = vector.broadcast %xor3A_848 : i32 to vector<16xi32>
        %xor3A_850 = arith.xori %iota3A, %xor3A_849 : vector<16xi32>
        %broadcast_in_dim3A_851 = vector.shape_cast %xor3A_850 : vector<16xi32> to vector<16x1xi32>
        %gather3A_852 = vector.shape_cast %broadcast_in_dim3A_851 : vector<16x1xi32> to vector<16xi32>
        %gather3A_853 = tpu.dynamic_gather %add3A_847[%gather3A_852] in [0] : vector<16xf32>, vector<16xi32> -> vector<16xf32>
        %add3A_854 = arith.addf %add3A_847, %gather3A_853 : vector<16xf32>
        %xor3A_855 = arith.constant 1 : i32
        %xor3A_856 = vector.broadcast %xor3A_855 : i32 to vector<16xi32>
        %xor3A_857 = arith.xori %iota3A, %xor3A_856 : vector<16xi32>
        %broadcast_in_dim3A_858 = vector.shape_cast %xor3A_857 : vector<16xi32> to vector<16x1xi32>
        %gather3A_859 = vector.shape_cast %broadcast_in_dim3A_858 : vector<16x1xi32> to vector<16xi32>
        %gather3A_860 = tpu.dynamic_gather %add3A_854[%gather3A_859] in [0] : vector<16xf32>, vector<16xi32> -> vector<16xf32>
        %add3A_861 = arith.addf %add3A_854, %gather3A_860 : vector<16xf32>
        %eq3A_862 = vector.broadcast %scan3A_698 : i32 to vector<16xi32>
        %eq3A_863 = arith.cmpi eq, %iota3A, %eq3A_862 : vector<16xi32>
        %select_n3A_864 = arith.select %eq3A_863, %add3A_861, %scan3A_700 : vector<16xi1>, vector<16xf32>
        %broadcast_in_dim3A_865 = arith.constant 0.000000e+00 : f32
        %broadcast_in_dim3A_866 = vector.broadcast %broadcast_in_dim3A_865 : f32 to vector<16xf32>
        %mul3A_867 = arith.constant 6 : i32
        %mul3A_868 = arith.muli %add3A_707, %mul3A_867 : i32
        %add3A_869 = arith.constant 2 : i32
        %add3A_870 = arith.addi %mul3A_868, %add3A_869 : i32
        %get3A_871 = arith.index_cast %add3A_870 : i32 to index
        %get3A_872 = arith.constant 64 : index
        %get3A_873 = tpu.vector_load %arg10[%get3A_871, %get3A_872] {strides = array<i32>} : memref<768x128xf32, #tpu.memory_space<vmem>>, vector<1x16xf32>,
        %get3A_874 = vector.shape_cast %get3A_873 : vector<1x16xf32> to vector<16xf32>
        %mul3A_875 = arith.mulf %get3A_710, %get3A_874 : vector<16xf32>
        %add3A_876 = arith.addf %broadcast_in_dim3A_866, %mul3A_875 : vector<16xf32>
        %mul3A_877 = arith.constant 6 : i32
        %mul3A_878 = arith.muli %add3A_707, %mul3A_877 : i32
        %add3A_879 = arith.constant 2 : i32
        %add3A_880 = arith.addi %mul3A_878, %add3A_879 : i32
        %get3A_881 = arith.index_cast %add3A_880 : i32 to index
        %get3A_882 = arith.constant 80 : index
        %get3A_883 = tpu.vector_load %arg10[%get3A_881, %get3A_882] {strides = array<i32>} : memref<768x128xf32, #tpu.memory_space<vmem>>, vector<1x16xf32>,
        %get3A_884 = vector.shape_cast %get3A_883 : vector<1x16xf32> to vector<16xf32>
        %mul3A_885 = arith.mulf %get3A_714, %get3A_884 : vector<16xf32>
        %add3A_886 = arith.addf %add3A_876, %mul3A_885 : vector<16xf32>
        %mul3A_887 = arith.constant 6 : i32
        %mul3A_888 = arith.muli %add3A_707, %mul3A_887 : i32
        %add3A_889 = arith.constant 2 : i32
        %add3A_890 = arith.addi %mul3A_888, %add3A_889 : i32
        %get3A_891 = arith.index_cast %add3A_890 : i32 to index
        %get3A_892 = arith.constant 96 : index
        %get3A_893 = tpu.vector_load %arg10[%get3A_891, %get3A_892] {strides = array<i32>} : memref<768x128xf32, #tpu.memory_space<vmem>>, vector<1x16xf32>,
        %get3A_894 = vector.shape_cast %get3A_893 : vector<1x16xf32> to vector<16xf32>
        %mul3A_895 = arith.mulf %get3A_718, %get3A_894 : vector<16xf32>
        %add3A_896 = arith.addf %add3A_886, %mul3A_895 : vector<16xf32>
        %mul3A_897 = arith.constant 6 : i32
        %mul3A_898 = arith.muli %add3A_707, %mul3A_897 : i32
        %add3A_899 = arith.constant 2 : i32
        %add3A_900 = arith.addi %mul3A_898, %add3A_899 : i32
        %get3A_901 = arith.index_cast %add3A_900 : i32 to index
        %get3A_902 = arith.constant 112 : index
        %get3A_903 = tpu.vector_load %arg10[%get3A_901, %get3A_902] {strides = array<i32>} : memref<768x128xf32, #tpu.memory_space<vmem>>, vector<1x16xf32>,
        %get3A_904 = vector.shape_cast %get3A_903 : vector<1x16xf32> to vector<16xf32>
        %mul3A_905 = arith.mulf %get3A_722, %get3A_904 : vector<16xf32>
        %add3A_906 = arith.addf %add3A_896, %mul3A_905 : vector<16xf32>
        %xor3A_907 = arith.constant 8 : i32
        %xor3A_908 = vector.broadcast %xor3A_907 : i32 to vector<16xi32>
        %xor3A_909 = arith.xori %iota3A, %xor3A_908 : vector<16xi32>
        %broadcast_in_dim3A_910 = vector.shape_cast %xor3A_909 : vector<16xi32> to vector<16x1xi32>
        %gather3A_911 = vector.shape_cast %broadcast_in_dim3A_910 : vector<16x1xi32> to vector<16xi32>
        %gather3A_912 = tpu.dynamic_gather %add3A_906[%gather3A_911] in [0] : vector<16xf32>, vector<16xi32> -> vector<16xf32>
        %add3A_913 = arith.addf %add3A_906, %gather3A_912 : vector<16xf32>
        %xor3A_914 = arith.constant 4 : i32
        %xor3A_915 = vector.broadcast %xor3A_914 : i32 to vector<16xi32>
        %xor3A_916 = arith.xori %iota3A, %xor3A_915 : vector<16xi32>
        %broadcast_in_dim3A_917 = vector.shape_cast %xor3A_916 : vector<16xi32> to vector<16x1xi32>
        %gather3A_918 = vector.shape_cast %broadcast_in_dim3A_917 : vector<16x1xi32> to vector<16xi32>
        %gather3A_919 = tpu.dynamic_gather %add3A_913[%gather3A_918] in [0] : vector<16xf32>, vector<16xi32> -> vector<16xf32>
        %add3A_920 = arith.addf %add3A_913, %gather3A_919 : vector<16xf32>
        %xor3A_921 = arith.constant 2 : i32
        %xor3A_922 = vector.broadcast %xor3A_921 : i32 to vector<16xi32>
        %xor3A_923 = arith.xori %iota3A, %xor3A_922 : vector<16xi32>
        %broadcast_in_dim3A_924 = vector.shape_cast %xor3A_923 : vector<16xi32> to vector<16x1xi32>
        %gather3A_925 = vector.shape_cast %broadcast_in_dim3A_924 : vector<16x1xi32> to vector<16xi32>
        %gather3A_926 = tpu.dynamic_gather %add3A_920[%gather3A_925] in [0] : vector<16xf32>, vector<16xi32> -> vector<16xf32>
        %add3A_927 = arith.addf %add3A_920, %gather3A_926 : vector<16xf32>
        %xor3A_928 = arith.constant 1 : i32
        %xor3A_929 = vector.broadcast %xor3A_928 : i32 to vector<16xi32>
        %xor3A_930 = arith.xori %iota3A, %xor3A_929 : vector<16xi32>
        %broadcast_in_dim3A_931 = vector.shape_cast %xor3A_930 : vector<16xi32> to vector<16x1xi32>
        %gather3A_932 = vector.shape_cast %broadcast_in_dim3A_931 : vector<16x1xi32> to vector<16xi32>
        %gather3A_933 = tpu.dynamic_gather %add3A_927[%gather3A_932] in [0] : vector<16xf32>, vector<16xi32> -> vector<16xf32>
        %add3A_934 = arith.addf %add3A_927, %gather3A_933 : vector<16xf32>
        %eq3A_935 = vector.broadcast %scan3A_698 : i32 to vector<16xi32>
        %eq3A_936 = arith.cmpi eq, %iota3A, %eq3A_935 : vector<16xi32>
        %select_n3A_937 = arith.select %eq3A_936, %add3A_934, %scan3A_701 : vector<16xi1>, vector<16xf32>
        %broadcast_in_dim3A_938 = arith.constant 0.000000e+00 : f32
        %broadcast_in_dim3A_939 = vector.broadcast %broadcast_in_dim3A_938 : f32 to vector<16xf32>
        %mul3A_940 = arith.constant 6 : i32
        %mul3A_941 = arith.muli %add3A_707, %mul3A_940 : i32
        %add3A_942 = arith.constant 3 : i32
        %add3A_943 = arith.addi %mul3A_941, %add3A_942 : i32
        %get3A_944 = arith.index_cast %add3A_943 : i32 to index
        %get3A_945 = arith.constant 64 : index
        %get3A_946 = tpu.vector_load %arg10[%get3A_944, %get3A_945] {strides = array<i32>} : memref<768x128xf32, #tpu.memory_space<vmem>>, vector<1x16xf32>,
        %get3A_947 = vector.shape_cast %get3A_946 : vector<1x16xf32> to vector<16xf32>
        %mul3A_948 = arith.mulf %get3A_710, %get3A_947 : vector<16xf32>
        %add3A_949 = arith.addf %broadcast_in_dim3A_939, %mul3A_948 : vector<16xf32>
        %mul3A_950 = arith.constant 6 : i32
        %mul3A_951 = arith.muli %add3A_707, %mul3A_950 : i32
        %add3A_952 = arith.constant 3 : i32
        %add3A_953 = arith.addi %mul3A_951, %add3A_952 : i32
        %get3A_954 = arith.index_cast %add3A_953 : i32 to index
        %get3A_955 = arith.constant 80 : index
        %get3A_956 = tpu.vector_load %arg10[%get3A_954, %get3A_955] {strides = array<i32>} : memref<768x128xf32, #tpu.memory_space<vmem>>, vector<1x16xf32>,
        %get3A_957 = vector.shape_cast %get3A_956 : vector<1x16xf32> to vector<16xf32>
        %mul3A_958 = arith.mulf %get3A_714, %get3A_957 : vector<16xf32>
        %add3A_959 = arith.addf %add3A_949, %mul3A_958 : vector<16xf32>
        %mul3A_960 = arith.constant 6 : i32
        %mul3A_961 = arith.muli %add3A_707, %mul3A_960 : i32
        %add3A_962 = arith.constant 3 : i32
        %add3A_963 = arith.addi %mul3A_961, %add3A_962 : i32
        %get3A_964 = arith.index_cast %add3A_963 : i32 to index
        %get3A_965 = arith.constant 96 : index
        %get3A_966 = tpu.vector_load %arg10[%get3A_964, %get3A_965] {strides = array<i32>} : memref<768x128xf32, #tpu.memory_space<vmem>>, vector<1x16xf32>,
        %get3A_967 = vector.shape_cast %get3A_966 : vector<1x16xf32> to vector<16xf32>
        %mul3A_968 = arith.mulf %get3A_718, %get3A_967 : vector<16xf32>
        %add3A_969 = arith.addf %add3A_959, %mul3A_968 : vector<16xf32>
        %mul3A_970 = arith.constant 6 : i32
        %mul3A_971 = arith.muli %add3A_707, %mul3A_970 : i32
        %add3A_972 = arith.constant 3 : i32
        %add3A_973 = arith.addi %mul3A_971, %add3A_972 : i32
        %get3A_974 = arith.index_cast %add3A_973 : i32 to index
        %get3A_975 = arith.constant 112 : index
        %get3A_976 = tpu.vector_load %arg10[%get3A_974, %get3A_975] {strides = array<i32>} : memref<768x128xf32, #tpu.memory_space<vmem>>, vector<1x16xf32>,
        %get3A_977 = vector.shape_cast %get3A_976 : vector<1x16xf32> to vector<16xf32>
        %mul3A_978 = arith.mulf %get3A_722, %get3A_977 : vector<16xf32>
        %add3A_979 = arith.addf %add3A_969, %mul3A_978 : vector<16xf32>
        %xor3A_980 = arith.constant 8 : i32
        %xor3A_981 = vector.broadcast %xor3A_980 : i32 to vector<16xi32>
        %xor3A_982 = arith.xori %iota3A, %xor3A_981 : vector<16xi32>
        %broadcast_in_dim3A_983 = vector.shape_cast %xor3A_982 : vector<16xi32> to vector<16x1xi32>
        %gather3A_984 = vector.shape_cast %broadcast_in_dim3A_983 : vector<16x1xi32> to vector<16xi32>
        %gather3A_985 = tpu.dynamic_gather %add3A_979[%gather3A_984] in [0] : vector<16xf32>, vector<16xi32> -> vector<16xf32>
        %add3A_986 = arith.addf %add3A_979, %gather3A_985 : vector<16xf32>
        %xor3A_987 = arith.constant 4 : i32
        %xor3A_988 = vector.broadcast %xor3A_987 : i32 to vector<16xi32>
        %xor3A_989 = arith.xori %iota3A, %xor3A_988 : vector<16xi32>
        %broadcast_in_dim3A_990 = vector.shape_cast %xor3A_989 : vector<16xi32> to vector<16x1xi32>
        %gather3A_991 = vector.shape_cast %broadcast_in_dim3A_990 : vector<16x1xi32> to vector<16xi32>
        %gather3A_992 = tpu.dynamic_gather %add3A_986[%gather3A_991] in [0] : vector<16xf32>, vector<16xi32> -> vector<16xf32>
        %add3A_993 = arith.addf %add3A_986, %gather3A_992 : vector<16xf32>
        %xor3A_994 = arith.constant 2 : i32
        %xor3A_995 = vector.broadcast %xor3A_994 : i32 to vector<16xi32>
        %xor3A_996 = arith.xori %iota3A, %xor3A_995 : vector<16xi32>
        %broadcast_in_dim3A_997 = vector.shape_cast %xor3A_996 : vector<16xi32> to vector<16x1xi32>
        %gather3A_998 = vector.shape_cast %broadcast_in_dim3A_997 : vector<16x1xi32> to vector<16xi32>
        %gather3A_999 = tpu.dynamic_gather %add3A_993[%gather3A_998] in [0] : vector<16xf32>, vector<16xi32> -> vector<16xf32>
        %add3A_1000 = arith.addf %add3A_993, %gather3A_999 : vector<16xf32>
        %xor3A_1001 = arith.constant 1 : i32
        %xor3A_1002 = vector.broadcast %xor3A_1001 : i32 to vector<16xi32>
        %xor3A_1003 = arith.xori %iota3A, %xor3A_1002 : vector<16xi32>
        %broadcast_in_dim3A_1004 = vector.shape_cast %xor3A_1003 : vector<16xi32> to vector<16x1xi32>
        %gather3A_1005 = vector.shape_cast %broadcast_in_dim3A_1004 : vector<16x1xi32> to vector<16xi32>
        %gather3A_1006 = tpu.dynamic_gather %add3A_1000[%gather3A_1005] in [0] : vector<16xf32>, vector<16xi32> -> vector<16xf32>
        %add3A_1007 = arith.addf %add3A_1000, %gather3A_1006 : vector<16xf32>
        %eq3A_1008 = vector.broadcast %scan3A_698 : i32 to vector<16xi32>
        %eq3A_1009 = arith.cmpi eq, %iota3A, %eq3A_1008 : vector<16xi32>
        %select_n3A_1010 = arith.select %eq3A_1009, %add3A_1007, %scan3A_702 : vector<16xi1>, vector<16xf32>
        %broadcast_in_dim3A_1011 = arith.constant 0.000000e+00 : f32
        %broadcast_in_dim3A_1012 = vector.broadcast %broadcast_in_dim3A_1011 : f32 to vector<16xf32>
        %mul3A_1013 = arith.constant 6 : i32
        %mul3A_1014 = arith.muli %add3A_707, %mul3A_1013 : i32
        %add3A_1015 = arith.constant 4 : i32
        %add3A_1016 = arith.addi %mul3A_1014, %add3A_1015 : i32
        %get3A_1017 = arith.index_cast %add3A_1016 : i32 to index
        %get3A_1018 = arith.constant 64 : index
        %get3A_1019 = tpu.vector_load %arg10[%get3A_1017, %get3A_1018] {strides = array<i32>} : memref<768x128xf32, #tpu.memory_space<vmem>>, vector<1x16xf32>,
        %get3A_1020 = vector.shape_cast %get3A_1019 : vector<1x16xf32> to vector<16xf32>
        %mul3A_1021 = arith.mulf %get3A_710, %get3A_1020 : vector<16xf32>
        %add3A_1022 = arith.addf %broadcast_in_dim3A_1012, %mul3A_1021 : vector<16xf32>
        %mul3A_1023 = arith.constant 6 : i32
        %mul3A_1024 = arith.muli %add3A_707, %mul3A_1023 : i32
        %add3A_1025 = arith.constant 4 : i32
        %add3A_1026 = arith.addi %mul3A_1024, %add3A_1025 : i32
        %get3A_1027 = arith.index_cast %add3A_1026 : i32 to index
        %get3A_1028 = arith.constant 80 : index
        %get3A_1029 = tpu.vector_load %arg10[%get3A_1027, %get3A_1028] {strides = array<i32>} : memref<768x128xf32, #tpu.memory_space<vmem>>, vector<1x16xf32>,
        %get3A_1030 = vector.shape_cast %get3A_1029 : vector<1x16xf32> to vector<16xf32>
        %mul3A_1031 = arith.mulf %get3A_714, %get3A_1030 : vector<16xf32>
        %add3A_1032 = arith.addf %add3A_1022, %mul3A_1031 : vector<16xf32>
        %mul3A_1033 = arith.constant 6 : i32
        %mul3A_1034 = arith.muli %add3A_707, %mul3A_1033 : i32
        %add3A_1035 = arith.constant 4 : i32
        %add3A_1036 = arith.addi %mul3A_1034, %add3A_1035 : i32
        %get3A_1037 = arith.index_cast %add3A_1036 : i32 to index
        %get3A_1038 = arith.constant 96 : index
        %get3A_1039 = tpu.vector_load %arg10[%get3A_1037, %get3A_1038] {strides = array<i32>} : memref<768x128xf32, #tpu.memory_space<vmem>>, vector<1x16xf32>,
        %get3A_1040 = vector.shape_cast %get3A_1039 : vector<1x16xf32> to vector<16xf32>
        %mul3A_1041 = arith.mulf %get3A_718, %get3A_1040 : vector<16xf32>
        %add3A_1042 = arith.addf %add3A_1032, %mul3A_1041 : vector<16xf32>
        %mul3A_1043 = arith.constant 6 : i32
        %mul3A_1044 = arith.muli %add3A_707, %mul3A_1043 : i32
        %add3A_1045 = arith.constant 4 : i32
        %add3A_1046 = arith.addi %mul3A_1044, %add3A_1045 : i32
        %get3A_1047 = arith.index_cast %add3A_1046 : i32 to index
        %get3A_1048 = arith.constant 112 : index
        %get3A_1049 = tpu.vector_load %arg10[%get3A_1047, %get3A_1048] {strides = array<i32>} : memref<768x128xf32, #tpu.memory_space<vmem>>, vector<1x16xf32>,
        %get3A_1050 = vector.shape_cast %get3A_1049 : vector<1x16xf32> to vector<16xf32>
        %mul3A_1051 = arith.mulf %get3A_722, %get3A_1050 : vector<16xf32>
        %add3A_1052 = arith.addf %add3A_1042, %mul3A_1051 : vector<16xf32>
        %xor3A_1053 = arith.constant 8 : i32
        %xor3A_1054 = vector.broadcast %xor3A_1053 : i32 to vector<16xi32>
        %xor3A_1055 = arith.xori %iota3A, %xor3A_1054 : vector<16xi32>
        %broadcast_in_dim3A_1056 = vector.shape_cast %xor3A_1055 : vector<16xi32> to vector<16x1xi32>
        %gather3A_1057 = vector.shape_cast %broadcast_in_dim3A_1056 : vector<16x1xi32> to vector<16xi32>
        %gather3A_1058 = tpu.dynamic_gather %add3A_1052[%gather3A_1057] in [0] : vector<16xf32>, vector<16xi32> -> vector<16xf32>
        %add3A_1059 = arith.addf %add3A_1052, %gather3A_1058 : vector<16xf32>
        %xor3A_1060 = arith.constant 4 : i32
        %xor3A_1061 = vector.broadcast %xor3A_1060 : i32 to vector<16xi32>
        %xor3A_1062 = arith.xori %iota3A, %xor3A_1061 : vector<16xi32>
        %broadcast_in_dim3A_1063 = vector.shape_cast %xor3A_1062 : vector<16xi32> to vector<16x1xi32>
        %gather3A_1064 = vector.shape_cast %broadcast_in_dim3A_1063 : vector<16x1xi32> to vector<16xi32>
        %gather3A_1065 = tpu.dynamic_gather %add3A_1059[%gather3A_1064] in [0] : vector<16xf32>, vector<16xi32> -> vector<16xf32>
        %add3A_1066 = arith.addf %add3A_1059, %gather3A_1065 : vector<16xf32>
        %xor3A_1067 = arith.constant 2 : i32
        %xor3A_1068 = vector.broadcast %xor3A_1067 : i32 to vector<16xi32>
        %xor3A_1069 = arith.xori %iota3A, %xor3A_1068 : vector<16xi32>
        %broadcast_in_dim3A_1070 = vector.shape_cast %xor3A_1069 : vector<16xi32> to vector<16x1xi32>
        %gather3A_1071 = vector.shape_cast %broadcast_in_dim3A_1070 : vector<16x1xi32> to vector<16xi32>
        %gather3A_1072 = tpu.dynamic_gather %add3A_1066[%gather3A_1071] in [0] : vector<16xf32>, vector<16xi32> -> vector<16xf32>
        %add3A_1073 = arith.addf %add3A_1066, %gather3A_1072 : vector<16xf32>
        %xor3A_1074 = arith.constant 1 : i32
        %xor3A_1075 = vector.broadcast %xor3A_1074 : i32 to vector<16xi32>
        %xor3A_1076 = arith.xori %iota3A, %xor3A_1075 : vector<16xi32>
        %broadcast_in_dim3A_1077 = vector.shape_cast %xor3A_1076 : vector<16xi32> to vector<16x1xi32>
        %gather3A_1078 = vector.shape_cast %broadcast_in_dim3A_1077 : vector<16x1xi32> to vector<16xi32>
        %gather3A_1079 = tpu.dynamic_gather %add3A_1073[%gather3A_1078] in [0] : vector<16xf32>, vector<16xi32> -> vector<16xf32>
        %add3A_1080 = arith.addf %add3A_1073, %gather3A_1079 : vector<16xf32>
        %eq3A_1081 = vector.broadcast %scan3A_698 : i32 to vector<16xi32>
        %eq3A_1082 = arith.cmpi eq, %iota3A, %eq3A_1081 : vector<16xi32>
        %select_n3A_1083 = arith.select %eq3A_1082, %add3A_1080, %scan3A_703 : vector<16xi1>, vector<16xf32>
        %broadcast_in_dim3A_1084 = arith.constant 0.000000e+00 : f32
        %broadcast_in_dim3A_1085 = vector.broadcast %broadcast_in_dim3A_1084 : f32 to vector<16xf32>
        %mul3A_1086 = arith.constant 6 : i32
        %mul3A_1087 = arith.muli %add3A_707, %mul3A_1086 : i32
        %add3A_1088 = arith.constant 5 : i32
        %add3A_1089 = arith.addi %mul3A_1087, %add3A_1088 : i32
        %get3A_1090 = arith.index_cast %add3A_1089 : i32 to index
        %get3A_1091 = arith.constant 64 : index
        %get3A_1092 = tpu.vector_load %arg10[%get3A_1090, %get3A_1091] {strides = array<i32>} : memref<768x128xf32, #tpu.memory_space<vmem>>, vector<1x16xf32>,
        %get3A_1093 = vector.shape_cast %get3A_1092 : vector<1x16xf32> to vector<16xf32>
        %mul3A_1094 = arith.mulf %get3A_710, %get3A_1093 : vector<16xf32>
        %add3A_1095 = arith.addf %broadcast_in_dim3A_1085, %mul3A_1094 : vector<16xf32>
        %mul3A_1096 = arith.constant 6 : i32
        %mul3A_1097 = arith.muli %add3A_707, %mul3A_1096 : i32
        %add3A_1098 = arith.constant 5 : i32
        %add3A_1099 = arith.addi %mul3A_1097, %add3A_1098 : i32
        %get3A_1100 = arith.index_cast %add3A_1099 : i32 to index
        %get3A_1101 = arith.constant 80 : index
        %get3A_1102 = tpu.vector_load %arg10[%get3A_1100, %get3A_1101] {strides = array<i32>} : memref<768x128xf32, #tpu.memory_space<vmem>>, vector<1x16xf32>,
        %get3A_1103 = vector.shape_cast %get3A_1102 : vector<1x16xf32> to vector<16xf32>
        %mul3A_1104 = arith.mulf %get3A_714, %get3A_1103 : vector<16xf32>
        %add3A_1105 = arith.addf %add3A_1095, %mul3A_1104 : vector<16xf32>
        %mul3A_1106 = arith.constant 6 : i32
        %mul3A_1107 = arith.muli %add3A_707, %mul3A_1106 : i32
        %add3A_1108 = arith.constant 5 : i32
        %add3A_1109 = arith.addi %mul3A_1107, %add3A_1108 : i32
        %get3A_1110 = arith.index_cast %add3A_1109 : i32 to index
        %get3A_1111 = arith.constant 96 : index
        %get3A_1112 = tpu.vector_load %arg10[%get3A_1110, %get3A_1111] {strides = array<i32>} : memref<768x128xf32, #tpu.memory_space<vmem>>, vector<1x16xf32>,
        %get3A_1113 = vector.shape_cast %get3A_1112 : vector<1x16xf32> to vector<16xf32>
        %mul3A_1114 = arith.mulf %get3A_718, %get3A_1113 : vector<16xf32>
        %add3A_1115 = arith.addf %add3A_1105, %mul3A_1114 : vector<16xf32>
        %mul3A_1116 = arith.constant 6 : i32
        %mul3A_1117 = arith.muli %add3A_707, %mul3A_1116 : i32
        %add3A_1118 = arith.constant 5 : i32
        %add3A_1119 = arith.addi %mul3A_1117, %add3A_1118 : i32
        %get3A_1120 = arith.index_cast %add3A_1119 : i32 to index
        %get3A_1121 = arith.constant 112 : index
        %get3A_1122 = tpu.vector_load %arg10[%get3A_1120, %get3A_1121] {strides = array<i32>} : memref<768x128xf32, #tpu.memory_space<vmem>>, vector<1x16xf32>,
        %get3A_1123 = vector.shape_cast %get3A_1122 : vector<1x16xf32> to vector<16xf32>
        %mul3A_1124 = arith.mulf %get3A_722, %get3A_1123 : vector<16xf32>
        %add3A_1125 = arith.addf %add3A_1115, %mul3A_1124 : vector<16xf32>
        %xor3A_1126 = arith.constant 8 : i32
        %xor3A_1127 = vector.broadcast %xor3A_1126 : i32 to vector<16xi32>
        %xor3A_1128 = arith.xori %iota3A, %xor3A_1127 : vector<16xi32>
        %broadcast_in_dim3A_1129 = vector.shape_cast %xor3A_1128 : vector<16xi32> to vector<16x1xi32>
        %gather3A_1130 = vector.shape_cast %broadcast_in_dim3A_1129 : vector<16x1xi32> to vector<16xi32>
        %gather3A_1131 = tpu.dynamic_gather %add3A_1125[%gather3A_1130] in [0] : vector<16xf32>, vector<16xi32> -> vector<16xf32>
        %add3A_1132 = arith.addf %add3A_1125, %gather3A_1131 : vector<16xf32>
        %xor3A_1133 = arith.constant 4 : i32
        %xor3A_1134 = vector.broadcast %xor3A_1133 : i32 to vector<16xi32>
        %xor3A_1135 = arith.xori %iota3A, %xor3A_1134 : vector<16xi32>
        %broadcast_in_dim3A_1136 = vector.shape_cast %xor3A_1135 : vector<16xi32> to vector<16x1xi32>
        %gather3A_1137 = vector.shape_cast %broadcast_in_dim3A_1136 : vector<16x1xi32> to vector<16xi32>
        %gather3A_1138 = tpu.dynamic_gather %add3A_1132[%gather3A_1137] in [0] : vector<16xf32>, vector<16xi32> -> vector<16xf32>
        %add3A_1139 = arith.addf %add3A_1132, %gather3A_1138 : vector<16xf32>
        %xor3A_1140 = arith.constant 2 : i32
        %xor3A_1141 = vector.broadcast %xor3A_1140 : i32 to vector<16xi32>
        %xor3A_1142 = arith.xori %iota3A, %xor3A_1141 : vector<16xi32>
        %broadcast_in_dim3A_1143 = vector.shape_cast %xor3A_1142 : vector<16xi32> to vector<16x1xi32>
        %gather3A_1144 = vector.shape_cast %broadcast_in_dim3A_1143 : vector<16x1xi32> to vector<16xi32>
        %gather3A_1145 = tpu.dynamic_gather %add3A_1139[%gather3A_1144] in [0] : vector<16xf32>, vector<16xi32> -> vector<16xf32>
        %add3A_1146 = arith.addf %add3A_1139, %gather3A_1145 : vector<16xf32>
        %xor3A_1147 = arith.constant 1 : i32
        %xor3A_1148 = vector.broadcast %xor3A_1147 : i32 to vector<16xi32>
        %xor3A_1149 = arith.xori %iota3A, %xor3A_1148 : vector<16xi32>
        %broadcast_in_dim3A_1150 = vector.shape_cast %xor3A_1149 : vector<16xi32> to vector<16x1xi32>
        %gather3A_1151 = vector.shape_cast %broadcast_in_dim3A_1150 : vector<16x1xi32> to vector<16xi32>
        %gather3A_1152 = tpu.dynamic_gather %add3A_1146[%gather3A_1151] in [0] : vector<16xf32>, vector<16xi32> -> vector<16xf32>
        %add3A_1153 = arith.addf %add3A_1146, %gather3A_1152 : vector<16xf32>
        %eq3A_1154 = vector.broadcast %scan3A_698 : i32 to vector<16xi32>
        %eq3A_1155 = arith.cmpi eq, %iota3A, %eq3A_1154 : vector<16xi32>
        %select_n3A_1156 = arith.select %eq3A_1155, %add3A_1153, %scan3A_704 : vector<16xi1>, vector<16xf32>
        scf.yield %select_n3A, %select_n3A_864, %select_n3A_937, %select_n3A_1010, %select_n3A_1083, %select_n3A_1156 : vector<16xf32>, vector<16xf32>, vector<16xf32>, vector<16xf32>, vector<16xf32>, vector<16xf32>
      }
      %scan3A_652 = arith.constant 16 : i32
      %mul3A_653 = arith.constant 16 : i32
      %mul3A_654 = arith.muli %scan3A_645, %mul3A_653 : i32
      %swap3A = arith.index_cast %mul3A_654 : i32 to index
      %swap3A_655 = tpu.vector_load %arg11[%swap3A] {strides = array<i32>} : memref<128xf32, #tpu.memory_space<vmem>>, vector<16xf32>,
      %swap3A_656 = vector.shape_cast %swap3A_655 : vector<16xf32> to vector<16xf32>
      %swap3A_657 = vector.shape_cast %scan3A_651#0 : vector<16xf32> to vector<16xf32>
      tpu.vector_store %arg11[%swap3A], %swap3A_657 {strides = array<i32>} : memref<128xf32, #tpu.memory_space<vmem>>, vector<16xf32>,
      %mul3A_658 = arith.constant 16 : i32
      %mul3A_659 = arith.muli %scan3A_645, %mul3A_658 : i32
      %add3A_660 = arith.constant 0 : i32
      %add3A_661 = arith.addi %add3A_660, %mul3A_659 : i32
      %swap3A_662 = arith.index_cast %add3A_661 : i32 to index
      %swap3A_663 = tpu.vector_load %arg12[%swap3A_662] {strides = array<i32>} : memref<640xf32, #tpu.memory_space<vmem>>, vector<16xf32>,
      %swap3A_664 = vector.shape_cast %swap3A_663 : vector<16xf32> to vector<16xf32>
      %swap3A_665 = vector.shape_cast %scan3A_651#1 : vector<16xf32> to vector<16xf32>
      tpu.vector_store %arg12[%swap3A_662], %swap3A_665 {strides = array<i32>} : memref<640xf32, #tpu.memory_space<vmem>>, vector<16xf32>,
      %mul3A_666 = arith.constant 16 : i32
      %mul3A_667 = arith.muli %scan3A_645, %mul3A_666 : i32
      %add3A_668 = arith.constant 128 : i32
      %add3A_669 = arith.addi %add3A_668, %mul3A_667 : i32
      %swap3A_670 = arith.index_cast %add3A_669 : i32 to index
      %swap3A_671 = tpu.vector_load %arg12[%swap3A_670] {strides = array<i32>} : memref<640xf32, #tpu.memory_space<vmem>>, vector<16xf32>,
      %swap3A_672 = vector.shape_cast %swap3A_671 : vector<16xf32> to vector<16xf32>
      %swap3A_673 = vector.shape_cast %scan3A_651#2 : vector<16xf32> to vector<16xf32>
      tpu.vector_store %arg12[%swap3A_670], %swap3A_673 {strides = array<i32>} : memref<640xf32, #tpu.memory_space<vmem>>, vector<16xf32>,
      %mul3A_674 = arith.constant 16 : i32
      %mul3A_675 = arith.muli %scan3A_645, %mul3A_674 : i32
      %add3A_676 = arith.constant 256 : i32
      %add3A_677 = arith.addi %add3A_676, %mul3A_675 : i32
      %swap3A_678 = arith.index_cast %add3A_677 : i32 to index
      %swap3A_679 = tpu.vector_load %arg12[%swap3A_678] {strides = array<i32>} : memref<640xf32, #tpu.memory_space<vmem>>, vector<16xf32>,
      %swap3A_680 = vector.shape_cast %swap3A_679 : vector<16xf32> to vector<16xf32>
      %swap3A_681 = vector.shape_cast %scan3A_651#3 : vector<16xf32> to vector<16xf32>
      tpu.vector_store %arg12[%swap3A_678], %swap3A_681 {strides = array<i32>} : memref<640xf32, #tpu.memory_space<vmem>>, vector<16xf32>,
      %mul3A_682 = arith.constant 16 : i32
      %mul3A_683 = arith.muli %scan3A_645, %mul3A_682 : i32
      %add3A_684 = arith.constant 384 : i32
      %add3A_685 = arith.addi %add3A_684, %mul3A_683 : i32
      %swap3A_686 = arith.index_cast %add3A_685 : i32 to index
      %swap3A_687 = tpu.vector_load %arg12[%swap3A_686] {strides = array<i32>} : memref<640xf32, #tpu.memory_space<vmem>>, vector<16xf32>,
      %swap3A_688 = vector.shape_cast %swap3A_687 : vector<16xf32> to vector<16xf32>
      %swap3A_689 = vector.shape_cast %scan3A_651#4 : vector<16xf32> to vector<16xf32>
      tpu.vector_store %arg12[%swap3A_686], %swap3A_689 {strides = array<i32>} : memref<640xf32, #tpu.memory_space<vmem>>, vector<16xf32>,
      %mul3A_690 = arith.constant 16 : i32
      %mul3A_691 = arith.muli %scan3A_645, %mul3A_690 : i32
      %add3A_692 = arith.constant 512 : i32
      %add3A_693 = arith.addi %add3A_692, %mul3A_691 : i32
      %swap3A_694 = arith.index_cast %add3A_693 : i32 to index
      %swap3A_695 = tpu.vector_load %arg12[%swap3A_694] {strides = array<i32>} : memref<640xf32, #tpu.memory_space<vmem>>, vector<16xf32>,
      %swap3A_696 = vector.shape_cast %swap3A_695 : vector<16xf32> to vector<16xf32>
      %swap3A_697 = vector.shape_cast %scan3A_651#5 : vector<16xf32> to vector<16xf32>
      tpu.vector_store %arg12[%swap3A_694], %swap3A_697 {strides = array<i32>} : memref<640xf32, #tpu.memory_space<vmem>>, vector<16xf32>,
    }
    %scan3A_634 = arith.constant 8 : i32
    "tpu.region"() ({
      %run_scoped3A_645 = tpu.sem_alloc : memref<!tpu.dma_semaphore, #tpu.memory_space<semaphore_mem>>
      %dma_start3A_646 = tpu.memref_slice %arg5[%add3A_494] : memref<16384xf32, #tpu.memory_space<hbm>> -> memref<128xf32, #tpu.memory_space<hbm>>
      %dma_start3A_647 = tpu.memref_slice %arg5[%add3A_494] : memref<16384xf32, #tpu.memory_space<hbm>> -> memref<128xf32, #tpu.memory_space<hbm>>
      tpu.enqueue_dma source(%arg11 : memref<128xf32, #tpu.memory_space<vmem>>) target(%dma_start3A_647 : memref<128xf32, #tpu.memory_space<hbm>>) target_semaphore(%run_scoped3A_645 : memref<!tpu.dma_semaphore, #tpu.memory_space<semaphore_mem>>)
      %dma_wait3A_648 = tpu.memref_slice %arg5[%add3A_494] : memref<16384xf32, #tpu.memory_space<hbm>> -> memref<128xf32, #tpu.memory_space<hbm>>
      %dma_wait3A_649 = tpu.memref_slice %arg5[%add3A_494] : memref<16384xf32, #tpu.memory_space<hbm>> -> memref<128xf32, #tpu.memory_space<hbm>>
      tpu.wait_dma2 semaphore(%run_scoped3A_645 : memref<!tpu.dma_semaphore, #tpu.memory_space<semaphore_mem>>) src(%arg11 : memref<128xf32, #tpu.memory_space<vmem>>) dst(%dma_wait3A_649 : memref<128xf32, #tpu.memory_space<hbm>>)
      tpu.yield
    }) : () -> ()
    %add3A_635 = arith.constant 0 : i32
    %add3A_636 = arith.addi %add3A_635, %add3A_494 : i32
    "tpu.region"() ({
      %run_scoped3A_645 = tpu.sem_alloc : memref<!tpu.dma_semaphore, #tpu.memory_space<semaphore_mem>>
      %dma_start3A_646 = arith.constant 0 : i32
      %dma_start3A_647 = tpu.memref_slice %arg12[%dma_start3A_646] : memref<640xf32, #tpu.memory_space<vmem>> -> memref<128xf32, #tpu.memory_space<vmem>>
      %dma_start3A_648 = tpu.memref_slice %arg6[%add3A_636] : memref<81920xf32, #tpu.memory_space<hbm>> -> memref<128xf32, #tpu.memory_space<hbm>>
      %dma_start3A_649 = tpu.memref_slice %arg6[%add3A_636] : memref<81920xf32, #tpu.memory_space<hbm>> -> memref<128xf32, #tpu.memory_space<hbm>>
      %dma_start3A_650 = arith.constant 0 : i32
      %dma_start3A_651 = tpu.memref_slice %arg12[%dma_start3A_650] : memref<640xf32, #tpu.memory_space<vmem>> -> memref<128xf32, #tpu.memory_space<vmem>>
      tpu.enqueue_dma source(%dma_start3A_651 : memref<128xf32, #tpu.memory_space<vmem>>) target(%dma_start3A_649 : memref<128xf32, #tpu.memory_space<hbm>>) target_semaphore(%run_scoped3A_645 : memref<!tpu.dma_semaphore, #tpu.memory_space<semaphore_mem>>)
      %dma_wait3A_652 = arith.constant 0 : i32
      %dma_wait3A_653 = tpu.memref_slice %arg12[%dma_wait3A_652] : memref<640xf32, #tpu.memory_space<vmem>> -> memref<128xf32, #tpu.memory_space<vmem>>
      %dma_wait3A_654 = tpu.memref_slice %arg6[%add3A_636] : memref<81920xf32, #tpu.memory_space<hbm>> -> memref<128xf32, #tpu.memory_space<hbm>>
      %dma_wait3A_655 = tpu.memref_slice %arg6[%add3A_636] : memref<81920xf32, #tpu.memory_space<hbm>> -> memref<128xf32, #tpu.memory_space<hbm>>
      %dma_wait3A_656 = arith.constant 0 : i32
      %dma_wait3A_657 = tpu.memref_slice %arg12[%dma_wait3A_656] : memref<640xf32, #tpu.memory_space<vmem>> -> memref<128xf32, #tpu.memory_space<vmem>>
      tpu.wait_dma2 semaphore(%run_scoped3A_645 : memref<!tpu.dma_semaphore, #tpu.memory_space<semaphore_mem>>) src(%dma_wait3A_657 : memref<128xf32, #tpu.memory_space<vmem>>) dst(%dma_wait3A_655 : memref<128xf32, #tpu.memory_space<hbm>>)
      tpu.yield
    }) : () -> ()
    %add3A_637 = arith.constant 16384 : i32
    %add3A_638 = arith.addi %add3A_637, %add3A_494 : i32
    "tpu.region"() ({
      %run_scoped3A_645 = tpu.sem_alloc : memref<!tpu.dma_semaphore, #tpu.memory_space<semaphore_mem>>
      %dma_start3A_646 = arith.constant 128 : i32
      %dma_start3A_647 = tpu.memref_slice %arg12[%dma_start3A_646] : memref<640xf32, #tpu.memory_space<vmem>> -> memref<128xf32, #tpu.memory_space<vmem>>
      %dma_start3A_648 = tpu.memref_slice %arg6[%add3A_638] : memref<81920xf32, #tpu.memory_space<hbm>> -> memref<128xf32, #tpu.memory_space<hbm>>
      %dma_start3A_649 = tpu.memref_slice %arg6[%add3A_638] : memref<81920xf32, #tpu.memory_space<hbm>> -> memref<128xf32, #tpu.memory_space<hbm>>
      %dma_start3A_650 = arith.constant 128 : i32
      %dma_start3A_651 = tpu.memref_slice %arg12[%dma_start3A_650] : memref<640xf32, #tpu.memory_space<vmem>> -> memref<128xf32, #tpu.memory_space<vmem>>
      tpu.enqueue_dma source(%dma_start3A_651 : memref<128xf32, #tpu.memory_space<vmem>>) target(%dma_start3A_649 : memref<128xf32, #tpu.memory_space<hbm>>) target_semaphore(%run_scoped3A_645 : memref<!tpu.dma_semaphore, #tpu.memory_space<semaphore_mem>>)
      %dma_wait3A_652 = arith.constant 128 : i32
      %dma_wait3A_653 = tpu.memref_slice %arg12[%dma_wait3A_652] : memref<640xf32, #tpu.memory_space<vmem>> -> memref<128xf32, #tpu.memory_space<vmem>>
      %dma_wait3A_654 = tpu.memref_slice %arg6[%add3A_638] : memref<81920xf32, #tpu.memory_space<hbm>> -> memref<128xf32, #tpu.memory_space<hbm>>
      %dma_wait3A_655 = tpu.memref_slice %arg6[%add3A_638] : memref<81920xf32, #tpu.memory_space<hbm>> -> memref<128xf32, #tpu.memory_space<hbm>>
      %dma_wait3A_656 = arith.constant 128 : i32
      %dma_wait3A_657 = tpu.memref_slice %arg12[%dma_wait3A_656] : memref<640xf32, #tpu.memory_space<vmem>> -> memref<128xf32, #tpu.memory_space<vmem>>
      tpu.wait_dma2 semaphore(%run_scoped3A_645 : memref<!tpu.dma_semaphore, #tpu.memory_space<semaphore_mem>>) src(%dma_wait3A_657 : memref<128xf32, #tpu.memory_space<vmem>>) dst(%dma_wait3A_655 : memref<128xf32, #tpu.memory_space<hbm>>)
      tpu.yield
    }) : () -> ()
    %add3A_639 = arith.constant 32768 : i32
    %add3A_640 = arith.addi %add3A_639, %add3A_494 : i32
    "tpu.region"() ({
      %run_scoped3A_645 = tpu.sem_alloc : memref<!tpu.dma_semaphore, #tpu.memory_space<semaphore_mem>>
      %dma_start3A_646 = arith.constant 256 : i32
      %dma_start3A_647 = tpu.memref_slice %arg12[%dma_start3A_646] : memref<640xf32, #tpu.memory_space<vmem>> -> memref<128xf32, #tpu.memory_space<vmem>>
      %dma_start3A_648 = tpu.memref_slice %arg6[%add3A_640] : memref<81920xf32, #tpu.memory_space<hbm>> -> memref<128xf32, #tpu.memory_space<hbm>>
      %dma_start3A_649 = tpu.memref_slice %arg6[%add3A_640] : memref<81920xf32, #tpu.memory_space<hbm>> -> memref<128xf32, #tpu.memory_space<hbm>>
      %dma_start3A_650 = arith.constant 256 : i32
      %dma_start3A_651 = tpu.memref_slice %arg12[%dma_start3A_650] : memref<640xf32, #tpu.memory_space<vmem>> -> memref<128xf32, #tpu.memory_space<vmem>>
      tpu.enqueue_dma source(%dma_start3A_651 : memref<128xf32, #tpu.memory_space<vmem>>) target(%dma_start3A_649 : memref<128xf32, #tpu.memory_space<hbm>>) target_semaphore(%run_scoped3A_645 : memref<!tpu.dma_semaphore, #tpu.memory_space<semaphore_mem>>)
      %dma_wait3A_652 = arith.constant 256 : i32
      %dma_wait3A_653 = tpu.memref_slice %arg12[%dma_wait3A_652] : memref<640xf32, #tpu.memory_space<vmem>> -> memref<128xf32, #tpu.memory_space<vmem>>
      %dma_wait3A_654 = tpu.memref_slice %arg6[%add3A_640] : memref<81920xf32, #tpu.memory_space<hbm>> -> memref<128xf32, #tpu.memory_space<hbm>>
      %dma_wait3A_655 = tpu.memref_slice %arg6[%add3A_640] : memref<81920xf32, #tpu.memory_space<hbm>> -> memref<128xf32, #tpu.memory_space<hbm>>
      %dma_wait3A_656 = arith.constant 256 : i32
      %dma_wait3A_657 = tpu.memref_slice %arg12[%dma_wait3A_656] : memref<640xf32, #tpu.memory_space<vmem>> -> memref<128xf32, #tpu.memory_space<vmem>>
      tpu.wait_dma2 semaphore(%run_scoped3A_645 : memref<!tpu.dma_semaphore, #tpu.memory_space<semaphore_mem>>) src(%dma_wait3A_657 : memref<128xf32, #tpu.memory_space<vmem>>) dst(%dma_wait3A_655 : memref<128xf32, #tpu.memory_space<hbm>>)
      tpu.yield
    }) : () -> ()
    %add3A_641 = arith.constant 49152 : i32
    %add3A_642 = arith.addi %add3A_641, %add3A_494 : i32
    "tpu.region"() ({
      %run_scoped3A_645 = tpu.sem_alloc : memref<!tpu.dma_semaphore, #tpu.memory_space<semaphore_mem>>
      %dma_start3A_646 = arith.constant 384 : i32
      %dma_start3A_647 = tpu.memref_slice %arg12[%dma_start3A_646] : memref<640xf32, #tpu.memory_space<vmem>> -> memref<128xf32, #tpu.memory_space<vmem>>
      %dma_start3A_648 = tpu.memref_slice %arg6[%add3A_642] : memref<81920xf32, #tpu.memory_space<hbm>> -> memref<128xf32, #tpu.memory_space<hbm>>
      %dma_start3A_649 = tpu.memref_slice %arg6[%add3A_642] : memref<81920xf32, #tpu.memory_space<hbm>> -> memref<128xf32, #tpu.memory_space<hbm>>
      %dma_start3A_650 = arith.constant 384 : i32
      %dma_start3A_651 = tpu.memref_slice %arg12[%dma_start3A_650] : memref<640xf32, #tpu.memory_space<vmem>> -> memref<128xf32, #tpu.memory_space<vmem>>
      tpu.enqueue_dma source(%dma_start3A_651 : memref<128xf32, #tpu.memory_space<vmem>>) target(%dma_start3A_649 : memref<128xf32, #tpu.memory_space<hbm>>) target_semaphore(%run_scoped3A_645 : memref<!tpu.dma_semaphore, #tpu.memory_space<semaphore_mem>>)
      %dma_wait3A_652 = arith.constant 384 : i32
      %dma_wait3A_653 = tpu.memref_slice %arg12[%dma_wait3A_652] : memref<640xf32, #tpu.memory_space<vmem>> -> memref<128xf32, #tpu.memory_space<vmem>>
      %dma_wait3A_654 = tpu.memref_slice %arg6[%add3A_642] : memref<81920xf32, #tpu.memory_space<hbm>> -> memref<128xf32, #tpu.memory_space<hbm>>
      %dma_wait3A_655 = tpu.memref_slice %arg6[%add3A_642] : memref<81920xf32, #tpu.memory_space<hbm>> -> memref<128xf32, #tpu.memory_space<hbm>>
      %dma_wait3A_656 = arith.constant 384 : i32
      %dma_wait3A_657 = tpu.memref_slice %arg12[%dma_wait3A_656] : memref<640xf32, #tpu.memory_space<vmem>> -> memref<128xf32, #tpu.memory_space<vmem>>
      tpu.wait_dma2 semaphore(%run_scoped3A_645 : memref<!tpu.dma_semaphore, #tpu.memory_space<semaphore_mem>>) src(%dma_wait3A_657 : memref<128xf32, #tpu.memory_space<vmem>>) dst(%dma_wait3A_655 : memref<128xf32, #tpu.memory_space<hbm>>)
      tpu.yield
    }) : () -> ()
    %add3A_643 = arith.constant 65536 : i32
    %add3A_644 = arith.addi %add3A_643, %add3A_494 : i32
    "tpu.region"() ({
      %run_scoped3A_645 = tpu.sem_alloc : memref<!tpu.dma_semaphore, #tpu.memory_space<semaphore_mem>>
      %dma_start3A_646 = arith.constant 512 : i32
      %dma_start3A_647 = tpu.memref_slice %arg12[%dma_start3A_646] : memref<640xf32, #tpu.memory_space<vmem>> -> memref<128xf32, #tpu.memory_space<vmem>>
      %dma_start3A_648 = tpu.memref_slice %arg6[%add3A_644] : memref<81920xf32, #tpu.memory_space<hbm>> -> memref<128xf32, #tpu.memory_space<hbm>>
      %dma_start3A_649 = tpu.memref_slice %arg6[%add3A_644] : memref<81920xf32, #tpu.memory_space<hbm>> -> memref<128xf32, #tpu.memory_space<hbm>>
      %dma_start3A_650 = arith.constant 512 : i32
      %dma_start3A_651 = tpu.memref_slice %arg12[%dma_start3A_650] : memref<640xf32, #tpu.memory_space<vmem>> -> memref<128xf32, #tpu.memory_space<vmem>>
      tpu.enqueue_dma source(%dma_start3A_651 : memref<128xf32, #tpu.memory_space<vmem>>) target(%dma_start3A_649 : memref<128xf32, #tpu.memory_space<hbm>>) target_semaphore(%run_scoped3A_645 : memref<!tpu.dma_semaphore, #tpu.memory_space<semaphore_mem>>)
      %dma_wait3A_652 = arith.constant 512 : i32
      %dma_wait3A_653 = tpu.memref_slice %arg12[%dma_wait3A_652] : memref<640xf32, #tpu.memory_space<vmem>> -> memref<128xf32, #tpu.memory_space<vmem>>
      %dma_wait3A_654 = tpu.memref_slice %arg6[%add3A_644] : memref<81920xf32, #tpu.memory_space<hbm>> -> memref<128xf32, #tpu.memory_space<hbm>>
      %dma_wait3A_655 = tpu.memref_slice %arg6[%add3A_644] : memref<81920xf32, #tpu.memory_space<hbm>> -> memref<128xf32, #tpu.memory_space<hbm>>
      %dma_wait3A_656 = arith.constant 512 : i32
      %dma_wait3A_657 = tpu.memref_slice %arg12[%dma_wait3A_656] : memref<640xf32, #tpu.memory_space<vmem>> -> memref<128xf32, #tpu.memory_space<vmem>>
      tpu.wait_dma2 semaphore(%run_scoped3A_645 : memref<!tpu.dma_semaphore, #tpu.memory_space<semaphore_mem>>) src(%dma_wait3A_657 : memref<128xf32, #tpu.memory_space<vmem>>) dst(%dma_wait3A_655 : memref<128xf32, #tpu.memory_space<hbm>>)
      tpu.yield
    }) : () -> ()
    return
  }
}

module attributes {stable_mosaic.version = 14 : i64} {
  func.func @_loss_body(%arg0: memref<128x128xf32, #tpu.memory_space<vmem>>, %arg1: memref<640x128xf32, #tpu.memory_space<vmem>>, %arg2: memref<1x1xf32, #tpu.memory_space<smem>>) attributes {dimension_semantics = [], scalar_prefetch = 0 : i64, scratch_operands = 0 : i64, tpu.core_type = #tpu.core_type<tc>} {
    %get3A = arith.constant 0 : index
    %get3A_0 = arith.constant 0 : index
    %get3A_1 = vector.load %arg0[%get3A, %get3A_0] : memref<128x128xf32, #tpu.memory_space<vmem>>, vector<128x128xf32>
    %neg3A = arith.constant 0.000000e+00 : f32
    %neg3A_2 = vector.broadcast %neg3A : f32 to vector<128x128xf32>
    %neg3A_3 = arith.subf %neg3A_2, %get3A_1 : vector<128x128xf32>
    %custom_jvp_call3A = arith.constant 0.000000e+00 : f32
    %max3A = vector.broadcast %custom_jvp_call3A : f32 to vector<128x128xf32>
    %max3A_4 = arith.maximumf %neg3A_3, %max3A : vector<128x128xf32>
    %sub3A = vector.broadcast %custom_jvp_call3A : f32 to vector<128x128xf32>
    %sub3A_5 = arith.subf %neg3A_3, %sub3A : vector<128x128xf32>
    %ne3A = arith.cmpf one, %sub3A_5, %sub3A_5 : vector<128x128xf32>
    %add3A = vector.broadcast %custom_jvp_call3A : f32 to vector<128x128xf32>
    %add3A_6 = arith.addf %neg3A_3, %add3A : vector<128x128xf32>
    %abs3A = math.absf %sub3A_5 : vector<128x128xf32>
    %neg3A_7 = arith.constant 0.000000e+00 : f32
    %neg3A_8 = vector.broadcast %neg3A_7 : f32 to vector<128x128xf32>
    %neg3A_9 = arith.subf %neg3A_8, %abs3A : vector<128x128xf32>
    %exp3A = math.exp %neg3A_9 : vector<128x128xf32>
    %log1p3A = math.log1p %exp3A : vector<128x128xf32>
    %add3A_10 = arith.addf %max3A_4, %log1p3A : vector<128x128xf32>
    %select_n3A = arith.select %ne3A, %add3A_6, %add3A_10 : vector<128x128xi1>, vector<128x128xf32>
    %neg3A_11 = arith.constant 0.000000e+00 : f32
    %neg3A_12 = vector.broadcast %neg3A_11 : f32 to vector<128x128xf32>
    %neg3A_13 = arith.subf %neg3A_12, %select_n3A : vector<128x128xf32>
    %reduce_sum3A = vector.shape_cast %neg3A_13 : vector<128x128xf32> to vector<1x128x128xf32>
    %reduce_sum3A_14 = arith.constant dense<0.000000e+00> : vector<1xf32>
    %reduce_sum3A_15 = vector.multi_reduction <add>, %reduce_sum3A, %reduce_sum3A_14 [1, 2] : vector<1x128x128xf32> to vector<1xf32>
    %reduce_sum3A_16 = vector.shape_cast %reduce_sum3A_15 : vector<1xf32> to vector<1x1x1xf32>
    %reduce_sum3A_17 = vector.extract %reduce_sum3A_16[0, 0, 0] : f32 from vector<1x1x1xf32>
    %get3A_18 = arith.constant 0 : index
    %get3A_19 = arith.constant 0 : index
    %get3A_20 = vector.load %arg1[%get3A_18, %get3A_19] : memref<640x128xf32, #tpu.memory_space<vmem>>, vector<640x128xf32>
    %neg3A_21 = arith.constant 0.000000e+00 : f32
    %neg3A_22 = vector.broadcast %neg3A_21 : f32 to vector<640x128xf32>
    %neg3A_23 = arith.subf %neg3A_22, %get3A_20 : vector<640x128xf32>
    %neg3A_24 = arith.constant 0.000000e+00 : f32
    %neg3A_25 = vector.broadcast %neg3A_24 : f32 to vector<640x128xf32>
    %neg3A_26 = arith.subf %neg3A_25, %neg3A_23 : vector<640x128xf32>
    %custom_jvp_call3A_27 = arith.constant 0.000000e+00 : f32
    %max3A_28 = vector.broadcast %custom_jvp_call3A_27 : f32 to vector<640x128xf32>
    %max3A_29 = arith.maximumf %neg3A_26, %max3A_28 : vector<640x128xf32>
    %sub3A_30 = vector.broadcast %custom_jvp_call3A_27 : f32 to vector<640x128xf32>
    %sub3A_31 = arith.subf %neg3A_26, %sub3A_30 : vector<640x128xf32>
    %ne3A_32 = arith.cmpf one, %sub3A_31, %sub3A_31 : vector<640x128xf32>
    %add3A_33 = vector.broadcast %custom_jvp_call3A_27 : f32 to vector<640x128xf32>
    %add3A_34 = arith.addf %neg3A_26, %add3A_33 : vector<640x128xf32>
    %abs3A_35 = math.absf %sub3A_31 : vector<640x128xf32>
    %neg3A_36 = arith.constant 0.000000e+00 : f32
    %neg3A_37 = vector.broadcast %neg3A_36 : f32 to vector<640x128xf32>
    %neg3A_38 = arith.subf %neg3A_37, %abs3A_35 : vector<640x128xf32>
    %exp3A_39 = math.exp %neg3A_38 : vector<640x128xf32>
    %log1p3A_40 = math.log1p %exp3A_39 : vector<640x128xf32>
    %add3A_41 = arith.addf %max3A_29, %log1p3A_40 : vector<640x128xf32>
    %select_n3A_42 = arith.select %ne3A_32, %add3A_34, %add3A_41 : vector<640x128xi1>, vector<640x128xf32>
    %neg3A_43 = arith.constant 0.000000e+00 : f32
    %neg3A_44 = vector.broadcast %neg3A_43 : f32 to vector<640x128xf32>
    %neg3A_45 = arith.subf %neg3A_44, %select_n3A_42 : vector<640x128xf32>
    %reduce_sum3A_46 = vector.shape_cast %neg3A_45 : vector<640x128xf32> to vector<1x640x128xf32>
    %reduce_sum3A_47 = arith.constant dense<0.000000e+00> : vector<1xf32>
    %reduce_sum3A_48 = vector.multi_reduction <add>, %reduce_sum3A_46, %reduce_sum3A_47 [1, 2] : vector<1x640x128xf32> to vector<1xf32>
    %reduce_sum3A_49 = vector.shape_cast %reduce_sum3A_48 : vector<1xf32> to vector<1x1x1xf32>
    %reduce_sum3A_50 = vector.extract %reduce_sum3A_49[0, 0, 0] : f32 from vector<1x1x1xf32>
    %div3A = arith.constant 1.638400e+04 : f32
    %div3A_51 = arith.divf %reduce_sum3A_17, %div3A : f32
    %neg3A_52 = arith.constant 0.000000e+00 : f32
    %neg3A_53 = arith.subf %neg3A_52, %div3A_51 : f32
    %div3A_54 = arith.constant 8.192000e+04 : f32
    %div3A_55 = arith.divf %reduce_sum3A_50, %div3A_54 : f32
    %sub3A_56 = arith.subf %neg3A_53, %div3A_55 : f32
    %swap3A = arith.constant 0 : index
    %swap3A_57 = arith.constant 0 : index
    %swap3A_58 = memref.load %arg2[%swap3A, %swap3A_57] : memref<1x1xf32, #tpu.memory_space<smem>>
    memref.store %sub3A_56, %arg2[%swap3A, %swap3A_57] : memref<1x1xf32, #tpu.memory_space<smem>>
    return
  }
}

</mosaic_0001>

<sc_bundles>
// kernel: kernel.4.cloned.1.call-start
scs
__scs_entry_jumppad:
0x0: {  	(pc) =	sbr.rel $0x88, $3  }
0x1: {  	(tag) =	ssettag $0x0;
	lr =	simm.s32 $0x1  }
0x2: {  	[smem:$0x3F9C] =	sst lr;
	_ =	strace $0xD0000000  }
0x3: {  	_ = 	snop  }
0x4: {  	_ = 	snop  }
0x5: {  	_ = 	snop  }
0x6: {  	_ = 	snop  }
0x7: {  	_ = 	snop  }
__scs_overlays_trampoline_lowered:
0x8: {  	[smem:$0x3FAB] =	sst s0  }
0x9: {  	[smem:$0x3FAC] =	sst s1  }
0xa: {  	[smem:$0x3FAD] =	sst s2  }
0xb: {  	[smem:$0x3FAE] =	sst s3  }
0xc: {  	[smem:$0x3FAF] =	sst s4  }
0xd: {  	[smem:$0x3FB0] =	sst s5  }
0xe: {  	[smem:$0x3FB1] =	sst s6  }
0xf: {  	[smem:$0x3FB2] =	sst s7  }
0x10: {  	[smem:$0x3FB3] =	sst s8  }
0x11: {  	[smem:$0x3FB4] =	sst s9;
	s0 =	simm.s32 @!p0 $0x0  }
0x12: {  	s1 =	sld [smem:$0x3F9A];
	s0 =	simm.s32 @p0 $0x1  }
0x13: {  	[smem:$0x3FB5] =	sst s0;
	s0 =	simm.s32 @!p1 $0x0  }
0x14: {  	s2 =	sld [smem:$0x3F99];
	s0 =	simm.s32 @p1 $0x1  }
0x15: {  	[smem:$0x3FB6] =	sst s0;
	s0 =	simm.s32 @!p2 $0x0  }
0x16: {  	s3 =	sld [smem:$0x3FDB];
	s0 =	simm.s32 @p2 $0x1  }
0x17: {  	s4 =	simm.s32 $0x1BF5;
	[smem:$0x3FB8] =	sst s0  }
0x18: {  	s0 =	sld [smem:$0x3F9B];
	_ =	swait.ge [sflag:s4], $0x0  }
0x19: {  	s7 =	sld [smem:$0x3F9C]  }
0x1a: {  	s8 =	sadd.s32 $0xFFFFE003, lr  }
0x1b: {  	s9 =	sadd.s32 $0xFFFFFEF7, lr;
	s5 =	simm.s32 $0xFFFFFFFF;
	p2 =	slt.u32 s8, $0xFFFFF086  }
0x1c: {  	p1 =	slt.u32 s9, $0xF7A;
	s5 =	simm.s32 @!p2 $0x0  }
0x1d: {  	s5 =	simm.s32 @p1 $0x1;
	p0 =	seq.s32 s7, s2  }
0x1e: {  	s7 =	smul.u32 @!p0 $0xF7A, s2;
	p2 =	seq.s32 @!p0 s5, $0x0  }
0x1f: {  	s9 =	smul.u32 $0xF7A, s1;
	s8 =	simm.s32 @!p0 $0x1BF5;
	p2 =	por !p2, p0  }
0x20: {  	[sflag:s8] =	ssyncset.s32 @!p0 $0xFFFFF086;
	s6 =	sadd.s32 @!p0 s3, s7;
	s7 =	simm.s32 @!p0 $0x108  }
0x21: {  	s3 =	sadd.s32 s3, s9;
	s6 =	sadd.s32 @!p0 $0x88, s6;
	s7 =	simm.s32 @p2 $0x1082  }
0x22: {  	[simem:s7], [sflag:s8] =	dma.local @!p0 [hbm:s6], $0xF7A  }
0x23: {  	s9 =	sor.u32 $0xD0000000, s2;
	s6 =	simm.s32 $0x108;
	_ =	swait.ge @!p0 [sflag:s8], $0x0  }
0x24: {  	s3 =	sadd.s32 $0x88, s3;
	s6 =	simm.s32 @!p1 $0x1082;
	[sflag:s4] =	ssyncset.s32 $0xFFFFF086  }
0x25: {  	[simem:s6], [sflag:s4] =	dma.local [hbm:s3], $0xF7A  }
0x26: {  	[smem:$0x3F9C] =	sst s1;
	(tag) =	ssettag s2;
	_ =	strace s9  }
0x27: {  	s1 =	sld [smem:$0x3FAC]  }
0x28: {  	s2 =	sld [smem:$0x3FAD]  }
0x29: {  	s4 =	sld [smem:$0x3FAF]  }
0x2a: {  	p0 =	seq.s32 s5, $0x0;
	s5 =	sld [smem:$0x3FB0]  }
0x2b: {  	s6 =	sld [smem:$0x3FB1]  }
0x2c: {  	s7 =	sld [smem:$0x3FB2]  }
0x2d: {  	s3 =	simm.s32 $0x108;
	s8 =	sld [smem:$0x3FB3]  }
0x2e: {  	s3 =	simm.s32 @!p0 $0x1082;
	s9 =	sld [smem:$0x3FB4]  }
0x2f: {  	lr =	sadd.s32 s0, s3;
	s0 =	sld [smem:$0x3FAB]  }
0x30: {  	s3 =	sld [smem:$0x3FAE]  }
0x31: {  	[smem:$0x3FB7] =	sst s10  }
0x32: {  	s10 =	sld [smem:$0x3FB5];
	_ =	sdelay $0x3  }
0x33: {  	p0 =	seq.s32 s10, $0x1;
	s10 =	sld [smem:$0x3FB7];
	_ =	sdelay $0x3  }
0x34: {  	[smem:$0x3FB7] =	sst s10  }
0x35: {  	s10 =	sld [smem:$0x3FB6];
	_ =	sdelay $0x3  }
0x36: {  	p1 =	seq.s32 s10, $0x1;
	s10 =	sld [smem:$0x3FB7];
	_ =	sdelay $0x3  }
0x37: {  	[smem:$0x3FB7] =	sst s10  }
0x38: {  	s10 =	sld [smem:$0x3FB8]  }
0x39: {  	_ = 	snop;
	(pc) =	sbr.ind lr, $3  }
0x3a: {  	_ = 	snop  }
0x3b: {  	_ = 	snop  }
0x3c: {  	p2 =	seq.s32 s10, $0x1;
	s10 =	sld [smem:$0x3FB7]  }
0x3d: {  	_ =	shalt  }
0x3e: {  	_ =	shalt  }
0x3f: {  	_ =	shalt  }
0x40: {  	_ =	shalt  }
0x41: {  	_ =	shalt  }
0x42: {  	_ =	shalt  }
0x43: {  	_ =	shalt  }
0x44: {  	_ =	shalt  }
0x45: {  	_ =	shalt  }
0x46: {  	_ =	shalt  }
0x47: {  	_ =	shalt  }
0x48: {  	_ =	shalt  }
0x49: {  	_ =	shalt  }
0x4a: {  	_ =	shalt  }
0x4b: {  	_ =	shalt  }
0x4c: {  	_ =	shalt  }
0x4d: {  	_ =	shalt  }
0x4e: {  	_ =	shalt  }
0x4f: {  	_ =	shalt  }
0x50: {  	_ =	shalt  }
0x51: {  	_ =	shalt  }
0x52: {  	_ =	shalt  }
0x53: {  	_ =	shalt  }
0x54: {  	_ =	shalt  }
0x55: {  	_ =	shalt  }
0x56: {  	_ =	shalt  }
0x57: {  	_ =	shalt  }
0x58: {  	_ =	shalt  }
0x59: {  	_ =	shalt  }
0x5a: {  	_ =	shalt  }
0x5b: {  	_ =	shalt  }
0x5c: {  	_ =	shalt  }
0x5d: {  	_ =	shalt  }
0x5e: {  	_ =	shalt  }
0x5f: {  	_ =	shalt  }
0x60: {  	_ =	shalt  }
0x61: {  	_ =	shalt  }
0x62: {  	_ =	shalt  }
0x63: {  	_ =	shalt  }
0x64: {  	_ =	shalt  }
0x65: {  	_ =	shalt  }
0x66: {  	_ =	shalt  }
0x67: {  	_ =	shalt  }
0x68: {  	_ =	shalt  }
0x69: {  	_ =	shalt  }
0x6a: {  	_ =	shalt  }
0x6b: {  	_ =	shalt  }
0x6c: {  	_ =	shalt  }
0x6d: {  	_ =	shalt  }
0x6e: {  	_ =	shalt  }
0x6f: {  	_ =	shalt  }
0x70: {  	_ =	shalt  }
0x71: {  	_ =	shalt  }
0x72: {  	_ =	shalt  }
0x73: {  	_ =	shalt  }
0x74: {  	_ =	shalt  }
0x75: {  	_ =	shalt  }
0x76: {  	_ =	shalt  }
0x77: {  	_ =	shalt  }
0x78: {  	_ =	shalt  }
0x79: {  	_ =	shalt  }
0x7a: {  	_ =	shalt  }
0x7b: {  	_ =	shalt  }
0x7c: {  	_ =	shalt  }
0x7d: {  	_ =	shalt  }
0x7e: {  	_ =	shalt  }
0x7f: {  	_ =	shalt  }
0x80: {  	_ =	shalt  }
0x81: {  	_ =	shalt  }
0x82: {  	_ =	shalt  }
0x83: {  	_ =	shalt  }
0x84: {  	_ =	shalt  }
0x85: {  	_ =	shalt  }
0x86: {  	_ =	shalt  }
0x87: {  	_ =	shalt  }
.Lfunc_end0:
.L_simem_size_0:
called_computation_lowered:
.L_overlay_start_0:
0x88: {  	s2 =	sld [smem:$0x3FD9]  }
0x89: {  	s3 =	sld [smem:$0x3FFE];
	_ =	sdelay $0x1  }
0x8a: {  	s1 =	srdreg.scid  }
0x8b: {  	s0 =	sand.u32 $0x1, s1  }
0x8c: {  	s17 =	sshll.u32 s0, $0xA;
	s2 =	sadd.s32 s3, s2  }
0x8d: {  	s2 =	sadd.s32 s2, s17  }
0x8e: {  	[smem:$0x3FC3] =	sst s2  }
0x8f: {  	_ = 	snop  }
0x90: {  	s2 =	sld [smem:$0x3FC9];
	(tm) =	ssettm $0x1  }
0x91: {  	s18 =	sld [smem:$0x3FFB];
	_ =	sdelay $0x3  }
0x92: {  	_ =	strace s18  }
0x93: {  	s3 =	sld [smem:$0x3FFC];
	_ =	sdelay $0x3  }
0x94: {  	_ =	strace s3  }
0x95: {  	s3 =	sld [smem:$0x3FFD];
	_ =	sdelay $0x3  }
0x96: {  	_ =	strace s3  }
0x97: {  	_ =	strace $0x8FFFFFFF  }
0x98: {  	s19 =	sld [smem:$0x3FDB];
	_ =	sdelay $0x1  }
0x99: {  	s4 =	simm.s32 $_scs_section_size  }
0x9a: {  	s5 =	simm.s32 $_size__tile_overlayer_lowered;
	s6 =	simm.s32 $_tile_overlayer_lowered  }
0x9b: {  	s22 =	simm.s32 $0x1BFF;
	s21 =	sshll.u32 s6, $0x1;
	s3 =	sadd.s32 s4, s19  }
0x9c: {  	s7 =	simm.s32 $0x0;
	s20 =	sshll.u32 s5, $0x1;
	s5 =	sadd.s32 s21, s3  }
0x9d: {  	[timem:s7], [sflag:s22] =	dma.local [hbm:s5], s20  }
0x9e: {  	_ =	swait.ge [sflag:s22], s20  }
0x9f: {  	s4 =	ssub.s32 $0x0, s20;
	[sflag:s22] =	ssyncset.done $0x0  }
0xa0: {  	[sflag:s22] =	ssyncadd.s32 s4;
	_ =	sdelay $0x1  }
0xa1: {  	s23 =	simm.s32 $0x1B8B  }
0xa2: {  	_ =	swait.ge [sflag:s23], $0x1  }
0xa3: {  	[sflag:s23] =	ssyncset.done $0x0  }
0xa4: {  	s25 =	simm.s32 $0x1B8E;
	s24 =	sld [smem:$0x3FFE];
	[sflag:s23] =	ssyncadd.s32 $0xFFFFFFFF  }
0xa5: {  	s26 =	simm.s32 $execute0_lowered;
	[smem:$0x3FD2] =	sst s25  }
0xa6: {  	s5 =	sshll.u32 s26, $0x1;
	_ =	strace $0x80000046;
	[dreg:$0x1] =	wrdreg $0xFFFFFFFF  }
0xa7: {  	s28 =	simm.s32 $_size_execute0_lowered;
	s3 =	sadd.s32 s3, s5;
	[dreg:$0x0] =	wrdreg $0x0  }
0xa8: {  	s5 =	sshll.u32 s28, $0x1;
	[dreg:$0x2] =	wrdreg s3  }
0xa9: {  	[dreg:$0x3] =	wrdreg s5  }
0xaa: {  	[dreg:$0x4] =	wrdreg $0xC0  }
0xab: {  	_ =	task [dreg:s7], $0x5FFFF  }
0xac: {  	[dreg:$0x1] =	wrdreg $0xFFFFFFFF  }
0xad: {  	[dreg:$0x0] =	wrdreg $0x60  }
0xae: {  	[dreg:$0x2] =	wrdreg s24  }
0xaf: {  	[dreg:$0x3] =	wrdreg s2  }
0xb0: {  	[dreg:$0x4] =	wrdreg $0x9  }
0xb1: {  	_ =	task.clear_ibuf [dreg:s7], $0x5FFFF;
	_ =	strace $0x90000046  }
0xb2: {  	s29 =	simm.s32 $0x9;
	_ =	strace $0x80000048  }
0xb3: {  	_ =	swait.ge [sflag:s29], $0x1  }
0xb4: {  	[sflag:s29] =	ssyncadd.s32 $0xFFFFFFFF  }
0xb5: {  	_ =	strace $0x90000048  }
0xb6: {  	_ =	sfence  }
0xb7: {  	s30 =	sld [smem:$0x0];
	_ =	sdelay $0x2  }
0xb8: {  	s31 =	sshll.u32 s1, $0xD;
	s1 =	sshrl.u32 s1, $0x2  }
0xb9: {  	s3 =	sand.u32 $0x4000, s31;
	s1 =	sadd.s32 s1, s30  }
0xba: {  	s0 =	sor.u32 s3, s0;
	s1 =	sshll.u32 s1, $0x11  }
0xbb: {  	s0 =	sor.u32 s1, s0  }
0xbc: {  	s0 =	sadd.s32 $0x8F2B, s0  }
0xbd: {  	[sflag:s0] =	ssyncadd.remote.s32 $0x1  }
0xbe: {  	_ =	sfence.sel $0xFFFF  }
0xbf: {  	[dreg:$0x0] =	wrdreg $0xFFFFFFFF;
	(pc) =	sbr.abs _section_cstart, $3  }
0xc0: {  	[dreg:$0x1] =	wrdreg $0xFFFFFFFF  }
0xc1: {  	_ =	task.clear_ibuf [dreg:s7], $0x2FFFF;
	_ =	strace $0x9FFFFFFF  }
0xc2: {  	(tm) =	ssettm $0x7FFFFFFF  }
0xc3: {  	_ =	shalt  }
tec
execute0_lowered:
.L_overlay_start_1:
0x0: {  	(tag) =	ssettag $0x1  }
0x1: {  	s0 =	rddreg [dreg:$0x0]  }
0x2: {  	s1 =	rddreg [dreg:$0x1]  }
0x3: {  	s4 =	srdreg.scid;
	s5 =	stileid.u32  }
0x4: {  	s2 =	simm.s32 $0x0;
	s4 =	sand.u32 $0x1, s4;
	s5 =	sshll.u32 s5, $0x1  }
0x5: {  	[smem:$0x7FF] =	sst s2;
	s5 =	sor.u32 s4, s5  }
0x6: {  	_ =	strace $0x80000047;
	s8 =	sshll.u32 s5, $0x6;
	s11 =	smul.u32 $0xC00, s5  }
0x7: {  	s5 =	smul.u32 $0x180, s5;
	s10 =	sor.u32 $0x10, s8;
	s25 =	sadd.s32 s1, s8  }
0x8: {  	s28 =	sor.u32 $0x20, s8;
	[dreg:$0x3] =	wrdreg s25;
	s26 =	sadd.s32 s1, s10  }
0x9: {  	s13 =	sor.u32 $0x30, s8;
	s12 =	sadd.s32 s1, s28;
	[dreg:$0x4] =	wrdreg s26  }
0xa: {  	s6 =	sadd.s32 $0x1E85800, s0;
	s1 =	sadd.s32 s1, s13;
	[dreg:$0x5] =	wrdreg s12  }
0xb: {  	s7 =	sadd.s32 $0x3800, s0;
	s29 =	sadd.s32 s6, s5;
	[dreg:$0x6] =	wrdreg s1  }
0xc: {  	s3 =	sadd.s32 $0x1E88800, s0;
	s5 =	sadd.s32 s7, s8;
	[dreg:$0x7] =	wrdreg s29  }
0xd: {  	s0 =	sadd.s32 $0x1000, s0;
	s15 =	sadd.s32 s7, s10;
	[dreg:$0xa] =	wrdreg s5  }
0xe: {  	s4 =	ssub.s32 $0x2, s4;
	s16 =	sadd.s32 s0, s10;
	[dreg:$0xf] =	wrdreg s15  }
0xf: {  	s9 =	sshrl.u32 s4, $0x1;
	s18 =	sadd.s32 s7, s28;
	[dreg:$0x10] =	wrdreg s16  }
0x10: {  	s4 =	ssub.s32 s4, s9;
	s19 =	sadd.s32 s0, s28;
	[dreg:$0x12] =	wrdreg s18  }
0x11: {  	s11 =	sshrl.u32 s11, $0x3;
	s20 =	sadd.s32 s7, s13;
	[dreg:$0x13] =	wrdreg s19  }
0x12: {  	s22 =	smax.u32 s4, $0x1;
	s11 =	sadd.s32 s6, s11;
	[dreg:$0x14] =	wrdreg s20  }
0x13: {  	s12 =	sadd.s32 s0, s8;
	s0 =	sadd.s32 s0, s13;
	[dreg:$0x17] =	wrdreg s22  }
0x14: {  	s30 =	sadd.s32 $0x80, s11;
	[dreg:$0x15] =	wrdreg s0  }
0x15: {  	s31 =	sadd.s32 $0x100, s11;
	[dreg:$0x8] =	wrdreg s30  }
0x16: {  	s6 =	sadd.s32 $0x800, s12;
	[dreg:$0x9] =	wrdreg s31  }
0x17: {  	s8 =	sadd.s32 $0x1000, s12;
	[dreg:$0xb] =	wrdreg s6  }
0x18: {  	s11 =	sadd.s32 $0x1800, s12;
	[dreg:$0xc] =	wrdreg s8  }
0x19: {  	s9 =	simm.s32 $0xE00;
	s14 =	sadd.s32 $0x2000, s12;
	[dreg:$0xd] =	wrdreg s11  }
0x1a: {  	v0 =	vimm.s32 $0x76543210;
	v1 =	vimm.s32 $0xFEDCBA98;
	s7 =	simm.s32 $0x2;
	s17 =	sadd.s32 $0x810, s12;
	[dreg:$0xe] =	wrdreg s14  }
0x1b: {  	v2 =	vimm.s32 $0xBA98FEDC;
	v3 =	vimm.s32 $0x32107654;
	s10 =	simm.s32 $0x4E00;
	s21 =	sadd.s32 $0x1010, s12;
	[dreg:$0x11] =	wrdreg s17  }
0x1c: {  	v4 =	vimm.s32 $0xDCFE98BA;
	v5 =	vimm.s32 $0x54761032;
	s13 =	simm.s32 $0xCE00;
	s23 =	sadd.s32 $0x1810, s12;
	[dreg:$0x16] =	wrdreg s21  }
0x1d: {  	v6 =	vimm.s32 $0xEFCDAB89;
	v7 =	vimm.s32 $0x67452301;
	s15 =	simm.s32 $0x14E00;
	s24 =	sadd.s32 $0x2010, s12;
	[dreg:$0x18] =	wrdreg s23  }
0x1e: {  	v1 =	vunpack.c.l.s4.s8 v1;
	v0 =	vunpack.c.l.s4.s8 v0;
	v2 =	vunpack.c.l.s4.s8 v2;
	s16 =	simm.s32 $0x18E00;
	s25 =	sadd.s32 $0x820, s12;
	[dreg:$0x19] =	wrdreg s24  }
0x1f: {  	v3 =	vunpack.c.l.s4.s8 v3;
	v4 =	vunpack.c.l.s4.s8 v4;
	v5 =	vunpack.c.l.s4.s8 v5;
	s18 =	simm.s32 $0x1CE00;
	s26 =	sadd.s32 $0x1020, s12;
	[dreg:$0x1a] =	wrdreg s25  }
0x20: {  	v6 =	vunpack.c.l.s4.s8 v6;
	v7 =	vunpack.c.l.s4.s8 v7;
	v1 =	vunpack.c.0.s8.s32 v1;
	s19 =	simm.s32 $0x1CE80;
	s28 =	sadd.s32 $0x1820, s12;
	[dreg:$0x1b] =	wrdreg s26  }
0x21: {  	v2 =	vunpack.c.0.s8.s32 v2;
	v3 =	vunpack.c.0.s8.s32 v3;
	v4 =	vunpack.c.0.s8.s32 v4;
	s20 =	simm.s32 $0x1CF00;
	s29 =	sadd.s32 $0x2020, s12;
	[dreg:$0x1c] =	wrdreg s28  }
0x22: {  	v5 =	vunpack.c.0.s8.s32 v5;
	v6 =	vunpack.c.0.s8.s32 v6;
	v7 =	vunpack.c.0.s8.s32 v7;
	s22 =	simm.s32 $0x1D000;
	s5 =	sadd.s32 $0x1830, s12;
	[dreg:$0x1d] =	wrdreg s29  }
0x23: {  	v0 =	vunpack.c.0.s8.s32 v0;
	v2 =	vcombine.low v3, v2;
	s30 =	sadd.s32 $0x830, s12;
	s31 =	sadd.s32 $0x1030, s12;
	s6 =	sadd.s32 $0x2030, s12  }
0x24: {  	v3 =	vcombine.low v5, v4;
	v4 =	vcombine.low v7, v6;
	v1 =	vand.u32 $0xF, v1;
	s8 =	simm.s32 $0x80;
	s11 =	simm.s32 $0x8E00;
	s14 =	simm.s32 $0x10E00  }
0x25: {  	v0 =	vcombine.low v1, v0;
	v1 =	vand.u32 $0xF, v2;
	s17 =	simm.s32 $0x1;
	s21 =	simm.s32 $0x1CF80;
	[dreg:$0x1e] =	wrdreg s30  }
0x26: {  	v2 =	vand.u32 $0xF, v3;
	v3 =	vand.u32 $0xF, v4;
	v4 =	vlaneseq.u32;
	s23 =	simm.s32 $0x1D080;
	s24 =	simm.s32 $0x0;
	[dreg:$0x1f] =	wrdreg s31  }
.LBB2_1:
0x27: {  	s0 =	rddreg [dreg:$0x3]  }
0x28: {  	[tilespmem:s2], [sflag:$0x2] =	stream.linear.gather [hbm4b:s0+s2], $0x80, $0x38;
	[tilespmem:$0x1D100] =	vst v63  }
0x29: {  	_ =	swait.ge [sflag:s7], $0x80  }
0x2a: {  	[sflag:s7] =	ssyncset.done $0x0  }
0x2b: {  	s30 =	rddreg [dreg:$0x4];
	[sflag:s7] =	ssyncadd.s32 $0xFFFFFF80  }
0x2c: {  	[tilespmem:s8], [sflag:$0x2] =	stream.linear.gather [hbm4b:s30+s2], $0x80, $0x38;
	[tilespmem:$0x1D100] =	vst v63  }
0x2d: {  	_ =	swait.ge [sflag:s7], $0x80  }
0x2e: {  	[sflag:s7] =	ssyncset.done $0x0  }
0x2f: {  	s1 =	simm.s32 $0x100;
	s31 =	rddreg [dreg:$0x5];
	[sflag:s7] =	ssyncadd.s32 $0xFFFFFF80  }
0x30: {  	[tilespmem:s1], [sflag:$0x2] =	stream.linear.gather [hbm4b:s31+s2], $0x80, $0x38;
	[tilespmem:$0x1D100] =	vst v63  }
0x31: {  	_ =	swait.ge [sflag:s7], $0x80  }
0x32: {  	[sflag:s7] =	ssyncset.done $0x0  }
0x33: {  	s4 =	simm.s32 $0x180;
	s1 =	rddreg [dreg:$0x6];
	[sflag:s7] =	ssyncadd.s32 $0xFFFFFF80  }
0x34: {  	[tilespmem:s4], [sflag:$0x2] =	stream.linear.gather [hbm4b:s1+s2], $0x80, $0x38;
	[tilespmem:$0x1D100] =	vst v63  }
0x35: {  	_ =	swait.ge [sflag:s7], $0x80  }
0x36: {  	[sflag:s7] =	ssyncset.done $0x0  }
0x37: {  	s26 =	simm.s32 $0x200;
	s25 =	rddreg [dreg:$0x7];
	[sflag:s7] =	ssyncadd.s32 $0xFFFFFF80  }
0x38: {  	[tilespmem:s26], [sflag:$0x2] =	stream.linear.gather [hbm4b:s25+s2], $0x400, $0x38;
	[tilespmem:$0x1D100] =	vst v63  }
0x39: {  	_ =	swait.ge [sflag:s7], $0x400  }
0x3a: {  	[sflag:s7] =	ssyncset.done $0x0  }
0x3b: {  	s4 =	simm.s32 $0x600;
	s29 =	rddreg [dreg:$0x8];
	[sflag:s7] =	ssyncadd.s32 $0xFFFFFC00  }
0x3c: {  	[tilespmem:s4], [sflag:$0x2] =	stream.linear.gather [hbm4b:s29+s2], $0x400, $0x38;
	[tilespmem:$0x1D100] =	vst v63  }
0x3d: {  	_ =	swait.ge [sflag:s7], $0x400  }
0x3e: {  	[sflag:s7] =	ssyncset.done $0x0  }
0x3f: {  	s31 =	simm.s32 $0xA00;
	s30 =	rddreg [dreg:$0x9];
	[sflag:s7] =	ssyncadd.s32 $0xFFFFFC00  }
0x40: {  	[tilespmem:s31], [sflag:$0x2] =	stream.linear.gather [hbm4b:s30+s2], $0x400, $0x38;
	[tilespmem:$0x1D100] =	vst v63  }
0x41: {  	_ =	swait.ge [sflag:s7], $0x400  }
0x42: {  	[sflag:s7] =	ssyncset.done $0x0  }
0x43: {  	[sflag:s7] =	ssyncadd.s32 $0xFFFFFC00  }
0x44: {  	[tilespmem:s9], [sflag:$0x1] =	stream.indirect.gather [hbm4b:s3+s8], $0x80, s2, s8, $0xb8;
	[tilespmem:$0x1D100] =	vst v63  }
0x45: {  	_ = 	snop  }
0x46: {  	[tilespmem:s10], [sflag:$0x1] =	stream.indirect.gather [hbm4b:s3+s8], $0x80, s26, s8, $0xb8;
	[tilespmem:$0x1D100] =	vst v63  }
0x47: {  	s25 =	simm.s32 $0x280  }
0x48: {  	[tilespmem:s11], [sflag:$0x1] =	stream.indirect.gather [hbm4b:s3+s8], $0x80, s25, s8, $0xb8;
	[tilespmem:$0x1D100] =	vst v63  }
0x49: {  	s26 =	simm.s32 $0x300  }
0x4a: {  	[tilespmem:s13], [sflag:$0x1] =	stream.indirect.gather [hbm4b:s3+s8], $0x80, s26, s8, $0xb8;
	[tilespmem:$0x1D100] =	vst v63  }
0x4b: {  	s29 =	simm.s32 $0x380  }
0x4c: {  	[tilespmem:s14], [sflag:$0x1] =	stream.indirect.gather [hbm4b:s3+s8], $0x80, s29, s8, $0xb8;
	[tilespmem:$0x1D100] =	vst v63  }
0x4d: {  	s30 =	simm.s32 $0x400  }
0x4e: {  	[tilespmem:s15], [sflag:$0x1] =	stream.indirect.gather [hbm4b:s3+s8], $0x80, s30, s8, $0xb8;
	[tilespmem:$0x1D100] =	vst v63  }
0x4f: {  	s31 =	simm.s32 $0x480  }
0x50: {  	[tilespmem:s16], [sflag:$0x1] =	stream.indirect.gather [hbm4b:s3+s8], $0x80, s31, s8, $0xb8;
	[tilespmem:$0x1D100] =	vst v63  }
0x51: {  	_ =	swait.ge [sflag:s17], $0x4000  }
0x52: {  	[sflag:s17] =	ssyncset.done $0x0  }
0x53: {  	[sflag:s17] =	ssyncadd.s32 $0xFFFFC000  }
0x54: {  	_ =	swait.ge [sflag:s17], $0x4000  }
0x55: {  	[sflag:s17] =	ssyncset.done $0x0  }
0x56: {  	[sflag:s17] =	ssyncadd.s32 $0xFFFFC000  }
0x57: {  	_ =	swait.ge [sflag:s17], $0x4000  }
0x58: {  	[sflag:s17] =	ssyncset.done $0x0  }
0x59: {  	[sflag:s17] =	ssyncadd.s32 $0xFFFFC000  }
0x5a: {  	_ =	swait.ge [sflag:s17], $0x4000  }
0x5b: {  	[sflag:s17] =	ssyncset.done $0x0  }
0x5c: {  	[sflag:s17] =	ssyncadd.s32 $0xFFFFC000  }
0x5d: {  	_ =	swait.ge [sflag:s17], $0x4000  }
0x5e: {  	[sflag:s17] =	ssyncset.done $0x0  }
0x5f: {  	[sflag:s17] =	ssyncadd.s32 $0xFFFFC000  }
0x60: {  	_ =	swait.ge [sflag:s17], $0x4000  }
0x61: {  	[sflag:s17] =	ssyncset.done $0x0  }
0x62: {  	[sflag:s17] =	ssyncadd.s32 $0xFFFFC000  }
0x63: {  	_ =	swait.ge [sflag:s17], $0x4000  }
0x64: {  	s28 =	simm.s32 $0x0;
	[sflag:s17] =	ssyncset.done $0x0  }
0x65: {  	s25 =	simm.s32 $0x4FC0;
	s26 =	simm.s32 $0xE20;
	[sflag:s17] =	ssyncadd.s32 $0xFFFFC000  }
.LBB2_2:
0x66: {  	v6 =	vld [tilespmem:s26+$0xFFFFFFE0]  }
0x67: {  	v5 =	vld [tilespmem:s25+$0x100]  }
0x68: {  	v7 =	vld [tilespmem:s26+$0xFFFFFFF0]  }
0x69: {  	v8 =	vld [tilespmem:s25+$0x110]  }
0x6a: {  	v9 =	vld [tilespmem:s26+$0x0]  }
0x6b: {  	v10 =	vld [tilespmem:s25+$0x120]  }
0x6c: {  	v11 =	vld [tilespmem:s26+$0x10]  }
0x6d: {  	v12 =	vld [tilespmem:s25+$0x130]  }
0x6e: {  	v13 =	vld [tilespmem:s25+$0xFFFFFE80];
	v5 =	vmul.f32 v5, v6  }
0x6f: {  	v14 =	vld [tilespmem:s25+$0xFFFFFF00]  }
0x70: {  	v15 =	vld [tilespmem:s25+$0xFFFFFF80];
	v8 =	vmul.f32 v8, v7;
	v5 =	vadd.f32 $0.0e+00, v5  }
0x71: {  	v16 =	vld [tilespmem:s25+$0x0]  }
0x72: {  	v17 =	vld [tilespmem:s25+$0xFFFFFE90];
	v5 =	vadd.f32 v8, v5;
	v8 =	vmul.f32 v10, v9  }
0x73: {  	v18 =	vld [tilespmem:s25+$0xFFFFFF90]  }
0x74: {  	v19 =	vld [tilespmem:s25+$0x10];
	v5 =	vadd.f32 v8, v5;
	v8 =	vmul.f32 v12, v11  }
0x75: {  	v10 =	vld [tilespmem:s25+$0x80]  }
0x76: {  	v13 =	vmul.f32 v13, v6;
	v12 =	vld [tilespmem:s25+$0xFFFFFF10];
	v8 =	vadd.f32 v8, v5  }
0x77: {  	v20 =	vld [tilespmem:s25+$0x90];
	v14 =	vmul.f32 v14, v6  }
0x78: {  	v22 =	vld [tilespmem:s25+$0xFFFFFEA0];
	v17 =	vmul.f32 v17, v7;
	v13 =	vadd.f32 $0.0e+00, v13;
	v21 =	vperm.xlane v8, v0  }
0x79: {  	v23 =	vld [tilespmem:s25+$0xFFFFFF20];
	v15 =	vmul.f32 v15, v6;
	v16 =	vmul.f32 v16, v6;
	v14 =	vadd.f32 $0.0e+00, v14  }
0x7a: {  	v25 =	vld [tilespmem:s25+$0xA0];
	v13 =	vadd.f32 v17, v13;
	v17 =	vmul.f32 v18, v7;
	v8 =	vadd.f32 v8, v21  }
0x7b: {  	v15 =	vadd.f32 $0.0e+00, v15;
	v6 =	vmul.f32 v10, v6;
	v10 =	vld [tilespmem:s25+$0xFFFFFFA0];
	v12 =	vmul.f32 v12, v7  }
0x7c: {  	v16 =	vadd.f32 $0.0e+00, v16;
	v21 =	vld [tilespmem:s25+$0x20];
	v24 =	vperm.xlane v8, v1  }
0x7d: {  	v18 =	vmul.f32 v19, v7;
	v15 =	vadd.f32 v17, v15;
	v12 =	vadd.f32 v12, v14;
	v14 =	vld [tilespmem:s25+$0xFFFFFF30]  }
0x7e: {  	v19 =	vld [tilespmem:s25+$0xFFFFFEB0];
	v6 =	vadd.f32 $0.0e+00, v6;
	v7 =	vmul.f32 v20, v7;
	v8 =	vadd.f32 v8, v24  }
0x7f: {  	v17 =	vmul.f32 v22, v9;
	v16 =	vadd.f32 v18, v16;
	v18 =	vld [tilespmem:s25+$0xFFFFFFB0];
	v5 =	vimm.f32 $0.0e+00  }
0x80: {  	v22 =	vld [tilespmem:s25+$0x30];
	v20 =	vmul.f32 v23, v9;
	v6 =	vadd.f32 v7, v6;
	v7 =	vperm.xlane v8, v2  }
0x81: {  	s1 =	sadd.s32 $0x300, s25;
	v13 =	vadd.f32 v17, v13;
	v10 =	vmul.f32 v10, v9;
	v17 =	vmul.f32 v21, v9;
	v21 =	vld [tilespmem:s25+$0xB0]  }
0x82: {  	v26 =	vld [tilespmem:s1+$0xFFFFFF80];
	v12 =	vadd.f32 v20, v12;
	v14 =	vmul.f32 v14, v11;
	v7 =	vadd.f32 v8, v7  }
0x83: {  	s0 =	simm.s32 $0x0;
	v51 =	vld [tilespmem:s1+$0xFFFFFF10];
	v8 =	vmul.f32 v25, v9;
	v9 =	vadd.f32 v10, v15;
	v10 =	vmul.f32 v19, v11  }
0x84: {  	v28 =	vld [tilespmem:s1+$0x10];
	v15 =	vadd.f32 v17, v16;
	v17 =	vmov s0;
	v12 =	vadd.f32 v14, v12  }
0x85: {  	v61 =	vld [tilespmem:s1+$0xFFFFFFB0];
	s0 =	sadd.s32 $0x80, s26;
	v6 =	vadd.f32 v8, v6;
	v8 =	vmul.f32 v18, v11;
	v10 =	vadd.f32 v10, v13  }
0x86: {  	vm0 =	veq.s32 v17, v4;
	v17 =	vld [tilespmem:s0+$0xFFFFFFF0];
	v13 =	vmul.f32 v22, v11;
	v11 =	vmul.f32 v21, v11  }
0x87: {  	v16 =	vperm.xlane v7, v3;
	v21 =	vld [tilespmem:s0+$0x10];
	v14 =	vperm.xlane v10, v0;
	v8 =	vadd.f32 v8, v9  }
0x88: {  	v9 =	vadd.f32 v13, v15;
	v13 =	vperm.xlane v12, v0;
	v6 =	vadd.f32 v11, v6;
	v11 =	vld [tilespmem:s0+$0xFFFFFFE0]  }
0x89: {  	v7 =	vadd.f32 v7, v16;
	v16 =	vld [tilespmem:s1+$0x100];
	v10 =	vadd.f32 v10, v14;
	v14 =	vperm.xlane v8, v0  }
0x8a: {  	v15 =	vperm.xlane v9, v0;
	v12 =	vadd.f32 v12, v13;
	v13 =	vperm.xlane v6, v0  }
0x8b: {  	v7 =	vsel vm0, v7, v5;
	v24 =	vmul.f32 v51, v17;
	v56 =	vmul.f32 v28, v17  }
0x8c: {  	v54 =	vld [tilespmem:s1+$0xFFFFFF20];
	vm0 =	vmmov vm0;
	v63 =	vmul.f32 v61, v21;
	v18 =	vperm.xlane v10, v1  }
0x8d: {  	v8 =	vadd.f32 v8, v14;
	v9 =	vadd.f32 v9, v15;
	v14 =	vld [tilespmem:s1+$0x110];
	v15 =	vperm.xlane v12, v1  }
0x8e: {  	v6 =	vadd.f32 v6, v13;
	v13 =	vld [tilespmem:s0+$0x0];
	v16 =	vmul.f32 v16, v11;
	v52 =	vmul.f32 v26, v11  }
0x8f: {  	v20 =	vld [tilespmem:s1+$0x120];
	v10 =	vadd.f32 v10, v18;
	v18 =	vperm.xlane v8, v1;
	v19 =	vperm.xlane v9, v1  }
0x90: {  	v49 =	vld [tilespmem:s1+$0xFFFFFF00];
	v12 =	vadd.f32 v12, v15;
	v15 =	vperm.xlane v6, v1;
	v16 =	vadd.f32 $0.0e+00, v16  }
0x91: {  	v8 =	vadd.f32 v8, v18;
	v9 =	vadd.f32 v9, v19;
	v18 =	vld [tilespmem:s1+$0x130];
	v19 =	vperm.xlane v10, v2  }
0x92: {  	v22 =	vperm.xlane v12, v2;
	v6 =	vadd.f32 v6, v15;
	v15 =	vld [tilespmem:s1+$0xFFFFFE80];
	v14 =	vmul.f32 v14, v17  }
0x93: {  	v59 =	vmul.f32 v54, v13;
	v10 =	vadd.f32 v10, v19;
	v19 =	vperm.xlane v9, v2  }
0x94: {  	v23 =	vperm.xlane v8, v2;
	v14 =	vadd.f32 v14, v16;
	v16 =	vmul.f32 v20, v13;
	v20 =	vld [tilespmem:s1+$0x0]  }
0x95: {  	v50 =	vperm.xlane v6, v2;
	v12 =	vadd.f32 v12, v22;
	v9 =	vadd.f32 v9, v19;
	v19 =	vld [tilespmem:s1+$0x80]  }
0x96: {  	v22 =	vperm.xlane v10, v3;
	v14 =	vadd.f32 v16, v14;
	v16 =	vmul.f32 v18, v21;
	v18 =	vld [tilespmem:s1+$0xFFFFFE90]  }
0x97: {  	v8 =	vadd.f32 v8, v23;
	v23 =	vmul.f32 v49, v11;
	v15 =	vmul.f32 v15, v11  }
0x98: {  	v53 =	vld [tilespmem:s1+$0xFFFFFF90];
	v10 =	vadd.f32 v10, v22;
	v22 =	vperm.xlane v12, v3;
	v14 =	vadd.f32 v16, v14  }
0x99: {  	v25 =	vadd.f32 $0.0e+00, v52;
	v27 =	vperm.xlane v9, v3;
	v20 =	vmul.f32 v20, v11  }
0x9a: {  	v6 =	vadd.f32 v6, v50;
	v29 =	vperm.xlane v14, v0;
	v11 =	vmul.f32 v19, v11;
	v19 =	vld [tilespmem:s1+$0x90]  }
0x9b: {  	v31 =	vld [tilespmem:s1+$0xFFFFFEA0];
	v23 =	vadd.f32 $0.0e+00, v23;
	v15 =	vadd.f32 $0.0e+00, v15;
	v18 =	vmul.f32 v18, v17  }
0x9c: {  	v16 =	vperm.xlane v8, v3;
	v22 =	vadd.f32 v12, v22;
	v14 =	vadd.f32 v14, v29  }
0x9d: {  	v23 =	vadd.f32 v24, v23;
	v12 =	vadd.f32 v18, v15;
	v15 =	vmul.f32 v53, v17;
	v18 =	vld [tilespmem:s1+$0xFFFFFFA0]  }
0x9e: {  	v57 =	vld [tilespmem:s1+$0x20];
	v16 =	vadd.f32 v8, v16;
	v20 =	vadd.f32 $0.0e+00, v20;
	v55 =	vperm.xlane v14, v1  }
0x9f: {  	v11 =	vadd.f32 $0.0e+00, v11;
	v8 =	vadd.f32 v15, v25;
	v15 =	vmul.f32 v19, v17;
	v17 =	vld [tilespmem:s1+$0xA0]  }
0xa0: {  	v58 =	vld [tilespmem:s1+$0xFFFFFEB0];
	v9 =	vadd.f32 v9, v27;
	v19 =	vmul.f32 v31, v13;
	v14 =	vadd.f32 v14, v55  }
0xa1: {  	v60 =	vld [tilespmem:s1+$0xFFFFFF30];
	v30 =	vperm.xlane v6, v3;
	v20 =	vadd.f32 v56, v20;
	v11 =	vadd.f32 v15, v11  }
0xa2: {  	v19 =	vadd.f32 v19, v12;
	v15 =	vperm.xlane v14, v2;
	v18 =	vmul.f32 v18, v13  }
0xa3: {  	v62 =	vld [tilespmem:s1+$0x30];
	v12 =	vadd.f32 v6, v30;
	v6 =	vadd.f32 v59, v23;
	v23 =	vmul.f32 v57, v13  }
0xa4: {  	v14 =	vadd.f32 v14, v15;
	v15 =	vadd.f32 v18, v8;
	v8 =	vmul.f32 v17, v13;
	v13 =	vld [tilespmem:s1+$0xB0]  }
0xa5: {  	v10 =	vsel vm0, v10, v5;
	v17 =	vmul.f32 v58, v21;
	v18 =	vadd.f32 v23, v20  }
0xa6: {  	s4 =	simm.s32 $0x1;
	v23 =	vmul.f32 v60, v21;
	v20 =	vperm.xlane v14, v3;
	v11 =	vadd.f32 v8, v11  }
0xa7: {  	v8 =	vsel vm0, v22, v5;
	v22 =	vmov s4;
	v19 =	vadd.f32 v17, v19  }
0xa8: {  	v17 =	vadd.f32 v63, v15;
	v14 =	vadd.f32 v14, v20;
	v20 =	vmul.f32 v62, v21  }
0xa9: {  	vm1 =	veq.s32 v22, v4;
	v22 =	vadd.f32 v23, v6;
	v13 =	vmul.f32 v13, v21  }
0xaa: {  	v21 =	vperm.xlane v19, v0;
	v6 =	vsel vm1, v14, v7;
	v15 =	vadd.f32 v20, v18  }
0xab: {  	s0 =	sadd.s32 $0x80, s0;
	v18 =	vperm.xlane v22, v0;
	v7 =	vsel vm0, v16, v5;
	v14 =	vadd.f32 v13, v11  }
0xac: {  	s31 =	sadd.s32 $0x300, s1;
	v20 =	vperm.xlane v17, v0;
	v11 =	vld [tilespmem:s0+$0xFFFFFFE0];
	v16 =	vadd.f32 v19, v21;
	v19 =	vperm.xlane v15, v0  }
0xad: {  	s29 =	sshll.u32 s28, $0x4;
	s30 =	simm.s32 $0x2;
	v9 =	vsel vm0, v9, v5;
	s1 =	simm.s32 $0x3;
	v13 =	vld [tilespmem:s31+$0x100];
	v18 =	vadd.f32 v22, v18;
	v21 =	vperm.xlane v14, v0  }
.LBB2_3:
0xae: {  	p0 =	sne.s32 s1, $0xF;
	v22 =	vld [tilespmem:s0+$0xFFFFFFF0];
	v23 =	vperm.xlane v16, v1;
	v17 =	vadd.f32 v17, v20;
	v15 =	vadd.f32 v15, v19  }
0xaf: {  	v5 =	vsel vm0, v12, v5;
	v19 =	vld [tilespmem:s31+$0x110];
	v20 =	vperm.xlane v18, v1;
	v14 =	vadd.f32 v14, v21  }
0xb0: {  	v21 =	vld [tilespmem:s0+$0x0];
	v12 =	vadd.f32 v16, v23;
	v16 =	vperm.xlane v17, v1;
	v23 =	vperm.xlane v15, v1  }
0xb1: {  	vm0 =	vmmov vm1;
	v24 =	vld [tilespmem:s31+$0x120];
	v18 =	vadd.f32 v18, v20;
	v20 =	vperm.xlane v14, v1  }
0xb2: {  	v25 =	vld [tilespmem:s0+$0x10];
	v13 =	vmul.f32 v13, v11;
	v16 =	vadd.f32 v17, v16;
	v15 =	vadd.f32 v15, v23  }
0xb3: {  	v23 =	vperm.xlane v12, v2;
	v17 =	vld [tilespmem:s31+$0x130];
	v26 =	vperm.xlane v18, v2;
	v14 =	vadd.f32 v14, v20  }
0xb4: {  	v20 =	vld [tilespmem:s31+$0xFFFFFE80];
	v13 =	vadd.f32 $0.0e+00, v13;
	v19 =	vmul.f32 v19, v22;
	v27 =	vperm.xlane v16, v2  }
0xb5: {  	v12 =	vadd.f32 v12, v23;
	v23 =	vperm.xlane v15, v2;
	v28 =	vld [tilespmem:s31+$0xFFFFFF00];
	v29 =	vperm.xlane v14, v2  }
0xb6: {  	v18 =	vadd.f32 v18, v26;
	v30 =	vld [tilespmem:s31+$0xFFFFFF80];
	v13 =	vadd.f32 v19, v13;
	v19 =	vmul.f32 v24, v21  }
0xb7: {  	v26 =	vperm.xlane v12, v3;
	v16 =	vadd.f32 v16, v27;
	v15 =	vadd.f32 v15, v23;
	v24 =	vld [tilespmem:s31+$0x0]  }
0xb8: {  	v14 =	vadd.f32 v14, v29;
	v23 =	vld [tilespmem:s31+$0x80];
	v13 =	vadd.f32 v19, v13;
	v17 =	vmul.f32 v17, v25  }
0xb9: {  	v26 =	vadd.f32 v12, v26;
	v12 =	vperm.xlane v18, v3;
	v19 =	vmul.f32 v20, v11;
	v20 =	vld [tilespmem:s31+$0xFFFFFE90]  }
0xba: {  	v27 =	vmul.f32 v28, v11;
	v28 =	vld [tilespmem:s31+$0xFFFFFF10];
	v13 =	vadd.f32 v17, v13;
	v17 =	vperm.xlane v16, v3  }
0xbb: {  	v31 =	vperm.xlane v15, v3;
	v19 =	vadd.f32 $0.0e+00, v19;
	v29 =	vmul.f32 v30, v11;
	v30 =	vld [tilespmem:s31+$0xFFFFFF90]  }
0xbc: {  	v27 =	vadd.f32 $0.0e+00, v27;
	v24 =	vmul.f32 v24, v11;
	v32 =	vld [tilespmem:s31+$0x10];
	v33 =	vperm.xlane v13, v0  }
0xbd: {  	v34 =	vperm.xlane v14, v3;
	v29 =	vadd.f32 $0.0e+00, v29;
	v11 =	vmul.f32 v23, v11;
	v23 =	vld [tilespmem:s31+$0x90]  }
0xbe: {  	v20 =	vmul.f32 v20, v22;
	v35 =	vld [tilespmem:s31+$0xFFFFFEA0];
	v24 =	vadd.f32 $0.0e+00, v24;
	v13 =	vadd.f32 v13, v33  }
0xbf: {  	v18 =	vadd.f32 v18, v12;
	v28 =	vmul.f32 v28, v22;
	v33 =	vld [tilespmem:s31+$0xFFFFFF20];
	v11 =	vadd.f32 $0.0e+00, v11  }
0xc0: {  	v12 =	vadd.f32 v20, v19;
	v19 =	vmul.f32 v30, v22;
	v20 =	vld [tilespmem:s31+$0xFFFFFFA0];
	v30 =	vperm.xlane v13, v1  }
0xc1: {  	v16 =	vadd.f32 v16, v17;
	v27 =	vadd.f32 v28, v27;
	v28 =	vmul.f32 v32, v22;
	v32 =	vld [tilespmem:s31+$0x20]  }
0xc2: {  	v17 =	vadd.f32 v19, v29;
	v19 =	vmul.f32 v23, v22;
	v22 =	vld [tilespmem:s31+$0xA0];
	v13 =	vadd.f32 v13, v30  }
0xc3: {  	v23 =	vmul.f32 v35, v21;
	v29 =	vld [tilespmem:s31+$0xFFFFFEB0];
	v24 =	vadd.f32 v28, v24;
	v28 =	vadd.f32 v15, v31  }
0xc4: {  	v15 =	vmul.f32 v33, v21;
	v30 =	vld [tilespmem:s31+$0xFFFFFF30];
	v11 =	vadd.f32 v19, v11;
	v19 =	vperm.xlane v13, v2  }
0xc5: {  	v23 =	vadd.f32 v23, v12;
	v20 =	vmul.f32 v20, v21;
	v31 =	vld [tilespmem:s31+$0xFFFFFFB0];
	v12 =	vadd.f32 v14, v34  }
0xc6: {  	v14 =	vadd.f32 v15, v27;
	v15 =	vmul.f32 v32, v21;
	v27 =	vld [tilespmem:s31+$0x30];
	v13 =	vadd.f32 v13, v19  }
0xc7: {  	v10 =	vsel vm0, v26, v10;
	v17 =	vadd.f32 v20, v17;
	v19 =	vmul.f32 v22, v21;
	v20 =	vld [tilespmem:s31+$0xB0]  }
0xc8: {  	v21 =	vmul.f32 v29, v25;
	v15 =	vadd.f32 v15, v24;
	v22 =	vperm.xlane v13, v3  }
0xc9: {  	v8 =	vsel vm0, v18, v8;
	v24 =	vmul.f32 v30, v25;
	v11 =	vadd.f32 v19, v11  }
0xca: {  	v18 =	vmov s30;
	s30 =	smov.u32 s1;
	v19 =	vmul.f32 v31, v25;
	v13 =	vadd.f32 v13, v22  }
0xcb: {  	vm1 =	veq.s32 v18, v4;
	v21 =	vadd.f32 v21, v23;
	v18 =	vmul.f32 v27, v25  }
.Ltmp0:
0xcc: {  	v22 =	vadd.f32 v24, v14;
	v14 =	vmul.f32 v20, v25;
	v6 =	vsel vm1, v13, v6;
	(pc) =	sbr.rel @p0 .LBB2_3-.Ltmp0, $4  }
0xcd: {  	v13 =	vperm.xlane v21, v0;
	v17 =	vadd.f32 v19, v17;
	v15 =	vadd.f32 v18, v15  }
0xce: {  	s0 =	sadd.s32 $0x80, s0;
	v7 =	vsel vm0, v16, v7;
	v18 =	vperm.xlane v22, v0;
	v14 =	vadd.f32 v14, v11  }
0xcf: {  	s31 =	sadd.s32 $0x300, s31;
	v16 =	vadd.f32 v21, v13;
	v20 =	vperm.xlane v17, v0;
	v11 =	vld [tilespmem:s0+$0xFFFFFFE0];
	v19 =	vperm.xlane v15, v0  }
0xd0: {  	s1 =	sadd.s32 $0x1, s1;
	v9 =	vsel vm0, v28, v9;
	v18 =	vadd.f32 v22, v18;
	v13 =	vld [tilespmem:s31+$0x100];
	v21 =	vperm.xlane v14, v0  }
0xd1: {  	v22 =	vld [tilespmem:s0+$0xFFFFFFF0]  }
0xd2: {  	v23 =	vld [tilespmem:s31+$0x110]  }
0xd3: {  	v17 =	vadd.f32 v17, v20;
	v20 =	vld [tilespmem:s0+$0x0]  }
0xd4: {  	v62 =	vld [tilespmem:s31+$0x120]  }
0xd5: {  	v34 =	vld [tilespmem:s31+$0xFFFFFE80]  }
0xd6: {  	v28 =	vld [tilespmem:s31+$0xFFFFFF00]  }
0xd7: {  	v37 =	vld [tilespmem:s31+$0xFFFFFF80]  }
0xd8: {  	v24 =	vperm.xlane v16, v1;
	v30 =	vld [tilespmem:s31+$0x0]  }
0xd9: {  	v15 =	vadd.f32 v15, v19;
	v40 =	vld [tilespmem:s31+$0x80];
	v61 =	vperm.xlane v18, v1;
	v14 =	vadd.f32 v14, v21  }
0xda: {  	v44 =	vld [tilespmem:s31+$0xFFFFFF10];
	v63 =	vadd.f32 v16, v24;
	v32 =	vperm.xlane v17, v1  }
0xdb: {  	v47 =	vld [tilespmem:s31+$0x10];
	v25 =	vperm.xlane v15, v1;
	v18 =	vadd.f32 v18, v61;
	v33 =	vperm.xlane v14, v1  }
0xdc: {  	v50 =	vld [tilespmem:s31+$0xFFFFFF20];
	v13 =	vmul.f32 v13, v11;
	v35 =	vperm.xlane v63, v2  }
0xdd: {  	v51 =	vld [tilespmem:s31+$0xFFFFFFA0];
	v27 =	vperm.xlane v18, v2;
	v36 =	vmul.f32 v23, v22  }
0xde: {  	v26 =	vld [tilespmem:s31+$0x130];
	v16 =	vadd.f32 v17, v32;
	v39 =	vmul.f32 v62, v20;
	v17 =	vmul.f32 v34, v11  }
0xdf: {  	v5 =	vsel vm0, v12, v5;
	v42 =	vld [tilespmem:s31+$0xFFFFFE90];
	v28 =	vmul.f32 v28, v11;
	v23 =	vmul.f32 v37, v11  }
0xe0: {  	vm14 =	vmmov vm1;
	v24 =	vld [tilespmem:s0+$0x10];
	v30 =	vmul.f32 v30, v11;
	v49 =	vmul.f32 v40, v11  }
0xe1: {  	v45 =	vld [tilespmem:s31+$0xFFFFFF90];
	v15 =	vadd.f32 v15, v25;
	v25 =	vmul.f32 v44, v22;
	v19 =	vmul.f32 v47, v22  }
0xe2: {  	v57 =	vld [tilespmem:s31+$0xFFFFFF30];
	v14 =	vadd.f32 v14, v33;
	v21 =	vmul.f32 v50, v20;
	v62 =	vmul.f32 v51, v20  }
0xe3: {  	v52 =	vld [tilespmem:s31+$0x20];
	v13 =	vadd.f32 $0.0e+00, v13;
	v29 =	vperm.xlane v16, v2;
	v12 =	vadd.f32 v63, v35  }
0xe4: {  	v59 =	vld [tilespmem:s31+$0xFFFFFFB0];
	v38 =	vperm.xlane v15, v2;
	v31 =	vperm.xlane v14, v2;
	v18 =	vadd.f32 v18, v27  }
0xe5: {  	v43 =	vmul.f32 v26, v24;
	v17 =	vadd.f32 $0.0e+00, v17;
	v28 =	vadd.f32 $0.0e+00, v28  }
0xe6: {  	v32 =	vld [tilespmem:s31+$0x90];
	v23 =	vadd.f32 $0.0e+00, v23;
	v30 =	vadd.f32 $0.0e+00, v30;
	v26 =	vmul.f32 v45, v22  }
0xe7: {  	v55 =	vld [tilespmem:s31+$0xFFFFFEB0];
	v11 =	vadd.f32 $0.0e+00, v49;
	v37 =	vmul.f32 v57, v24;
	v13 =	vadd.f32 v36, v13  }
0xe8: {  	v41 =	vperm.xlane v12, v3;
	v16 =	vadd.f32 v16, v29;
	v29 =	vmul.f32 v42, v22  }
0xe9: {  	v60 =	vld [tilespmem:s31+$0x30];
	v15 =	vadd.f32 v15, v38;
	v36 =	vmul.f32 v52, v20;
	v38 =	vmul.f32 v59, v24  }
0xea: {  	v14 =	vadd.f32 v14, v31;
	v46 =	vperm.xlane v18, v3;
	v25 =	vadd.f32 v25, v28  }
0xeb: {  	v35 =	vld [tilespmem:s31+$0xFFFFFEA0];
	v23 =	vadd.f32 v26, v23;
	v22 =	vmul.f32 v32, v22;
	v19 =	vadd.f32 v19, v30  }
0xec: {  	v54 =	vld [tilespmem:s31+$0xA0];
	v26 =	vmul.f32 v55, v24;
	v55 =	vmov s30;
	v13 =	vadd.f32 v39, v13  }
0xed: {  	v63 =	vld [tilespmem:s31+$0xB0];
	v12 =	vadd.f32 v12, v41;
	v48 =	vperm.xlane v16, v3;
	v33 =	vperm.xlane v15, v3  }
0xee: {  	v17 =	vadd.f32 v29, v17;
	v39 =	vmul.f32 v60, v24;
	vm15 =	veq.s32 v55, v4  }
0xef: {  	v18 =	vadd.f32 v18, v46;
	v56 =	vperm.xlane v14, v3;
	v11 =	vadd.f32 v22, v11  }
0xf0: {  	v58 =	vmul.f32 v35, v20;
	v21 =	vadd.f32 v21, v25;
	v23 =	vadd.f32 v62, v23  }
0xf1: {  	v20 =	vmul.f32 v54, v20;
	v19 =	vadd.f32 v36, v19;
	v13 =	vadd.f32 v43, v13  }
0xf2: {  	v40 =	vmul.f32 v63, v24;
	v16 =	vadd.f32 v16, v48;
	v15 =	vadd.f32 v15, v33  }
0xf3: {  	vm2 =	vmmov vm15;
	v17 =	vadd.f32 v58, v17;
	v11 =	vadd.f32 v20, v11  }
0xf4: {  	v10 =	vsel vm14, v12, v10;
	v21 =	vadd.f32 v37, v21;
	v23 =	vadd.f32 v38, v23  }
0xf5: {  	v14 =	vadd.f32 v14, v56;
	v19 =	vadd.f32 v39, v19;
	v34 =	vperm.xlane v13, v0  }
0xf6: {  	v8 =	vsel vm14, v18, v8;
	v7 =	vsel vm14, v16, v7;
	v42 =	vperm.xlane v21, v0  }
0xf7: {  	v17 =	vadd.f32 v26, v17;
	v43 =	vperm.xlane v23, v0;
	v13 =	vadd.f32 v13, v34  }
0xf8: {  	v11 =	vadd.f32 v40, v11;
	v44 =	vperm.xlane v19, v0;
	v20 =	vadd.f32 v21, v42  }
0xf9: {  	v41 =	vperm.xlane v17, v0;
	v22 =	vadd.f32 v23, v43;
	v53 =	vperm.xlane v13, v1  }
0xfa: {  	v45 =	vperm.xlane v11, v0;
	v47 =	vadd.f32 v19, v44;
	v48 =	vperm.xlane v20, v1  }
0xfb: {  	v17 =	vadd.f32 v17, v41;
	v49 =	vperm.xlane v22, v1;
	v13 =	vadd.f32 v13, v53  }
0xfc: {  	v11 =	vadd.f32 v11, v45;
	v24 =	vperm.xlane v47, v1;
	v19 =	vadd.f32 v20, v48  }
0xfd: {  	v46 =	vperm.xlane v17, v1;
	v21 =	vadd.f32 v22, v49;
	v61 =	vperm.xlane v13, v2  }
0xfe: {  	v51 =	vperm.xlane v11, v1;
	v12 =	vadd.f32 v47, v24;
	v53 =	vperm.xlane v19, v2  }
0xff: {  	v17 =	vadd.f32 v17, v46;
	v54 =	vperm.xlane v21, v2;
	v13 =	vadd.f32 v13, v61  }
0x100: {  	v11 =	vadd.f32 v11, v51;
	v24 =	vperm.xlane v12, v2;
	v18 =	vadd.f32 v19, v53  }
0x101: {  	v52 =	vperm.xlane v17, v2;
	v20 =	vadd.f32 v21, v54;
	v50 =	vperm.xlane v13, v3  }
0x102: {  	v56 =	vperm.xlane v11, v2;
	v12 =	vadd.f32 v12, v24;
	v58 =	vperm.xlane v18, v3  }
0x103: {  	v17 =	vadd.f32 v17, v52;
	v59 =	vperm.xlane v20, v3;
	v63 =	vadd.f32 v13, v50  }
0x104: {  	v11 =	vadd.f32 v11, v56;
	v60 =	vperm.xlane v12, v3;
	v18 =	vadd.f32 v18, v58  }
0x105: {  	s28 =	sadd.s32 $0x1, s28;
	v57 =	vperm.xlane v17, v3;
	v19 =	vadd.f32 v20, v59;
	v6 =	vsel vm15, v63, v6  }
0x106: {  	p0 =	sne.s32 s28, $0x8;
	v61 =	vperm.xlane v11, v3;
	v12 =	vadd.f32 v12, v60;
	v8 =	vsel vm2, v18, v8;
	[tilespmem:s29+$0x1D080] =	vst v6  }
.Ltmp1:
0x107: {  	v9 =	vsel vm14, v15, v9;
	v17 =	vadd.f32 v17, v57;
	v7 =	vsel vm2, v19, v7;
	[tilespmem:s29+$0x1CE80] =	vst v8;
	(pc) =	sbr.rel @p0 .LBB2_2-.Ltmp1, $4  }
0x108: {  	v62 =	vadd.f32 v11, v61;
	v9 =	vsel vm2, v12, v9;
	[tilespmem:s29+$0x1CF00] =	vst v7  }
0x109: {  	v5 =	vsel vm14, v14, v5;
	[tilespmem:s29+$0x1CF80] =	vst v9;
	v10 =	vsel vm2, v17, v10  }
0x10a: {  	v5 =	vsel vm2, v62, v5;
	[tilespmem:s29+$0x1CE00] =	vst v10  }
0x10b: {  	s25 =	sadd.s32 $0x3000, s25;
	s26 =	sadd.s32 $0x800, s26;
	[tilespmem:s29+$0x1D000] =	vst v5  }
0x10c: {  	s25 =	simm.s32 $0x0;
	s0 =	rddreg [dreg:$0xa]  }
0x10d: {  	[hbm4b:s0+s25] =	stream.linear.scatter [tilespmem:s18], [sflag:$0x2], $0x80, $0x38;
	[tilespmem:$0x1D100] =	vst v63  }
0x10e: {  	_ =	swait.ge [sflag:s7], $0x80  }
0x10f: {  	[sflag:s7] =	ssyncset.done $0x0  }
0x110: {  	[sflag:s7] =	ssyncadd.s32 $0xFFFFFF80  }
0x111: {  	[hbm4b:s12+s25] =	stream.linear.scatter [tilespmem:s19], [sflag:$0x2], $0x80, $0x38;
	[tilespmem:$0x1D100] =	vst v63  }
0x112: {  	_ =	swait.ge [sflag:s7], $0x80  }
0x113: {  	[sflag:s7] =	ssyncset.done $0x0  }
0x114: {  	s1 =	rddreg [dreg:$0xb];
	[sflag:s7] =	ssyncadd.s32 $0xFFFFFF80  }
0x115: {  	[hbm4b:s1+s25] =	stream.linear.scatter [tilespmem:s20], [sflag:$0x2], $0x80, $0x38;
	[tilespmem:$0x1D100] =	vst v63  }
0x116: {  	_ =	swait.ge [sflag:s7], $0x80  }
0x117: {  	[sflag:s7] =	ssyncset.done $0x0  }
0x118: {  	s4 =	rddreg [dreg:$0xc];
	[sflag:s7] =	ssyncadd.s32 $0xFFFFFF80  }
0x119: {  	[hbm4b:s4+s25] =	stream.linear.scatter [tilespmem:s21], [sflag:$0x2], $0x80, $0x38;
	[tilespmem:$0x1D100] =	vst v63  }
0x11a: {  	_ =	swait.ge [sflag:s7], $0x80  }
0x11b: {  	[sflag:s7] =	ssyncset.done $0x0  }
0x11c: {  	s26 =	rddreg [dreg:$0xd];
	[sflag:s7] =	ssyncadd.s32 $0xFFFFFF80  }
0x11d: {  	[hbm4b:s26+s25] =	stream.linear.scatter [tilespmem:s22], [sflag:$0x2], $0x80, $0x38;
	[tilespmem:$0x1D100] =	vst v63  }
0x11e: {  	_ =	swait.ge [sflag:s7], $0x80  }
0x11f: {  	[sflag:s7] =	ssyncset.done $0x0  }
0x120: {  	s30 =	rddreg [dreg:$0xe];
	[sflag:s7] =	ssyncadd.s32 $0xFFFFFF80  }
0x121: {  	[hbm4b:s30+s25] =	stream.linear.scatter [tilespmem:s23], [sflag:$0x2], $0x80, $0x38;
	[tilespmem:$0x1D100] =	vst v63  }
0x122: {  	_ =	swait.ge [sflag:s7], $0x80  }
0x123: {  	[sflag:s7] =	ssyncset.done $0x0  }
0x124: {  	[sflag:s7] =	ssyncadd.s32 $0xFFFFFF80  }
0x125: {  	[tilespmem:s9], [sflag:$0x1] =	stream.indirect.gather [hbm4b:s3+s8], $0x80, s8, s8, $0xb8;
	[tilespmem:$0x1D100] =	vst v63  }
0x126: {  	s31 =	simm.s32 $0x500  }
0x127: {  	[tilespmem:s10], [sflag:$0x1] =	stream.indirect.gather [hbm4b:s3+s8], $0x80, s31, s8, $0xb8;
	[tilespmem:$0x1D100] =	vst v63  }
0x128: {  	s1 =	simm.s32 $0x580  }
0x129: {  	[tilespmem:s11], [sflag:$0x1] =	stream.indirect.gather [hbm4b:s3+s8], $0x80, s1, s8, $0xb8;
	[tilespmem:$0x1D100] =	vst v63  }
0x12a: {  	s4 =	simm.s32 $0x600  }
0x12b: {  	[tilespmem:s13], [sflag:$0x1] =	stream.indirect.gather [hbm4b:s3+s8], $0x80, s4, s8, $0xb8;
	[tilespmem:$0x1D100] =	vst v63  }
0x12c: {  	s26 =	simm.s32 $0x680  }
0x12d: {  	[tilespmem:s14], [sflag:$0x1] =	stream.indirect.gather [hbm4b:s3+s8], $0x80, s26, s8, $0xb8;
	[tilespmem:$0x1D100] =	vst v63  }
0x12e: {  	s30 =	simm.s32 $0x700  }
0x12f: {  	[tilespmem:s15], [sflag:$0x1] =	stream.indirect.gather [hbm4b:s3+s8], $0x80, s30, s8, $0xb8;
	[tilespmem:$0x1D100] =	vst v63  }
0x130: {  	s31 =	simm.s32 $0x780  }
0x131: {  	[tilespmem:s16], [sflag:$0x1] =	stream.indirect.gather [hbm4b:s3+s8], $0x80, s31, s8, $0xb8;
	[tilespmem:$0x1D100] =	vst v63  }
0x132: {  	_ =	swait.ge [sflag:s17], $0x4000  }
0x133: {  	[sflag:s17] =	ssyncset.done $0x0  }
0x134: {  	[sflag:s17] =	ssyncadd.s32 $0xFFFFC000  }
0x135: {  	_ =	swait.ge [sflag:s17], $0x4000  }
0x136: {  	[sflag:s17] =	ssyncset.done $0x0  }
0x137: {  	[sflag:s17] =	ssyncadd.s32 $0xFFFFC000  }
0x138: {  	_ =	swait.ge [sflag:s17], $0x4000  }
0x139: {  	[sflag:s17] =	ssyncset.done $0x0  }
0x13a: {  	[sflag:s17] =	ssyncadd.s32 $0xFFFFC000  }
0x13b: {  	_ =	swait.ge [sflag:s17], $0x4000  }
0x13c: {  	[sflag:s17] =	ssyncset.done $0x0  }
0x13d: {  	[sflag:s17] =	ssyncadd.s32 $0xFFFFC000  }
0x13e: {  	_ =	swait.ge [sflag:s17], $0x4000  }
0x13f: {  	[sflag:s17] =	ssyncset.done $0x0  }
0x140: {  	[sflag:s17] =	ssyncadd.s32 $0xFFFFC000  }
0x141: {  	_ =	swait.ge [sflag:s17], $0x4000  }
0x142: {  	[sflag:s17] =	ssyncset.done $0x0  }
0x143: {  	[sflag:s17] =	ssyncadd.s32 $0xFFFFC000  }
0x144: {  	_ =	swait.ge [sflag:s17], $0x4000  }
0x145: {  	s28 =	simm.s32 $0xE20;
	[sflag:s17] =	ssyncset.done $0x0  }
0x146: {  	s29 =	simm.s32 $0x0;
	s26 =	simm.s32 $0x4FC0;
	[sflag:s17] =	ssyncadd.s32 $0xFFFFC000  }
.LBB2_6:
0x147: {  	v6 =	vld [tilespmem:s28+$0xFFFFFFE0]  }
0x148: {  	v5 =	vld [tilespmem:s26+$0x100]  }
0x149: {  	v7 =	vld [tilespmem:s28+$0xFFFFFFF0]  }
0x14a: {  	v8 =	vld [tilespmem:s26+$0x110]  }
0x14b: {  	v9 =	vld [tilespmem:s28+$0x0]  }
0x14c: {  	v10 =	vld [tilespmem:s26+$0x120]  }
0x14d: {  	v11 =	vld [tilespmem:s28+$0x10]  }
0x14e: {  	v12 =	vld [tilespmem:s26+$0x130]  }
0x14f: {  	v13 =	vld [tilespmem:s26+$0xFFFFFE80];
	v5 =	vmul.f32 v5, v6  }
0x150: {  	v14 =	vld [tilespmem:s26+$0xFFFFFF00]  }
0x151: {  	v15 =	vld [tilespmem:s26+$0xFFFFFF80];
	v8 =	vmul.f32 v8, v7;
	v5 =	vadd.f32 $0.0e+00, v5  }
0x152: {  	v16 =	vld [tilespmem:s26+$0x0]  }
0x153: {  	v17 =	vld [tilespmem:s26+$0xFFFFFE90];
	v5 =	vadd.f32 v8, v5;
	v8 =	vmul.f32 v10, v9  }
0x154: {  	v18 =	vld [tilespmem:s26+$0xFFFFFF90]  }
0x155: {  	v19 =	vld [tilespmem:s26+$0x10];
	v5 =	vadd.f32 v8, v5;
	v8 =	vmul.f32 v12, v11  }
0x156: {  	v10 =	vld [tilespmem:s26+$0x80]  }
0x157: {  	v13 =	vmul.f32 v13, v6;
	v12 =	vld [tilespmem:s26+$0xFFFFFF10];
	v8 =	vadd.f32 v8, v5  }
0x158: {  	v20 =	vld [tilespmem:s26+$0x90];
	v14 =	vmul.f32 v14, v6  }
0x159: {  	v22 =	vld [tilespmem:s26+$0xFFFFFEA0];
	v17 =	vmul.f32 v17, v7;
	v13 =	vadd.f32 $0.0e+00, v13;
	v21 =	vperm.xlane v8, v0  }
0x15a: {  	v23 =	vld [tilespmem:s26+$0xFFFFFF20];
	v15 =	vmul.f32 v15, v6;
	v16 =	vmul.f32 v16, v6;
	v14 =	vadd.f32 $0.0e+00, v14  }
0x15b: {  	v25 =	vld [tilespmem:s26+$0xA0];
	v13 =	vadd.f32 v17, v13;
	v17 =	vmul.f32 v18, v7;
	v8 =	vadd.f32 v8, v21  }
0x15c: {  	v15 =	vadd.f32 $0.0e+00, v15;
	v6 =	vmul.f32 v10, v6;
	v10 =	vld [tilespmem:s26+$0xFFFFFFA0];
	v12 =	vmul.f32 v12, v7  }
0x15d: {  	v16 =	vadd.f32 $0.0e+00, v16;
	v21 =	vld [tilespmem:s26+$0x20];
	v24 =	vperm.xlane v8, v1  }
0x15e: {  	v18 =	vmul.f32 v19, v7;
	v15 =	vadd.f32 v17, v15;
	v12 =	vadd.f32 v12, v14;
	v14 =	vld [tilespmem:s26+$0xFFFFFF30]  }
0x15f: {  	v19 =	vld [tilespmem:s26+$0xFFFFFEB0];
	v6 =	vadd.f32 $0.0e+00, v6;
	v7 =	vmul.f32 v20, v7;
	v8 =	vadd.f32 v8, v24  }
0x160: {  	v17 =	vmul.f32 v22, v9;
	v16 =	vadd.f32 v18, v16;
	v18 =	vld [tilespmem:s26+$0xFFFFFFB0];
	v5 =	vimm.f32 $0.0e+00  }
0x161: {  	v22 =	vld [tilespmem:s26+$0x30];
	v20 =	vmul.f32 v23, v9;
	v6 =	vadd.f32 v7, v6;
	v7 =	vperm.xlane v8, v2  }
0x162: {  	s0 =	sadd.s32 $0x300, s26;
	v13 =	vadd.f32 v17, v13;
	v10 =	vmul.f32 v10, v9;
	v17 =	vmul.f32 v21, v9;
	v21 =	vld [tilespmem:s26+$0xB0]  }
0x163: {  	v26 =	vld [tilespmem:s0+$0xFFFFFF80];
	v12 =	vadd.f32 v20, v12;
	v14 =	vmul.f32 v14, v11;
	v7 =	vadd.f32 v8, v7  }
0x164: {  	v51 =	vld [tilespmem:s0+$0xFFFFFF10];
	v8 =	vmul.f32 v25, v9;
	v9 =	vadd.f32 v10, v15;
	v10 =	vmul.f32 v19, v11  }
0x165: {  	v28 =	vld [tilespmem:s0+$0x10];
	v15 =	vadd.f32 v17, v16;
	v17 =	vmov s25;
	v12 =	vadd.f32 v14, v12  }
0x166: {  	s1 =	sadd.s32 $0x80, s28;
	v61 =	vld [tilespmem:s0+$0xFFFFFFB0];
	v6 =	vadd.f32 v8, v6;
	v8 =	vmul.f32 v18, v11;
	v10 =	vadd.f32 v10, v13  }
0x167: {  	vm0 =	veq.s32 v17, v4;
	v17 =	vld [tilespmem:s1+$0xFFFFFFF0];
	v13 =	vmul.f32 v22, v11;
	v11 =	vmul.f32 v21, v11  }
0x168: {  	v16 =	vperm.xlane v7, v3;
	v21 =	vld [tilespmem:s1+$0x10];
	v14 =	vperm.xlane v10, v0;
	v8 =	vadd.f32 v8, v9  }
0x169: {  	v9 =	vadd.f32 v13, v15;
	v13 =	vperm.xlane v12, v0;
	v6 =	vadd.f32 v11, v6;
	v11 =	vld [tilespmem:s1+$0xFFFFFFE0]  }
0x16a: {  	v7 =	vadd.f32 v7, v16;
	v16 =	vld [tilespmem:s0+$0x100];
	v10 =	vadd.f32 v10, v14;
	v14 =	vperm.xlane v8, v0  }
0x16b: {  	v15 =	vperm.xlane v9, v0;
	v12 =	vadd.f32 v12, v13;
	v13 =	vperm.xlane v6, v0  }
0x16c: {  	v7 =	vsel vm0, v7, v5;
	v24 =	vmul.f32 v51, v17;
	v56 =	vmul.f32 v28, v17  }
0x16d: {  	v54 =	vld [tilespmem:s0+$0xFFFFFF20];
	vm0 =	vmmov vm0;
	v63 =	vmul.f32 v61, v21;
	v18 =	vperm.xlane v10, v1  }
0x16e: {  	v8 =	vadd.f32 v8, v14;
	v9 =	vadd.f32 v9, v15;
	v14 =	vld [tilespmem:s0+$0x110];
	v15 =	vperm.xlane v12, v1  }
0x16f: {  	v6 =	vadd.f32 v6, v13;
	v13 =	vld [tilespmem:s1+$0x0];
	v16 =	vmul.f32 v16, v11;
	v52 =	vmul.f32 v26, v11  }
0x170: {  	v20 =	vld [tilespmem:s0+$0x120];
	v10 =	vadd.f32 v10, v18;
	v18 =	vperm.xlane v8, v1;
	v19 =	vperm.xlane v9, v1  }
0x171: {  	v49 =	vld [tilespmem:s0+$0xFFFFFF00];
	v12 =	vadd.f32 v12, v15;
	v15 =	vperm.xlane v6, v1;
	v16 =	vadd.f32 $0.0e+00, v16  }
0x172: {  	v8 =	vadd.f32 v8, v18;
	v9 =	vadd.f32 v9, v19;
	v18 =	vld [tilespmem:s0+$0x130];
	v19 =	vperm.xlane v10, v2  }
0x173: {  	v22 =	vperm.xlane v12, v2;
	v6 =	vadd.f32 v6, v15;
	v15 =	vld [tilespmem:s0+$0xFFFFFE80];
	v14 =	vmul.f32 v14, v17  }
0x174: {  	v59 =	vmul.f32 v54, v13;
	v10 =	vadd.f32 v10, v19;
	v19 =	vperm.xlane v9, v2  }
0x175: {  	v23 =	vperm.xlane v8, v2;
	v14 =	vadd.f32 v14, v16;
	v16 =	vmul.f32 v20, v13;
	v20 =	vld [tilespmem:s0+$0x0]  }
0x176: {  	v50 =	vperm.xlane v6, v2;
	v12 =	vadd.f32 v12, v22;
	v9 =	vadd.f32 v9, v19;
	v19 =	vld [tilespmem:s0+$0x80]  }
0x177: {  	v22 =	vperm.xlane v10, v3;
	v14 =	vadd.f32 v16, v14;
	v16 =	vmul.f32 v18, v21;
	v18 =	vld [tilespmem:s0+$0xFFFFFE90]  }
0x178: {  	v8 =	vadd.f32 v8, v23;
	v23 =	vmul.f32 v49, v11;
	v15 =	vmul.f32 v15, v11  }
0x179: {  	v53 =	vld [tilespmem:s0+$0xFFFFFF90];
	v10 =	vadd.f32 v10, v22;
	v22 =	vperm.xlane v12, v3;
	v14 =	vadd.f32 v16, v14  }
0x17a: {  	v25 =	vadd.f32 $0.0e+00, v52;
	v27 =	vperm.xlane v9, v3;
	v20 =	vmul.f32 v20, v11  }
0x17b: {  	v6 =	vadd.f32 v6, v50;
	v29 =	vperm.xlane v14, v0;
	v11 =	vmul.f32 v19, v11;
	v19 =	vld [tilespmem:s0+$0x90]  }
0x17c: {  	v31 =	vld [tilespmem:s0+$0xFFFFFEA0];
	v23 =	vadd.f32 $0.0e+00, v23;
	v15 =	vadd.f32 $0.0e+00, v15;
	v18 =	vmul.f32 v18, v17  }
0x17d: {  	v16 =	vperm.xlane v8, v3;
	v22 =	vadd.f32 v12, v22;
	v14 =	vadd.f32 v14, v29  }
0x17e: {  	v23 =	vadd.f32 v24, v23;
	v12 =	vadd.f32 v18, v15;
	v15 =	vmul.f32 v53, v17;
	v18 =	vld [tilespmem:s0+$0xFFFFFFA0]  }
0x17f: {  	v57 =	vld [tilespmem:s0+$0x20];
	v16 =	vadd.f32 v8, v16;
	v20 =	vadd.f32 $0.0e+00, v20;
	v55 =	vperm.xlane v14, v1  }
0x180: {  	v11 =	vadd.f32 $0.0e+00, v11;
	v8 =	vadd.f32 v15, v25;
	v15 =	vmul.f32 v19, v17;
	v17 =	vld [tilespmem:s0+$0xA0]  }
0x181: {  	v58 =	vld [tilespmem:s0+$0xFFFFFEB0];
	v9 =	vadd.f32 v9, v27;
	v19 =	vmul.f32 v31, v13;
	v14 =	vadd.f32 v14, v55  }
0x182: {  	v60 =	vld [tilespmem:s0+$0xFFFFFF30];
	v30 =	vperm.xlane v6, v3;
	v20 =	vadd.f32 v56, v20;
	v11 =	vadd.f32 v15, v11  }
0x183: {  	v19 =	vadd.f32 v19, v12;
	v15 =	vperm.xlane v14, v2;
	v18 =	vmul.f32 v18, v13  }
0x184: {  	v62 =	vld [tilespmem:s0+$0x30];
	v12 =	vadd.f32 v6, v30;
	v6 =	vadd.f32 v59, v23;
	v23 =	vmul.f32 v57, v13  }
0x185: {  	v14 =	vadd.f32 v14, v15;
	v15 =	vadd.f32 v18, v8;
	v8 =	vmul.f32 v17, v13;
	v13 =	vld [tilespmem:s0+$0xB0]  }
0x186: {  	v10 =	vsel vm0, v10, v5;
	v17 =	vmul.f32 v58, v21;
	v18 =	vadd.f32 v23, v20  }
0x187: {  	s4 =	simm.s32 $0x1;
	v23 =	vmul.f32 v60, v21;
	v20 =	vperm.xlane v14, v3;
	v11 =	vadd.f32 v8, v11  }
0x188: {  	v8 =	vsel vm0, v22, v5;
	v22 =	vmov s4;
	v19 =	vadd.f32 v17, v19  }
0x189: {  	v17 =	vadd.f32 v63, v15;
	v14 =	vadd.f32 v14, v20;
	v20 =	vmul.f32 v62, v21  }
0x18a: {  	vm1 =	veq.s32 v22, v4;
	v22 =	vadd.f32 v23, v6;
	v13 =	vmul.f32 v13, v21  }
0x18b: {  	v21 =	vperm.xlane v19, v0;
	v6 =	vsel vm1, v14, v7;
	v15 =	vadd.f32 v20, v18  }
0x18c: {  	s1 =	sadd.s32 $0x80, s1;
	v18 =	vperm.xlane v22, v0;
	v7 =	vsel vm0, v16, v5;
	v14 =	vadd.f32 v13, v11  }
0x18d: {  	s0 =	sadd.s32 $0x300, s0;
	v20 =	vperm.xlane v17, v0;
	v11 =	vld [tilespmem:s1+$0xFFFFFFE0];
	v16 =	vadd.f32 v19, v21;
	v19 =	vperm.xlane v15, v0  }
0x18e: {  	s30 =	sshll.u32 s29, $0x4;
	s31 =	simm.s32 $0x2;
	v9 =	vsel vm0, v9, v5;
	s4 =	simm.s32 $0x3;
	v13 =	vld [tilespmem:s0+$0x100];
	v18 =	vadd.f32 v22, v18;
	v21 =	vperm.xlane v14, v0  }
.LBB2_7:
0x18f: {  	p0 =	sne.s32 s4, $0xF;
	v22 =	vld [tilespmem:s1+$0xFFFFFFF0];
	v23 =	vperm.xlane v16, v1;
	v17 =	vadd.f32 v17, v20;
	v15 =	vadd.f32 v15, v19  }
0x190: {  	v5 =	vsel vm0, v12, v5;
	v19 =	vld [tilespmem:s0+$0x110];
	v20 =	vperm.xlane v18, v1;
	v14 =	vadd.f32 v14, v21  }
0x191: {  	v21 =	vld [tilespmem:s1+$0x0];
	v12 =	vadd.f32 v16, v23;
	v16 =	vperm.xlane v17, v1;
	v23 =	vperm.xlane v15, v1  }
0x192: {  	vm0 =	vmmov vm1;
	v24 =	vld [tilespmem:s0+$0x120];
	v18 =	vadd.f32 v18, v20;
	v20 =	vperm.xlane v14, v1  }
0x193: {  	v25 =	vld [tilespmem:s1+$0x10];
	v13 =	vmul.f32 v13, v11;
	v16 =	vadd.f32 v17, v16;
	v15 =	vadd.f32 v15, v23  }
0x194: {  	v23 =	vperm.xlane v12, v2;
	v17 =	vld [tilespmem:s0+$0x130];
	v26 =	vperm.xlane v18, v2;
	v14 =	vadd.f32 v14, v20  }
0x195: {  	v20 =	vld [tilespmem:s0+$0xFFFFFE80];
	v13 =	vadd.f32 $0.0e+00, v13;
	v19 =	vmul.f32 v19, v22;
	v27 =	vperm.xlane v16, v2  }
0x196: {  	v12 =	vadd.f32 v12, v23;
	v23 =	vperm.xlane v15, v2;
	v28 =	vld [tilespmem:s0+$0xFFFFFF00];
	v29 =	vperm.xlane v14, v2  }
0x197: {  	v18 =	vadd.f32 v18, v26;
	v30 =	vld [tilespmem:s0+$0xFFFFFF80];
	v13 =	vadd.f32 v19, v13;
	v19 =	vmul.f32 v24, v21  }
0x198: {  	v26 =	vperm.xlane v12, v3;
	v16 =	vadd.f32 v16, v27;
	v15 =	vadd.f32 v15, v23;
	v24 =	vld [tilespmem:s0+$0x0]  }
0x199: {  	v14 =	vadd.f32 v14, v29;
	v23 =	vld [tilespmem:s0+$0x80];
	v13 =	vadd.f32 v19, v13;
	v17 =	vmul.f32 v17, v25  }
0x19a: {  	v26 =	vadd.f32 v12, v26;
	v12 =	vperm.xlane v18, v3;
	v19 =	vmul.f32 v20, v11;
	v20 =	vld [tilespmem:s0+$0xFFFFFE90]  }
0x19b: {  	v27 =	vmul.f32 v28, v11;
	v28 =	vld [tilespmem:s0+$0xFFFFFF10];
	v13 =	vadd.f32 v17, v13;
	v17 =	vperm.xlane v16, v3  }
0x19c: {  	v31 =	vperm.xlane v15, v3;
	v19 =	vadd.f32 $0.0e+00, v19;
	v29 =	vmul.f32 v30, v11;
	v30 =	vld [tilespmem:s0+$0xFFFFFF90]  }
0x19d: {  	v27 =	vadd.f32 $0.0e+00, v27;
	v24 =	vmul.f32 v24, v11;
	v32 =	vld [tilespmem:s0+$0x10];
	v33 =	vperm.xlane v13, v0  }
0x19e: {  	v34 =	vperm.xlane v14, v3;
	v29 =	vadd.f32 $0.0e+00, v29;
	v11 =	vmul.f32 v23, v11;
	v23 =	vld [tilespmem:s0+$0x90]  }
0x19f: {  	v20 =	vmul.f32 v20, v22;
	v35 =	vld [tilespmem:s0+$0xFFFFFEA0];
	v24 =	vadd.f32 $0.0e+00, v24;
	v13 =	vadd.f32 v13, v33  }
0x1a0: {  	v18 =	vadd.f32 v18, v12;
	v28 =	vmul.f32 v28, v22;
	v33 =	vld [tilespmem:s0+$0xFFFFFF20];
	v11 =	vadd.f32 $0.0e+00, v11  }
0x1a1: {  	v12 =	vadd.f32 v20, v19;
	v19 =	vmul.f32 v30, v22;
	v20 =	vld [tilespmem:s0+$0xFFFFFFA0];
	v30 =	vperm.xlane v13, v1  }
0x1a2: {  	v16 =	vadd.f32 v16, v17;
	v27 =	vadd.f32 v28, v27;
	v28 =	vmul.f32 v32, v22;
	v32 =	vld [tilespmem:s0+$0x20]  }
0x1a3: {  	v17 =	vadd.f32 v19, v29;
	v19 =	vmul.f32 v23, v22;
	v22 =	vld [tilespmem:s0+$0xA0];
	v13 =	vadd.f32 v13, v30  }
0x1a4: {  	v23 =	vmul.f32 v35, v21;
	v29 =	vld [tilespmem:s0+$0xFFFFFEB0];
	v24 =	vadd.f32 v28, v24;
	v28 =	vadd.f32 v15, v31  }
0x1a5: {  	v15 =	vmul.f32 v33, v21;
	v30 =	vld [tilespmem:s0+$0xFFFFFF30];
	v11 =	vadd.f32 v19, v11;
	v19 =	vperm.xlane v13, v2  }
0x1a6: {  	v23 =	vadd.f32 v23, v12;
	v20 =	vmul.f32 v20, v21;
	v31 =	vld [tilespmem:s0+$0xFFFFFFB0];
	v12 =	vadd.f32 v14, v34  }
0x1a7: {  	v14 =	vadd.f32 v15, v27;
	v15 =	vmul.f32 v32, v21;
	v27 =	vld [tilespmem:s0+$0x30];
	v13 =	vadd.f32 v13, v19  }
0x1a8: {  	v10 =	vsel vm0, v26, v10;
	v17 =	vadd.f32 v20, v17;
	v19 =	vmul.f32 v22, v21;
	v20 =	vld [tilespmem:s0+$0xB0]  }
0x1a9: {  	v21 =	vmul.f32 v29, v25;
	v15 =	vadd.f32 v15, v24;
	v22 =	vperm.xlane v13, v3  }
0x1aa: {  	v8 =	vsel vm0, v18, v8;
	v24 =	vmul.f32 v30, v25;
	v11 =	vadd.f32 v19, v11  }
0x1ab: {  	v18 =	vmov s31;
	s31 =	smov.u32 s4;
	v19 =	vmul.f32 v31, v25;
	v13 =	vadd.f32 v13, v22  }
0x1ac: {  	vm1 =	veq.s32 v18, v4;
	v21 =	vadd.f32 v21, v23;
	v18 =	vmul.f32 v27, v25  }
.Ltmp2:
0x1ad: {  	v22 =	vadd.f32 v24, v14;
	v14 =	vmul.f32 v20, v25;
	v6 =	vsel vm1, v13, v6;
	(pc) =	sbr.rel @p0 .LBB2_7-.Ltmp2, $4  }
0x1ae: {  	v13 =	vperm.xlane v21, v0;
	v17 =	vadd.f32 v19, v17;
	v15 =	vadd.f32 v18, v15  }
0x1af: {  	s1 =	sadd.s32 $0x80, s1;
	v7 =	vsel vm0, v16, v7;
	v18 =	vperm.xlane v22, v0;
	v14 =	vadd.f32 v14, v11  }
0x1b0: {  	s0 =	sadd.s32 $0x300, s0;
	v16 =	vadd.f32 v21, v13;
	v20 =	vperm.xlane v17, v0;
	v11 =	vld [tilespmem:s1+$0xFFFFFFE0];
	v19 =	vperm.xlane v15, v0  }
0x1b1: {  	s4 =	sadd.s32 $0x1, s4;
	v9 =	vsel vm0, v28, v9;
	v18 =	vadd.f32 v22, v18;
	v13 =	vld [tilespmem:s0+$0x100];
	v21 =	vperm.xlane v14, v0  }
0x1b2: {  	v22 =	vld [tilespmem:s1+$0xFFFFFFF0]  }
0x1b3: {  	v23 =	vld [tilespmem:s0+$0x110]  }
0x1b4: {  	v17 =	vadd.f32 v17, v20;
	v20 =	vld [tilespmem:s1+$0x0]  }
0x1b5: {  	v62 =	vld [tilespmem:s0+$0x120]  }
0x1b6: {  	v34 =	vld [tilespmem:s0+$0xFFFFFE80]  }
0x1b7: {  	v28 =	vld [tilespmem:s0+$0xFFFFFF00]  }
0x1b8: {  	v37 =	vld [tilespmem:s0+$0xFFFFFF80]  }
0x1b9: {  	v24 =	vperm.xlane v16, v1;
	v30 =	vld [tilespmem:s0+$0x0]  }
0x1ba: {  	v15 =	vadd.f32 v15, v19;
	v40 =	vld [tilespmem:s0+$0x80];
	v61 =	vperm.xlane v18, v1;
	v14 =	vadd.f32 v14, v21  }
0x1bb: {  	v44 =	vld [tilespmem:s0+$0xFFFFFF10];
	v63 =	vadd.f32 v16, v24;
	v32 =	vperm.xlane v17, v1  }
0x1bc: {  	v47 =	vld [tilespmem:s0+$0x10];
	v25 =	vperm.xlane v15, v1;
	v18 =	vadd.f32 v18, v61;
	v33 =	vperm.xlane v14, v1  }
0x1bd: {  	v50 =	vld [tilespmem:s0+$0xFFFFFF20];
	v13 =	vmul.f32 v13, v11;
	v35 =	vperm.xlane v63, v2  }
0x1be: {  	v51 =	vld [tilespmem:s0+$0xFFFFFFA0];
	v27 =	vperm.xlane v18, v2;
	v36 =	vmul.f32 v23, v22  }
0x1bf: {  	v26 =	vld [tilespmem:s0+$0x130];
	v16 =	vadd.f32 v17, v32;
	v39 =	vmul.f32 v62, v20;
	v17 =	vmul.f32 v34, v11  }
0x1c0: {  	v5 =	vsel vm0, v12, v5;
	v42 =	vld [tilespmem:s0+$0xFFFFFE90];
	v28 =	vmul.f32 v28, v11;
	v23 =	vmul.f32 v37, v11  }
0x1c1: {  	vm14 =	vmmov vm1;
	v24 =	vld [tilespmem:s1+$0x10];
	v30 =	vmul.f32 v30, v11;
	v49 =	vmul.f32 v40, v11  }
0x1c2: {  	v45 =	vld [tilespmem:s0+$0xFFFFFF90];
	v15 =	vadd.f32 v15, v25;
	v25 =	vmul.f32 v44, v22;
	v19 =	vmul.f32 v47, v22  }
0x1c3: {  	v57 =	vld [tilespmem:s0+$0xFFFFFF30];
	v14 =	vadd.f32 v14, v33;
	v21 =	vmul.f32 v50, v20;
	v62 =	vmul.f32 v51, v20  }
0x1c4: {  	v52 =	vld [tilespmem:s0+$0x20];
	v13 =	vadd.f32 $0.0e+00, v13;
	v29 =	vperm.xlane v16, v2;
	v12 =	vadd.f32 v63, v35  }
0x1c5: {  	v59 =	vld [tilespmem:s0+$0xFFFFFFB0];
	v38 =	vperm.xlane v15, v2;
	v31 =	vperm.xlane v14, v2;
	v18 =	vadd.f32 v18, v27  }
0x1c6: {  	v43 =	vmul.f32 v26, v24;
	v17 =	vadd.f32 $0.0e+00, v17;
	v28 =	vadd.f32 $0.0e+00, v28  }
0x1c7: {  	v32 =	vld [tilespmem:s0+$0x90];
	v23 =	vadd.f32 $0.0e+00, v23;
	v30 =	vadd.f32 $0.0e+00, v30;
	v26 =	vmul.f32 v45, v22  }
0x1c8: {  	v55 =	vld [tilespmem:s0+$0xFFFFFEB0];
	v11 =	vadd.f32 $0.0e+00, v49;
	v37 =	vmul.f32 v57, v24;
	v13 =	vadd.f32 v36, v13  }
0x1c9: {  	v41 =	vperm.xlane v12, v3;
	v16 =	vadd.f32 v16, v29;
	v29 =	vmul.f32 v42, v22  }
0x1ca: {  	v60 =	vld [tilespmem:s0+$0x30];
	v15 =	vadd.f32 v15, v38;
	v36 =	vmul.f32 v52, v20;
	v38 =	vmul.f32 v59, v24  }
0x1cb: {  	v14 =	vadd.f32 v14, v31;
	v46 =	vperm.xlane v18, v3;
	v25 =	vadd.f32 v25, v28  }
0x1cc: {  	v35 =	vld [tilespmem:s0+$0xFFFFFEA0];
	v23 =	vadd.f32 v26, v23;
	v22 =	vmul.f32 v32, v22;
	v19 =	vadd.f32 v19, v30  }
0x1cd: {  	v54 =	vld [tilespmem:s0+$0xA0];
	v26 =	vmul.f32 v55, v24;
	v55 =	vmov s31;
	v13 =	vadd.f32 v39, v13  }
0x1ce: {  	v63 =	vld [tilespmem:s0+$0xB0];
	v12 =	vadd.f32 v12, v41;
	v48 =	vperm.xlane v16, v3;
	v33 =	vperm.xlane v15, v3  }
0x1cf: {  	v17 =	vadd.f32 v29, v17;
	v39 =	vmul.f32 v60, v24;
	vm15 =	veq.s32 v55, v4  }
0x1d0: {  	v18 =	vadd.f32 v18, v46;
	v56 =	vperm.xlane v14, v3;
	v11 =	vadd.f32 v22, v11  }
0x1d1: {  	v58 =	vmul.f32 v35, v20;
	v21 =	vadd.f32 v21, v25;
	v23 =	vadd.f32 v62, v23  }
0x1d2: {  	v20 =	vmul.f32 v54, v20;
	v19 =	vadd.f32 v36, v19;
	v13 =	vadd.f32 v43, v13  }
0x1d3: {  	v40 =	vmul.f32 v63, v24;
	v16 =	vadd.f32 v16, v48;
	v15 =	vadd.f32 v15, v33  }
0x1d4: {  	vm2 =	vmmov vm15;
	v17 =	vadd.f32 v58, v17;
	v11 =	vadd.f32 v20, v11  }
0x1d5: {  	v10 =	vsel vm14, v12, v10;
	v21 =	vadd.f32 v37, v21;
	v23 =	vadd.f32 v38, v23  }
0x1d6: {  	v14 =	vadd.f32 v14, v56;
	v19 =	vadd.f32 v39, v19;
	v34 =	vperm.xlane v13, v0  }
0x1d7: {  	v8 =	vsel vm14, v18, v8;
	v7 =	vsel vm14, v16, v7;
	v42 =	vperm.xlane v21, v0  }
0x1d8: {  	v17 =	vadd.f32 v26, v17;
	v43 =	vperm.xlane v23, v0;
	v13 =	vadd.f32 v13, v34  }
0x1d9: {  	v11 =	vadd.f32 v40, v11;
	v44 =	vperm.xlane v19, v0;
	v20 =	vadd.f32 v21, v42  }
0x1da: {  	v41 =	vperm.xlane v17, v0;
	v22 =	vadd.f32 v23, v43;
	v53 =	vperm.xlane v13, v1  }
0x1db: {  	v45 =	vperm.xlane v11, v0;
	v47 =	vadd.f32 v19, v44;
	v48 =	vperm.xlane v20, v1  }
0x1dc: {  	v17 =	vadd.f32 v17, v41;
	v49 =	vperm.xlane v22, v1;
	v13 =	vadd.f32 v13, v53  }
0x1dd: {  	v11 =	vadd.f32 v11, v45;
	v24 =	vperm.xlane v47, v1;
	v19 =	vadd.f32 v20, v48  }
0x1de: {  	v46 =	vperm.xlane v17, v1;
	v21 =	vadd.f32 v22, v49;
	v61 =	vperm.xlane v13, v2  }
0x1df: {  	v51 =	vperm.xlane v11, v1;
	v12 =	vadd.f32 v47, v24;
	v53 =	vperm.xlane v19, v2  }
0x1e0: {  	v17 =	vadd.f32 v17, v46;
	v54 =	vperm.xlane v21, v2;
	v13 =	vadd.f32 v13, v61  }
0x1e1: {  	v11 =	vadd.f32 v11, v51;
	v24 =	vperm.xlane v12, v2;
	v18 =	vadd.f32 v19, v53  }
0x1e2: {  	v52 =	vperm.xlane v17, v2;
	v20 =	vadd.f32 v21, v54;
	v50 =	vperm.xlane v13, v3  }
0x1e3: {  	v56 =	vperm.xlane v11, v2;
	v12 =	vadd.f32 v12, v24;
	v58 =	vperm.xlane v18, v3  }
0x1e4: {  	v17 =	vadd.f32 v17, v52;
	v59 =	vperm.xlane v20, v3;
	v63 =	vadd.f32 v13, v50  }
0x1e5: {  	v11 =	vadd.f32 v11, v56;
	v60 =	vperm.xlane v12, v3;
	v18 =	vadd.f32 v18, v58  }
0x1e6: {  	s29 =	sadd.s32 $0x1, s29;
	v57 =	vperm.xlane v17, v3;
	v19 =	vadd.f32 v20, v59;
	v6 =	vsel vm15, v63, v6  }
0x1e7: {  	p0 =	sne.s32 s29, $0x8;
	v61 =	vperm.xlane v11, v3;
	v12 =	vadd.f32 v12, v60;
	v8 =	vsel vm2, v18, v8;
	[tilespmem:s30+$0x1D080] =	vst v6  }
.Ltmp3:
0x1e8: {  	v9 =	vsel vm14, v15, v9;
	v17 =	vadd.f32 v17, v57;
	v7 =	vsel vm2, v19, v7;
	[tilespmem:s30+$0x1CE80] =	vst v8;
	(pc) =	sbr.rel @p0 .LBB2_6-.Ltmp3, $4  }
0x1e9: {  	v62 =	vadd.f32 v11, v61;
	v9 =	vsel vm2, v12, v9;
	[tilespmem:s30+$0x1CF00] =	vst v7  }
0x1ea: {  	v5 =	vsel vm14, v14, v5;
	[tilespmem:s30+$0x1CF80] =	vst v9;
	v10 =	vsel vm2, v17, v10  }
0x1eb: {  	v5 =	vsel vm2, v62, v5;
	[tilespmem:s30+$0x1CE00] =	vst v10  }
0x1ec: {  	s26 =	sadd.s32 $0x3000, s26;
	s28 =	sadd.s32 $0x800, s28;
	[tilespmem:s30+$0x1D000] =	vst v5  }
0x1ed: {  	s25 =	simm.s32 $0x0;
	s0 =	rddreg [dreg:$0xf]  }
0x1ee: {  	[hbm4b:s0+s25] =	stream.linear.scatter [tilespmem:s18], [sflag:$0x2], $0x80, $0x38;
	[tilespmem:$0x1D100] =	vst v63  }
0x1ef: {  	_ =	swait.ge [sflag:s7], $0x80  }
0x1f0: {  	[sflag:s7] =	ssyncset.done $0x0  }
0x1f1: {  	s30 =	rddreg [dreg:$0x10];
	[sflag:s7] =	ssyncadd.s32 $0xFFFFFF80  }
0x1f2: {  	[hbm4b:s30+s25] =	stream.linear.scatter [tilespmem:s19], [sflag:$0x2], $0x80, $0x38;
	[tilespmem:$0x1D100] =	vst v63  }
0x1f3: {  	_ =	swait.ge [sflag:s7], $0x80  }
0x1f4: {  	[sflag:s7] =	ssyncset.done $0x0  }
0x1f5: {  	s31 =	rddreg [dreg:$0x11];
	[sflag:s7] =	ssyncadd.s32 $0xFFFFFF80  }
0x1f6: {  	[hbm4b:s31+s25] =	stream.linear.scatter [tilespmem:s20], [sflag:$0x2], $0x80, $0x38;
	[tilespmem:$0x1D100] =	vst v63  }
0x1f7: {  	_ =	swait.ge [sflag:s7], $0x80  }
0x1f8: {  	[sflag:s7] =	ssyncset.done $0x0  }
0x1f9: {  	s1 =	rddreg [dreg:$0x16];
	[sflag:s7] =	ssyncadd.s32 $0xFFFFFF80  }
0x1fa: {  	[hbm4b:s1+s25] =	stream.linear.scatter [tilespmem:s21], [sflag:$0x2], $0x80, $0x38;
	[tilespmem:$0x1D100] =	vst v63  }
0x1fb: {  	_ =	swait.ge [sflag:s7], $0x80  }
0x1fc: {  	[sflag:s7] =	ssyncset.done $0x0  }
0x1fd: {  	s4 =	rddreg [dreg:$0x18];
	[sflag:s7] =	ssyncadd.s32 $0xFFFFFF80  }
0x1fe: {  	[hbm4b:s4+s25] =	stream.linear.scatter [tilespmem:s22], [sflag:$0x2], $0x80, $0x38;
	[tilespmem:$0x1D100] =	vst v63  }
0x1ff: {  	_ =	swait.ge [sflag:s7], $0x80  }
0x200: {  	[sflag:s7] =	ssyncset.done $0x0  }
0x201: {  	s26 =	rddreg [dreg:$0x19];
	[sflag:s7] =	ssyncadd.s32 $0xFFFFFF80  }
0x202: {  	[hbm4b:s26+s25] =	stream.linear.scatter [tilespmem:s23], [sflag:$0x2], $0x80, $0x38;
	[tilespmem:$0x1D100] =	vst v63  }
0x203: {  	_ =	swait.ge [sflag:s7], $0x80  }
0x204: {  	[sflag:s7] =	ssyncset.done $0x0  }
0x205: {  	s30 =	simm.s32 $0x100;
	[sflag:s7] =	ssyncadd.s32 $0xFFFFFF80  }
0x206: {  	[tilespmem:s9], [sflag:$0x1] =	stream.indirect.gather [hbm4b:s3+s8], $0x80, s30, s8, $0xb8;
	[tilespmem:$0x1D100] =	vst v63  }
0x207: {  	s31 =	simm.s32 $0x800  }
0x208: {  	[tilespmem:s10], [sflag:$0x1] =	stream.indirect.gather [hbm4b:s3+s8], $0x80, s31, s8, $0xb8;
	[tilespmem:$0x1D100] =	vst v63  }
0x209: {  	s1 =	simm.s32 $0x880  }
0x20a: {  	[tilespmem:s11], [sflag:$0x1] =	stream.indirect.gather [hbm4b:s3+s8], $0x80, s1, s8, $0xb8;
	[tilespmem:$0x1D100] =	vst v63  }
0x20b: {  	s4 =	simm.s32 $0x900  }
0x20c: {  	[tilespmem:s13], [sflag:$0x1] =	stream.indirect.gather [hbm4b:s3+s8], $0x80, s4, s8, $0xb8;
	[tilespmem:$0x1D100] =	vst v63  }
0x20d: {  	s26 =	simm.s32 $0x980  }
0x20e: {  	[tilespmem:s14], [sflag:$0x1] =	stream.indirect.gather [hbm4b:s3+s8], $0x80, s26, s8, $0xb8;
	[tilespmem:$0x1D100] =	vst v63  }
0x20f: {  	s30 =	simm.s32 $0xA00  }
0x210: {  	[tilespmem:s15], [sflag:$0x1] =	stream.indirect.gather [hbm4b:s3+s8], $0x80, s30, s8, $0xb8;
	[tilespmem:$0x1D100] =	vst v63  }
0x211: {  	s31 =	simm.s32 $0xA80  }
0x212: {  	[tilespmem:s16], [sflag:$0x1] =	stream.indirect.gather [hbm4b:s3+s8], $0x80, s31, s8, $0xb8;
	[tilespmem:$0x1D100] =	vst v63  }
0x213: {  	_ =	swait.ge [sflag:s17], $0x4000  }
0x214: {  	[sflag:s17] =	ssyncset.done $0x0  }
0x215: {  	[sflag:s17] =	ssyncadd.s32 $0xFFFFC000  }
0x216: {  	_ =	swait.ge [sflag:s17], $0x4000  }
0x217: {  	[sflag:s17] =	ssyncset.done $0x0  }
0x218: {  	[sflag:s17] =	ssyncadd.s32 $0xFFFFC000  }
0x219: {  	_ =	swait.ge [sflag:s17], $0x4000  }
0x21a: {  	[sflag:s17] =	ssyncset.done $0x0  }
0x21b: {  	[sflag:s17] =	ssyncadd.s32 $0xFFFFC000  }
0x21c: {  	_ =	swait.ge [sflag:s17], $0x4000  }
0x21d: {  	[sflag:s17] =	ssyncset.done $0x0  }
0x21e: {  	[sflag:s17] =	ssyncadd.s32 $0xFFFFC000  }
0x21f: {  	_ =	swait.ge [sflag:s17], $0x4000  }
0x220: {  	[sflag:s17] =	ssyncset.done $0x0  }
0x221: {  	[sflag:s17] =	ssyncadd.s32 $0xFFFFC000  }
0x222: {  	_ =	swait.ge [sflag:s17], $0x4000  }
0x223: {  	[sflag:s17] =	ssyncset.done $0x0  }
0x224: {  	[sflag:s17] =	ssyncadd.s32 $0xFFFFC000  }
0x225: {  	_ =	swait.ge [sflag:s17], $0x4000  }
0x226: {  	s28 =	simm.s32 $0xE20;
	[sflag:s17] =	ssyncset.done $0x0  }
0x227: {  	s29 =	simm.s32 $0x0;
	s26 =	simm.s32 $0x4FC0;
	[sflag:s17] =	ssyncadd.s32 $0xFFFFC000  }
.LBB2_10:
0x228: {  	v6 =	vld [tilespmem:s28+$0xFFFFFFE0]  }
0x229: {  	v5 =	vld [tilespmem:s26+$0x100]  }
0x22a: {  	v7 =	vld [tilespmem:s28+$0xFFFFFFF0]  }
0x22b: {  	v8 =	vld [tilespmem:s26+$0x110]  }
0x22c: {  	v9 =	vld [tilespmem:s28+$0x0]  }
0x22d: {  	v10 =	vld [tilespmem:s26+$0x120]  }
0x22e: {  	v11 =	vld [tilespmem:s28+$0x10]  }
0x22f: {  	v12 =	vld [tilespmem:s26+$0x130]  }
0x230: {  	v13 =	vld [tilespmem:s26+$0xFFFFFE80];
	v5 =	vmul.f32 v5, v6  }
0x231: {  	v14 =	vld [tilespmem:s26+$0xFFFFFF00]  }
0x232: {  	v15 =	vld [tilespmem:s26+$0xFFFFFF80];
	v8 =	vmul.f32 v8, v7;
	v5 =	vadd.f32 $0.0e+00, v5  }
0x233: {  	v16 =	vld [tilespmem:s26+$0x0]  }
0x234: {  	v17 =	vld [tilespmem:s26+$0xFFFFFE90];
	v5 =	vadd.f32 v8, v5;
	v8 =	vmul.f32 v10, v9  }
0x235: {  	v18 =	vld [tilespmem:s26+$0xFFFFFF90]  }
0x236: {  	v19 =	vld [tilespmem:s26+$0x10];
	v5 =	vadd.f32 v8, v5;
	v8 =	vmul.f32 v12, v11  }
0x237: {  	v10 =	vld [tilespmem:s26+$0x80]  }
0x238: {  	v13 =	vmul.f32 v13, v6;
	v12 =	vld [tilespmem:s26+$0xFFFFFF10];
	v8 =	vadd.f32 v8, v5  }
0x239: {  	v20 =	vld [tilespmem:s26+$0x90];
	v14 =	vmul.f32 v14, v6  }
0x23a: {  	v22 =	vld [tilespmem:s26+$0xFFFFFEA0];
	v17 =	vmul.f32 v17, v7;
	v13 =	vadd.f32 $0.0e+00, v13;
	v21 =	vperm.xlane v8, v0  }
0x23b: {  	v23 =	vld [tilespmem:s26+$0xFFFFFF20];
	v15 =	vmul.f32 v15, v6;
	v16 =	vmul.f32 v16, v6;
	v14 =	vadd.f32 $0.0e+00, v14  }
0x23c: {  	v25 =	vld [tilespmem:s26+$0xA0];
	v13 =	vadd.f32 v17, v13;
	v17 =	vmul.f32 v18, v7;
	v8 =	vadd.f32 v8, v21  }
0x23d: {  	v15 =	vadd.f32 $0.0e+00, v15;
	v6 =	vmul.f32 v10, v6;
	v10 =	vld [tilespmem:s26+$0xFFFFFFA0];
	v12 =	vmul.f32 v12, v7  }
0x23e: {  	v16 =	vadd.f32 $0.0e+00, v16;
	v21 =	vld [tilespmem:s26+$0x20];
	v24 =	vperm.xlane v8, v1  }
0x23f: {  	v18 =	vmul.f32 v19, v7;
	v15 =	vadd.f32 v17, v15;
	v12 =	vadd.f32 v12, v14;
	v14 =	vld [tilespmem:s26+$0xFFFFFF30]  }
0x240: {  	v19 =	vld [tilespmem:s26+$0xFFFFFEB0];
	v6 =	vadd.f32 $0.0e+00, v6;
	v7 =	vmul.f32 v20, v7;
	v8 =	vadd.f32 v8, v24  }
0x241: {  	v17 =	vmul.f32 v22, v9;
	v16 =	vadd.f32 v18, v16;
	v18 =	vld [tilespmem:s26+$0xFFFFFFB0];
	v5 =	vimm.f32 $0.0e+00  }
0x242: {  	v22 =	vld [tilespmem:s26+$0x30];
	v20 =	vmul.f32 v23, v9;
	v6 =	vadd.f32 v7, v6;
	v7 =	vperm.xlane v8, v2  }
0x243: {  	s0 =	sadd.s32 $0x300, s26;
	v13 =	vadd.f32 v17, v13;
	v10 =	vmul.f32 v10, v9;
	v17 =	vmul.f32 v21, v9;
	v21 =	vld [tilespmem:s26+$0xB0]  }
0x244: {  	v26 =	vld [tilespmem:s0+$0xFFFFFF80];
	v12 =	vadd.f32 v20, v12;
	v14 =	vmul.f32 v14, v11;
	v7 =	vadd.f32 v8, v7  }
0x245: {  	v51 =	vld [tilespmem:s0+$0xFFFFFF10];
	v8 =	vmul.f32 v25, v9;
	v9 =	vadd.f32 v10, v15;
	v10 =	vmul.f32 v19, v11  }
0x246: {  	v28 =	vld [tilespmem:s0+$0x10];
	v15 =	vadd.f32 v17, v16;
	v17 =	vmov s25;
	v12 =	vadd.f32 v14, v12  }
0x247: {  	s1 =	sadd.s32 $0x80, s28;
	v61 =	vld [tilespmem:s0+$0xFFFFFFB0];
	v6 =	vadd.f32 v8, v6;
	v8 =	vmul.f32 v18, v11;
	v10 =	vadd.f32 v10, v13  }
0x248: {  	vm0 =	veq.s32 v17, v4;
	v17 =	vld [tilespmem:s1+$0xFFFFFFF0];
	v13 =	vmul.f32 v22, v11;
	v11 =	vmul.f32 v21, v11  }
0x249: {  	v16 =	vperm.xlane v7, v3;
	v21 =	vld [tilespmem:s1+$0x10];
	v14 =	vperm.xlane v10, v0;
	v8 =	vadd.f32 v8, v9  }
0x24a: {  	v9 =	vadd.f32 v13, v15;
	v13 =	vperm.xlane v12, v0;
	v6 =	vadd.f32 v11, v6;
	v11 =	vld [tilespmem:s1+$0xFFFFFFE0]  }
0x24b: {  	v7 =	vadd.f32 v7, v16;
	v16 =	vld [tilespmem:s0+$0x100];
	v10 =	vadd.f32 v10, v14;
	v14 =	vperm.xlane v8, v0  }
0x24c: {  	v15 =	vperm.xlane v9, v0;
	v12 =	vadd.f32 v12, v13;
	v13 =	vperm.xlane v6, v0  }
0x24d: {  	v7 =	vsel vm0, v7, v5;
	v24 =	vmul.f32 v51, v17;
	v56 =	vmul.f32 v28, v17  }
0x24e: {  	v54 =	vld [tilespmem:s0+$0xFFFFFF20];
	vm0 =	vmmov vm0;
	v63 =	vmul.f32 v61, v21;
	v18 =	vperm.xlane v10, v1  }
0x24f: {  	v8 =	vadd.f32 v8, v14;
	v9 =	vadd.f32 v9, v15;
	v14 =	vld [tilespmem:s0+$0x110];
	v15 =	vperm.xlane v12, v1  }
0x250: {  	v6 =	vadd.f32 v6, v13;
	v13 =	vld [tilespmem:s1+$0x0];
	v16 =	vmul.f32 v16, v11;
	v52 =	vmul.f32 v26, v11  }
0x251: {  	v20 =	vld [tilespmem:s0+$0x120];
	v10 =	vadd.f32 v10, v18;
	v18 =	vperm.xlane v8, v1;
	v19 =	vperm.xlane v9, v1  }
0x252: {  	v49 =	vld [tilespmem:s0+$0xFFFFFF00];
	v12 =	vadd.f32 v12, v15;
	v15 =	vperm.xlane v6, v1;
	v16 =	vadd.f32 $0.0e+00, v16  }
0x253: {  	v8 =	vadd.f32 v8, v18;
	v9 =	vadd.f32 v9, v19;
	v18 =	vld [tilespmem:s0+$0x130];
	v19 =	vperm.xlane v10, v2  }
0x254: {  	v22 =	vperm.xlane v12, v2;
	v6 =	vadd.f32 v6, v15;
	v15 =	vld [tilespmem:s0+$0xFFFFFE80];
	v14 =	vmul.f32 v14, v17  }
0x255: {  	v59 =	vmul.f32 v54, v13;
	v10 =	vadd.f32 v10, v19;
	v19 =	vperm.xlane v9, v2  }
0x256: {  	v23 =	vperm.xlane v8, v2;
	v14 =	vadd.f32 v14, v16;
	v16 =	vmul.f32 v20, v13;
	v20 =	vld [tilespmem:s0+$0x0]  }
0x257: {  	v50 =	vperm.xlane v6, v2;
	v12 =	vadd.f32 v12, v22;
	v9 =	vadd.f32 v9, v19;
	v19 =	vld [tilespmem:s0+$0x80]  }
0x258: {  	v22 =	vperm.xlane v10, v3;
	v14 =	vadd.f32 v16, v14;
	v16 =	vmul.f32 v18, v21;
	v18 =	vld [tilespmem:s0+$0xFFFFFE90]  }
0x259: {  	v8 =	vadd.f32 v8, v23;
	v23 =	vmul.f32 v49, v11;
	v15 =	vmul.f32 v15, v11  }
0x25a: {  	v53 =	vld [tilespmem:s0+$0xFFFFFF90];
	v10 =	vadd.f32 v10, v22;
	v22 =	vperm.xlane v12, v3;
	v14 =	vadd.f32 v16, v14  }
0x25b: {  	v25 =	vadd.f32 $0.0e+00, v52;
	v27 =	vperm.xlane v9, v3;
	v20 =	vmul.f32 v20, v11  }
0x25c: {  	v6 =	vadd.f32 v6, v50;
	v29 =	vperm.xlane v14, v0;
	v11 =	vmul.f32 v19, v11;
	v19 =	vld [tilespmem:s0+$0x90]  }
0x25d: {  	v31 =	vld [tilespmem:s0+$0xFFFFFEA0];
	v23 =	vadd.f32 $0.0e+00, v23;
	v15 =	vadd.f32 $0.0e+00, v15;
	v18 =	vmul.f32 v18, v17  }
0x25e: {  	v16 =	vperm.xlane v8, v3;
	v22 =	vadd.f32 v12, v22;
	v14 =	vadd.f32 v14, v29  }
0x25f: {  	v23 =	vadd.f32 v24, v23;
	v12 =	vadd.f32 v18, v15;
	v15 =	vmul.f32 v53, v17;
	v18 =	vld [tilespmem:s0+$0xFFFFFFA0]  }
0x260: {  	v57 =	vld [tilespmem:s0+$0x20];
	v16 =	vadd.f32 v8, v16;
	v20 =	vadd.f32 $0.0e+00, v20;
	v55 =	vperm.xlane v14, v1  }
0x261: {  	v11 =	vadd.f32 $0.0e+00, v11;
	v8 =	vadd.f32 v15, v25;
	v15 =	vmul.f32 v19, v17;
	v17 =	vld [tilespmem:s0+$0xA0]  }
0x262: {  	v58 =	vld [tilespmem:s0+$0xFFFFFEB0];
	v9 =	vadd.f32 v9, v27;
	v19 =	vmul.f32 v31, v13;
	v14 =	vadd.f32 v14, v55  }
0x263: {  	v60 =	vld [tilespmem:s0+$0xFFFFFF30];
	v30 =	vperm.xlane v6, v3;
	v20 =	vadd.f32 v56, v20;
	v11 =	vadd.f32 v15, v11  }
0x264: {  	v19 =	vadd.f32 v19, v12;
	v15 =	vperm.xlane v14, v2;
	v18 =	vmul.f32 v18, v13  }
0x265: {  	v62 =	vld [tilespmem:s0+$0x30];
	v12 =	vadd.f32 v6, v30;
	v6 =	vadd.f32 v59, v23;
	v23 =	vmul.f32 v57, v13  }
0x266: {  	v14 =	vadd.f32 v14, v15;
	v15 =	vadd.f32 v18, v8;
	v8 =	vmul.f32 v17, v13;
	v13 =	vld [tilespmem:s0+$0xB0]  }
0x267: {  	v10 =	vsel vm0, v10, v5;
	v17 =	vmul.f32 v58, v21;
	v18 =	vadd.f32 v23, v20  }
0x268: {  	s4 =	simm.s32 $0x1;
	v23 =	vmul.f32 v60, v21;
	v20 =	vperm.xlane v14, v3;
	v11 =	vadd.f32 v8, v11  }
0x269: {  	v8 =	vsel vm0, v22, v5;
	v22 =	vmov s4;
	v19 =	vadd.f32 v17, v19  }
0x26a: {  	v17 =	vadd.f32 v63, v15;
	v14 =	vadd.f32 v14, v20;
	v20 =	vmul.f32 v62, v21  }
0x26b: {  	vm1 =	veq.s32 v22, v4;
	v22 =	vadd.f32 v23, v6;
	v13 =	vmul.f32 v13, v21  }
0x26c: {  	v21 =	vperm.xlane v19, v0;
	v6 =	vsel vm1, v14, v7;
	v15 =	vadd.f32 v20, v18  }
0x26d: {  	s1 =	sadd.s32 $0x80, s1;
	v18 =	vperm.xlane v22, v0;
	v7 =	vsel vm0, v16, v5;
	v14 =	vadd.f32 v13, v11  }
0x26e: {  	s0 =	sadd.s32 $0x300, s0;
	v20 =	vperm.xlane v17, v0;
	v11 =	vld [tilespmem:s1+$0xFFFFFFE0];
	v16 =	vadd.f32 v19, v21;
	v19 =	vperm.xlane v15, v0  }
0x26f: {  	s30 =	sshll.u32 s29, $0x4;
	s31 =	simm.s32 $0x2;
	v9 =	vsel vm0, v9, v5;
	s4 =	simm.s32 $0x3;
	v13 =	vld [tilespmem:s0+$0x100];
	v18 =	vadd.f32 v22, v18;
	v21 =	vperm.xlane v14, v0  }
.LBB2_11:
0x270: {  	p0 =	sne.s32 s4, $0xF;
	v22 =	vld [tilespmem:s1+$0xFFFFFFF0];
	v23 =	vperm.xlane v16, v1;
	v17 =	vadd.f32 v17, v20;
	v15 =	vadd.f32 v15, v19  }
0x271: {  	v5 =	vsel vm0, v12, v5;
	v19 =	vld [tilespmem:s0+$0x110];
	v20 =	vperm.xlane v18, v1;
	v14 =	vadd.f32 v14, v21  }
0x272: {  	v21 =	vld [tilespmem:s1+$0x0];
	v12 =	vadd.f32 v16, v23;
	v16 =	vperm.xlane v17, v1;
	v23 =	vperm.xlane v15, v1  }
0x273: {  	vm0 =	vmmov vm1;
	v24 =	vld [tilespmem:s0+$0x120];
	v18 =	vadd.f32 v18, v20;
	v20 =	vperm.xlane v14, v1  }
0x274: {  	v25 =	vld [tilespmem:s1+$0x10];
	v13 =	vmul.f32 v13, v11;
	v16 =	vadd.f32 v17, v16;
	v15 =	vadd.f32 v15, v23  }
0x275: {  	v23 =	vperm.xlane v12, v2;
	v17 =	vld [tilespmem:s0+$0x130];
	v26 =	vperm.xlane v18, v2;
	v14 =	vadd.f32 v14, v20  }
0x276: {  	v20 =	vld [tilespmem:s0+$0xFFFFFE80];
	v13 =	vadd.f32 $0.0e+00, v13;
	v19 =	vmul.f32 v19, v22;
	v27 =	vperm.xlane v16, v2  }
0x277: {  	v12 =	vadd.f32 v12, v23;
	v23 =	vperm.xlane v15, v2;
	v28 =	vld [tilespmem:s0+$0xFFFFFF00];
	v29 =	vperm.xlane v14, v2  }
0x278: {  	v18 =	vadd.f32 v18, v26;
	v30 =	vld [tilespmem:s0+$0xFFFFFF80];
	v13 =	vadd.f32 v19, v13;
	v19 =	vmul.f32 v24, v21  }
0x279: {  	v26 =	vperm.xlane v12, v3;
	v16 =	vadd.f32 v16, v27;
	v15 =	vadd.f32 v15, v23;
	v24 =	vld [tilespmem:s0+$0x0]  }
0x27a: {  	v14 =	vadd.f32 v14, v29;
	v23 =	vld [tilespmem:s0+$0x80];
	v13 =	vadd.f32 v19, v13;
	v17 =	vmul.f32 v17, v25  }
0x27b: {  	v26 =	vadd.f32 v12, v26;
	v12 =	vperm.xlane v18, v3;
	v19 =	vmul.f32 v20, v11;
	v20 =	vld [tilespmem:s0+$0xFFFFFE90]  }
0x27c: {  	v27 =	vmul.f32 v28, v11;
	v28 =	vld [tilespmem:s0+$0xFFFFFF10];
	v13 =	vadd.f32 v17, v13;
	v17 =	vperm.xlane v16, v3  }
0x27d: {  	v31 =	vperm.xlane v15, v3;
	v19 =	vadd.f32 $0.0e+00, v19;
	v29 =	vmul.f32 v30, v11;
	v30 =	vld [tilespmem:s0+$0xFFFFFF90]  }
0x27e: {  	v27 =	vadd.f32 $0.0e+00, v27;
	v24 =	vmul.f32 v24, v11;
	v32 =	vld [tilespmem:s0+$0x10];
	v33 =	vperm.xlane v13, v0  }
0x27f: {  	v34 =	vperm.xlane v14, v3;
	v29 =	vadd.f32 $0.0e+00, v29;
	v11 =	vmul.f32 v23, v11;
	v23 =	vld [tilespmem:s0+$0x90]  }
0x280: {  	v20 =	vmul.f32 v20, v22;
	v35 =	vld [tilespmem:s0+$0xFFFFFEA0];
	v24 =	vadd.f32 $0.0e+00, v24;
	v13 =	vadd.f32 v13, v33  }
0x281: {  	v18 =	vadd.f32 v18, v12;
	v28 =	vmul.f32 v28, v22;
	v33 =	vld [tilespmem:s0+$0xFFFFFF20];
	v11 =	vadd.f32 $0.0e+00, v11  }
0x282: {  	v12 =	vadd.f32 v20, v19;
	v19 =	vmul.f32 v30, v22;
	v20 =	vld [tilespmem:s0+$0xFFFFFFA0];
	v30 =	vperm.xlane v13, v1  }
0x283: {  	v16 =	vadd.f32 v16, v17;
	v27 =	vadd.f32 v28, v27;
	v28 =	vmul.f32 v32, v22;
	v32 =	vld [tilespmem:s0+$0x20]  }
0x284: {  	v17 =	vadd.f32 v19, v29;
	v19 =	vmul.f32 v23, v22;
	v22 =	vld [tilespmem:s0+$0xA0];
	v13 =	vadd.f32 v13, v30  }
0x285: {  	v23 =	vmul.f32 v35, v21;
	v29 =	vld [tilespmem:s0+$0xFFFFFEB0];
	v24 =	vadd.f32 v28, v24;
	v28 =	vadd.f32 v15, v31  }
0x286: {  	v15 =	vmul.f32 v33, v21;
	v30 =	vld [tilespmem:s0+$0xFFFFFF30];
	v11 =	vadd.f32 v19, v11;
	v19 =	vperm.xlane v13, v2  }
0x287: {  	v23 =	vadd.f32 v23, v12;
	v20 =	vmul.f32 v20, v21;
	v31 =	vld [tilespmem:s0+$0xFFFFFFB0];
	v12 =	vadd.f32 v14, v34  }
0x288: {  	v14 =	vadd.f32 v15, v27;
	v15 =	vmul.f32 v32, v21;
	v27 =	vld [tilespmem:s0+$0x30];
	v13 =	vadd.f32 v13, v19  }
0x289: {  	v10 =	vsel vm0, v26, v10;
	v17 =	vadd.f32 v20, v17;
	v19 =	vmul.f32 v22, v21;
	v20 =	vld [tilespmem:s0+$0xB0]  }
0x28a: {  	v21 =	vmul.f32 v29, v25;
	v15 =	vadd.f32 v15, v24;
	v22 =	vperm.xlane v13, v3  }
0x28b: {  	v8 =	vsel vm0, v18, v8;
	v24 =	vmul.f32 v30, v25;
	v11 =	vadd.f32 v19, v11  }
0x28c: {  	v18 =	vmov s31;
	s31 =	smov.u32 s4;
	v19 =	vmul.f32 v31, v25;
	v13 =	vadd.f32 v13, v22  }
0x28d: {  	vm1 =	veq.s32 v18, v4;
	v21 =	vadd.f32 v21, v23;
	v18 =	vmul.f32 v27, v25  }
.Ltmp4:
0x28e: {  	v22 =	vadd.f32 v24, v14;
	v14 =	vmul.f32 v20, v25;
	v6 =	vsel vm1, v13, v6;
	(pc) =	sbr.rel @p0 .LBB2_11-.Ltmp4, $4  }
0x28f: {  	v13 =	vperm.xlane v21, v0;
	v17 =	vadd.f32 v19, v17;
	v15 =	vadd.f32 v18, v15  }
0x290: {  	s1 =	sadd.s32 $0x80, s1;
	v7 =	vsel vm0, v16, v7;
	v18 =	vperm.xlane v22, v0;
	v14 =	vadd.f32 v14, v11  }
0x291: {  	s0 =	sadd.s32 $0x300, s0;
	v16 =	vadd.f32 v21, v13;
	v20 =	vperm.xlane v17, v0;
	v11 =	vld [tilespmem:s1+$0xFFFFFFE0];
	v19 =	vperm.xlane v15, v0  }
0x292: {  	s4 =	sadd.s32 $0x1, s4;
	v9 =	vsel vm0, v28, v9;
	v18 =	vadd.f32 v22, v18;
	v13 =	vld [tilespmem:s0+$0x100];
	v21 =	vperm.xlane v14, v0  }
0x293: {  	v22 =	vld [tilespmem:s1+$0xFFFFFFF0]  }
0x294: {  	v23 =	vld [tilespmem:s0+$0x110]  }
0x295: {  	v17 =	vadd.f32 v17, v20;
	v20 =	vld [tilespmem:s1+$0x0]  }
0x296: {  	v62 =	vld [tilespmem:s0+$0x120]  }
0x297: {  	v34 =	vld [tilespmem:s0+$0xFFFFFE80]  }
0x298: {  	v28 =	vld [tilespmem:s0+$0xFFFFFF00]  }
0x299: {  	v37 =	vld [tilespmem:s0+$0xFFFFFF80]  }
0x29a: {  	v24 =	vperm.xlane v16, v1;
	v30 =	vld [tilespmem:s0+$0x0]  }
0x29b: {  	v15 =	vadd.f32 v15, v19;
	v40 =	vld [tilespmem:s0+$0x80];
	v61 =	vperm.xlane v18, v1;
	v14 =	vadd.f32 v14, v21  }
0x29c: {  	v44 =	vld [tilespmem:s0+$0xFFFFFF10];
	v63 =	vadd.f32 v16, v24;
	v32 =	vperm.xlane v17, v1  }
0x29d: {  	v47 =	vld [tilespmem:s0+$0x10];
	v25 =	vperm.xlane v15, v1;
	v18 =	vadd.f32 v18, v61;
	v33 =	vperm.xlane v14, v1  }
0x29e: {  	v50 =	vld [tilespmem:s0+$0xFFFFFF20];
	v13 =	vmul.f32 v13, v11;
	v35 =	vperm.xlane v63, v2  }
0x29f: {  	v51 =	vld [tilespmem:s0+$0xFFFFFFA0];
	v27 =	vperm.xlane v18, v2;
	v36 =	vmul.f32 v23, v22  }
0x2a0: {  	v26 =	vld [tilespmem:s0+$0x130];
	v16 =	vadd.f32 v17, v32;
	v39 =	vmul.f32 v62, v20;
	v17 =	vmul.f32 v34, v11  }
0x2a1: {  	v5 =	vsel vm0, v12, v5;
	v42 =	vld [tilespmem:s0+$0xFFFFFE90];
	v28 =	vmul.f32 v28, v11;
	v23 =	vmul.f32 v37, v11  }
0x2a2: {  	vm14 =	vmmov vm1;
	v24 =	vld [tilespmem:s1+$0x10];
	v30 =	vmul.f32 v30, v11;
	v49 =	vmul.f32 v40, v11  }
0x2a3: {  	v45 =	vld [tilespmem:s0+$0xFFFFFF90];
	v15 =	vadd.f32 v15, v25;
	v25 =	vmul.f32 v44, v22;
	v19 =	vmul.f32 v47, v22  }
0x2a4: {  	v57 =	vld [tilespmem:s0+$0xFFFFFF30];
	v14 =	vadd.f32 v14, v33;
	v21 =	vmul.f32 v50, v20;
	v62 =	vmul.f32 v51, v20  }
0x2a5: {  	v52 =	vld [tilespmem:s0+$0x20];
	v13 =	vadd.f32 $0.0e+00, v13;
	v29 =	vperm.xlane v16, v2;
	v12 =	vadd.f32 v63, v35  }
0x2a6: {  	v59 =	vld [tilespmem:s0+$0xFFFFFFB0];
	v38 =	vperm.xlane v15, v2;
	v31 =	vperm.xlane v14, v2;
	v18 =	vadd.f32 v18, v27  }
0x2a7: {  	v43 =	vmul.f32 v26, v24;
	v17 =	vadd.f32 $0.0e+00, v17;
	v28 =	vadd.f32 $0.0e+00, v28  }
0x2a8: {  	v32 =	vld [tilespmem:s0+$0x90];
	v23 =	vadd.f32 $0.0e+00, v23;
	v30 =	vadd.f32 $0.0e+00, v30;
	v26 =	vmul.f32 v45, v22  }
0x2a9: {  	v55 =	vld [tilespmem:s0+$0xFFFFFEB0];
	v11 =	vadd.f32 $0.0e+00, v49;
	v37 =	vmul.f32 v57, v24;
	v13 =	vadd.f32 v36, v13  }
0x2aa: {  	v41 =	vperm.xlane v12, v3;
	v16 =	vadd.f32 v16, v29;
	v29 =	vmul.f32 v42, v22  }
0x2ab: {  	v60 =	vld [tilespmem:s0+$0x30];
	v15 =	vadd.f32 v15, v38;
	v36 =	vmul.f32 v52, v20;
	v38 =	vmul.f32 v59, v24  }
0x2ac: {  	v14 =	vadd.f32 v14, v31;
	v46 =	vperm.xlane v18, v3;
	v25 =	vadd.f32 v25, v28  }
0x2ad: {  	v35 =	vld [tilespmem:s0+$0xFFFFFEA0];
	v23 =	vadd.f32 v26, v23;
	v22 =	vmul.f32 v32, v22;
	v19 =	vadd.f32 v19, v30  }
0x2ae: {  	v54 =	vld [tilespmem:s0+$0xA0];
	v26 =	vmul.f32 v55, v24;
	v55 =	vmov s31;
	v13 =	vadd.f32 v39, v13  }
0x2af: {  	v63 =	vld [tilespmem:s0+$0xB0];
	v12 =	vadd.f32 v12, v41;
	v48 =	vperm.xlane v16, v3;
	v33 =	vperm.xlane v15, v3  }
0x2b0: {  	v17 =	vadd.f32 v29, v17;
	v39 =	vmul.f32 v60, v24;
	vm15 =	veq.s32 v55, v4  }
0x2b1: {  	v18 =	vadd.f32 v18, v46;
	v56 =	vperm.xlane v14, v3;
	v11 =	vadd.f32 v22, v11  }
0x2b2: {  	v58 =	vmul.f32 v35, v20;
	v21 =	vadd.f32 v21, v25;
	v23 =	vadd.f32 v62, v23  }
0x2b3: {  	v20 =	vmul.f32 v54, v20;
	v19 =	vadd.f32 v36, v19;
	v13 =	vadd.f32 v43, v13  }
0x2b4: {  	v40 =	vmul.f32 v63, v24;
	v16 =	vadd.f32 v16, v48;
	v15 =	vadd.f32 v15, v33  }
0x2b5: {  	vm2 =	vmmov vm15;
	v17 =	vadd.f32 v58, v17;
	v11 =	vadd.f32 v20, v11  }
0x2b6: {  	v10 =	vsel vm14, v12, v10;
	v21 =	vadd.f32 v37, v21;
	v23 =	vadd.f32 v38, v23  }
0x2b7: {  	v14 =	vadd.f32 v14, v56;
	v19 =	vadd.f32 v39, v19;
	v34 =	vperm.xlane v13, v0  }
0x2b8: {  	v8 =	vsel vm14, v18, v8;
	v7 =	vsel vm14, v16, v7;
	v42 =	vperm.xlane v21, v0  }
0x2b9: {  	v17 =	vadd.f32 v26, v17;
	v43 =	vperm.xlane v23, v0;
	v13 =	vadd.f32 v13, v34  }
0x2ba: {  	v11 =	vadd.f32 v40, v11;
	v44 =	vperm.xlane v19, v0;
	v20 =	vadd.f32 v21, v42  }
0x2bb: {  	v41 =	vperm.xlane v17, v0;
	v22 =	vadd.f32 v23, v43;
	v53 =	vperm.xlane v13, v1  }
0x2bc: {  	v45 =	vperm.xlane v11, v0;
	v47 =	vadd.f32 v19, v44;
	v48 =	vperm.xlane v20, v1  }
0x2bd: {  	v17 =	vadd.f32 v17, v41;
	v49 =	vperm.xlane v22, v1;
	v13 =	vadd.f32 v13, v53  }
0x2be: {  	v11 =	vadd.f32 v11, v45;
	v24 =	vperm.xlane v47, v1;
	v19 =	vadd.f32 v20, v48  }
0x2bf: {  	v46 =	vperm.xlane v17, v1;
	v21 =	vadd.f32 v22, v49;
	v61 =	vperm.xlane v13, v2  }
0x2c0: {  	v51 =	vperm.xlane v11, v1;
	v12 =	vadd.f32 v47, v24;
	v53 =	vperm.xlane v19, v2  }
0x2c1: {  	v17 =	vadd.f32 v17, v46;
	v54 =	vperm.xlane v21, v2;
	v13 =	vadd.f32 v13, v61  }
0x2c2: {  	v11 =	vadd.f32 v11, v51;
	v24 =	vperm.xlane v12, v2;
	v18 =	vadd.f32 v19, v53  }
0x2c3: {  	v52 =	vperm.xlane v17, v2;
	v20 =	vadd.f32 v21, v54;
	v50 =	vperm.xlane v13, v3  }
0x2c4: {  	v56 =	vperm.xlane v11, v2;
	v12 =	vadd.f32 v12, v24;
	v58 =	vperm.xlane v18, v3  }
0x2c5: {  	v17 =	vadd.f32 v17, v52;
	v59 =	vperm.xlane v20, v3;
	v63 =	vadd.f32 v13, v50  }
0x2c6: {  	v11 =	vadd.f32 v11, v56;
	v60 =	vperm.xlane v12, v3;
	v18 =	vadd.f32 v18, v58  }
0x2c7: {  	s29 =	sadd.s32 $0x1, s29;
	v57 =	vperm.xlane v17, v3;
	v19 =	vadd.f32 v20, v59;
	v6 =	vsel vm15, v63, v6  }
0x2c8: {  	p0 =	sne.s32 s29, $0x8;
	v61 =	vperm.xlane v11, v3;
	v12 =	vadd.f32 v12, v60;
	v8 =	vsel vm2, v18, v8;
	[tilespmem:s30+$0x1D080] =	vst v6  }
.Ltmp5:
0x2c9: {  	v9 =	vsel vm14, v15, v9;
	v17 =	vadd.f32 v17, v57;
	v7 =	vsel vm2, v19, v7;
	[tilespmem:s30+$0x1CE80] =	vst v8;
	(pc) =	sbr.rel @p0 .LBB2_10-.Ltmp5, $4  }
0x2ca: {  	v62 =	vadd.f32 v11, v61;
	v9 =	vsel vm2, v12, v9;
	[tilespmem:s30+$0x1CF00] =	vst v7  }
0x2cb: {  	v5 =	vsel vm14, v14, v5;
	[tilespmem:s30+$0x1CF80] =	vst v9;
	v10 =	vsel vm2, v17, v10  }
0x2cc: {  	v5 =	vsel vm2, v62, v5;
	[tilespmem:s30+$0x1CE00] =	vst v10  }
0x2cd: {  	s26 =	sadd.s32 $0x3000, s26;
	s28 =	sadd.s32 $0x800, s28;
	[tilespmem:s30+$0x1D000] =	vst v5  }
0x2ce: {  	s25 =	simm.s32 $0x0;
	s0 =	rddreg [dreg:$0x12]  }
0x2cf: {  	[hbm4b:s0+s25] =	stream.linear.scatter [tilespmem:s18], [sflag:$0x2], $0x80, $0x38;
	[tilespmem:$0x1D100] =	vst v63  }
0x2d0: {  	_ =	swait.ge [sflag:s7], $0x80  }
0x2d1: {  	[sflag:s7] =	ssyncset.done $0x0  }
0x2d2: {  	s30 =	rddreg [dreg:$0x13];
	[sflag:s7] =	ssyncadd.s32 $0xFFFFFF80  }
0x2d3: {  	[hbm4b:s30+s25] =	stream.linear.scatter [tilespmem:s19], [sflag:$0x2], $0x80, $0x38;
	[tilespmem:$0x1D100] =	vst v63  }
0x2d4: {  	_ =	swait.ge [sflag:s7], $0x80  }
0x2d5: {  	[sflag:s7] =	ssyncset.done $0x0  }
0x2d6: {  	s31 =	rddreg [dreg:$0x1a];
	[sflag:s7] =	ssyncadd.s32 $0xFFFFFF80  }
0x2d7: {  	[hbm4b:s31+s25] =	stream.linear.scatter [tilespmem:s20], [sflag:$0x2], $0x80, $0x38;
	[tilespmem:$0x1D100] =	vst v63  }
0x2d8: {  	_ =	swait.ge [sflag:s7], $0x80  }
0x2d9: {  	[sflag:s7] =	ssyncset.done $0x0  }
0x2da: {  	s1 =	rddreg [dreg:$0x1b];
	[sflag:s7] =	ssyncadd.s32 $0xFFFFFF80  }
0x2db: {  	[hbm4b:s1+s25] =	stream.linear.scatter [tilespmem:s21], [sflag:$0x2], $0x80, $0x38;
	[tilespmem:$0x1D100] =	vst v63  }
0x2dc: {  	_ =	swait.ge [sflag:s7], $0x80  }
0x2dd: {  	[sflag:s7] =	ssyncset.done $0x0  }
0x2de: {  	s4 =	rddreg [dreg:$0x1c];
	[sflag:s7] =	ssyncadd.s32 $0xFFFFFF80  }
0x2df: {  	[hbm4b:s4+s25] =	stream.linear.scatter [tilespmem:s22], [sflag:$0x2], $0x80, $0x38;
	[tilespmem:$0x1D100] =	vst v63  }
0x2e0: {  	_ =	swait.ge [sflag:s7], $0x80  }
0x2e1: {  	[sflag:s7] =	ssyncset.done $0x0  }
0x2e2: {  	s26 =	rddreg [dreg:$0x1d];
	[sflag:s7] =	ssyncadd.s32 $0xFFFFFF80  }
0x2e3: {  	[hbm4b:s26+s25] =	stream.linear.scatter [tilespmem:s23], [sflag:$0x2], $0x80, $0x38;
	[tilespmem:$0x1D100] =	vst v63  }
0x2e4: {  	_ =	swait.ge [sflag:s7], $0x80  }
0x2e5: {  	[sflag:s7] =	ssyncset.done $0x0  }
0x2e6: {  	s30 =	simm.s32 $0x180;
	[sflag:s7] =	ssyncadd.s32 $0xFFFFFF80  }
0x2e7: {  	[tilespmem:s9], [sflag:$0x1] =	stream.indirect.gather [hbm4b:s3+s8], $0x80, s30, s8, $0xb8;
	[tilespmem:$0x1D100] =	vst v63  }
0x2e8: {  	s31 =	simm.s32 $0xB00  }
0x2e9: {  	[tilespmem:s10], [sflag:$0x1] =	stream.indirect.gather [hbm4b:s3+s8], $0x80, s31, s8, $0xb8;
	[tilespmem:$0x1D100] =	vst v63  }
0x2ea: {  	s1 =	simm.s32 $0xB80  }
0x2eb: {  	[tilespmem:s11], [sflag:$0x1] =	stream.indirect.gather [hbm4b:s3+s8], $0x80, s1, s8, $0xb8;
	[tilespmem:$0x1D100] =	vst v63  }
0x2ec: {  	s4 =	simm.s32 $0xC00  }
0x2ed: {  	[tilespmem:s13], [sflag:$0x1] =	stream.indirect.gather [hbm4b:s3+s8], $0x80, s4, s8, $0xb8;
	[tilespmem:$0x1D100] =	vst v63  }
0x2ee: {  	s26 =	simm.s32 $0xC80  }
0x2ef: {  	[tilespmem:s14], [sflag:$0x1] =	stream.indirect.gather [hbm4b:s3+s8], $0x80, s26, s8, $0xb8;
	[tilespmem:$0x1D100] =	vst v63  }
0x2f0: {  	s30 =	simm.s32 $0xD00  }
0x2f1: {  	[tilespmem:s15], [sflag:$0x1] =	stream.indirect.gather [hbm4b:s3+s8], $0x80, s30, s8, $0xb8;
	[tilespmem:$0x1D100] =	vst v63  }
0x2f2: {  	s31 =	simm.s32 $0xD80  }
0x2f3: {  	[tilespmem:s16], [sflag:$0x1] =	stream.indirect.gather [hbm4b:s3+s8], $0x80, s31, s8, $0xb8;
	[tilespmem:$0x1D100] =	vst v63  }
0x2f4: {  	_ =	swait.ge [sflag:s17], $0x4000  }
0x2f5: {  	[sflag:s17] =	ssyncset.done $0x0  }
0x2f6: {  	[sflag:s17] =	ssyncadd.s32 $0xFFFFC000  }
0x2f7: {  	_ =	swait.ge [sflag:s17], $0x4000  }
0x2f8: {  	[sflag:s17] =	ssyncset.done $0x0  }
0x2f9: {  	[sflag:s17] =	ssyncadd.s32 $0xFFFFC000  }
0x2fa: {  	_ =	swait.ge [sflag:s17], $0x4000  }
0x2fb: {  	[sflag:s17] =	ssyncset.done $0x0  }
0x2fc: {  	[sflag:s17] =	ssyncadd.s32 $0xFFFFC000  }
0x2fd: {  	_ =	swait.ge [sflag:s17], $0x4000  }
0x2fe: {  	[sflag:s17] =	ssyncset.done $0x0  }
0x2ff: {  	[sflag:s17] =	ssyncadd.s32 $0xFFFFC000  }
0x300: {  	_ =	swait.ge [sflag:s17], $0x4000  }
0x301: {  	[sflag:s17] =	ssyncset.done $0x0  }
0x302: {  	[sflag:s17] =	ssyncadd.s32 $0xFFFFC000  }
0x303: {  	_ =	swait.ge [sflag:s17], $0x4000  }
0x304: {  	[sflag:s17] =	ssyncset.done $0x0  }
0x305: {  	[sflag:s17] =	ssyncadd.s32 $0xFFFFC000  }
0x306: {  	_ =	swait.ge [sflag:s17], $0x4000  }
0x307: {  	s28 =	simm.s32 $0xE20;
	[sflag:s17] =	ssyncset.done $0x0  }
0x308: {  	s29 =	simm.s32 $0x0;
	s26 =	simm.s32 $0x4FC0;
	[sflag:s17] =	ssyncadd.s32 $0xFFFFC000  }
.LBB2_14:
0x309: {  	v6 =	vld [tilespmem:s28+$0xFFFFFFE0]  }
0x30a: {  	v5 =	vld [tilespmem:s26+$0x100]  }
0x30b: {  	v7 =	vld [tilespmem:s28+$0xFFFFFFF0]  }
0x30c: {  	v8 =	vld [tilespmem:s26+$0x110]  }
0x30d: {  	v9 =	vld [tilespmem:s28+$0x0]  }
0x30e: {  	v10 =	vld [tilespmem:s26+$0x120]  }
0x30f: {  	v11 =	vld [tilespmem:s28+$0x10]  }
0x310: {  	v12 =	vld [tilespmem:s26+$0x130]  }
0x311: {  	v13 =	vld [tilespmem:s26+$0xFFFFFE80];
	v5 =	vmul.f32 v5, v6  }
0x312: {  	v14 =	vld [tilespmem:s26+$0xFFFFFF00]  }
0x313: {  	v15 =	vld [tilespmem:s26+$0xFFFFFF80];
	v8 =	vmul.f32 v8, v7;
	v5 =	vadd.f32 $0.0e+00, v5  }
0x314: {  	v16 =	vld [tilespmem:s26+$0x0]  }
0x315: {  	v17 =	vld [tilespmem:s26+$0xFFFFFE90];
	v5 =	vadd.f32 v8, v5;
	v8 =	vmul.f32 v10, v9  }
0x316: {  	v18 =	vld [tilespmem:s26+$0xFFFFFF90]  }
0x317: {  	v19 =	vld [tilespmem:s26+$0x10];
	v5 =	vadd.f32 v8, v5;
	v8 =	vmul.f32 v12, v11  }
0x318: {  	v10 =	vld [tilespmem:s26+$0x80]  }
0x319: {  	v13 =	vmul.f32 v13, v6;
	v12 =	vld [tilespmem:s26+$0xFFFFFF10];
	v8 =	vadd.f32 v8, v5  }
0x31a: {  	v20 =	vld [tilespmem:s26+$0x90];
	v14 =	vmul.f32 v14, v6  }
0x31b: {  	v22 =	vld [tilespmem:s26+$0xFFFFFEA0];
	v17 =	vmul.f32 v17, v7;
	v13 =	vadd.f32 $0.0e+00, v13;
	v21 =	vperm.xlane v8, v0  }
0x31c: {  	v23 =	vld [tilespmem:s26+$0xFFFFFF20];
	v15 =	vmul.f32 v15, v6;
	v16 =	vmul.f32 v16, v6;
	v14 =	vadd.f32 $0.0e+00, v14  }
0x31d: {  	v25 =	vld [tilespmem:s26+$0xA0];
	v13 =	vadd.f32 v17, v13;
	v17 =	vmul.f32 v18, v7;
	v8 =	vadd.f32 v8, v21  }
0x31e: {  	v15 =	vadd.f32 $0.0e+00, v15;
	v6 =	vmul.f32 v10, v6;
	v10 =	vld [tilespmem:s26+$0xFFFFFFA0];
	v12 =	vmul.f32 v12, v7  }
0x31f: {  	v16 =	vadd.f32 $0.0e+00, v16;
	v21 =	vld [tilespmem:s26+$0x20];
	v24 =	vperm.xlane v8, v1  }
0x320: {  	v18 =	vmul.f32 v19, v7;
	v15 =	vadd.f32 v17, v15;
	v12 =	vadd.f32 v12, v14;
	v14 =	vld [tilespmem:s26+$0xFFFFFF30]  }
0x321: {  	v19 =	vld [tilespmem:s26+$0xFFFFFEB0];
	v6 =	vadd.f32 $0.0e+00, v6;
	v7 =	vmul.f32 v20, v7;
	v8 =	vadd.f32 v8, v24  }
0x322: {  	v17 =	vmul.f32 v22, v9;
	v16 =	vadd.f32 v18, v16;
	v18 =	vld [tilespmem:s26+$0xFFFFFFB0];
	v5 =	vimm.f32 $0.0e+00  }
0x323: {  	v22 =	vld [tilespmem:s26+$0x30];
	v20 =	vmul.f32 v23, v9;
	v6 =	vadd.f32 v7, v6;
	v7 =	vperm.xlane v8, v2  }
0x324: {  	s0 =	sadd.s32 $0x300, s26;
	v13 =	vadd.f32 v17, v13;
	v10 =	vmul.f32 v10, v9;
	v17 =	vmul.f32 v21, v9;
	v21 =	vld [tilespmem:s26+$0xB0]  }
0x325: {  	v26 =	vld [tilespmem:s0+$0xFFFFFF80];
	v12 =	vadd.f32 v20, v12;
	v14 =	vmul.f32 v14, v11;
	v7 =	vadd.f32 v8, v7  }
0x326: {  	v51 =	vld [tilespmem:s0+$0xFFFFFF10];
	v8 =	vmul.f32 v25, v9;
	v9 =	vadd.f32 v10, v15;
	v10 =	vmul.f32 v19, v11  }
0x327: {  	v28 =	vld [tilespmem:s0+$0x10];
	v15 =	vadd.f32 v17, v16;
	v17 =	vmov s25;
	v12 =	vadd.f32 v14, v12  }
0x328: {  	s1 =	sadd.s32 $0x80, s28;
	v61 =	vld [tilespmem:s0+$0xFFFFFFB0];
	v6 =	vadd.f32 v8, v6;
	v8 =	vmul.f32 v18, v11;
	v10 =	vadd.f32 v10, v13  }
0x329: {  	vm0 =	veq.s32 v17, v4;
	v17 =	vld [tilespmem:s1+$0xFFFFFFF0];
	v13 =	vmul.f32 v22, v11;
	v11 =	vmul.f32 v21, v11  }
0x32a: {  	v16 =	vperm.xlane v7, v3;
	v21 =	vld [tilespmem:s1+$0x10];
	v14 =	vperm.xlane v10, v0;
	v8 =	vadd.f32 v8, v9  }
0x32b: {  	v9 =	vadd.f32 v13, v15;
	v13 =	vperm.xlane v12, v0;
	v6 =	vadd.f32 v11, v6;
	v11 =	vld [tilespmem:s1+$0xFFFFFFE0]  }
0x32c: {  	v7 =	vadd.f32 v7, v16;
	v16 =	vld [tilespmem:s0+$0x100];
	v10 =	vadd.f32 v10, v14;
	v14 =	vperm.xlane v8, v0  }
0x32d: {  	v15 =	vperm.xlane v9, v0;
	v12 =	vadd.f32 v12, v13;
	v13 =	vperm.xlane v6, v0  }
0x32e: {  	v7 =	vsel vm0, v7, v5;
	v24 =	vmul.f32 v51, v17;
	v56 =	vmul.f32 v28, v17  }
0x32f: {  	v54 =	vld [tilespmem:s0+$0xFFFFFF20];
	vm0 =	vmmov vm0;
	v63 =	vmul.f32 v61, v21;
	v18 =	vperm.xlane v10, v1  }
0x330: {  	v8 =	vadd.f32 v8, v14;
	v9 =	vadd.f32 v9, v15;
	v14 =	vld [tilespmem:s0+$0x110];
	v15 =	vperm.xlane v12, v1  }
0x331: {  	v6 =	vadd.f32 v6, v13;
	v13 =	vld [tilespmem:s1+$0x0];
	v16 =	vmul.f32 v16, v11;
	v52 =	vmul.f32 v26, v11  }
0x332: {  	v20 =	vld [tilespmem:s0+$0x120];
	v10 =	vadd.f32 v10, v18;
	v18 =	vperm.xlane v8, v1;
	v19 =	vperm.xlane v9, v1  }
0x333: {  	v49 =	vld [tilespmem:s0+$0xFFFFFF00];
	v12 =	vadd.f32 v12, v15;
	v15 =	vperm.xlane v6, v1;
	v16 =	vadd.f32 $0.0e+00, v16  }
0x334: {  	v8 =	vadd.f32 v8, v18;
	v9 =	vadd.f32 v9, v19;
	v18 =	vld [tilespmem:s0+$0x130];
	v19 =	vperm.xlane v10, v2  }
0x335: {  	v22 =	vperm.xlane v12, v2;
	v6 =	vadd.f32 v6, v15;
	v15 =	vld [tilespmem:s0+$0xFFFFFE80];
	v14 =	vmul.f32 v14, v17  }
0x336: {  	v59 =	vmul.f32 v54, v13;
	v10 =	vadd.f32 v10, v19;
	v19 =	vperm.xlane v9, v2  }
0x337: {  	v23 =	vperm.xlane v8, v2;
	v14 =	vadd.f32 v14, v16;
	v16 =	vmul.f32 v20, v13;
	v20 =	vld [tilespmem:s0+$0x0]  }
0x338: {  	v50 =	vperm.xlane v6, v2;
	v12 =	vadd.f32 v12, v22;
	v9 =	vadd.f32 v9, v19;
	v19 =	vld [tilespmem:s0+$0x80]  }
0x339: {  	v22 =	vperm.xlane v10, v3;
	v14 =	vadd.f32 v16, v14;
	v16 =	vmul.f32 v18, v21;
	v18 =	vld [tilespmem:s0+$0xFFFFFE90]  }
0x33a: {  	v8 =	vadd.f32 v8, v23;
	v23 =	vmul.f32 v49, v11;
	v15 =	vmul.f32 v15, v11  }
0x33b: {  	v53 =	vld [tilespmem:s0+$0xFFFFFF90];
	v10 =	vadd.f32 v10, v22;
	v22 =	vperm.xlane v12, v3;
	v14 =	vadd.f32 v16, v14  }
0x33c: {  	v25 =	vadd.f32 $0.0e+00, v52;
	v27 =	vperm.xlane v9, v3;
	v20 =	vmul.f32 v20, v11  }
0x33d: {  	v6 =	vadd.f32 v6, v50;
	v29 =	vperm.xlane v14, v0;
	v11 =	vmul.f32 v19, v11;
	v19 =	vld [tilespmem:s0+$0x90]  }
0x33e: {  	v31 =	vld [tilespmem:s0+$0xFFFFFEA0];
	v23 =	vadd.f32 $0.0e+00, v23;
	v15 =	vadd.f32 $0.0e+00, v15;
	v18 =	vmul.f32 v18, v17  }
0x33f: {  	v16 =	vperm.xlane v8, v3;
	v22 =	vadd.f32 v12, v22;
	v14 =	vadd.f32 v14, v29  }
0x340: {  	v23 =	vadd.f32 v24, v23;
	v12 =	vadd.f32 v18, v15;
	v15 =	vmul.f32 v53, v17;
	v18 =	vld [tilespmem:s0+$0xFFFFFFA0]  }
0x341: {  	v57 =	vld [tilespmem:s0+$0x20];
	v16 =	vadd.f32 v8, v16;
	v20 =	vadd.f32 $0.0e+00, v20;
	v55 =	vperm.xlane v14, v1  }
0x342: {  	v11 =	vadd.f32 $0.0e+00, v11;
	v8 =	vadd.f32 v15, v25;
	v15 =	vmul.f32 v19, v17;
	v17 =	vld [tilespmem:s0+$0xA0]  }
0x343: {  	v58 =	vld [tilespmem:s0+$0xFFFFFEB0];
	v9 =	vadd.f32 v9, v27;
	v19 =	vmul.f32 v31, v13;
	v14 =	vadd.f32 v14, v55  }
0x344: {  	v60 =	vld [tilespmem:s0+$0xFFFFFF30];
	v30 =	vperm.xlane v6, v3;
	v20 =	vadd.f32 v56, v20;
	v11 =	vadd.f32 v15, v11  }
0x345: {  	v19 =	vadd.f32 v19, v12;
	v15 =	vperm.xlane v14, v2;
	v18 =	vmul.f32 v18, v13  }
0x346: {  	v62 =	vld [tilespmem:s0+$0x30];
	v12 =	vadd.f32 v6, v30;
	v6 =	vadd.f32 v59, v23;
	v23 =	vmul.f32 v57, v13  }
0x347: {  	v14 =	vadd.f32 v14, v15;
	v15 =	vadd.f32 v18, v8;
	v8 =	vmul.f32 v17, v13;
	v13 =	vld [tilespmem:s0+$0xB0]  }
0x348: {  	v10 =	vsel vm0, v10, v5;
	v17 =	vmul.f32 v58, v21;
	v18 =	vadd.f32 v23, v20  }
0x349: {  	s4 =	simm.s32 $0x1;
	v23 =	vmul.f32 v60, v21;
	v20 =	vperm.xlane v14, v3;
	v11 =	vadd.f32 v8, v11  }
0x34a: {  	v8 =	vsel vm0, v22, v5;
	v22 =	vmov s4;
	v19 =	vadd.f32 v17, v19  }
0x34b: {  	v17 =	vadd.f32 v63, v15;
	v14 =	vadd.f32 v14, v20;
	v20 =	vmul.f32 v62, v21  }
0x34c: {  	vm1 =	veq.s32 v22, v4;
	v22 =	vadd.f32 v23, v6;
	v13 =	vmul.f32 v13, v21  }
0x34d: {  	v21 =	vperm.xlane v19, v0;
	v6 =	vsel vm1, v14, v7;
	v15 =	vadd.f32 v20, v18  }
0x34e: {  	s1 =	sadd.s32 $0x80, s1;
	v18 =	vperm.xlane v22, v0;
	v7 =	vsel vm0, v16, v5;
	v14 =	vadd.f32 v13, v11  }
0x34f: {  	s0 =	sadd.s32 $0x300, s0;
	v20 =	vperm.xlane v17, v0;
	v11 =	vld [tilespmem:s1+$0xFFFFFFE0];
	v16 =	vadd.f32 v19, v21;
	v19 =	vperm.xlane v15, v0  }
0x350: {  	s30 =	sshll.u32 s29, $0x4;
	s31 =	simm.s32 $0x2;
	v9 =	vsel vm0, v9, v5;
	s4 =	simm.s32 $0x3;
	v13 =	vld [tilespmem:s0+$0x100];
	v18 =	vadd.f32 v22, v18;
	v21 =	vperm.xlane v14, v0  }
.LBB2_15:
0x351: {  	p0 =	sne.s32 s4, $0xF;
	v22 =	vld [tilespmem:s1+$0xFFFFFFF0];
	v23 =	vperm.xlane v16, v1;
	v17 =	vadd.f32 v17, v20;
	v15 =	vadd.f32 v15, v19  }
0x352: {  	v5 =	vsel vm0, v12, v5;
	v19 =	vld [tilespmem:s0+$0x110];
	v20 =	vperm.xlane v18, v1;
	v14 =	vadd.f32 v14, v21  }
0x353: {  	v21 =	vld [tilespmem:s1+$0x0];
	v12 =	vadd.f32 v16, v23;
	v16 =	vperm.xlane v17, v1;
	v23 =	vperm.xlane v15, v1  }
0x354: {  	vm0 =	vmmov vm1;
	v24 =	vld [tilespmem:s0+$0x120];
	v18 =	vadd.f32 v18, v20;
	v20 =	vperm.xlane v14, v1  }
0x355: {  	v25 =	vld [tilespmem:s1+$0x10];
	v13 =	vmul.f32 v13, v11;
	v16 =	vadd.f32 v17, v16;
	v15 =	vadd.f32 v15, v23  }
0x356: {  	v23 =	vperm.xlane v12, v2;
	v17 =	vld [tilespmem:s0+$0x130];
	v26 =	vperm.xlane v18, v2;
	v14 =	vadd.f32 v14, v20  }
0x357: {  	v20 =	vld [tilespmem:s0+$0xFFFFFE80];
	v13 =	vadd.f32 $0.0e+00, v13;
	v19 =	vmul.f32 v19, v22;
	v27 =	vperm.xlane v16, v2  }
0x358: {  	v12 =	vadd.f32 v12, v23;
	v23 =	vperm.xlane v15, v2;
	v28 =	vld [tilespmem:s0+$0xFFFFFF00];
	v29 =	vperm.xlane v14, v2  }
0x359: {  	v18 =	vadd.f32 v18, v26;
	v30 =	vld [tilespmem:s0+$0xFFFFFF80];
	v13 =	vadd.f32 v19, v13;
	v19 =	vmul.f32 v24, v21  }
0x35a: {  	v26 =	vperm.xlane v12, v3;
	v16 =	vadd.f32 v16, v27;
	v15 =	vadd.f32 v15, v23;
	v24 =	vld [tilespmem:s0+$0x0]  }
0x35b: {  	v14 =	vadd.f32 v14, v29;
	v23 =	vld [tilespmem:s0+$0x80];
	v13 =	vadd.f32 v19, v13;
	v17 =	vmul.f32 v17, v25  }
0x35c: {  	v26 =	vadd.f32 v12, v26;
	v12 =	vperm.xlane v18, v3;
	v19 =	vmul.f32 v20, v11;
	v20 =	vld [tilespmem:s0+$0xFFFFFE90]  }
0x35d: {  	v27 =	vmul.f32 v28, v11;
	v28 =	vld [tilespmem:s0+$0xFFFFFF10];
	v13 =	vadd.f32 v17, v13;
	v17 =	vperm.xlane v16, v3  }
0x35e: {  	v31 =	vperm.xlane v15, v3;
	v19 =	vadd.f32 $0.0e+00, v19;
	v29 =	vmul.f32 v30, v11;
	v30 =	vld [tilespmem:s0+$0xFFFFFF90]  }
0x35f: {  	v27 =	vadd.f32 $0.0e+00, v27;
	v24 =	vmul.f32 v24, v11;
	v32 =	vld [tilespmem:s0+$0x10];
	v33 =	vperm.xlane v13, v0  }
0x360: {  	v34 =	vperm.xlane v14, v3;
	v29 =	vadd.f32 $0.0e+00, v29;
	v11 =	vmul.f32 v23, v11;
	v23 =	vld [tilespmem:s0+$0x90]  }
0x361: {  	v20 =	vmul.f32 v20, v22;
	v35 =	vld [tilespmem:s0+$0xFFFFFEA0];
	v24 =	vadd.f32 $0.0e+00, v24;
	v13 =	vadd.f32 v13, v33  }
0x362: {  	v18 =	vadd.f32 v18, v12;
	v28 =	vmul.f32 v28, v22;
	v33 =	vld [tilespmem:s0+$0xFFFFFF20];
	v11 =	vadd.f32 $0.0e+00, v11  }
0x363: {  	v12 =	vadd.f32 v20, v19;
	v19 =	vmul.f32 v30, v22;
	v20 =	vld [tilespmem:s0+$0xFFFFFFA0];
	v30 =	vperm.xlane v13, v1  }
0x364: {  	v16 =	vadd.f32 v16, v17;
	v27 =	vadd.f32 v28, v27;
	v28 =	vmul.f32 v32, v22;
	v32 =	vld [tilespmem:s0+$0x20]  }
0x365: {  	v17 =	vadd.f32 v19, v29;
	v19 =	vmul.f32 v23, v22;
	v22 =	vld [tilespmem:s0+$0xA0];
	v13 =	vadd.f32 v13, v30  }
0x366: {  	v23 =	vmul.f32 v35, v21;
	v29 =	vld [tilespmem:s0+$0xFFFFFEB0];
	v24 =	vadd.f32 v28, v24;
	v28 =	vadd.f32 v15, v31  }
0x367: {  	v15 =	vmul.f32 v33, v21;
	v30 =	vld [tilespmem:s0+$0xFFFFFF30];
	v11 =	vadd.f32 v19, v11;
	v19 =	vperm.xlane v13, v2  }
0x368: {  	v23 =	vadd.f32 v23, v12;
	v20 =	vmul.f32 v20, v21;
	v31 =	vld [tilespmem:s0+$0xFFFFFFB0];
	v12 =	vadd.f32 v14, v34  }
0x369: {  	v14 =	vadd.f32 v15, v27;
	v15 =	vmul.f32 v32, v21;
	v27 =	vld [tilespmem:s0+$0x30];
	v13 =	vadd.f32 v13, v19  }
0x36a: {  	v10 =	vsel vm0, v26, v10;
	v17 =	vadd.f32 v20, v17;
	v19 =	vmul.f32 v22, v21;
	v20 =	vld [tilespmem:s0+$0xB0]  }
0x36b: {  	v21 =	vmul.f32 v29, v25;
	v15 =	vadd.f32 v15, v24;
	v22 =	vperm.xlane v13, v3  }
0x36c: {  	v8 =	vsel vm0, v18, v8;
	v24 =	vmul.f32 v30, v25;
	v11 =	vadd.f32 v19, v11  }
0x36d: {  	v18 =	vmov s31;
	s31 =	smov.u32 s4;
	v19 =	vmul.f32 v31, v25;
	v13 =	vadd.f32 v13, v22  }
0x36e: {  	vm1 =	veq.s32 v18, v4;
	v21 =	vadd.f32 v21, v23;
	v18 =	vmul.f32 v27, v25  }
.Ltmp6:
0x36f: {  	v22 =	vadd.f32 v24, v14;
	v14 =	vmul.f32 v20, v25;
	v6 =	vsel vm1, v13, v6;
	(pc) =	sbr.rel @p0 .LBB2_15-.Ltmp6, $4  }
0x370: {  	v13 =	vperm.xlane v21, v0;
	v17 =	vadd.f32 v19, v17;
	v15 =	vadd.f32 v18, v15  }
0x371: {  	s1 =	sadd.s32 $0x80, s1;
	v7 =	vsel vm0, v16, v7;
	v18 =	vperm.xlane v22, v0;
	v14 =	vadd.f32 v14, v11  }
0x372: {  	s0 =	sadd.s32 $0x300, s0;
	v16 =	vadd.f32 v21, v13;
	v20 =	vperm.xlane v17, v0;
	v11 =	vld [tilespmem:s1+$0xFFFFFFE0];
	v19 =	vperm.xlane v15, v0  }
0x373: {  	s4 =	sadd.s32 $0x1, s4;
	v9 =	vsel vm0, v28, v9;
	v18 =	vadd.f32 v22, v18;
	v13 =	vld [tilespmem:s0+$0x100];
	v21 =	vperm.xlane v14, v0  }
0x374: {  	v22 =	vld [tilespmem:s1+$0xFFFFFFF0]  }
0x375: {  	v23 =	vld [tilespmem:s0+$0x110]  }
0x376: {  	v17 =	vadd.f32 v17, v20;
	v20 =	vld [tilespmem:s1+$0x0]  }
0x377: {  	v62 =	vld [tilespmem:s0+$0x120]  }
0x378: {  	v34 =	vld [tilespmem:s0+$0xFFFFFE80]  }
0x379: {  	v28 =	vld [tilespmem:s0+$0xFFFFFF00]  }
0x37a: {  	v37 =	vld [tilespmem:s0+$0xFFFFFF80]  }
0x37b: {  	v24 =	vperm.xlane v16, v1;
	v30 =	vld [tilespmem:s0+$0x0]  }
0x37c: {  	v15 =	vadd.f32 v15, v19;
	v40 =	vld [tilespmem:s0+$0x80];
	v61 =	vperm.xlane v18, v1;
	v14 =	vadd.f32 v14, v21  }
0x37d: {  	v44 =	vld [tilespmem:s0+$0xFFFFFF10];
	v63 =	vadd.f32 v16, v24;
	v32 =	vperm.xlane v17, v1  }
0x37e: {  	v47 =	vld [tilespmem:s0+$0x10];
	v25 =	vperm.xlane v15, v1;
	v18 =	vadd.f32 v18, v61;
	v33 =	vperm.xlane v14, v1  }
0x37f: {  	v50 =	vld [tilespmem:s0+$0xFFFFFF20];
	v13 =	vmul.f32 v13, v11;
	v35 =	vperm.xlane v63, v2  }
0x380: {  	v51 =	vld [tilespmem:s0+$0xFFFFFFA0];
	v27 =	vperm.xlane v18, v2;
	v36 =	vmul.f32 v23, v22  }
0x381: {  	v26 =	vld [tilespmem:s0+$0x130];
	v16 =	vadd.f32 v17, v32;
	v39 =	vmul.f32 v62, v20;
	v17 =	vmul.f32 v34, v11  }
0x382: {  	v5 =	vsel vm0, v12, v5;
	v42 =	vld [tilespmem:s0+$0xFFFFFE90];
	v28 =	vmul.f32 v28, v11;
	v23 =	vmul.f32 v37, v11  }
0x383: {  	vm14 =	vmmov vm1;
	v24 =	vld [tilespmem:s1+$0x10];
	v30 =	vmul.f32 v30, v11;
	v49 =	vmul.f32 v40, v11  }
0x384: {  	v45 =	vld [tilespmem:s0+$0xFFFFFF90];
	v15 =	vadd.f32 v15, v25;
	v25 =	vmul.f32 v44, v22;
	v19 =	vmul.f32 v47, v22  }
0x385: {  	v57 =	vld [tilespmem:s0+$0xFFFFFF30];
	v14 =	vadd.f32 v14, v33;
	v21 =	vmul.f32 v50, v20;
	v62 =	vmul.f32 v51, v20  }
0x386: {  	v52 =	vld [tilespmem:s0+$0x20];
	v13 =	vadd.f32 $0.0e+00, v13;
	v29 =	vperm.xlane v16, v2;
	v12 =	vadd.f32 v63, v35  }
0x387: {  	v59 =	vld [tilespmem:s0+$0xFFFFFFB0];
	v38 =	vperm.xlane v15, v2;
	v31 =	vperm.xlane v14, v2;
	v18 =	vadd.f32 v18, v27  }
0x388: {  	v43 =	vmul.f32 v26, v24;
	v17 =	vadd.f32 $0.0e+00, v17;
	v28 =	vadd.f32 $0.0e+00, v28  }
0x389: {  	v32 =	vld [tilespmem:s0+$0x90];
	v23 =	vadd.f32 $0.0e+00, v23;
	v30 =	vadd.f32 $0.0e+00, v30;
	v26 =	vmul.f32 v45, v22  }
0x38a: {  	v55 =	vld [tilespmem:s0+$0xFFFFFEB0];
	v11 =	vadd.f32 $0.0e+00, v49;
	v37 =	vmul.f32 v57, v24;
	v13 =	vadd.f32 v36, v13  }
0x38b: {  	v41 =	vperm.xlane v12, v3;
	v16 =	vadd.f32 v16, v29;
	v29 =	vmul.f32 v42, v22  }
0x38c: {  	v60 =	vld [tilespmem:s0+$0x30];
	v15 =	vadd.f32 v15, v38;
	v36 =	vmul.f32 v52, v20;
	v38 =	vmul.f32 v59, v24  }
0x38d: {  	v14 =	vadd.f32 v14, v31;
	v46 =	vperm.xlane v18, v3;
	v25 =	vadd.f32 v25, v28  }
0x38e: {  	v35 =	vld [tilespmem:s0+$0xFFFFFEA0];
	v23 =	vadd.f32 v26, v23;
	v22 =	vmul.f32 v32, v22;
	v19 =	vadd.f32 v19, v30  }
0x38f: {  	v54 =	vld [tilespmem:s0+$0xA0];
	v26 =	vmul.f32 v55, v24;
	v55 =	vmov s31;
	v13 =	vadd.f32 v39, v13  }
0x390: {  	v63 =	vld [tilespmem:s0+$0xB0];
	v12 =	vadd.f32 v12, v41;
	v48 =	vperm.xlane v16, v3;
	v33 =	vperm.xlane v15, v3  }
0x391: {  	v17 =	vadd.f32 v29, v17;
	v39 =	vmul.f32 v60, v24;
	vm15 =	veq.s32 v55, v4  }
0x392: {  	v18 =	vadd.f32 v18, v46;
	v56 =	vperm.xlane v14, v3;
	v11 =	vadd.f32 v22, v11  }
0x393: {  	v58 =	vmul.f32 v35, v20;
	v21 =	vadd.f32 v21, v25;
	v23 =	vadd.f32 v62, v23  }
0x394: {  	v20 =	vmul.f32 v54, v20;
	v19 =	vadd.f32 v36, v19;
	v13 =	vadd.f32 v43, v13  }
0x395: {  	v40 =	vmul.f32 v63, v24;
	v16 =	vadd.f32 v16, v48;
	v15 =	vadd.f32 v15, v33  }
0x396: {  	vm2 =	vmmov vm15;
	v17 =	vadd.f32 v58, v17;
	v11 =	vadd.f32 v20, v11  }
0x397: {  	v10 =	vsel vm14, v12, v10;
	v21 =	vadd.f32 v37, v21;
	v23 =	vadd.f32 v38, v23  }
0x398: {  	v14 =	vadd.f32 v14, v56;
	v19 =	vadd.f32 v39, v19;
	v34 =	vperm.xlane v13, v0  }
0x399: {  	v8 =	vsel vm14, v18, v8;
	v7 =	vsel vm14, v16, v7;
	v42 =	vperm.xlane v21, v0  }
0x39a: {  	v17 =	vadd.f32 v26, v17;
	v43 =	vperm.xlane v23, v0;
	v13 =	vadd.f32 v13, v34  }
0x39b: {  	v11 =	vadd.f32 v40, v11;
	v44 =	vperm.xlane v19, v0;
	v20 =	vadd.f32 v21, v42  }
0x39c: {  	v41 =	vperm.xlane v17, v0;
	v22 =	vadd.f32 v23, v43;
	v53 =	vperm.xlane v13, v1  }
0x39d: {  	v45 =	vperm.xlane v11, v0;
	v47 =	vadd.f32 v19, v44;
	v48 =	vperm.xlane v20, v1  }
0x39e: {  	v17 =	vadd.f32 v17, v41;
	v49 =	vperm.xlane v22, v1;
	v13 =	vadd.f32 v13, v53  }
0x39f: {  	v11 =	vadd.f32 v11, v45;
	v24 =	vperm.xlane v47, v1;
	v19 =	vadd.f32 v20, v48  }
0x3a0: {  	v46 =	vperm.xlane v17, v1;
	v21 =	vadd.f32 v22, v49;
	v61 =	vperm.xlane v13, v2  }
0x3a1: {  	v51 =	vperm.xlane v11, v1;
	v12 =	vadd.f32 v47, v24;
	v53 =	vperm.xlane v19, v2  }
0x3a2: {  	v17 =	vadd.f32 v17, v46;
	v54 =	vperm.xlane v21, v2;
	v13 =	vadd.f32 v13, v61  }
0x3a3: {  	v11 =	vadd.f32 v11, v51;
	v24 =	vperm.xlane v12, v2;
	v18 =	vadd.f32 v19, v53  }
0x3a4: {  	v52 =	vperm.xlane v17, v2;
	v20 =	vadd.f32 v21, v54;
	v50 =	vperm.xlane v13, v3  }
0x3a5: {  	v56 =	vperm.xlane v11, v2;
	v12 =	vadd.f32 v12, v24;
	v58 =	vperm.xlane v18, v3  }
0x3a6: {  	v17 =	vadd.f32 v17, v52;
	v59 =	vperm.xlane v20, v3;
	v63 =	vadd.f32 v13, v50  }
0x3a7: {  	v11 =	vadd.f32 v11, v56;
	v60 =	vperm.xlane v12, v3;
	v18 =	vadd.f32 v18, v58  }
0x3a8: {  	s29 =	sadd.s32 $0x1, s29;
	v57 =	vperm.xlane v17, v3;
	v19 =	vadd.f32 v20, v59;
	v6 =	vsel vm15, v63, v6  }
0x3a9: {  	p0 =	sne.s32 s29, $0x8;
	v61 =	vperm.xlane v11, v3;
	v12 =	vadd.f32 v12, v60;
	v8 =	vsel vm2, v18, v8;
	[tilespmem:s30+$0x1D080] =	vst v6  }
.Ltmp7:
0x3aa: {  	v9 =	vsel vm14, v15, v9;
	v17 =	vadd.f32 v17, v57;
	v7 =	vsel vm2, v19, v7;
	[tilespmem:s30+$0x1CE80] =	vst v8;
	(pc) =	sbr.rel @p0 .LBB2_14-.Ltmp7, $4  }
0x3ab: {  	v62 =	vadd.f32 v11, v61;
	v9 =	vsel vm2, v12, v9;
	[tilespmem:s30+$0x1CF00] =	vst v7  }
0x3ac: {  	v5 =	vsel vm14, v14, v5;
	[tilespmem:s30+$0x1CF80] =	vst v9;
	v10 =	vsel vm2, v17, v10  }
0x3ad: {  	v5 =	vsel vm2, v62, v5;
	[tilespmem:s30+$0x1CE00] =	vst v10  }
0x3ae: {  	s26 =	sadd.s32 $0x3000, s26;
	s28 =	sadd.s32 $0x800, s28;
	[tilespmem:s30+$0x1D000] =	vst v5  }
0x3af: {  	s0 =	rddreg [dreg:$0x14]  }
0x3b0: {  	[hbm4b:s0+s2] =	stream.linear.scatter [tilespmem:s18], [sflag:$0x2], $0x80, $0x38;
	[tilespmem:$0x1D100] =	vst v63  }
0x3b1: {  	_ =	swait.ge [sflag:s7], $0x80  }
0x3b2: {  	[sflag:s7] =	ssyncset.done $0x0  }
0x3b3: {  	s28 =	rddreg [dreg:$0x15];
	[sflag:s7] =	ssyncadd.s32 $0xFFFFFF80  }
0x3b4: {  	[hbm4b:s28+s2] =	stream.linear.scatter [tilespmem:s19], [sflag:$0x2], $0x80, $0x38;
	[tilespmem:$0x1D100] =	vst v63  }
0x3b5: {  	_ =	swait.ge [sflag:s7], $0x80  }
0x3b6: {  	[sflag:s7] =	ssyncset.done $0x0  }
0x3b7: {  	s29 =	rddreg [dreg:$0x1e];
	[sflag:s7] =	ssyncadd.s32 $0xFFFFFF80  }
0x3b8: {  	[hbm4b:s29+s2] =	stream.linear.scatter [tilespmem:s20], [sflag:$0x2], $0x80, $0x38;
	[tilespmem:$0x1D100] =	vst v63  }
0x3b9: {  	_ =	swait.ge [sflag:s7], $0x80  }
0x3ba: {  	[sflag:s7] =	ssyncset.done $0x0  }
0x3bb: {  	s30 =	rddreg [dreg:$0x1f];
	[sflag:s7] =	ssyncadd.s32 $0xFFFFFF80  }
0x3bc: {  	[hbm4b:s30+s2] =	stream.linear.scatter [tilespmem:s21], [sflag:$0x2], $0x80, $0x38;
	[tilespmem:$0x1D100] =	vst v63  }
0x3bd: {  	_ =	swait.ge [sflag:s7], $0x80  }
0x3be: {  	[sflag:s7] =	ssyncset.done $0x0  }
0x3bf: {  	[sflag:s7] =	ssyncadd.s32 $0xFFFFFF80  }
0x3c0: {  	[hbm4b:s5+s2] =	stream.linear.scatter [tilespmem:s22], [sflag:$0x2], $0x80, $0x38;
	[tilespmem:$0x1D100] =	vst v63  }
0x3c1: {  	_ =	swait.ge [sflag:s7], $0x80  }
0x3c2: {  	[sflag:s7] =	ssyncset.done $0x0  }
0x3c3: {  	[sflag:s7] =	ssyncadd.s32 $0xFFFFFF80  }
0x3c4: {  	[hbm4b:s6+s2] =	stream.linear.scatter [tilespmem:s23], [sflag:$0x2], $0x80, $0x38;
	[tilespmem:$0x1D100] =	vst v63  }
0x3c5: {  	_ =	swait.ge [sflag:s7], $0x80  }
0x3c6: {  	s24 =	sadd.s32 $0x1, s24;
	s31 =	rddreg [dreg:$0x17]  }
0x3c7: {  	p0 =	sne.s32 s24, s31  }
.Ltmp8:
0x3c8: {  	_ = 	snop;
	(pc) =	sbr.rel @p0 .LBB2_1-.Ltmp8, $3  }
0x3c9: {  	_ =	sdelay $0x1  }
0x3ca: {  	[sflag:s7] =	ssyncset.done $0x0  }
0x3cb: {  	[sflag:s7] =	ssyncadd.s32 $0xFFFFFF80  }
0x3cc: {  	_ =	sfence.sel $0x180000  }
0x3cd: {  	[bflag:$0x0] =	sbarrier.arrive $0xFFFF  }
0x3ce: {  	_ =	strace $0x90000047  }
0x3cf: {  	s0 =	stileid.u32;
	[bflag:$0x2] =	sbarrier.arrive $0xFFFF  }
0x3d0: {  	p0 =	sne.s32 s0, $0x0;
	s0 =	rddreg [dreg:$0x2]  }
0x3d1: {  	s0 =	sadd.s32 @!p0 $0x100000, s0  }
0x3d2: {  	[sflag:s0] =	ssyncadd.tile.s32 @!p0 $0x1;
	_ =	shalt  }
.Lfunc_end2:
_tile_overlayer_lowered:
.L_overlay_start_2:
0x3d3: {  	(tag) =	ssettag $0x2  }
0x3d4: {  	s0 =	rddreg [dreg:$0x0];
	s2 =	stileid.u32  }
0x3d5: {  	s1 =	rddreg [dreg:$0x1];
	p0 =	sne.s32 s2, $0x0  }
0x3d6: {  	s3 =	rddreg [dreg:$0x2];
	[bflag:$0x3] =	sbarrier.arrive $0xFFFF;
	s2 =	simm.s32 @!p0 $0x1C02  }
0x3d7: {  	[timem:s3], [sflag:s2] =	dma.local @!p0 [hbm:s0], s1  }
0x3d8: {  	s0 =	simm.s32 @!p0 $0x2  }
0x3d9: {  	_ =	swait.ge @!p0 [sflag:s0], s1  }
0x3da: {  	s1 =	ssub.s32 @!p0 $0x0, s1;
	[sflag:s0] =	ssyncset.done @!p0 $0x0  }
0x3db: {  	[sflag:s0] =	ssyncadd.s32 @!p0 s1  }
0x3dc: {  	[bflag:$0x3] =	sbarrier.arrive $0xFFFF  }
0x3dd: {  	_ =	shalt  }

</sc_bundles>
